<compile_context>
chip_gen: v7x
topology: tpu7x:2x2x1
jax: 0.10.2.dev20260603
libtpu: 0.0.44.dev20260713+nightly
codegen_flags: <defaults>
</compile_context>

<pallas_src>
import functools

import jax
import jax.numpy as jnp
from jax import lax
from jax.experimental import pallas as pl
from jax.experimental.pallas import tpu as pltpu
from jax.experimental.pallas import tpu_sc as plsc

H = 32
NC = 2
NS = 16
NW = NC * NS
CHUNK = 128
W1COL = 40
BN = 2560


def _tc_proj1(x, w1, bl1, n, np_rows):
    BN1 = 2000

    def body(x_ref, w_ref, b_ref, yt_ref, r_ref):
        z = lax.dot_general(x_ref[...], w_ref[...], (((1,), (1,)), ((), ())),
                            preferred_element_type=jnp.float32)
        yt_ref[...] = jnp.concatenate(
            [z[:, :H], jnp.ones((BN1, 1), jnp.float32),
             jnp.zeros((BN1, W1COL - H - 1), jnp.float32)], axis=1)
        r_ref[...] = z[:, H:] + b_ref[...]

    d = x.shape[1]
    return pl.pallas_call(
        body,
        grid=(n // BN1,),
        in_specs=[pl.BlockSpec((BN1, d), lambda i: (i, 0)),
                  pl.BlockSpec((2 * H, d), lambda i: (0, 0)),
                  pl.BlockSpec((1, H), lambda i: (0, 0))],
        out_specs=[pl.BlockSpec((BN1, W1COL), lambda i: (i, 0)),
                   pl.BlockSpec((BN1, H), lambda i: (i, 0))],
        out_shape=[jax.ShapeDtypeStruct((np_rows, W1COL), jnp.float32),
                   jax.ShapeDtypeStruct((np_rows, H), jnp.float32)],
    )(x, w1, bl1.reshape(1, H))


def _tc_mid(acc1, r1, w2, bl2, n):
    def body(a_ref, r1_ref, w_ref, b_ref, y2_ref, r2_ref):
        s = a_ref[0] + a_ref[1]
        c = jnp.maximum(s[:, H:H + 1], 1.0)
        h1 = jnp.maximum(s[:, :H] / c + r1_ref[...], 0.0)
        z = lax.dot_general(h1, w_ref[...], (((1,), (1,)), ((), ())),
                            preferred_element_type=jnp.float32)
        y2_ref[...] = z[:, :H]
        r2_ref[...] = z[:, H:] + b_ref[...]

    return pl.pallas_call(
        body,
        grid=(n // BN,),
        in_specs=[pl.BlockSpec((NC, BN, W1COL), lambda i: (0, i, 0)),
                  pl.BlockSpec((BN, H), lambda i: (i, 0)),
                  pl.BlockSpec((2 * H, H), lambda i: (0, 0)),
                  pl.BlockSpec((1, H), lambda i: (0, 0))],
        out_specs=[pl.BlockSpec((BN, H), lambda i: (i, 0)),
                   pl.BlockSpec((BN, H), lambda i: (i, 0))],
        out_shape=[jax.ShapeDtypeStruct((n, H), jnp.float32),
                   jax.ShapeDtypeStruct((n, H), jnp.float32)],
    )(acc1, r1, w2, bl2.reshape(1, H))


def _tc_head(acc2, acc1, r2, wcat, bcat, n, c_out, m_out):
    bn = 2000

    def body(a2_ref, a1_ref, r2_ref, w_ref, b_ref, oc_ref, om_ref):
        s2 = a2_ref[0] + a2_ref[1]
        cs = a1_ref[0] + a1_ref[1]
        c = jnp.maximum(cs[:, H:H + 1], 1.0)
        h2 = jnp.maximum(s2 / c + r2_ref[...], 0.0)
        z = lax.dot_general(h2, w_ref[...], (((1,), (1,)), ((), ())),
                            preferred_element_type=jnp.float32) + b_ref[...]
        oc_ref[...] = z[:, :c_out]
        om_ref[...] = z[:, c_out:]

    nout = c_out + m_out
    return pl.pallas_call(
        body,
        grid=(n // bn,),
        in_specs=[pl.BlockSpec((NC, bn, H), lambda i: (0, i, 0)),
                  pl.BlockSpec((NC, bn, W1COL), lambda i: (0, i, 0)),
                  pl.BlockSpec((bn, H), lambda i: (i, 0)),
                  pl.BlockSpec((nout, H), lambda i: (0, 0)),
                  pl.BlockSpec((1, nout), lambda i: (0, 0))],
        out_specs=[pl.BlockSpec((bn, c_out), lambda i: (i, 0)),
                   pl.BlockSpec((bn, m_out), lambda i: (i, 0))],
        out_shape=[jax.ShapeDtypeStruct((n, c_out), jnp.float32),
                   jax.ShapeDtypeStruct((n, m_out), jnp.float32)],
    )(acc2, acc1, r2, wcat, bcat.reshape(1, nout))


def _make_edge_pass(width, nch, np_rows):
    rows_pt = np_rows // NS
    mesh = plsc.VectorSubcoreMesh(core_axis_name="c", subcore_axis_name="s")

    @functools.partial(
        pl.kernel, mesh=mesh,
        compiler_params=pltpu.CompilerParams(use_tc_tiling_on_sc=False),
        out_type=jax.ShapeDtypeStruct((NC, np_rows, width), jnp.float32),
        scratch_types=[
            pltpu.VMEM((nch, CHUNK), jnp.int32),
            pltpu.VMEM((nch, CHUNK), jnp.int32),
            [pltpu.VMEM((CHUNK, width), jnp.float32)] * 10,
            pltpu.VMEM((16, width), jnp.float32),
            pltpu.VMEM_SHARED((np_rows, width), jnp.float32),
            pltpu.VMEM_SHARED((np_rows, width), jnp.float32),
            [pltpu.SemaphoreType.DMA] * 10,
            [pltpu.SemaphoreType.DMA] * 10,
        ],
    )
    def edge_pass(ytab, src_idx, dst_idx, out_acc,
                  src_v, dst_v, rows, zbuf, acc_sh, tab_sh, sg, ss):
        cid = lax.axis_index("c")
        sid = lax.axis_index("s")
        wid = sid * NC + cid

        for co in (0, 16, width - 16):
            for r in range(16):
                zbuf[r, pl.ds(co, 16)] = jnp.zeros((16,), jnp.float32)
        row0 = sid * rows_pt

        def zloop(k, carry):
            pltpu.sync_copy(zbuf, acc_sh.at[pl.ds(row0 + k * 16, 16)])
            return carry
        lax.fori_loop(0, rows_pt // 16, zloop, 0)

        pltpu.sync_copy(src_idx.at[wid], src_v)
        pltpu.sync_copy(dst_idx.at[wid], dst_v)
        pltpu.sync_copy(ytab.at[pl.ds(row0, rows_pt)],
                        tab_sh.at[pl.ds(row0, rows_pt)])
        plsc.subcore_barrier()

        def g_issue(j, b):
            pltpu.async_copy(tab_sh.at[src_v.at[j]], rows[b], sg[b])

        def g_wait(b):
            pltpu.make_async_copy(tab_sh.at[src_v.at[0]], rows[b], sg[b]).wait()

        def s_issue(j, b):
            pltpu.async_copy(rows[b], acc_sh.at[dst_v.at[j]], ss[b], add=True)

        def s_wait(b):
            pltpu.make_async_copy(rows[b], acc_sh.at[dst_v.at[0]], ss[b]).wait()

        nb, look = 10, 5
        for b in range(look):
            g_issue(b, b)
        for b in range(nb):
            if b >= look:
                s_wait(b - look)
            g_issue(b + look, (b + look) % nb)
            g_wait(b)
            s_issue(b, b)

        def body(g, carry):
            for b in range(nb):
                j = nb * g + b
                s_wait((b + look) % nb)
                g_issue(jnp.minimum(j + look, nch - 1), (b + look) % nb)
                g_wait(b)
                s_issue(j, b)
            return carry
        lax.fori_loop(1, nch // nb, body, 0)

        for b in range(look):
            g_wait(b)
        for b in range(nb - look, nb):
            s_wait(b)

        plsc.subcore_barrier()
        pltpu.sync_copy(acc_sh.at[pl.ds(row0, rows_pt)],
                        out_acc.at[cid, pl.ds(row0, rows_pt)])

    return edge_pass


def kernel(x, edge_index, Wl1, bl1, Wr1, Wl2, bl2, Wr2, Wh, bh, Wm, bm):
    n, d = x.shape
    e = edge_index.shape[1]

    epw = -(-e // (NW * 10 * CHUNK)) * 10 * CHUNK
    e_pad = NW * epw
    nch = epw // CHUNK
    np_rows = -(-(n + 1) // BN) * BN
    src = jnp.concatenate([edge_index[0], jnp.zeros((e_pad - e,), jnp.int32)])
    dst = jnp.concatenate([edge_index[1], jnp.full((e_pad - e,), n, jnp.int32)])
    src_r = src.reshape(NW, nch, CHUNK)
    dst_r = dst.reshape(NW, nch, CHUNK)
    w1 = jnp.concatenate([Wl1, Wr1], axis=0)
    w2 = jnp.concatenate([Wl2, Wr2], axis=0)
    wcat = jnp.concatenate([Wh, Wm], axis=0)
    bcat = jnp.concatenate([bh, bm])

    ytab, r1 = _tc_proj1(x, w1, bl1, n, np_rows)
    acc1 = _make_edge_pass(W1COL, nch, np_rows)(ytab, src_r, dst_r)
    y2, r2 = _tc_mid(acc1, r1, w2, bl2, np_rows)
    acc2 = _make_edge_pass(H, nch, np_rows)(y2, src_r, dst_r)
    return _tc_head(acc2, acc1, r2, wcat, bcat, n, Wh.shape[0], Wm.shape[0])

# --- scband reference (transcript-rebuilt; emitter-appended) ---
"""Pipeline reference for scband-stage2-beam-model-57655640982186 (READ-ONLY COPY).

The authoritative reference and input builder live on the scoring server;
editing this copy changes nothing except your own understanding.
"""

import jax, jax.numpy as jnp
import numpy as np

N = 10000
E = 320000
D = 128
H = 32
C = 3
M = 8

def setup_inputs(seed: int = 0) -> dict:
    key = jax.random.key(seed)
    ks = jax.random.split(key, 12)
    x = jax.random.normal(ks[0], (N, D), dtype=jnp.float32)
    edge_index = jax.random.randint(ks[1], (2, E), 0, N, dtype=jnp.int32)
    Wl1 = jax.random.normal(ks[2], (H, D), dtype=jnp.float32) * (1.0 / np.sqrt(D))
    bl1 = jnp.zeros((H,), dtype=jnp.float32)
    Wr1 = jax.random.normal(ks[3], (H, D), dtype=jnp.float32) * (1.0 / np.sqrt(D))
    Wl2 = jax.random.normal(ks[4], (H, H), dtype=jnp.float32) * (1.0 / np.sqrt(H))
    bl2 = jnp.zeros((H,), dtype=jnp.float32)
    Wr2 = jax.random.normal(ks[5], (H, H), dtype=jnp.float32) * (1.0 / np.sqrt(H))
    Wh = jax.random.normal(ks[6], (C, H), dtype=jnp.float32) * (1.0 / np.sqrt(H))
    bh = jnp.zeros((C,), dtype=jnp.float32)
    Wm = jax.random.normal(ks[7], (M, H), dtype=jnp.float32) * (1.0 / np.sqrt(H))
    bm = jnp.zeros((M,), dtype=jnp.float32)
    return {"x": x, "edge_index": edge_index, "Wl1": Wl1, "bl1": bl1, "Wr1": Wr1,
            "Wl2": Wl2, "bl2": bl2, "Wr2": Wr2, "Wh": Wh, "bh": bh, "Wm": Wm, "bm": bm}

def _sage_conv(x, edge_index, Wl, bl, Wr):
    # PyG SAGEConv with mean aggregation:
    #   out = lin_l(mean_{j in N(i)} x_j) + lin_r(x_i)
    src = edge_index[0]
    dst = edge_index[1]
    msgs = jnp.take(x, src, axis=0)                               # gather source feats
    summed = jax.ops.segment_sum(msgs, dst, num_segments=N)       # scatter-add at dst
    cnt = jax.ops.segment_sum(jnp.ones((E,), x.dtype), dst, num_segments=N)
    mean = summed / jnp.clip(cnt, 1.0)[:, None]
    return mean @ Wl.T + bl + x @ Wr.T

def reference(x, edge_index, Wl1, bl1, Wr1, Wl2, bl2, Wr2, Wh, bh, Wm, bm):
    h = jax.nn.relu(_sage_conv(x, edge_index, Wl1, bl1, Wr1))
    # dropout is identity in eval mode (training=False)
    h = jax.nn.relu(_sage_conv(h, edge_index, Wl2, bl2, Wr2))
    return (h @ Wh.T + bh, h @ Wm.T + bm)

if __name__ == "__main__":
    import jax
    _d = setup_inputs()
    print(jax.jit(kernel)(*tuple(_d.values())))

</pallas_src>

<mosaic_0001>
#map = affine_map<(d0, d1) -> (0, 0)>
#map1 = affine_map<(d0, d1) -> (0, 0, 0)>
module attributes {stable_mosaic.version = 14 : i64} {
  func.func @edge_pass(%arg0: i32, %arg1: i32, %arg2: memref<10240x32xf32, #tpu.memory_space<hbm>>, %arg3: memref<32x80x128xi32, #tpu.memory_space<hbm>>, %arg4: memref<32x80x128xi32, #tpu.memory_space<hbm>>, %arg5: memref<2x10240x32xf32, #tpu.memory_space<hbm>>, %arg6: memref<80x128xi32, #tpu.memory_space<vmem>>, %arg7: memref<80x128xi32, #tpu.memory_space<vmem>>, %arg8: memref<128x32xf32, #tpu.memory_space<vmem>>, %arg9: memref<128x32xf32, #tpu.memory_space<vmem>>, %arg10: memref<128x32xf32, #tpu.memory_space<vmem>>, %arg11: memref<128x32xf32, #tpu.memory_space<vmem>>, %arg12: memref<128x32xf32, #tpu.memory_space<vmem>>, %arg13: memref<128x32xf32, #tpu.memory_space<vmem>>, %arg14: memref<128x32xf32, #tpu.memory_space<vmem>>, %arg15: memref<128x32xf32, #tpu.memory_space<vmem>>, %arg16: memref<128x32xf32, #tpu.memory_space<vmem>>, %arg17: memref<128x32xf32, #tpu.memory_space<vmem>>, %arg18: memref<16x32xf32, #tpu.memory_space<vmem>>, %arg19: memref<10240x32xf32, #tpu.memory_space<vmem_shared>>, %arg20: memref<10240x32xf32, #tpu.memory_space<vmem_shared>>, %arg21: memref<!tpu.dma_semaphore, #tpu.memory_space<semaphore_mem>>, %arg22: memref<!tpu.dma_semaphore, #tpu.memory_space<semaphore_mem>>, %arg23: memref<!tpu.dma_semaphore, #tpu.memory_space<semaphore_mem>>, %arg24: memref<!tpu.dma_semaphore, #tpu.memory_space<semaphore_mem>>, %arg25: memref<!tpu.dma_semaphore, #tpu.memory_space<semaphore_mem>>, %arg26: memref<!tpu.dma_semaphore, #tpu.memory_space<semaphore_mem>>, %arg27: memref<!tpu.dma_semaphore, #tpu.memory_space<semaphore_mem>>, %arg28: memref<!tpu.dma_semaphore, #tpu.memory_space<semaphore_mem>>, %arg29: memref<!tpu.dma_semaphore, #tpu.memory_space<semaphore_mem>>, %arg30: memref<!tpu.dma_semaphore, #tpu.memory_space<semaphore_mem>>, %arg31: memref<!tpu.dma_semaphore, #tpu.memory_space<semaphore_mem>>, %arg32: memref<!tpu.dma_semaphore, #tpu.memory_space<semaphore_mem>>, %arg33: memref<!tpu.dma_semaphore, #tpu.memory_space<semaphore_mem>>, %arg34: memref<!tpu.dma_semaphore, #tpu.memory_space<semaphore_mem>>, %arg35: memref<!tpu.dma_semaphore, #tpu.memory_space<semaphore_mem>>, %arg36: memref<!tpu.dma_semaphore, #tpu.memory_space<semaphore_mem>>, %arg37: memref<!tpu.dma_semaphore, #tpu.memory_space<semaphore_mem>>, %arg38: memref<!tpu.dma_semaphore, #tpu.memory_space<semaphore_mem>>, %arg39: memref<!tpu.dma_semaphore, #tpu.memory_space<semaphore_mem>>, %arg40: memref<!tpu.dma_semaphore, #tpu.memory_space<semaphore_mem>>) attributes {dimension_semantics = [#tpu.dimension_semantics<core_parallel>, #tpu.dimension_semantics<subcore_parallel>], iteration_bounds = array<i64: 2, 16>, scalar_prefetch = 0 : i64, scratch_operands = 35 : i64, tpu.core_type = #tpu.core_type<sc_vector_subcore>, window_params = [{transform_indices = #map}, {transform_indices = #map1}, {transform_indices = #map1}, {transform_indices = #map1}]} {
    %mul3A = arith.constant 2 : i32
    %mul3A_0 = arith.muli %arg1, %mul3A : i32
    %add3A = arith.addi %mul3A_0, %arg0 : i32
    %broadcast_in_dim3A = arith.constant 0.000000e+00 : f32
    %broadcast_in_dim3A_1 = vector.broadcast %broadcast_in_dim3A : f32 to vector<16xf32>
    %swap3A = arith.constant 0 : i32
    %swap3A_2 = arith.index_cast %swap3A : i32 to index
    %swap3A_3 = arith.constant 0 : index
    %swap3A_4 = tpu.vector_load %arg18[%swap3A_2, %swap3A_3] {strides = array<i32>} : memref<16x32xf32, #tpu.memory_space<vmem>>, vector<1x16xf32>,
    %swap3A_5 = vector.shape_cast %swap3A_4 : vector<1x16xf32> to vector<16xf32>
    %swap3A_6 = vector.shape_cast %broadcast_in_dim3A_1 : vector<16xf32> to vector<1x16xf32>
    tpu.vector_store %arg18[%swap3A_2, %swap3A_3], %swap3A_6 {strides = array<i32>} : memref<16x32xf32, #tpu.memory_space<vmem>>, vector<1x16xf32>,
    %broadcast_in_dim3A_7 = arith.constant 0.000000e+00 : f32
    %broadcast_in_dim3A_8 = vector.broadcast %broadcast_in_dim3A_7 : f32 to vector<16xf32>
    %swap3A_9 = arith.constant 1 : i32
    %swap3A_10 = arith.index_cast %swap3A_9 : i32 to index
    %swap3A_11 = arith.constant 0 : index
    %swap3A_12 = tpu.vector_load %arg18[%swap3A_10, %swap3A_11] {strides = array<i32>} : memref<16x32xf32, #tpu.memory_space<vmem>>, vector<1x16xf32>,
    %swap3A_13 = vector.shape_cast %swap3A_12 : vector<1x16xf32> to vector<16xf32>
    %swap3A_14 = vector.shape_cast %broadcast_in_dim3A_8 : vector<16xf32> to vector<1x16xf32>
    tpu.vector_store %arg18[%swap3A_10, %swap3A_11], %swap3A_14 {strides = array<i32>} : memref<16x32xf32, #tpu.memory_space<vmem>>, vector<1x16xf32>,
    %broadcast_in_dim3A_15 = arith.constant 0.000000e+00 : f32
    %broadcast_in_dim3A_16 = vector.broadcast %broadcast_in_dim3A_15 : f32 to vector<16xf32>
    %swap3A_17 = arith.constant 2 : i32
    %swap3A_18 = arith.index_cast %swap3A_17 : i32 to index
    %swap3A_19 = arith.constant 0 : index
    %swap3A_20 = tpu.vector_load %arg18[%swap3A_18, %swap3A_19] {strides = array<i32>} : memref<16x32xf32, #tpu.memory_space<vmem>>, vector<1x16xf32>,
    %swap3A_21 = vector.shape_cast %swap3A_20 : vector<1x16xf32> to vector<16xf32>
    %swap3A_22 = vector.shape_cast %broadcast_in_dim3A_16 : vector<16xf32> to vector<1x16xf32>
    tpu.vector_store %arg18[%swap3A_18, %swap3A_19], %swap3A_22 {strides = array<i32>} : memref<16x32xf32, #tpu.memory_space<vmem>>, vector<1x16xf32>,
    %broadcast_in_dim3A_23 = arith.constant 0.000000e+00 : f32
    %broadcast_in_dim3A_24 = vector.broadcast %broadcast_in_dim3A_23 : f32 to vector<16xf32>
    %swap3A_25 = arith.constant 3 : i32
    %swap3A_26 = arith.index_cast %swap3A_25 : i32 to index
    %swap3A_27 = arith.constant 0 : index
    %swap3A_28 = tpu.vector_load %arg18[%swap3A_26, %swap3A_27] {strides = array<i32>} : memref<16x32xf32, #tpu.memory_space<vmem>>, vector<1x16xf32>,
    %swap3A_29 = vector.shape_cast %swap3A_28 : vector<1x16xf32> to vector<16xf32>
    %swap3A_30 = vector.shape_cast %broadcast_in_dim3A_24 : vector<16xf32> to vector<1x16xf32>
    tpu.vector_store %arg18[%swap3A_26, %swap3A_27], %swap3A_30 {strides = array<i32>} : memref<16x32xf32, #tpu.memory_space<vmem>>, vector<1x16xf32>,
    %broadcast_in_dim3A_31 = arith.constant 0.000000e+00 : f32
    %broadcast_in_dim3A_32 = vector.broadcast %broadcast_in_dim3A_31 : f32 to vector<16xf32>
    %swap3A_33 = arith.constant 4 : i32
    %swap3A_34 = arith.index_cast %swap3A_33 : i32 to index
    %swap3A_35 = arith.constant 0 : index
    %swap3A_36 = tpu.vector_load %arg18[%swap3A_34, %swap3A_35] {strides = array<i32>} : memref<16x32xf32, #tpu.memory_space<vmem>>, vector<1x16xf32>,
    %swap3A_37 = vector.shape_cast %swap3A_36 : vector<1x16xf32> to vector<16xf32>
    %swap3A_38 = vector.shape_cast %broadcast_in_dim3A_32 : vector<16xf32> to vector<1x16xf32>
    tpu.vector_store %arg18[%swap3A_34, %swap3A_35], %swap3A_38 {strides = array<i32>} : memref<16x32xf32, #tpu.memory_space<vmem>>, vector<1x16xf32>,
    %broadcast_in_dim3A_39 = arith.constant 0.000000e+00 : f32
    %broadcast_in_dim3A_40 = vector.broadcast %broadcast_in_dim3A_39 : f32 to vector<16xf32>
    %swap3A_41 = arith.constant 5 : i32
    %swap3A_42 = arith.index_cast %swap3A_41 : i32 to index
    %swap3A_43 = arith.constant 0 : index
    %swap3A_44 = tpu.vector_load %arg18[%swap3A_42, %swap3A_43] {strides = array<i32>} : memref<16x32xf32, #tpu.memory_space<vmem>>, vector<1x16xf32>,
    %swap3A_45 = vector.shape_cast %swap3A_44 : vector<1x16xf32> to vector<16xf32>
    %swap3A_46 = vector.shape_cast %broadcast_in_dim3A_40 : vector<16xf32> to vector<1x16xf32>
    tpu.vector_store %arg18[%swap3A_42, %swap3A_43], %swap3A_46 {strides = array<i32>} : memref<16x32xf32, #tpu.memory_space<vmem>>, vector<1x16xf32>,
    %broadcast_in_dim3A_47 = arith.constant 0.000000e+00 : f32
    %broadcast_in_dim3A_48 = vector.broadcast %broadcast_in_dim3A_47 : f32 to vector<16xf32>
    %swap3A_49 = arith.constant 6 : i32
    %swap3A_50 = arith.index_cast %swap3A_49 : i32 to index
    %swap3A_51 = arith.constant 0 : index
    %swap3A_52 = tpu.vector_load %arg18[%swap3A_50, %swap3A_51] {strides = array<i32>} : memref<16x32xf32, #tpu.memory_space<vmem>>, vector<1x16xf32>,
    %swap3A_53 = vector.shape_cast %swap3A_52 : vector<1x16xf32> to vector<16xf32>
    %swap3A_54 = vector.shape_cast %broadcast_in_dim3A_48 : vector<16xf32> to vector<1x16xf32>
    tpu.vector_store %arg18[%swap3A_50, %swap3A_51], %swap3A_54 {strides = array<i32>} : memref<16x32xf32, #tpu.memory_space<vmem>>, vector<1x16xf32>,
    %broadcast_in_dim3A_55 = arith.constant 0.000000e+00 : f32
    %broadcast_in_dim3A_56 = vector.broadcast %broadcast_in_dim3A_55 : f32 to vector<16xf32>
    %swap3A_57 = arith.constant 7 : i32
    %swap3A_58 = arith.index_cast %swap3A_57 : i32 to index
    %swap3A_59 = arith.constant 0 : index
    %swap3A_60 = tpu.vector_load %arg18[%swap3A_58, %swap3A_59] {strides = array<i32>} : memref<16x32xf32, #tpu.memory_space<vmem>>, vector<1x16xf32>,
    %swap3A_61 = vector.shape_cast %swap3A_60 : vector<1x16xf32> to vector<16xf32>
    %swap3A_62 = vector.shape_cast %broadcast_in_dim3A_56 : vector<16xf32> to vector<1x16xf32>
    tpu.vector_store %arg18[%swap3A_58, %swap3A_59], %swap3A_62 {strides = array<i32>} : memref<16x32xf32, #tpu.memory_space<vmem>>, vector<1x16xf32>,
    %broadcast_in_dim3A_63 = arith.constant 0.000000e+00 : f32
    %broadcast_in_dim3A_64 = vector.broadcast %broadcast_in_dim3A_63 : f32 to vector<16xf32>
    %swap3A_65 = arith.constant 8 : i32
    %swap3A_66 = arith.index_cast %swap3A_65 : i32 to index
    %swap3A_67 = arith.constant 0 : index
    %swap3A_68 = tpu.vector_load %arg18[%swap3A_66, %swap3A_67] {strides = array<i32>} : memref<16x32xf32, #tpu.memory_space<vmem>>, vector<1x16xf32>,
    %swap3A_69 = vector.shape_cast %swap3A_68 : vector<1x16xf32> to vector<16xf32>
    %swap3A_70 = vector.shape_cast %broadcast_in_dim3A_64 : vector<16xf32> to vector<1x16xf32>
    tpu.vector_store %arg18[%swap3A_66, %swap3A_67], %swap3A_70 {strides = array<i32>} : memref<16x32xf32, #tpu.memory_space<vmem>>, vector<1x16xf32>,
    %broadcast_in_dim3A_71 = arith.constant 0.000000e+00 : f32
    %broadcast_in_dim3A_72 = vector.broadcast %broadcast_in_dim3A_71 : f32 to vector<16xf32>
    %swap3A_73 = arith.constant 9 : i32
    %swap3A_74 = arith.index_cast %swap3A_73 : i32 to index
    %swap3A_75 = arith.constant 0 : index
    %swap3A_76 = tpu.vector_load %arg18[%swap3A_74, %swap3A_75] {strides = array<i32>} : memref<16x32xf32, #tpu.memory_space<vmem>>, vector<1x16xf32>,
    %swap3A_77 = vector.shape_cast %swap3A_76 : vector<1x16xf32> to vector<16xf32>
    %swap3A_78 = vector.shape_cast %broadcast_in_dim3A_72 : vector<16xf32> to vector<1x16xf32>
    tpu.vector_store %arg18[%swap3A_74, %swap3A_75], %swap3A_78 {strides = array<i32>} : memref<16x32xf32, #tpu.memory_space<vmem>>, vector<1x16xf32>,
    %broadcast_in_dim3A_79 = arith.constant 0.000000e+00 : f32
    %broadcast_in_dim3A_80 = vector.broadcast %broadcast_in_dim3A_79 : f32 to vector<16xf32>
    %swap3A_81 = arith.constant 10 : i32
    %swap3A_82 = arith.index_cast %swap3A_81 : i32 to index
    %swap3A_83 = arith.constant 0 : index
    %swap3A_84 = tpu.vector_load %arg18[%swap3A_82, %swap3A_83] {strides = array<i32>} : memref<16x32xf32, #tpu.memory_space<vmem>>, vector<1x16xf32>,
    %swap3A_85 = vector.shape_cast %swap3A_84 : vector<1x16xf32> to vector<16xf32>
    %swap3A_86 = vector.shape_cast %broadcast_in_dim3A_80 : vector<16xf32> to vector<1x16xf32>
    tpu.vector_store %arg18[%swap3A_82, %swap3A_83], %swap3A_86 {strides = array<i32>} : memref<16x32xf32, #tpu.memory_space<vmem>>, vector<1x16xf32>,
    %broadcast_in_dim3A_87 = arith.constant 0.000000e+00 : f32
    %broadcast_in_dim3A_88 = vector.broadcast %broadcast_in_dim3A_87 : f32 to vector<16xf32>
    %swap3A_89 = arith.constant 11 : i32
    %swap3A_90 = arith.index_cast %swap3A_89 : i32 to index
    %swap3A_91 = arith.constant 0 : index
    %swap3A_92 = tpu.vector_load %arg18[%swap3A_90, %swap3A_91] {strides = array<i32>} : memref<16x32xf32, #tpu.memory_space<vmem>>, vector<1x16xf32>,
    %swap3A_93 = vector.shape_cast %swap3A_92 : vector<1x16xf32> to vector<16xf32>
    %swap3A_94 = vector.shape_cast %broadcast_in_dim3A_88 : vector<16xf32> to vector<1x16xf32>
    tpu.vector_store %arg18[%swap3A_90, %swap3A_91], %swap3A_94 {strides = array<i32>} : memref<16x32xf32, #tpu.memory_space<vmem>>, vector<1x16xf32>,
    %broadcast_in_dim3A_95 = arith.constant 0.000000e+00 : f32
    %broadcast_in_dim3A_96 = vector.broadcast %broadcast_in_dim3A_95 : f32 to vector<16xf32>
    %swap3A_97 = arith.constant 12 : i32
    %swap3A_98 = arith.index_cast %swap3A_97 : i32 to index
    %swap3A_99 = arith.constant 0 : index
    %swap3A_100 = tpu.vector_load %arg18[%swap3A_98, %swap3A_99] {strides = array<i32>} : memref<16x32xf32, #tpu.memory_space<vmem>>, vector<1x16xf32>,
    %swap3A_101 = vector.shape_cast %swap3A_100 : vector<1x16xf32> to vector<16xf32>
    %swap3A_102 = vector.shape_cast %broadcast_in_dim3A_96 : vector<16xf32> to vector<1x16xf32>
    tpu.vector_store %arg18[%swap3A_98, %swap3A_99], %swap3A_102 {strides = array<i32>} : memref<16x32xf32, #tpu.memory_space<vmem>>, vector<1x16xf32>,
    %broadcast_in_dim3A_103 = arith.constant 0.000000e+00 : f32
    %broadcast_in_dim3A_104 = vector.broadcast %broadcast_in_dim3A_103 : f32 to vector<16xf32>
    %swap3A_105 = arith.constant 13 : i32
    %swap3A_106 = arith.index_cast %swap3A_105 : i32 to index
    %swap3A_107 = arith.constant 0 : index
    %swap3A_108 = tpu.vector_load %arg18[%swap3A_106, %swap3A_107] {strides = array<i32>} : memref<16x32xf32, #tpu.memory_space<vmem>>, vector<1x16xf32>,
    %swap3A_109 = vector.shape_cast %swap3A_108 : vector<1x16xf32> to vector<16xf32>
    %swap3A_110 = vector.shape_cast %broadcast_in_dim3A_104 : vector<16xf32> to vector<1x16xf32>
    tpu.vector_store %arg18[%swap3A_106, %swap3A_107], %swap3A_110 {strides = array<i32>} : memref<16x32xf32, #tpu.memory_space<vmem>>, vector<1x16xf32>,
    %broadcast_in_dim3A_111 = arith.constant 0.000000e+00 : f32
    %broadcast_in_dim3A_112 = vector.broadcast %broadcast_in_dim3A_111 : f32 to vector<16xf32>
    %swap3A_113 = arith.constant 14 : i32
    %swap3A_114 = arith.index_cast %swap3A_113 : i32 to index
    %swap3A_115 = arith.constant 0 : index
    %swap3A_116 = tpu.vector_load %arg18[%swap3A_114, %swap3A_115] {strides = array<i32>} : memref<16x32xf32, #tpu.memory_space<vmem>>, vector<1x16xf32>,
    %swap3A_117 = vector.shape_cast %swap3A_116 : vector<1x16xf32> to vector<16xf32>
    %swap3A_118 = vector.shape_cast %broadcast_in_dim3A_112 : vector<16xf32> to vector<1x16xf32>
    tpu.vector_store %arg18[%swap3A_114, %swap3A_115], %swap3A_118 {strides = array<i32>} : memref<16x32xf32, #tpu.memory_space<vmem>>, vector<1x16xf32>,
    %broadcast_in_dim3A_119 = arith.constant 0.000000e+00 : f32
    %broadcast_in_dim3A_120 = vector.broadcast %broadcast_in_dim3A_119 : f32 to vector<16xf32>
    %swap3A_121 = arith.constant 15 : i32
    %swap3A_122 = arith.index_cast %swap3A_121 : i32 to index
    %swap3A_123 = arith.constant 0 : index
    %swap3A_124 = tpu.vector_load %arg18[%swap3A_122, %swap3A_123] {strides = array<i32>} : memref<16x32xf32, #tpu.memory_space<vmem>>, vector<1x16xf32>,
    %swap3A_125 = vector.shape_cast %swap3A_124 : vector<1x16xf32> to vector<16xf32>
    %swap3A_126 = vector.shape_cast %broadcast_in_dim3A_120 : vector<16xf32> to vector<1x16xf32>
    tpu.vector_store %arg18[%swap3A_122, %swap3A_123], %swap3A_126 {strides = array<i32>} : memref<16x32xf32, #tpu.memory_space<vmem>>, vector<1x16xf32>,
    %broadcast_in_dim3A_127 = arith.constant 0.000000e+00 : f32
    %broadcast_in_dim3A_128 = vector.broadcast %broadcast_in_dim3A_127 : f32 to vector<16xf32>
    %swap3A_129 = arith.constant 0 : i32
    %swap3A_130 = arith.index_cast %swap3A_129 : i32 to index
    %swap3A_131 = arith.constant 16 : index
    %swap3A_132 = tpu.vector_load %arg18[%swap3A_130, %swap3A_131] {strides = array<i32>} : memref<16x32xf32, #tpu.memory_space<vmem>>, vector<1x16xf32>,
    %swap3A_133 = vector.shape_cast %swap3A_132 : vector<1x16xf32> to vector<16xf32>
    %swap3A_134 = vector.shape_cast %broadcast_in_dim3A_128 : vector<16xf32> to vector<1x16xf32>
    tpu.vector_store %arg18[%swap3A_130, %swap3A_131], %swap3A_134 {strides = array<i32>} : memref<16x32xf32, #tpu.memory_space<vmem>>, vector<1x16xf32>,
    %broadcast_in_dim3A_135 = arith.constant 0.000000e+00 : f32
    %broadcast_in_dim3A_136 = vector.broadcast %broadcast_in_dim3A_135 : f32 to vector<16xf32>
    %swap3A_137 = arith.constant 1 : i32
    %swap3A_138 = arith.index_cast %swap3A_137 : i32 to index
    %swap3A_139 = arith.constant 16 : index
    %swap3A_140 = tpu.vector_load %arg18[%swap3A_138, %swap3A_139] {strides = array<i32>} : memref<16x32xf32, #tpu.memory_space<vmem>>, vector<1x16xf32>,
    %swap3A_141 = vector.shape_cast %swap3A_140 : vector<1x16xf32> to vector<16xf32>
    %swap3A_142 = vector.shape_cast %broadcast_in_dim3A_136 : vector<16xf32> to vector<1x16xf32>
    tpu.vector_store %arg18[%swap3A_138, %swap3A_139], %swap3A_142 {strides = array<i32>} : memref<16x32xf32, #tpu.memory_space<vmem>>, vector<1x16xf32>,
    %broadcast_in_dim3A_143 = arith.constant 0.000000e+00 : f32
    %broadcast_in_dim3A_144 = vector.broadcast %broadcast_in_dim3A_143 : f32 to vector<16xf32>
    %swap3A_145 = arith.constant 2 : i32
    %swap3A_146 = arith.index_cast %swap3A_145 : i32 to index
    %swap3A_147 = arith.constant 16 : index
    %swap3A_148 = tpu.vector_load %arg18[%swap3A_146, %swap3A_147] {strides = array<i32>} : memref<16x32xf32, #tpu.memory_space<vmem>>, vector<1x16xf32>,
    %swap3A_149 = vector.shape_cast %swap3A_148 : vector<1x16xf32> to vector<16xf32>
    %swap3A_150 = vector.shape_cast %broadcast_in_dim3A_144 : vector<16xf32> to vector<1x16xf32>
    tpu.vector_store %arg18[%swap3A_146, %swap3A_147], %swap3A_150 {strides = array<i32>} : memref<16x32xf32, #tpu.memory_space<vmem>>, vector<1x16xf32>,
    %broadcast_in_dim3A_151 = arith.constant 0.000000e+00 : f32
    %broadcast_in_dim3A_152 = vector.broadcast %broadcast_in_dim3A_151 : f32 to vector<16xf32>
    %swap3A_153 = arith.constant 3 : i32
    %swap3A_154 = arith.index_cast %swap3A_153 : i32 to index
    %swap3A_155 = arith.constant 16 : index
    %swap3A_156 = tpu.vector_load %arg18[%swap3A_154, %swap3A_155] {strides = array<i32>} : memref<16x32xf32, #tpu.memory_space<vmem>>, vector<1x16xf32>,
    %swap3A_157 = vector.shape_cast %swap3A_156 : vector<1x16xf32> to vector<16xf32>
    %swap3A_158 = vector.shape_cast %broadcast_in_dim3A_152 : vector<16xf32> to vector<1x16xf32>
    tpu.vector_store %arg18[%swap3A_154, %swap3A_155], %swap3A_158 {strides = array<i32>} : memref<16x32xf32, #tpu.memory_space<vmem>>, vector<1x16xf32>,
    %broadcast_in_dim3A_159 = arith.constant 0.000000e+00 : f32
    %broadcast_in_dim3A_160 = vector.broadcast %broadcast_in_dim3A_159 : f32 to vector<16xf32>
    %swap3A_161 = arith.constant 4 : i32
    %swap3A_162 = arith.index_cast %swap3A_161 : i32 to index
    %swap3A_163 = arith.constant 16 : index
    %swap3A_164 = tpu.vector_load %arg18[%swap3A_162, %swap3A_163] {strides = array<i32>} : memref<16x32xf32, #tpu.memory_space<vmem>>, vector<1x16xf32>,
    %swap3A_165 = vector.shape_cast %swap3A_164 : vector<1x16xf32> to vector<16xf32>
    %swap3A_166 = vector.shape_cast %broadcast_in_dim3A_160 : vector<16xf32> to vector<1x16xf32>
    tpu.vector_store %arg18[%swap3A_162, %swap3A_163], %swap3A_166 {strides = array<i32>} : memref<16x32xf32, #tpu.memory_space<vmem>>, vector<1x16xf32>,
    %broadcast_in_dim3A_167 = arith.constant 0.000000e+00 : f32
    %broadcast_in_dim3A_168 = vector.broadcast %broadcast_in_dim3A_167 : f32 to vector<16xf32>
    %swap3A_169 = arith.constant 5 : i32
    %swap3A_170 = arith.index_cast %swap3A_169 : i32 to index
    %swap3A_171 = arith.constant 16 : index
    %swap3A_172 = tpu.vector_load %arg18[%swap3A_170, %swap3A_171] {strides = array<i32>} : memref<16x32xf32, #tpu.memory_space<vmem>>, vector<1x16xf32>,
    %swap3A_173 = vector.shape_cast %swap3A_172 : vector<1x16xf32> to vector<16xf32>
    %swap3A_174 = vector.shape_cast %broadcast_in_dim3A_168 : vector<16xf32> to vector<1x16xf32>
    tpu.vector_store %arg18[%swap3A_170, %swap3A_171], %swap3A_174 {strides = array<i32>} : memref<16x32xf32, #tpu.memory_space<vmem>>, vector<1x16xf32>,
    %broadcast_in_dim3A_175 = arith.constant 0.000000e+00 : f32
    %broadcast_in_dim3A_176 = vector.broadcast %broadcast_in_dim3A_175 : f32 to vector<16xf32>
    %swap3A_177 = arith.constant 6 : i32
    %swap3A_178 = arith.index_cast %swap3A_177 : i32 to index
    %swap3A_179 = arith.constant 16 : index
    %swap3A_180 = tpu.vector_load %arg18[%swap3A_178, %swap3A_179] {strides = array<i32>} : memref<16x32xf32, #tpu.memory_space<vmem>>, vector<1x16xf32>,
    %swap3A_181 = vector.shape_cast %swap3A_180 : vector<1x16xf32> to vector<16xf32>
    %swap3A_182 = vector.shape_cast %broadcast_in_dim3A_176 : vector<16xf32> to vector<1x16xf32>
    tpu.vector_store %arg18[%swap3A_178, %swap3A_179], %swap3A_182 {strides = array<i32>} : memref<16x32xf32, #tpu.memory_space<vmem>>, vector<1x16xf32>,
    %broadcast_in_dim3A_183 = arith.constant 0.000000e+00 : f32
    %broadcast_in_dim3A_184 = vector.broadcast %broadcast_in_dim3A_183 : f32 to vector<16xf32>
    %swap3A_185 = arith.constant 7 : i32
    %swap3A_186 = arith.index_cast %swap3A_185 : i32 to index
    %swap3A_187 = arith.constant 16 : index
    %swap3A_188 = tpu.vector_load %arg18[%swap3A_186, %swap3A_187] {strides = array<i32>} : memref<16x32xf32, #tpu.memory_space<vmem>>, vector<1x16xf32>,
    %swap3A_189 = vector.shape_cast %swap3A_188 : vector<1x16xf32> to vector<16xf32>
    %swap3A_190 = vector.shape_cast %broadcast_in_dim3A_184 : vector<16xf32> to vector<1x16xf32>
    tpu.vector_store %arg18[%swap3A_186, %swap3A_187], %swap3A_190 {strides = array<i32>} : memref<16x32xf32, #tpu.memory_space<vmem>>, vector<1x16xf32>,
    %broadcast_in_dim3A_191 = arith.constant 0.000000e+00 : f32
    %broadcast_in_dim3A_192 = vector.broadcast %broadcast_in_dim3A_191 : f32 to vector<16xf32>
    %swap3A_193 = arith.constant 8 : i32
    %swap3A_194 = arith.index_cast %swap3A_193 : i32 to index
    %swap3A_195 = arith.constant 16 : index
    %swap3A_196 = tpu.vector_load %arg18[%swap3A_194, %swap3A_195] {strides = array<i32>} : memref<16x32xf32, #tpu.memory_space<vmem>>, vector<1x16xf32>,
    %swap3A_197 = vector.shape_cast %swap3A_196 : vector<1x16xf32> to vector<16xf32>
    %swap3A_198 = vector.shape_cast %broadcast_in_dim3A_192 : vector<16xf32> to vector<1x16xf32>
    tpu.vector_store %arg18[%swap3A_194, %swap3A_195], %swap3A_198 {strides = array<i32>} : memref<16x32xf32, #tpu.memory_space<vmem>>, vector<1x16xf32>,
    %broadcast_in_dim3A_199 = arith.constant 0.000000e+00 : f32
    %broadcast_in_dim3A_200 = vector.broadcast %broadcast_in_dim3A_199 : f32 to vector<16xf32>
    %swap3A_201 = arith.constant 9 : i32
    %swap3A_202 = arith.index_cast %swap3A_201 : i32 to index
    %swap3A_203 = arith.constant 16 : index
    %swap3A_204 = tpu.vector_load %arg18[%swap3A_202, %swap3A_203] {strides = array<i32>} : memref<16x32xf32, #tpu.memory_space<vmem>>, vector<1x16xf32>,
    %swap3A_205 = vector.shape_cast %swap3A_204 : vector<1x16xf32> to vector<16xf32>
    %swap3A_206 = vector.shape_cast %broadcast_in_dim3A_200 : vector<16xf32> to vector<1x16xf32>
    tpu.vector_store %arg18[%swap3A_202, %swap3A_203], %swap3A_206 {strides = array<i32>} : memref<16x32xf32, #tpu.memory_space<vmem>>, vector<1x16xf32>,
    %broadcast_in_dim3A_207 = arith.constant 0.000000e+00 : f32
    %broadcast_in_dim3A_208 = vector.broadcast %broadcast_in_dim3A_207 : f32 to vector<16xf32>
    %swap3A_209 = arith.constant 10 : i32
    %swap3A_210 = arith.index_cast %swap3A_209 : i32 to index
    %swap3A_211 = arith.constant 16 : index
    %swap3A_212 = tpu.vector_load %arg18[%swap3A_210, %swap3A_211] {strides = array<i32>} : memref<16x32xf32, #tpu.memory_space<vmem>>, vector<1x16xf32>,
    %swap3A_213 = vector.shape_cast %swap3A_212 : vector<1x16xf32> to vector<16xf32>
    %swap3A_214 = vector.shape_cast %broadcast_in_dim3A_208 : vector<16xf32> to vector<1x16xf32>
    tpu.vector_store %arg18[%swap3A_210, %swap3A_211], %swap3A_214 {strides = array<i32>} : memref<16x32xf32, #tpu.memory_space<vmem>>, vector<1x16xf32>,
    %broadcast_in_dim3A_215 = arith.constant 0.000000e+00 : f32
    %broadcast_in_dim3A_216 = vector.broadcast %broadcast_in_dim3A_215 : f32 to vector<16xf32>
    %swap3A_217 = arith.constant 11 : i32
    %swap3A_218 = arith.index_cast %swap3A_217 : i32 to index
    %swap3A_219 = arith.constant 16 : index
    %swap3A_220 = tpu.vector_load %arg18[%swap3A_218, %swap3A_219] {strides = array<i32>} : memref<16x32xf32, #tpu.memory_space<vmem>>, vector<1x16xf32>,
    %swap3A_221 = vector.shape_cast %swap3A_220 : vector<1x16xf32> to vector<16xf32>
    %swap3A_222 = vector.shape_cast %broadcast_in_dim3A_216 : vector<16xf32> to vector<1x16xf32>
    tpu.vector_store %arg18[%swap3A_218, %swap3A_219], %swap3A_222 {strides = array<i32>} : memref<16x32xf32, #tpu.memory_space<vmem>>, vector<1x16xf32>,
    %broadcast_in_dim3A_223 = arith.constant 0.000000e+00 : f32
    %broadcast_in_dim3A_224 = vector.broadcast %broadcast_in_dim3A_223 : f32 to vector<16xf32>
    %swap3A_225 = arith.constant 12 : i32
    %swap3A_226 = arith.index_cast %swap3A_225 : i32 to index
    %swap3A_227 = arith.constant 16 : index
    %swap3A_228 = tpu.vector_load %arg18[%swap3A_226, %swap3A_227] {strides = array<i32>} : memref<16x32xf32, #tpu.memory_space<vmem>>, vector<1x16xf32>,
    %swap3A_229 = vector.shape_cast %swap3A_228 : vector<1x16xf32> to vector<16xf32>
    %swap3A_230 = vector.shape_cast %broadcast_in_dim3A_224 : vector<16xf32> to vector<1x16xf32>
    tpu.vector_store %arg18[%swap3A_226, %swap3A_227], %swap3A_230 {strides = array<i32>} : memref<16x32xf32, #tpu.memory_space<vmem>>, vector<1x16xf32>,
    %broadcast_in_dim3A_231 = arith.constant 0.000000e+00 : f32
    %broadcast_in_dim3A_232 = vector.broadcast %broadcast_in_dim3A_231 : f32 to vector<16xf32>
    %swap3A_233 = arith.constant 13 : i32
    %swap3A_234 = arith.index_cast %swap3A_233 : i32 to index
    %swap3A_235 = arith.constant 16 : index
    %swap3A_236 = tpu.vector_load %arg18[%swap3A_234, %swap3A_235] {strides = array<i32>} : memref<16x32xf32, #tpu.memory_space<vmem>>, vector<1x16xf32>,
    %swap3A_237 = vector.shape_cast %swap3A_236 : vector<1x16xf32> to vector<16xf32>
    %swap3A_238 = vector.shape_cast %broadcast_in_dim3A_232 : vector<16xf32> to vector<1x16xf32>
    tpu.vector_store %arg18[%swap3A_234, %swap3A_235], %swap3A_238 {strides = array<i32>} : memref<16x32xf32, #tpu.memory_space<vmem>>, vector<1x16xf32>,
    %broadcast_in_dim3A_239 = arith.constant 0.000000e+00 : f32
    %broadcast_in_dim3A_240 = vector.broadcast %broadcast_in_dim3A_239 : f32 to vector<16xf32>
    %swap3A_241 = arith.constant 14 : i32
    %swap3A_242 = arith.index_cast %swap3A_241 : i32 to index
    %swap3A_243 = arith.constant 16 : index
    %swap3A_244 = tpu.vector_load %arg18[%swap3A_242, %swap3A_243] {strides = array<i32>} : memref<16x32xf32, #tpu.memory_space<vmem>>, vector<1x16xf32>,
    %swap3A_245 = vector.shape_cast %swap3A_244 : vector<1x16xf32> to vector<16xf32>
    %swap3A_246 = vector.shape_cast %broadcast_in_dim3A_240 : vector<16xf32> to vector<1x16xf32>
    tpu.vector_store %arg18[%swap3A_242, %swap3A_243], %swap3A_246 {strides = array<i32>} : memref<16x32xf32, #tpu.memory_space<vmem>>, vector<1x16xf32>,
    %broadcast_in_dim3A_247 = arith.constant 0.000000e+00 : f32
    %broadcast_in_dim3A_248 = vector.broadcast %broadcast_in_dim3A_247 : f32 to vector<16xf32>
    %swap3A_249 = arith.constant 15 : i32
    %swap3A_250 = arith.index_cast %swap3A_249 : i32 to index
    %swap3A_251 = arith.constant 16 : index
    %swap3A_252 = tpu.vector_load %arg18[%swap3A_250, %swap3A_251] {strides = array<i32>} : memref<16x32xf32, #tpu.memory_space<vmem>>, vector<1x16xf32>,
    %swap3A_253 = vector.shape_cast %swap3A_252 : vector<1x16xf32> to vector<16xf32>
    %swap3A_254 = vector.shape_cast %broadcast_in_dim3A_248 : vector<16xf32> to vector<1x16xf32>
    tpu.vector_store %arg18[%swap3A_250, %swap3A_251], %swap3A_254 {strides = array<i32>} : memref<16x32xf32, #tpu.memory_space<vmem>>, vector<1x16xf32>,
    %broadcast_in_dim3A_255 = arith.constant 0.000000e+00 : f32
    %broadcast_in_dim3A_256 = vector.broadcast %broadcast_in_dim3A_255 : f32 to vector<16xf32>
    %swap3A_257 = arith.constant 0 : i32
    %swap3A_258 = arith.index_cast %swap3A_257 : i32 to index
    %swap3A_259 = arith.constant 16 : index
    %swap3A_260 = tpu.vector_load %arg18[%swap3A_258, %swap3A_259] {strides = array<i32>} : memref<16x32xf32, #tpu.memory_space<vmem>>, vector<1x16xf32>,
    %swap3A_261 = vector.shape_cast %swap3A_260 : vector<1x16xf32> to vector<16xf32>
    %swap3A_262 = vector.shape_cast %broadcast_in_dim3A_256 : vector<16xf32> to vector<1x16xf32>
    tpu.vector_store %arg18[%swap3A_258, %swap3A_259], %swap3A_262 {strides = array<i32>} : memref<16x32xf32, #tpu.memory_space<vmem>>, vector<1x16xf32>,
    %broadcast_in_dim3A_263 = arith.constant 0.000000e+00 : f32
    %broadcast_in_dim3A_264 = vector.broadcast %broadcast_in_dim3A_263 : f32 to vector<16xf32>
    %swap3A_265 = arith.constant 1 : i32
    %swap3A_266 = arith.index_cast %swap3A_265 : i32 to index
    %swap3A_267 = arith.constant 16 : index
    %swap3A_268 = tpu.vector_load %arg18[%swap3A_266, %swap3A_267] {strides = array<i32>} : memref<16x32xf32, #tpu.memory_space<vmem>>, vector<1x16xf32>,
    %swap3A_269 = vector.shape_cast %swap3A_268 : vector<1x16xf32> to vector<16xf32>
    %swap3A_270 = vector.shape_cast %broadcast_in_dim3A_264 : vector<16xf32> to vector<1x16xf32>
    tpu.vector_store %arg18[%swap3A_266, %swap3A_267], %swap3A_270 {strides = array<i32>} : memref<16x32xf32, #tpu.memory_space<vmem>>, vector<1x16xf32>,
    %broadcast_in_dim3A_271 = arith.constant 0.000000e+00 : f32
    %broadcast_in_dim3A_272 = vector.broadcast %broadcast_in_dim3A_271 : f32 to vector<16xf32>
    %swap3A_273 = arith.constant 2 : i32
    %swap3A_274 = arith.index_cast %swap3A_273 : i32 to index
    %swap3A_275 = arith.constant 16 : index
    %swap3A_276 = tpu.vector_load %arg18[%swap3A_274, %swap3A_275] {strides = array<i32>} : memref<16x32xf32, #tpu.memory_space<vmem>>, vector<1x16xf32>,
    %swap3A_277 = vector.shape_cast %swap3A_276 : vector<1x16xf32> to vector<16xf32>
    %swap3A_278 = vector.shape_cast %broadcast_in_dim3A_272 : vector<16xf32> to vector<1x16xf32>
    tpu.vector_store %arg18[%swap3A_274, %swap3A_275], %swap3A_278 {strides = array<i32>} : memref<16x32xf32, #tpu.memory_space<vmem>>, vector<1x16xf32>,
    %broadcast_in_dim3A_279 = arith.constant 0.000000e+00 : f32
    %broadcast_in_dim3A_280 = vector.broadcast %broadcast_in_dim3A_279 : f32 to vector<16xf32>
    %swap3A_281 = arith.constant 3 : i32
    %swap3A_282 = arith.index_cast %swap3A_281 : i32 to index
    %swap3A_283 = arith.constant 16 : index
    %swap3A_284 = tpu.vector_load %arg18[%swap3A_282, %swap3A_283] {strides = array<i32>} : memref<16x32xf32, #tpu.memory_space<vmem>>, vector<1x16xf32>,
    %swap3A_285 = vector.shape_cast %swap3A_284 : vector<1x16xf32> to vector<16xf32>
    %swap3A_286 = vector.shape_cast %broadcast_in_dim3A_280 : vector<16xf32> to vector<1x16xf32>
    tpu.vector_store %arg18[%swap3A_282, %swap3A_283], %swap3A_286 {strides = array<i32>} : memref<16x32xf32, #tpu.memory_space<vmem>>, vector<1x16xf32>,
    %broadcast_in_dim3A_287 = arith.constant 0.000000e+00 : f32
    %broadcast_in_dim3A_288 = vector.broadcast %broadcast_in_dim3A_287 : f32 to vector<16xf32>
    %swap3A_289 = arith.constant 4 : i32
    %swap3A_290 = arith.index_cast %swap3A_289 : i32 to index
    %swap3A_291 = arith.constant 16 : index
    %swap3A_292 = tpu.vector_load %arg18[%swap3A_290, %swap3A_291] {strides = array<i32>} : memref<16x32xf32, #tpu.memory_space<vmem>>, vector<1x16xf32>,
    %swap3A_293 = vector.shape_cast %swap3A_292 : vector<1x16xf32> to vector<16xf32>
    %swap3A_294 = vector.shape_cast %broadcast_in_dim3A_288 : vector<16xf32> to vector<1x16xf32>
    tpu.vector_store %arg18[%swap3A_290, %swap3A_291], %swap3A_294 {strides = array<i32>} : memref<16x32xf32, #tpu.memory_space<vmem>>, vector<1x16xf32>,
    %broadcast_in_dim3A_295 = arith.constant 0.000000e+00 : f32
    %broadcast_in_dim3A_296 = vector.broadcast %broadcast_in_dim3A_295 : f32 to vector<16xf32>
    %swap3A_297 = arith.constant 5 : i32
    %swap3A_298 = arith.index_cast %swap3A_297 : i32 to index
    %swap3A_299 = arith.constant 16 : index
    %swap3A_300 = tpu.vector_load %arg18[%swap3A_298, %swap3A_299] {strides = array<i32>} : memref<16x32xf32, #tpu.memory_space<vmem>>, vector<1x16xf32>,
    %swap3A_301 = vector.shape_cast %swap3A_300 : vector<1x16xf32> to vector<16xf32>
    %swap3A_302 = vector.shape_cast %broadcast_in_dim3A_296 : vector<16xf32> to vector<1x16xf32>
    tpu.vector_store %arg18[%swap3A_298, %swap3A_299], %swap3A_302 {strides = array<i32>} : memref<16x32xf32, #tpu.memory_space<vmem>>, vector<1x16xf32>,
    %broadcast_in_dim3A_303 = arith.constant 0.000000e+00 : f32
    %broadcast_in_dim3A_304 = vector.broadcast %broadcast_in_dim3A_303 : f32 to vector<16xf32>
    %swap3A_305 = arith.constant 6 : i32
    %swap3A_306 = arith.index_cast %swap3A_305 : i32 to index
    %swap3A_307 = arith.constant 16 : index
    %swap3A_308 = tpu.vector_load %arg18[%swap3A_306, %swap3A_307] {strides = array<i32>} : memref<16x32xf32, #tpu.memory_space<vmem>>, vector<1x16xf32>,
    %swap3A_309 = vector.shape_cast %swap3A_308 : vector<1x16xf32> to vector<16xf32>
    %swap3A_310 = vector.shape_cast %broadcast_in_dim3A_304 : vector<16xf32> to vector<1x16xf32>
    tpu.vector_store %arg18[%swap3A_306, %swap3A_307], %swap3A_310 {strides = array<i32>} : memref<16x32xf32, #tpu.memory_space<vmem>>, vector<1x16xf32>,
    %broadcast_in_dim3A_311 = arith.constant 0.000000e+00 : f32
    %broadcast_in_dim3A_312 = vector.broadcast %broadcast_in_dim3A_311 : f32 to vector<16xf32>
    %swap3A_313 = arith.constant 7 : i32
    %swap3A_314 = arith.index_cast %swap3A_313 : i32 to index
    %swap3A_315 = arith.constant 16 : index
    %swap3A_316 = tpu.vector_load %arg18[%swap3A_314, %swap3A_315] {strides = array<i32>} : memref<16x32xf32, #tpu.memory_space<vmem>>, vector<1x16xf32>,
    %swap3A_317 = vector.shape_cast %swap3A_316 : vector<1x16xf32> to vector<16xf32>
    %swap3A_318 = vector.shape_cast %broadcast_in_dim3A_312 : vector<16xf32> to vector<1x16xf32>
    tpu.vector_store %arg18[%swap3A_314, %swap3A_315], %swap3A_318 {strides = array<i32>} : memref<16x32xf32, #tpu.memory_space<vmem>>, vector<1x16xf32>,
    %broadcast_in_dim3A_319 = arith.constant 0.000000e+00 : f32
    %broadcast_in_dim3A_320 = vector.broadcast %broadcast_in_dim3A_319 : f32 to vector<16xf32>
    %swap3A_321 = arith.constant 8 : i32
    %swap3A_322 = arith.index_cast %swap3A_321 : i32 to index
    %swap3A_323 = arith.constant 16 : index
    %swap3A_324 = tpu.vector_load %arg18[%swap3A_322, %swap3A_323] {strides = array<i32>} : memref<16x32xf32, #tpu.memory_space<vmem>>, vector<1x16xf32>,
    %swap3A_325 = vector.shape_cast %swap3A_324 : vector<1x16xf32> to vector<16xf32>
    %swap3A_326 = vector.shape_cast %broadcast_in_dim3A_320 : vector<16xf32> to vector<1x16xf32>
    tpu.vector_store %arg18[%swap3A_322, %swap3A_323], %swap3A_326 {strides = array<i32>} : memref<16x32xf32, #tpu.memory_space<vmem>>, vector<1x16xf32>,
    %broadcast_in_dim3A_327 = arith.constant 0.000000e+00 : f32
    %broadcast_in_dim3A_328 = vector.broadcast %broadcast_in_dim3A_327 : f32 to vector<16xf32>
    %swap3A_329 = arith.constant 9 : i32
    %swap3A_330 = arith.index_cast %swap3A_329 : i32 to index
    %swap3A_331 = arith.constant 16 : index
    %swap3A_332 = tpu.vector_load %arg18[%swap3A_330, %swap3A_331] {strides = array<i32>} : memref<16x32xf32, #tpu.memory_space<vmem>>, vector<1x16xf32>,
    %swap3A_333 = vector.shape_cast %swap3A_332 : vector<1x16xf32> to vector<16xf32>
    %swap3A_334 = vector.shape_cast %broadcast_in_dim3A_328 : vector<16xf32> to vector<1x16xf32>
    tpu.vector_store %arg18[%swap3A_330, %swap3A_331], %swap3A_334 {strides = array<i32>} : memref<16x32xf32, #tpu.memory_space<vmem>>, vector<1x16xf32>,
    %broadcast_in_dim3A_335 = arith.constant 0.000000e+00 : f32
    %broadcast_in_dim3A_336 = vector.broadcast %broadcast_in_dim3A_335 : f32 to vector<16xf32>
    %swap3A_337 = arith.constant 10 : i32
    %swap3A_338 = arith.index_cast %swap3A_337 : i32 to index
    %swap3A_339 = arith.constant 16 : index
    %swap3A_340 = tpu.vector_load %arg18[%swap3A_338, %swap3A_339] {strides = array<i32>} : memref<16x32xf32, #tpu.memory_space<vmem>>, vector<1x16xf32>,
    %swap3A_341 = vector.shape_cast %swap3A_340 : vector<1x16xf32> to vector<16xf32>
    %swap3A_342 = vector.shape_cast %broadcast_in_dim3A_336 : vector<16xf32> to vector<1x16xf32>
    tpu.vector_store %arg18[%swap3A_338, %swap3A_339], %swap3A_342 {strides = array<i32>} : memref<16x32xf32, #tpu.memory_space<vmem>>, vector<1x16xf32>,
    %broadcast_in_dim3A_343 = arith.constant 0.000000e+00 : f32
    %broadcast_in_dim3A_344 = vector.broadcast %broadcast_in_dim3A_343 : f32 to vector<16xf32>
    %swap3A_345 = arith.constant 11 : i32
    %swap3A_346 = arith.index_cast %swap3A_345 : i32 to index
    %swap3A_347 = arith.constant 16 : index
    %swap3A_348 = tpu.vector_load %arg18[%swap3A_346, %swap3A_347] {strides = array<i32>} : memref<16x32xf32, #tpu.memory_space<vmem>>, vector<1x16xf32>,
    %swap3A_349 = vector.shape_cast %swap3A_348 : vector<1x16xf32> to vector<16xf32>
    %swap3A_350 = vector.shape_cast %broadcast_in_dim3A_344 : vector<16xf32> to vector<1x16xf32>
    tpu.vector_store %arg18[%swap3A_346, %swap3A_347], %swap3A_350 {strides = array<i32>} : memref<16x32xf32, #tpu.memory_space<vmem>>, vector<1x16xf32>,
    %broadcast_in_dim3A_351 = arith.constant 0.000000e+00 : f32
    %broadcast_in_dim3A_352 = vector.broadcast %broadcast_in_dim3A_351 : f32 to vector<16xf32>
    %swap3A_353 = arith.constant 12 : i32
    %swap3A_354 = arith.index_cast %swap3A_353 : i32 to index
    %swap3A_355 = arith.constant 16 : index
    %swap3A_356 = tpu.vector_load %arg18[%swap3A_354, %swap3A_355] {strides = array<i32>} : memref<16x32xf32, #tpu.memory_space<vmem>>, vector<1x16xf32>,
    %swap3A_357 = vector.shape_cast %swap3A_356 : vector<1x16xf32> to vector<16xf32>
    %swap3A_358 = vector.shape_cast %broadcast_in_dim3A_352 : vector<16xf32> to vector<1x16xf32>
    tpu.vector_store %arg18[%swap3A_354, %swap3A_355], %swap3A_358 {strides = array<i32>} : memref<16x32xf32, #tpu.memory_space<vmem>>, vector<1x16xf32>,
    %broadcast_in_dim3A_359 = arith.constant 0.000000e+00 : f32
    %broadcast_in_dim3A_360 = vector.broadcast %broadcast_in_dim3A_359 : f32 to vector<16xf32>
    %swap3A_361 = arith.constant 13 : i32
    %swap3A_362 = arith.index_cast %swap3A_361 : i32 to index
    %swap3A_363 = arith.constant 16 : index
    %swap3A_364 = tpu.vector_load %arg18[%swap3A_362, %swap3A_363] {strides = array<i32>} : memref<16x32xf32, #tpu.memory_space<vmem>>, vector<1x16xf32>,
    %swap3A_365 = vector.shape_cast %swap3A_364 : vector<1x16xf32> to vector<16xf32>
    %swap3A_366 = vector.shape_cast %broadcast_in_dim3A_360 : vector<16xf32> to vector<1x16xf32>
    tpu.vector_store %arg18[%swap3A_362, %swap3A_363], %swap3A_366 {strides = array<i32>} : memref<16x32xf32, #tpu.memory_space<vmem>>, vector<1x16xf32>,
    %broadcast_in_dim3A_367 = arith.constant 0.000000e+00 : f32
    %broadcast_in_dim3A_368 = vector.broadcast %broadcast_in_dim3A_367 : f32 to vector<16xf32>
    %swap3A_369 = arith.constant 14 : i32
    %swap3A_370 = arith.index_cast %swap3A_369 : i32 to index
    %swap3A_371 = arith.constant 16 : index
    %swap3A_372 = tpu.vector_load %arg18[%swap3A_370, %swap3A_371] {strides = array<i32>} : memref<16x32xf32, #tpu.memory_space<vmem>>, vector<1x16xf32>,
    %swap3A_373 = vector.shape_cast %swap3A_372 : vector<1x16xf32> to vector<16xf32>
    %swap3A_374 = vector.shape_cast %broadcast_in_dim3A_368 : vector<16xf32> to vector<1x16xf32>
    tpu.vector_store %arg18[%swap3A_370, %swap3A_371], %swap3A_374 {strides = array<i32>} : memref<16x32xf32, #tpu.memory_space<vmem>>, vector<1x16xf32>,
    %broadcast_in_dim3A_375 = arith.constant 0.000000e+00 : f32
    %broadcast_in_dim3A_376 = vector.broadcast %broadcast_in_dim3A_375 : f32 to vector<16xf32>
    %swap3A_377 = arith.constant 15 : i32
    %swap3A_378 = arith.index_cast %swap3A_377 : i32 to index
    %swap3A_379 = arith.constant 16 : index
    %swap3A_380 = tpu.vector_load %arg18[%swap3A_378, %swap3A_379] {strides = array<i32>} : memref<16x32xf32, #tpu.memory_space<vmem>>, vector<1x16xf32>,
    %swap3A_381 = vector.shape_cast %swap3A_380 : vector<1x16xf32> to vector<16xf32>
    %swap3A_382 = vector.shape_cast %broadcast_in_dim3A_376 : vector<16xf32> to vector<1x16xf32>
    tpu.vector_store %arg18[%swap3A_378, %swap3A_379], %swap3A_382 {strides = array<i32>} : memref<16x32xf32, #tpu.memory_space<vmem>>, vector<1x16xf32>,
    %mul3A_383 = arith.constant 640 : i32
    %mul3A_384 = arith.muli %arg1, %mul3A_383 : i32
    %scan3A = arith.constant 0 : i32
    %scan3A_385 = arith.constant 0 : i32
    %scan3A_386 = arith.constant 40 : i32
    %scan3A_387 = arith.addi %scan3A_385, %scan3A_386 : i32
    %scan3A_388 = arith.constant 1 : i32
    scf.for %scan3A_745 = %scan3A_385 to %scan3A_387 step %scan3A_388  : i32 {
      %mul3A_746 = arith.constant 16 : i32
      %mul3A_747 = arith.muli %scan3A_745, %mul3A_746 : i32
      %add3A_748 = arith.addi %mul3A_384, %mul3A_747 : i32
      "tpu.region"() ({
        %run_scoped3A = tpu.sem_alloc : memref<!tpu.dma_semaphore, #tpu.memory_space<semaphore_mem>>
        %dma_start3A_749 = arith.constant 0 : i32
        %dma_start3A_750 = tpu.memref_slice %arg19[%add3A_748, %dma_start3A_749] : memref<10240x32xf32, #tpu.memory_space<vmem_shared>> -> memref<16x32xf32, #tpu.memory_space<vmem_shared>>
        %dma_start3A_751 = arith.constant 0 : i32
        %dma_start3A_752 = tpu.memref_slice %arg19[%add3A_748, %dma_start3A_751] : memref<10240x32xf32, #tpu.memory_space<vmem_shared>> -> memref<16x32xf32, #tpu.memory_space<vmem_shared>>
        tpu.enqueue_dma source(%arg18 : memref<16x32xf32, #tpu.memory_space<vmem>>) target(%dma_start3A_752 : memref<16x32xf32, #tpu.memory_space<vmem_shared>>) target_semaphore(%run_scoped3A : memref<!tpu.dma_semaphore, #tpu.memory_space<semaphore_mem>>)
        %dma_wait3A_753 = arith.constant 0 : i32
        %dma_wait3A_754 = tpu.memref_slice %arg19[%add3A_748, %dma_wait3A_753] : memref<10240x32xf32, #tpu.memory_space<vmem_shared>> -> memref<16x32xf32, #tpu.memory_space<vmem_shared>>
        %dma_wait3A_755 = arith.constant 0 : i32
        %dma_wait3A_756 = tpu.memref_slice %arg19[%add3A_748, %dma_wait3A_755] : memref<10240x32xf32, #tpu.memory_space<vmem_shared>> -> memref<16x32xf32, #tpu.memory_space<vmem_shared>>
        tpu.wait_dma2 semaphore(%run_scoped3A : memref<!tpu.dma_semaphore, #tpu.memory_space<semaphore_mem>>) src(%arg18 : memref<16x32xf32, #tpu.memory_space<vmem>>) dst(%dma_wait3A_756 : memref<16x32xf32, #tpu.memory_space<vmem_shared>>)
        tpu.yield
      }) : () -> ()
    }
    %scan3A_389 = arith.constant 40 : i32
    "tpu.region"() ({
      %run_scoped3A = tpu.sem_alloc : memref<!tpu.dma_semaphore, #tpu.memory_space<semaphore_mem>>
      %dma_start3A_745 = arith.constant 0 : i32
      %dma_start3A_746 = arith.constant 0 : i32
      %dma_start3A_747 = tpu.memref_slice %arg3[%add3A, %dma_start3A_745, %dma_start3A_746] : memref<32x80x128xi32, #tpu.memory_space<hbm>> -> memref<1x80x128xi32, #tpu.memory_space<hbm>>
      %dma_start3A_748 = tpu.memref_squeeze %dma_start3A_747 : memref<1x80x128xi32, #tpu.memory_space<hbm>> -> memref<80x128xi32, #tpu.memory_space<hbm>>
      %dma_start3A_749 = arith.constant 0 : i32
      %dma_start3A_750 = arith.constant 0 : i32
      %dma_start3A_751 = tpu.memref_slice %arg3[%add3A, %dma_start3A_749, %dma_start3A_750] : memref<32x80x128xi32, #tpu.memory_space<hbm>> -> memref<1x80x128xi32, #tpu.memory_space<hbm>>
      %dma_start3A_752 = tpu.memref_squeeze %dma_start3A_751 : memref<1x80x128xi32, #tpu.memory_space<hbm>> -> memref<80x128xi32, #tpu.memory_space<hbm>>
      tpu.enqueue_dma source(%dma_start3A_752 : memref<80x128xi32, #tpu.memory_space<hbm>>) target(%arg6 : memref<80x128xi32, #tpu.memory_space<vmem>>) target_semaphore(%run_scoped3A : memref<!tpu.dma_semaphore, #tpu.memory_space<semaphore_mem>>)
      %dma_wait3A_753 = arith.constant 0 : i32
      %dma_wait3A_754 = arith.constant 0 : i32
      %dma_wait3A_755 = tpu.memref_slice %arg3[%add3A, %dma_wait3A_753, %dma_wait3A_754] : memref<32x80x128xi32, #tpu.memory_space<hbm>> -> memref<1x80x128xi32, #tpu.memory_space<hbm>>
      %dma_wait3A_756 = tpu.memref_squeeze %dma_wait3A_755 : memref<1x80x128xi32, #tpu.memory_space<hbm>> -> memref<80x128xi32, #tpu.memory_space<hbm>>
      %dma_wait3A_757 = arith.constant 0 : i32
      %dma_wait3A_758 = arith.constant 0 : i32
      %dma_wait3A_759 = tpu.memref_slice %arg3[%add3A, %dma_wait3A_757, %dma_wait3A_758] : memref<32x80x128xi32, #tpu.memory_space<hbm>> -> memref<1x80x128xi32, #tpu.memory_space<hbm>>
      %dma_wait3A_760 = tpu.memref_squeeze %dma_wait3A_759 : memref<1x80x128xi32, #tpu.memory_space<hbm>> -> memref<80x128xi32, #tpu.memory_space<hbm>>
      tpu.wait_dma2 semaphore(%run_scoped3A : memref<!tpu.dma_semaphore, #tpu.memory_space<semaphore_mem>>) src(%dma_wait3A_760 : memref<80x128xi32, #tpu.memory_space<hbm>>) dst(%arg6 : memref<80x128xi32, #tpu.memory_space<vmem>>)
      tpu.yield
    }) : () -> ()
    "tpu.region"() ({
      %run_scoped3A = tpu.sem_alloc : memref<!tpu.dma_semaphore, #tpu.memory_space<semaphore_mem>>
      %dma_start3A_745 = arith.constant 0 : i32
      %dma_start3A_746 = arith.constant 0 : i32
      %dma_start3A_747 = tpu.memref_slice %arg4[%add3A, %dma_start3A_745, %dma_start3A_746] : memref<32x80x128xi32, #tpu.memory_space<hbm>> -> memref<1x80x128xi32, #tpu.memory_space<hbm>>
      %dma_start3A_748 = tpu.memref_squeeze %dma_start3A_747 : memref<1x80x128xi32, #tpu.memory_space<hbm>> -> memref<80x128xi32, #tpu.memory_space<hbm>>
      %dma_start3A_749 = arith.constant 0 : i32
      %dma_start3A_750 = arith.constant 0 : i32
      %dma_start3A_751 = tpu.memref_slice %arg4[%add3A, %dma_start3A_749, %dma_start3A_750] : memref<32x80x128xi32, #tpu.memory_space<hbm>> -> memref<1x80x128xi32, #tpu.memory_space<hbm>>
      %dma_start3A_752 = tpu.memref_squeeze %dma_start3A_751 : memref<1x80x128xi32, #tpu.memory_space<hbm>> -> memref<80x128xi32, #tpu.memory_space<hbm>>
      tpu.enqueue_dma source(%dma_start3A_752 : memref<80x128xi32, #tpu.memory_space<hbm>>) target(%arg7 : memref<80x128xi32, #tpu.memory_space<vmem>>) target_semaphore(%run_scoped3A : memref<!tpu.dma_semaphore, #tpu.memory_space<semaphore_mem>>)
      %dma_wait3A_753 = arith.constant 0 : i32
      %dma_wait3A_754 = arith.constant 0 : i32
      %dma_wait3A_755 = tpu.memref_slice %arg4[%add3A, %dma_wait3A_753, %dma_wait3A_754] : memref<32x80x128xi32, #tpu.memory_space<hbm>> -> memref<1x80x128xi32, #tpu.memory_space<hbm>>
      %dma_wait3A_756 = tpu.memref_squeeze %dma_wait3A_755 : memref<1x80x128xi32, #tpu.memory_space<hbm>> -> memref<80x128xi32, #tpu.memory_space<hbm>>
      %dma_wait3A_757 = arith.constant 0 : i32
      %dma_wait3A_758 = arith.constant 0 : i32
      %dma_wait3A_759 = tpu.memref_slice %arg4[%add3A, %dma_wait3A_757, %dma_wait3A_758] : memref<32x80x128xi32, #tpu.memory_space<hbm>> -> memref<1x80x128xi32, #tpu.memory_space<hbm>>
      %dma_wait3A_760 = tpu.memref_squeeze %dma_wait3A_759 : memref<1x80x128xi32, #tpu.memory_space<hbm>> -> memref<80x128xi32, #tpu.memory_space<hbm>>
      tpu.wait_dma2 semaphore(%run_scoped3A : memref<!tpu.dma_semaphore, #tpu.memory_space<semaphore_mem>>) src(%dma_wait3A_760 : memref<80x128xi32, #tpu.memory_space<hbm>>) dst(%arg7 : memref<80x128xi32, #tpu.memory_space<vmem>>)
      tpu.yield
    }) : () -> ()
    "tpu.region"() ({
      %run_scoped3A = tpu.sem_alloc : memref<!tpu.dma_semaphore, #tpu.memory_space<semaphore_mem>>
      %dma_start3A_745 = arith.constant 0 : i32
      %dma_start3A_746 = tpu.memref_slice %arg20[%mul3A_384, %dma_start3A_745] : memref<10240x32xf32, #tpu.memory_space<vmem_shared>> -> memref<640x32xf32, #tpu.memory_space<vmem_shared>>
      %dma_start3A_747 = arith.constant 0 : i32
      %dma_start3A_748 = tpu.memref_slice %arg2[%mul3A_384, %dma_start3A_747] : memref<10240x32xf32, #tpu.memory_space<hbm>> -> memref<640x32xf32, #tpu.memory_space<hbm>>
      tpu.enqueue_dma source(%dma_start3A_748 : memref<640x32xf32, #tpu.memory_space<hbm>>) target(%dma_start3A_746 : memref<640x32xf32, #tpu.memory_space<vmem_shared>>) target_semaphore(%run_scoped3A : memref<!tpu.dma_semaphore, #tpu.memory_space<semaphore_mem>>)
      %dma_wait3A_749 = arith.constant 0 : i32
      %dma_wait3A_750 = tpu.memref_slice %arg20[%mul3A_384, %dma_wait3A_749] : memref<10240x32xf32, #tpu.memory_space<vmem_shared>> -> memref<640x32xf32, #tpu.memory_space<vmem_shared>>
      %dma_wait3A_751 = arith.constant 0 : i32
      %dma_wait3A_752 = tpu.memref_slice %arg2[%mul3A_384, %dma_wait3A_751] : memref<10240x32xf32, #tpu.memory_space<hbm>> -> memref<640x32xf32, #tpu.memory_space<hbm>>
      tpu.wait_dma2 semaphore(%run_scoped3A : memref<!tpu.dma_semaphore, #tpu.memory_space<semaphore_mem>>) src(%dma_wait3A_752 : memref<640x32xf32, #tpu.memory_space<hbm>>) dst(%dma_wait3A_750 : memref<640x32xf32, #tpu.memory_space<vmem_shared>>)
      tpu.yield
    }) : () -> ()
    %barrier3A = arith.constant 0 : index
    tpu.barrier barrier_id(%barrier3A)
    %dma_start3A = arith.constant 0 : i32
    %dma_start3A_390 = arith.constant 0 : i32
    %dma_start3A_391 = tpu.memref_slice %arg6[%dma_start3A, %dma_start3A_390] : memref<80x128xi32, #tpu.memory_space<vmem>> -> memref<1x128xi32, #tpu.memory_space<vmem>>
    %dma_start3A_392 = tpu.memref_squeeze %dma_start3A_391 : memref<1x128xi32, #tpu.memory_space<vmem>> -> memref<128xi32, #tpu.memory_space<vmem>>
    %dma_start3A_393 = arith.constant 0 : i32
    %dma_start3A_394 = arith.constant 0 : i32
    %dma_start3A_395 = tpu.memref_slice %arg20[%dma_start3A_393, %dma_start3A_394] : memref<10240x32xf32, #tpu.memory_space<vmem_shared>> -> memref<10240x32xf32, #tpu.memory_space<vmem_shared>>
    tpu.enqueue_indirect_dma source(%dma_start3A_395 : memref<10240x32xf32, #tpu.memory_space<vmem_shared>>) target(%arg8 : memref<128x32xf32, #tpu.memory_space<vmem>>) offsets(%dma_start3A_392 : memref<128xi32, #tpu.memory_space<vmem>>) semaphore(%arg21 : memref<!tpu.dma_semaphore, #tpu.memory_space<semaphore_mem>>)
    %dma_start3A_396 = arith.constant 1 : i32
    %dma_start3A_397 = arith.constant 0 : i32
    %dma_start3A_398 = tpu.memref_slice %arg6[%dma_start3A_396, %dma_start3A_397] : memref<80x128xi32, #tpu.memory_space<vmem>> -> memref<1x128xi32, #tpu.memory_space<vmem>>
    %dma_start3A_399 = tpu.memref_squeeze %dma_start3A_398 : memref<1x128xi32, #tpu.memory_space<vmem>> -> memref<128xi32, #tpu.memory_space<vmem>>
    %dma_start3A_400 = arith.constant 0 : i32
    %dma_start3A_401 = arith.constant 0 : i32
    %dma_start3A_402 = tpu.memref_slice %arg20[%dma_start3A_400, %dma_start3A_401] : memref<10240x32xf32, #tpu.memory_space<vmem_shared>> -> memref<10240x32xf32, #tpu.memory_space<vmem_shared>>
    tpu.enqueue_indirect_dma source(%dma_start3A_402 : memref<10240x32xf32, #tpu.memory_space<vmem_shared>>) target(%arg9 : memref<128x32xf32, #tpu.memory_space<vmem>>) offsets(%dma_start3A_399 : memref<128xi32, #tpu.memory_space<vmem>>) semaphore(%arg22 : memref<!tpu.dma_semaphore, #tpu.memory_space<semaphore_mem>>)
    %dma_start3A_403 = arith.constant 2 : i32
    %dma_start3A_404 = arith.constant 0 : i32
    %dma_start3A_405 = tpu.memref_slice %arg6[%dma_start3A_403, %dma_start3A_404] : memref<80x128xi32, #tpu.memory_space<vmem>> -> memref<1x128xi32, #tpu.memory_space<vmem>>
    %dma_start3A_406 = tpu.memref_squeeze %dma_start3A_405 : memref<1x128xi32, #tpu.memory_space<vmem>> -> memref<128xi32, #tpu.memory_space<vmem>>
    %dma_start3A_407 = arith.constant 0 : i32
    %dma_start3A_408 = arith.constant 0 : i32
    %dma_start3A_409 = tpu.memref_slice %arg20[%dma_start3A_407, %dma_start3A_408] : memref<10240x32xf32, #tpu.memory_space<vmem_shared>> -> memref<10240x32xf32, #tpu.memory_space<vmem_shared>>
    tpu.enqueue_indirect_dma source(%dma_start3A_409 : memref<10240x32xf32, #tpu.memory_space<vmem_shared>>) target(%arg10 : memref<128x32xf32, #tpu.memory_space<vmem>>) offsets(%dma_start3A_406 : memref<128xi32, #tpu.memory_space<vmem>>) semaphore(%arg23 : memref<!tpu.dma_semaphore, #tpu.memory_space<semaphore_mem>>)
    %dma_start3A_410 = arith.constant 3 : i32
    %dma_start3A_411 = arith.constant 0 : i32
    %dma_start3A_412 = tpu.memref_slice %arg6[%dma_start3A_410, %dma_start3A_411] : memref<80x128xi32, #tpu.memory_space<vmem>> -> memref<1x128xi32, #tpu.memory_space<vmem>>
    %dma_start3A_413 = tpu.memref_squeeze %dma_start3A_412 : memref<1x128xi32, #tpu.memory_space<vmem>> -> memref<128xi32, #tpu.memory_space<vmem>>
    %dma_start3A_414 = arith.constant 0 : i32
    %dma_start3A_415 = arith.constant 0 : i32
    %dma_start3A_416 = tpu.memref_slice %arg20[%dma_start3A_414, %dma_start3A_415] : memref<10240x32xf32, #tpu.memory_space<vmem_shared>> -> memref<10240x32xf32, #tpu.memory_space<vmem_shared>>
    tpu.enqueue_indirect_dma source(%dma_start3A_416 : memref<10240x32xf32, #tpu.memory_space<vmem_shared>>) target(%arg11 : memref<128x32xf32, #tpu.memory_space<vmem>>) offsets(%dma_start3A_413 : memref<128xi32, #tpu.memory_space<vmem>>) semaphore(%arg24 : memref<!tpu.dma_semaphore, #tpu.memory_space<semaphore_mem>>)
    %dma_start3A_417 = arith.constant 4 : i32
    %dma_start3A_418 = arith.constant 0 : i32
    %dma_start3A_419 = tpu.memref_slice %arg6[%dma_start3A_417, %dma_start3A_418] : memref<80x128xi32, #tpu.memory_space<vmem>> -> memref<1x128xi32, #tpu.memory_space<vmem>>
    %dma_start3A_420 = tpu.memref_squeeze %dma_start3A_419 : memref<1x128xi32, #tpu.memory_space<vmem>> -> memref<128xi32, #tpu.memory_space<vmem>>
    %dma_start3A_421 = arith.constant 0 : i32
    %dma_start3A_422 = arith.constant 0 : i32
    %dma_start3A_423 = tpu.memref_slice %arg20[%dma_start3A_421, %dma_start3A_422] : memref<10240x32xf32, #tpu.memory_space<vmem_shared>> -> memref<10240x32xf32, #tpu.memory_space<vmem_shared>>
    tpu.enqueue_indirect_dma source(%dma_start3A_423 : memref<10240x32xf32, #tpu.memory_space<vmem_shared>>) target(%arg12 : memref<128x32xf32, #tpu.memory_space<vmem>>) offsets(%dma_start3A_420 : memref<128xi32, #tpu.memory_space<vmem>>) semaphore(%arg25 : memref<!tpu.dma_semaphore, #tpu.memory_space<semaphore_mem>>)
    %dma_start3A_424 = arith.constant 5 : i32
    %dma_start3A_425 = arith.constant 0 : i32
    %dma_start3A_426 = tpu.memref_slice %arg6[%dma_start3A_424, %dma_start3A_425] : memref<80x128xi32, #tpu.memory_space<vmem>> -> memref<1x128xi32, #tpu.memory_space<vmem>>
    %dma_start3A_427 = tpu.memref_squeeze %dma_start3A_426 : memref<1x128xi32, #tpu.memory_space<vmem>> -> memref<128xi32, #tpu.memory_space<vmem>>
    %dma_start3A_428 = arith.constant 0 : i32
    %dma_start3A_429 = arith.constant 0 : i32
    %dma_start3A_430 = tpu.memref_slice %arg20[%dma_start3A_428, %dma_start3A_429] : memref<10240x32xf32, #tpu.memory_space<vmem_shared>> -> memref<10240x32xf32, #tpu.memory_space<vmem_shared>>
    tpu.enqueue_indirect_dma source(%dma_start3A_430 : memref<10240x32xf32, #tpu.memory_space<vmem_shared>>) target(%arg13 : memref<128x32xf32, #tpu.memory_space<vmem>>) offsets(%dma_start3A_427 : memref<128xi32, #tpu.memory_space<vmem>>) semaphore(%arg26 : memref<!tpu.dma_semaphore, #tpu.memory_space<semaphore_mem>>)
    %dma_wait3A = arith.constant 0 : i32
    %dma_wait3A_431 = arith.constant 0 : i32
    %dma_wait3A_432 = tpu.memref_slice %arg6[%dma_wait3A, %dma_wait3A_431] : memref<80x128xi32, #tpu.memory_space<vmem>> -> memref<1x128xi32, #tpu.memory_space<vmem>>
    %dma_wait3A_433 = tpu.memref_squeeze %dma_wait3A_432 : memref<1x128xi32, #tpu.memory_space<vmem>> -> memref<128xi32, #tpu.memory_space<vmem>>
    %dma_wait3A_434 = arith.constant 0 : i32
    %dma_wait3A_435 = arith.constant 0 : i32
    %dma_wait3A_436 = tpu.memref_slice %arg20[%dma_wait3A_434, %dma_wait3A_435] : memref<10240x32xf32, #tpu.memory_space<vmem_shared>> -> memref<10240x32xf32, #tpu.memory_space<vmem_shared>>
    tpu.wait_indirect_dma semaphore(%arg21 : memref<!tpu.dma_semaphore, #tpu.memory_space<semaphore_mem>>) src(%dma_wait3A_436 : memref<10240x32xf32, #tpu.memory_space<vmem_shared>>) dst(%arg8 : memref<128x32xf32, #tpu.memory_space<vmem>>)
    %dma_start3A_437 = arith.constant 0 : i32
    %dma_start3A_438 = arith.constant 0 : i32
    %dma_start3A_439 = tpu.memref_slice %arg7[%dma_start3A_437, %dma_start3A_438] : memref<80x128xi32, #tpu.memory_space<vmem>> -> memref<1x128xi32, #tpu.memory_space<vmem>>
    %dma_start3A_440 = tpu.memref_squeeze %dma_start3A_439 : memref<1x128xi32, #tpu.memory_space<vmem>> -> memref<128xi32, #tpu.memory_space<vmem>>
    %dma_start3A_441 = arith.constant 0 : i32
    %dma_start3A_442 = arith.constant 0 : i32
    %dma_start3A_443 = tpu.memref_slice %arg19[%dma_start3A_441, %dma_start3A_442] : memref<10240x32xf32, #tpu.memory_space<vmem_shared>> -> memref<10240x32xf32, #tpu.memory_space<vmem_shared>>
    tpu.enqueue_indirect_dma source(%arg8 : memref<128x32xf32, #tpu.memory_space<vmem>>) target(%dma_start3A_443 : memref<10240x32xf32, #tpu.memory_space<vmem_shared>>) offsets(%dma_start3A_440 : memref<128xi32, #tpu.memory_space<vmem>>) semaphore(%arg31 : memref<!tpu.dma_semaphore, #tpu.memory_space<semaphore_mem>>) {add = true}
    %dma_start3A_444 = arith.constant 6 : i32
    %dma_start3A_445 = arith.constant 0 : i32
    %dma_start3A_446 = tpu.memref_slice %arg6[%dma_start3A_444, %dma_start3A_445] : memref<80x128xi32, #tpu.memory_space<vmem>> -> memref<1x128xi32, #tpu.memory_space<vmem>>
    %dma_start3A_447 = tpu.memref_squeeze %dma_start3A_446 : memref<1x128xi32, #tpu.memory_space<vmem>> -> memref<128xi32, #tpu.memory_space<vmem>>
    %dma_start3A_448 = arith.constant 0 : i32
    %dma_start3A_449 = arith.constant 0 : i32
    %dma_start3A_450 = tpu.memref_slice %arg20[%dma_start3A_448, %dma_start3A_449] : memref<10240x32xf32, #tpu.memory_space<vmem_shared>> -> memref<10240x32xf32, #tpu.memory_space<vmem_shared>>
    tpu.enqueue_indirect_dma source(%dma_start3A_450 : memref<10240x32xf32, #tpu.memory_space<vmem_shared>>) target(%arg14 : memref<128x32xf32, #tpu.memory_space<vmem>>) offsets(%dma_start3A_447 : memref<128xi32, #tpu.memory_space<vmem>>) semaphore(%arg27 : memref<!tpu.dma_semaphore, #tpu.memory_space<semaphore_mem>>)
    %dma_wait3A_451 = arith.constant 0 : i32
    %dma_wait3A_452 = arith.constant 0 : i32
    %dma_wait3A_453 = tpu.memref_slice %arg6[%dma_wait3A_451, %dma_wait3A_452] : memref<80x128xi32, #tpu.memory_space<vmem>> -> memref<1x128xi32, #tpu.memory_space<vmem>>
    %dma_wait3A_454 = tpu.memref_squeeze %dma_wait3A_453 : memref<1x128xi32, #tpu.memory_space<vmem>> -> memref<128xi32, #tpu.memory_space<vmem>>
    %dma_wait3A_455 = arith.constant 0 : i32
    %dma_wait3A_456 = arith.constant 0 : i32
    %dma_wait3A_457 = tpu.memref_slice %arg20[%dma_wait3A_455, %dma_wait3A_456] : memref<10240x32xf32, #tpu.memory_space<vmem_shared>> -> memref<10240x32xf32, #tpu.memory_space<vmem_shared>>
    tpu.wait_indirect_dma semaphore(%arg22 : memref<!tpu.dma_semaphore, #tpu.memory_space<semaphore_mem>>) src(%dma_wait3A_457 : memref<10240x32xf32, #tpu.memory_space<vmem_shared>>) dst(%arg9 : memref<128x32xf32, #tpu.memory_space<vmem>>)
    %dma_start3A_458 = arith.constant 1 : i32
    %dma_start3A_459 = arith.constant 0 : i32
    %dma_start3A_460 = tpu.memref_slice %arg7[%dma_start3A_458, %dma_start3A_459] : memref<80x128xi32, #tpu.memory_space<vmem>> -> memref<1x128xi32, #tpu.memory_space<vmem>>
    %dma_start3A_461 = tpu.memref_squeeze %dma_start3A_460 : memref<1x128xi32, #tpu.memory_space<vmem>> -> memref<128xi32, #tpu.memory_space<vmem>>
    %dma_start3A_462 = arith.constant 0 : i32
    %dma_start3A_463 = arith.constant 0 : i32
    %dma_start3A_464 = tpu.memref_slice %arg19[%dma_start3A_462, %dma_start3A_463] : memref<10240x32xf32, #tpu.memory_space<vmem_shared>> -> memref<10240x32xf32, #tpu.memory_space<vmem_shared>>
    tpu.enqueue_indirect_dma source(%arg9 : memref<128x32xf32, #tpu.memory_space<vmem>>) target(%dma_start3A_464 : memref<10240x32xf32, #tpu.memory_space<vmem_shared>>) offsets(%dma_start3A_461 : memref<128xi32, #tpu.memory_space<vmem>>) semaphore(%arg32 : memref<!tpu.dma_semaphore, #tpu.memory_space<semaphore_mem>>) {add = true}
    %dma_start3A_465 = arith.constant 7 : i32
    %dma_start3A_466 = arith.constant 0 : i32
    %dma_start3A_467 = tpu.memref_slice %arg6[%dma_start3A_465, %dma_start3A_466] : memref<80x128xi32, #tpu.memory_space<vmem>> -> memref<1x128xi32, #tpu.memory_space<vmem>>
    %dma_start3A_468 = tpu.memref_squeeze %dma_start3A_467 : memref<1x128xi32, #tpu.memory_space<vmem>> -> memref<128xi32, #tpu.memory_space<vmem>>
    %dma_start3A_469 = arith.constant 0 : i32
    %dma_start3A_470 = arith.constant 0 : i32
    %dma_start3A_471 = tpu.memref_slice %arg20[%dma_start3A_469, %dma_start3A_470] : memref<10240x32xf32, #tpu.memory_space<vmem_shared>> -> memref<10240x32xf32, #tpu.memory_space<vmem_shared>>
    tpu.enqueue_indirect_dma source(%dma_start3A_471 : memref<10240x32xf32, #tpu.memory_space<vmem_shared>>) target(%arg15 : memref<128x32xf32, #tpu.memory_space<vmem>>) offsets(%dma_start3A_468 : memref<128xi32, #tpu.memory_space<vmem>>) semaphore(%arg28 : memref<!tpu.dma_semaphore, #tpu.memory_space<semaphore_mem>>)
    %dma_wait3A_472 = arith.constant 0 : i32
    %dma_wait3A_473 = arith.constant 0 : i32
    %dma_wait3A_474 = tpu.memref_slice %arg6[%dma_wait3A_472, %dma_wait3A_473] : memref<80x128xi32, #tpu.memory_space<vmem>> -> memref<1x128xi32, #tpu.memory_space<vmem>>
    %dma_wait3A_475 = tpu.memref_squeeze %dma_wait3A_474 : memref<1x128xi32, #tpu.memory_space<vmem>> -> memref<128xi32, #tpu.memory_space<vmem>>
    %dma_wait3A_476 = arith.constant 0 : i32
    %dma_wait3A_477 = arith.constant 0 : i32
    %dma_wait3A_478 = tpu.memref_slice %arg20[%dma_wait3A_476, %dma_wait3A_477] : memref<10240x32xf32, #tpu.memory_space<vmem_shared>> -> memref<10240x32xf32, #tpu.memory_space<vmem_shared>>
    tpu.wait_indirect_dma semaphore(%arg23 : memref<!tpu.dma_semaphore, #tpu.memory_space<semaphore_mem>>) src(%dma_wait3A_478 : memref<10240x32xf32, #tpu.memory_space<vmem_shared>>) dst(%arg10 : memref<128x32xf32, #tpu.memory_space<vmem>>)
    %dma_start3A_479 = arith.constant 2 : i32
    %dma_start3A_480 = arith.constant 0 : i32
    %dma_start3A_481 = tpu.memref_slice %arg7[%dma_start3A_479, %dma_start3A_480] : memref<80x128xi32, #tpu.memory_space<vmem>> -> memref<1x128xi32, #tpu.memory_space<vmem>>
    %dma_start3A_482 = tpu.memref_squeeze %dma_start3A_481 : memref<1x128xi32, #tpu.memory_space<vmem>> -> memref<128xi32, #tpu.memory_space<vmem>>
    %dma_start3A_483 = arith.constant 0 : i32
    %dma_start3A_484 = arith.constant 0 : i32
    %dma_start3A_485 = tpu.memref_slice %arg19[%dma_start3A_483, %dma_start3A_484] : memref<10240x32xf32, #tpu.memory_space<vmem_shared>> -> memref<10240x32xf32, #tpu.memory_space<vmem_shared>>
    tpu.enqueue_indirect_dma source(%arg10 : memref<128x32xf32, #tpu.memory_space<vmem>>) target(%dma_start3A_485 : memref<10240x32xf32, #tpu.memory_space<vmem_shared>>) offsets(%dma_start3A_482 : memref<128xi32, #tpu.memory_space<vmem>>) semaphore(%arg33 : memref<!tpu.dma_semaphore, #tpu.memory_space<semaphore_mem>>) {add = true}
    %dma_start3A_486 = arith.constant 8 : i32
    %dma_start3A_487 = arith.constant 0 : i32
    %dma_start3A_488 = tpu.memref_slice %arg6[%dma_start3A_486, %dma_start3A_487] : memref<80x128xi32, #tpu.memory_space<vmem>> -> memref<1x128xi32, #tpu.memory_space<vmem>>
    %dma_start3A_489 = tpu.memref_squeeze %dma_start3A_488 : memref<1x128xi32, #tpu.memory_space<vmem>> -> memref<128xi32, #tpu.memory_space<vmem>>
    %dma_start3A_490 = arith.constant 0 : i32
    %dma_start3A_491 = arith.constant 0 : i32
    %dma_start3A_492 = tpu.memref_slice %arg20[%dma_start3A_490, %dma_start3A_491] : memref<10240x32xf32, #tpu.memory_space<vmem_shared>> -> memref<10240x32xf32, #tpu.memory_space<vmem_shared>>
    tpu.enqueue_indirect_dma source(%dma_start3A_492 : memref<10240x32xf32, #tpu.memory_space<vmem_shared>>) target(%arg16 : memref<128x32xf32, #tpu.memory_space<vmem>>) offsets(%dma_start3A_489 : memref<128xi32, #tpu.memory_space<vmem>>) semaphore(%arg29 : memref<!tpu.dma_semaphore, #tpu.memory_space<semaphore_mem>>)
    %dma_wait3A_493 = arith.constant 0 : i32
    %dma_wait3A_494 = arith.constant 0 : i32
    %dma_wait3A_495 = tpu.memref_slice %arg6[%dma_wait3A_493, %dma_wait3A_494] : memref<80x128xi32, #tpu.memory_space<vmem>> -> memref<1x128xi32, #tpu.memory_space<vmem>>
    %dma_wait3A_496 = tpu.memref_squeeze %dma_wait3A_495 : memref<1x128xi32, #tpu.memory_space<vmem>> -> memref<128xi32, #tpu.memory_space<vmem>>
    %dma_wait3A_497 = arith.constant 0 : i32
    %dma_wait3A_498 = arith.constant 0 : i32
    %dma_wait3A_499 = tpu.memref_slice %arg20[%dma_wait3A_497, %dma_wait3A_498] : memref<10240x32xf32, #tpu.memory_space<vmem_shared>> -> memref<10240x32xf32, #tpu.memory_space<vmem_shared>>
    tpu.wait_indirect_dma semaphore(%arg24 : memref<!tpu.dma_semaphore, #tpu.memory_space<semaphore_mem>>) src(%dma_wait3A_499 : memref<10240x32xf32, #tpu.memory_space<vmem_shared>>) dst(%arg11 : memref<128x32xf32, #tpu.memory_space<vmem>>)
    %dma_start3A_500 = arith.constant 3 : i32
    %dma_start3A_501 = arith.constant 0 : i32
    %dma_start3A_502 = tpu.memref_slice %arg7[%dma_start3A_500, %dma_start3A_501] : memref<80x128xi32, #tpu.memory_space<vmem>> -> memref<1x128xi32, #tpu.memory_space<vmem>>
    %dma_start3A_503 = tpu.memref_squeeze %dma_start3A_502 : memref<1x128xi32, #tpu.memory_space<vmem>> -> memref<128xi32, #tpu.memory_space<vmem>>
    %dma_start3A_504 = arith.constant 0 : i32
    %dma_start3A_505 = arith.constant 0 : i32
    %dma_start3A_506 = tpu.memref_slice %arg19[%dma_start3A_504, %dma_start3A_505] : memref<10240x32xf32, #tpu.memory_space<vmem_shared>> -> memref<10240x32xf32, #tpu.memory_space<vmem_shared>>
    tpu.enqueue_indirect_dma source(%arg11 : memref<128x32xf32, #tpu.memory_space<vmem>>) target(%dma_start3A_506 : memref<10240x32xf32, #tpu.memory_space<vmem_shared>>) offsets(%dma_start3A_503 : memref<128xi32, #tpu.memory_space<vmem>>) semaphore(%arg34 : memref<!tpu.dma_semaphore, #tpu.memory_space<semaphore_mem>>) {add = true}
    %dma_start3A_507 = arith.constant 9 : i32
    %dma_start3A_508 = arith.constant 0 : i32
    %dma_start3A_509 = tpu.memref_slice %arg6[%dma_start3A_507, %dma_start3A_508] : memref<80x128xi32, #tpu.memory_space<vmem>> -> memref<1x128xi32, #tpu.memory_space<vmem>>
    %dma_start3A_510 = tpu.memref_squeeze %dma_start3A_509 : memref<1x128xi32, #tpu.memory_space<vmem>> -> memref<128xi32, #tpu.memory_space<vmem>>
    %dma_start3A_511 = arith.constant 0 : i32
    %dma_start3A_512 = arith.constant 0 : i32
    %dma_start3A_513 = tpu.memref_slice %arg20[%dma_start3A_511, %dma_start3A_512] : memref<10240x32xf32, #tpu.memory_space<vmem_shared>> -> memref<10240x32xf32, #tpu.memory_space<vmem_shared>>
    tpu.enqueue_indirect_dma source(%dma_start3A_513 : memref<10240x32xf32, #tpu.memory_space<vmem_shared>>) target(%arg17 : memref<128x32xf32, #tpu.memory_space<vmem>>) offsets(%dma_start3A_510 : memref<128xi32, #tpu.memory_space<vmem>>) semaphore(%arg30 : memref<!tpu.dma_semaphore, #tpu.memory_space<semaphore_mem>>)
    %dma_wait3A_514 = arith.constant 0 : i32
    %dma_wait3A_515 = arith.constant 0 : i32
    %dma_wait3A_516 = tpu.memref_slice %arg6[%dma_wait3A_514, %dma_wait3A_515] : memref<80x128xi32, #tpu.memory_space<vmem>> -> memref<1x128xi32, #tpu.memory_space<vmem>>
    %dma_wait3A_517 = tpu.memref_squeeze %dma_wait3A_516 : memref<1x128xi32, #tpu.memory_space<vmem>> -> memref<128xi32, #tpu.memory_space<vmem>>
    %dma_wait3A_518 = arith.constant 0 : i32
    %dma_wait3A_519 = arith.constant 0 : i32
    %dma_wait3A_520 = tpu.memref_slice %arg20[%dma_wait3A_518, %dma_wait3A_519] : memref<10240x32xf32, #tpu.memory_space<vmem_shared>> -> memref<10240x32xf32, #tpu.memory_space<vmem_shared>>
    tpu.wait_indirect_dma semaphore(%arg25 : memref<!tpu.dma_semaphore, #tpu.memory_space<semaphore_mem>>) src(%dma_wait3A_520 : memref<10240x32xf32, #tpu.memory_space<vmem_shared>>) dst(%arg12 : memref<128x32xf32, #tpu.memory_space<vmem>>)
    %dma_start3A_521 = arith.constant 4 : i32
    %dma_start3A_522 = arith.constant 0 : i32
    %dma_start3A_523 = tpu.memref_slice %arg7[%dma_start3A_521, %dma_start3A_522] : memref<80x128xi32, #tpu.memory_space<vmem>> -> memref<1x128xi32, #tpu.memory_space<vmem>>
    %dma_start3A_524 = tpu.memref_squeeze %dma_start3A_523 : memref<1x128xi32, #tpu.memory_space<vmem>> -> memref<128xi32, #tpu.memory_space<vmem>>
    %dma_start3A_525 = arith.constant 0 : i32
    %dma_start3A_526 = arith.constant 0 : i32
    %dma_start3A_527 = tpu.memref_slice %arg19[%dma_start3A_525, %dma_start3A_526] : memref<10240x32xf32, #tpu.memory_space<vmem_shared>> -> memref<10240x32xf32, #tpu.memory_space<vmem_shared>>
    tpu.enqueue_indirect_dma source(%arg12 : memref<128x32xf32, #tpu.memory_space<vmem>>) target(%dma_start3A_527 : memref<10240x32xf32, #tpu.memory_space<vmem_shared>>) offsets(%dma_start3A_524 : memref<128xi32, #tpu.memory_space<vmem>>) semaphore(%arg35 : memref<!tpu.dma_semaphore, #tpu.memory_space<semaphore_mem>>) {add = true}
    %dma_wait3A_528 = arith.constant 0 : i32
    %dma_wait3A_529 = arith.constant 0 : i32
    %dma_wait3A_530 = tpu.memref_slice %arg7[%dma_wait3A_528, %dma_wait3A_529] : memref<80x128xi32, #tpu.memory_space<vmem>> -> memref<1x128xi32, #tpu.memory_space<vmem>>
    %dma_wait3A_531 = tpu.memref_squeeze %dma_wait3A_530 : memref<1x128xi32, #tpu.memory_space<vmem>> -> memref<128xi32, #tpu.memory_space<vmem>>
    %dma_wait3A_532 = arith.constant 0 : i32
    %dma_wait3A_533 = arith.constant 0 : i32
    %dma_wait3A_534 = tpu.memref_slice %arg19[%dma_wait3A_532, %dma_wait3A_533] : memref<10240x32xf32, #tpu.memory_space<vmem_shared>> -> memref<10240x32xf32, #tpu.memory_space<vmem_shared>>
    tpu.wait_indirect_dma semaphore(%arg31 : memref<!tpu.dma_semaphore, #tpu.memory_space<semaphore_mem>>) src(%arg8 : memref<128x32xf32, #tpu.memory_space<vmem>>) dst(%dma_wait3A_534 : memref<10240x32xf32, #tpu.memory_space<vmem_shared>>)
    %dma_start3A_535 = arith.constant 10 : i32
    %dma_start3A_536 = arith.constant 0 : i32
    %dma_start3A_537 = tpu.memref_slice %arg6[%dma_start3A_535, %dma_start3A_536] : memref<80x128xi32, #tpu.memory_space<vmem>> -> memref<1x128xi32, #tpu.memory_space<vmem>>
    %dma_start3A_538 = tpu.memref_squeeze %dma_start3A_537 : memref<1x128xi32, #tpu.memory_space<vmem>> -> memref<128xi32, #tpu.memory_space<vmem>>
    %dma_start3A_539 = arith.constant 0 : i32
    %dma_start3A_540 = arith.constant 0 : i32
    %dma_start3A_541 = tpu.memref_slice %arg20[%dma_start3A_539, %dma_start3A_540] : memref<10240x32xf32, #tpu.memory_space<vmem_shared>> -> memref<10240x32xf32, #tpu.memory_space<vmem_shared>>
    tpu.enqueue_indirect_dma source(%dma_start3A_541 : memref<10240x32xf32, #tpu.memory_space<vmem_shared>>) target(%arg8 : memref<128x32xf32, #tpu.memory_space<vmem>>) offsets(%dma_start3A_538 : memref<128xi32, #tpu.memory_space<vmem>>) semaphore(%arg21 : memref<!tpu.dma_semaphore, #tpu.memory_space<semaphore_mem>>)
    %dma_wait3A_542 = arith.constant 0 : i32
    %dma_wait3A_543 = arith.constant 0 : i32
    %dma_wait3A_544 = tpu.memref_slice %arg6[%dma_wait3A_542, %dma_wait3A_543] : memref<80x128xi32, #tpu.memory_space<vmem>> -> memref<1x128xi32, #tpu.memory_space<vmem>>
    %dma_wait3A_545 = tpu.memref_squeeze %dma_wait3A_544 : memref<1x128xi32, #tpu.memory_space<vmem>> -> memref<128xi32, #tpu.memory_space<vmem>>
    %dma_wait3A_546 = arith.constant 0 : i32
    %dma_wait3A_547 = arith.constant 0 : i32
    %dma_wait3A_548 = tpu.memref_slice %arg20[%dma_wait3A_546, %dma_wait3A_547] : memref<10240x32xf32, #tpu.memory_space<vmem_shared>> -> memref<10240x32xf32, #tpu.memory_space<vmem_shared>>
    tpu.wait_indirect_dma semaphore(%arg26 : memref<!tpu.dma_semaphore, #tpu.memory_space<semaphore_mem>>) src(%dma_wait3A_548 : memref<10240x32xf32, #tpu.memory_space<vmem_shared>>) dst(%arg13 : memref<128x32xf32, #tpu.memory_space<vmem>>)
    %dma_start3A_549 = arith.constant 5 : i32
    %dma_start3A_550 = arith.constant 0 : i32
    %dma_start3A_551 = tpu.memref_slice %arg7[%dma_start3A_549, %dma_start3A_550] : memref<80x128xi32, #tpu.memory_space<vmem>> -> memref<1x128xi32, #tpu.memory_space<vmem>>
    %dma_start3A_552 = tpu.memref_squeeze %dma_start3A_551 : memref<1x128xi32, #tpu.memory_space<vmem>> -> memref<128xi32, #tpu.memory_space<vmem>>
    %dma_start3A_553 = arith.constant 0 : i32
    %dma_start3A_554 = arith.constant 0 : i32
    %dma_start3A_555 = tpu.memref_slice %arg19[%dma_start3A_553, %dma_start3A_554] : memref<10240x32xf32, #tpu.memory_space<vmem_shared>> -> memref<10240x32xf32, #tpu.memory_space<vmem_shared>>
    tpu.enqueue_indirect_dma source(%arg13 : memref<128x32xf32, #tpu.memory_space<vmem>>) target(%dma_start3A_555 : memref<10240x32xf32, #tpu.memory_space<vmem_shared>>) offsets(%dma_start3A_552 : memref<128xi32, #tpu.memory_space<vmem>>) semaphore(%arg36 : memref<!tpu.dma_semaphore, #tpu.memory_space<semaphore_mem>>) {add = true}
    %dma_wait3A_556 = arith.constant 0 : i32
    %dma_wait3A_557 = arith.constant 0 : i32
    %dma_wait3A_558 = tpu.memref_slice %arg7[%dma_wait3A_556, %dma_wait3A_557] : memref<80x128xi32, #tpu.memory_space<vmem>> -> memref<1x128xi32, #tpu.memory_space<vmem>>
    %dma_wait3A_559 = tpu.memref_squeeze %dma_wait3A_558 : memref<1x128xi32, #tpu.memory_space<vmem>> -> memref<128xi32, #tpu.memory_space<vmem>>
    %dma_wait3A_560 = arith.constant 0 : i32
    %dma_wait3A_561 = arith.constant 0 : i32
    %dma_wait3A_562 = tpu.memref_slice %arg19[%dma_wait3A_560, %dma_wait3A_561] : memref<10240x32xf32, #tpu.memory_space<vmem_shared>> -> memref<10240x32xf32, #tpu.memory_space<vmem_shared>>
    tpu.wait_indirect_dma semaphore(%arg32 : memref<!tpu.dma_semaphore, #tpu.memory_space<semaphore_mem>>) src(%arg9 : memref<128x32xf32, #tpu.memory_space<vmem>>) dst(%dma_wait3A_562 : memref<10240x32xf32, #tpu.memory_space<vmem_shared>>)
    %dma_start3A_563 = arith.constant 11 : i32
    %dma_start3A_564 = arith.constant 0 : i32
    %dma_start3A_565 = tpu.memref_slice %arg6[%dma_start3A_563, %dma_start3A_564] : memref<80x128xi32, #tpu.memory_space<vmem>> -> memref<1x128xi32, #tpu.memory_space<vmem>>
    %dma_start3A_566 = tpu.memref_squeeze %dma_start3A_565 : memref<1x128xi32, #tpu.memory_space<vmem>> -> memref<128xi32, #tpu.memory_space<vmem>>
    %dma_start3A_567 = arith.constant 0 : i32
    %dma_start3A_568 = arith.constant 0 : i32
    %dma_start3A_569 = tpu.memref_slice %arg20[%dma_start3A_567, %dma_start3A_568] : memref<10240x32xf32, #tpu.memory_space<vmem_shared>> -> memref<10240x32xf32, #tpu.memory_space<vmem_shared>>
    tpu.enqueue_indirect_dma source(%dma_start3A_569 : memref<10240x32xf32, #tpu.memory_space<vmem_shared>>) target(%arg9 : memref<128x32xf32, #tpu.memory_space<vmem>>) offsets(%dma_start3A_566 : memref<128xi32, #tpu.memory_space<vmem>>) semaphore(%arg22 : memref<!tpu.dma_semaphore, #tpu.memory_space<semaphore_mem>>)
    %dma_wait3A_570 = arith.constant 0 : i32
    %dma_wait3A_571 = arith.constant 0 : i32
    %dma_wait3A_572 = tpu.memref_slice %arg6[%dma_wait3A_570, %dma_wait3A_571] : memref<80x128xi32, #tpu.memory_space<vmem>> -> memref<1x128xi32, #tpu.memory_space<vmem>>
    %dma_wait3A_573 = tpu.memref_squeeze %dma_wait3A_572 : memref<1x128xi32, #tpu.memory_space<vmem>> -> memref<128xi32, #tpu.memory_space<vmem>>
    %dma_wait3A_574 = arith.constant 0 : i32
    %dma_wait3A_575 = arith.constant 0 : i32
    %dma_wait3A_576 = tpu.memref_slice %arg20[%dma_wait3A_574, %dma_wait3A_575] : memref<10240x32xf32, #tpu.memory_space<vmem_shared>> -> memref<10240x32xf32, #tpu.memory_space<vmem_shared>>
    tpu.wait_indirect_dma semaphore(%arg27 : memref<!tpu.dma_semaphore, #tpu.memory_space<semaphore_mem>>) src(%dma_wait3A_576 : memref<10240x32xf32, #tpu.memory_space<vmem_shared>>) dst(%arg14 : memref<128x32xf32, #tpu.memory_space<vmem>>)
    %dma_start3A_577 = arith.constant 6 : i32
    %dma_start3A_578 = arith.constant 0 : i32
    %dma_start3A_579 = tpu.memref_slice %arg7[%dma_start3A_577, %dma_start3A_578] : memref<80x128xi32, #tpu.memory_space<vmem>> -> memref<1x128xi32, #tpu.memory_space<vmem>>
    %dma_start3A_580 = tpu.memref_squeeze %dma_start3A_579 : memref<1x128xi32, #tpu.memory_space<vmem>> -> memref<128xi32, #tpu.memory_space<vmem>>
    %dma_start3A_581 = arith.constant 0 : i32
    %dma_start3A_582 = arith.constant 0 : i32
    %dma_start3A_583 = tpu.memref_slice %arg19[%dma_start3A_581, %dma_start3A_582] : memref<10240x32xf32, #tpu.memory_space<vmem_shared>> -> memref<10240x32xf32, #tpu.memory_space<vmem_shared>>
    tpu.enqueue_indirect_dma source(%arg14 : memref<128x32xf32, #tpu.memory_space<vmem>>) target(%dma_start3A_583 : memref<10240x32xf32, #tpu.memory_space<vmem_shared>>) offsets(%dma_start3A_580 : memref<128xi32, #tpu.memory_space<vmem>>) semaphore(%arg37 : memref<!tpu.dma_semaphore, #tpu.memory_space<semaphore_mem>>) {add = true}
    %dma_wait3A_584 = arith.constant 0 : i32
    %dma_wait3A_585 = arith.constant 0 : i32
    %dma_wait3A_586 = tpu.memref_slice %arg7[%dma_wait3A_584, %dma_wait3A_585] : memref<80x128xi32, #tpu.memory_space<vmem>> -> memref<1x128xi32, #tpu.memory_space<vmem>>
    %dma_wait3A_587 = tpu.memref_squeeze %dma_wait3A_586 : memref<1x128xi32, #tpu.memory_space<vmem>> -> memref<128xi32, #tpu.memory_space<vmem>>
    %dma_wait3A_588 = arith.constant 0 : i32
    %dma_wait3A_589 = arith.constant 0 : i32
    %dma_wait3A_590 = tpu.memref_slice %arg19[%dma_wait3A_588, %dma_wait3A_589] : memref<10240x32xf32, #tpu.memory_space<vmem_shared>> -> memref<10240x32xf32, #tpu.memory_space<vmem_shared>>
    tpu.wait_indirect_dma semaphore(%arg33 : memref<!tpu.dma_semaphore, #tpu.memory_space<semaphore_mem>>) src(%arg10 : memref<128x32xf32, #tpu.memory_space<vmem>>) dst(%dma_wait3A_590 : memref<10240x32xf32, #tpu.memory_space<vmem_shared>>)
    %dma_start3A_591 = arith.constant 12 : i32
    %dma_start3A_592 = arith.constant 0 : i32
    %dma_start3A_593 = tpu.memref_slice %arg6[%dma_start3A_591, %dma_start3A_592] : memref<80x128xi32, #tpu.memory_space<vmem>> -> memref<1x128xi32, #tpu.memory_space<vmem>>
    %dma_start3A_594 = tpu.memref_squeeze %dma_start3A_593 : memref<1x128xi32, #tpu.memory_space<vmem>> -> memref<128xi32, #tpu.memory_space<vmem>>
    %dma_start3A_595 = arith.constant 0 : i32
    %dma_start3A_596 = arith.constant 0 : i32
    %dma_start3A_597 = tpu.memref_slice %arg20[%dma_start3A_595, %dma_start3A_596] : memref<10240x32xf32, #tpu.memory_space<vmem_shared>> -> memref<10240x32xf32, #tpu.memory_space<vmem_shared>>
    tpu.enqueue_indirect_dma source(%dma_start3A_597 : memref<10240x32xf32, #tpu.memory_space<vmem_shared>>) target(%arg10 : memref<128x32xf32, #tpu.memory_space<vmem>>) offsets(%dma_start3A_594 : memref<128xi32, #tpu.memory_space<vmem>>) semaphore(%arg23 : memref<!tpu.dma_semaphore, #tpu.memory_space<semaphore_mem>>)
    %dma_wait3A_598 = arith.constant 0 : i32
    %dma_wait3A_599 = arith.constant 0 : i32
    %dma_wait3A_600 = tpu.memref_slice %arg6[%dma_wait3A_598, %dma_wait3A_599] : memref<80x128xi32, #tpu.memory_space<vmem>> -> memref<1x128xi32, #tpu.memory_space<vmem>>
    %dma_wait3A_601 = tpu.memref_squeeze %dma_wait3A_600 : memref<1x128xi32, #tpu.memory_space<vmem>> -> memref<128xi32, #tpu.memory_space<vmem>>
    %dma_wait3A_602 = arith.constant 0 : i32
    %dma_wait3A_603 = arith.constant 0 : i32
    %dma_wait3A_604 = tpu.memref_slice %arg20[%dma_wait3A_602, %dma_wait3A_603] : memref<10240x32xf32, #tpu.memory_space<vmem_shared>> -> memref<10240x32xf32, #tpu.memory_space<vmem_shared>>
    tpu.wait_indirect_dma semaphore(%arg28 : memref<!tpu.dma_semaphore, #tpu.memory_space<semaphore_mem>>) src(%dma_wait3A_604 : memref<10240x32xf32, #tpu.memory_space<vmem_shared>>) dst(%arg15 : memref<128x32xf32, #tpu.memory_space<vmem>>)
    %dma_start3A_605 = arith.constant 7 : i32
    %dma_start3A_606 = arith.constant 0 : i32
    %dma_start3A_607 = tpu.memref_slice %arg7[%dma_start3A_605, %dma_start3A_606] : memref<80x128xi32, #tpu.memory_space<vmem>> -> memref<1x128xi32, #tpu.memory_space<vmem>>
    %dma_start3A_608 = tpu.memref_squeeze %dma_start3A_607 : memref<1x128xi32, #tpu.memory_space<vmem>> -> memref<128xi32, #tpu.memory_space<vmem>>
    %dma_start3A_609 = arith.constant 0 : i32
    %dma_start3A_610 = arith.constant 0 : i32
    %dma_start3A_611 = tpu.memref_slice %arg19[%dma_start3A_609, %dma_start3A_610] : memref<10240x32xf32, #tpu.memory_space<vmem_shared>> -> memref<10240x32xf32, #tpu.memory_space<vmem_shared>>
    tpu.enqueue_indirect_dma source(%arg15 : memref<128x32xf32, #tpu.memory_space<vmem>>) target(%dma_start3A_611 : memref<10240x32xf32, #tpu.memory_space<vmem_shared>>) offsets(%dma_start3A_608 : memref<128xi32, #tpu.memory_space<vmem>>) semaphore(%arg38 : memref<!tpu.dma_semaphore, #tpu.memory_space<semaphore_mem>>) {add = true}
    %dma_wait3A_612 = arith.constant 0 : i32
    %dma_wait3A_613 = arith.constant 0 : i32
    %dma_wait3A_614 = tpu.memref_slice %arg7[%dma_wait3A_612, %dma_wait3A_613] : memref<80x128xi32, #tpu.memory_space<vmem>> -> memref<1x128xi32, #tpu.memory_space<vmem>>
    %dma_wait3A_615 = tpu.memref_squeeze %dma_wait3A_614 : memref<1x128xi32, #tpu.memory_space<vmem>> -> memref<128xi32, #tpu.memory_space<vmem>>
    %dma_wait3A_616 = arith.constant 0 : i32
    %dma_wait3A_617 = arith.constant 0 : i32
    %dma_wait3A_618 = tpu.memref_slice %arg19[%dma_wait3A_616, %dma_wait3A_617] : memref<10240x32xf32, #tpu.memory_space<vmem_shared>> -> memref<10240x32xf32, #tpu.memory_space<vmem_shared>>
    tpu.wait_indirect_dma semaphore(%arg34 : memref<!tpu.dma_semaphore, #tpu.memory_space<semaphore_mem>>) src(%arg11 : memref<128x32xf32, #tpu.memory_space<vmem>>) dst(%dma_wait3A_618 : memref<10240x32xf32, #tpu.memory_space<vmem_shared>>)
    %dma_start3A_619 = arith.constant 13 : i32
    %dma_start3A_620 = arith.constant 0 : i32
    %dma_start3A_621 = tpu.memref_slice %arg6[%dma_start3A_619, %dma_start3A_620] : memref<80x128xi32, #tpu.memory_space<vmem>> -> memref<1x128xi32, #tpu.memory_space<vmem>>
    %dma_start3A_622 = tpu.memref_squeeze %dma_start3A_621 : memref<1x128xi32, #tpu.memory_space<vmem>> -> memref<128xi32, #tpu.memory_space<vmem>>
    %dma_start3A_623 = arith.constant 0 : i32
    %dma_start3A_624 = arith.constant 0 : i32
    %dma_start3A_625 = tpu.memref_slice %arg20[%dma_start3A_623, %dma_start3A_624] : memref<10240x32xf32, #tpu.memory_space<vmem_shared>> -> memref<10240x32xf32, #tpu.memory_space<vmem_shared>>
    tpu.enqueue_indirect_dma source(%dma_start3A_625 : memref<10240x32xf32, #tpu.memory_space<vmem_shared>>) target(%arg11 : memref<128x32xf32, #tpu.memory_space<vmem>>) offsets(%dma_start3A_622 : memref<128xi32, #tpu.memory_space<vmem>>) semaphore(%arg24 : memref<!tpu.dma_semaphore, #tpu.memory_space<semaphore_mem>>)
    %dma_wait3A_626 = arith.constant 0 : i32
    %dma_wait3A_627 = arith.constant 0 : i32
    %dma_wait3A_628 = tpu.memref_slice %arg6[%dma_wait3A_626, %dma_wait3A_627] : memref<80x128xi32, #tpu.memory_space<vmem>> -> memref<1x128xi32, #tpu.memory_space<vmem>>
    %dma_wait3A_629 = tpu.memref_squeeze %dma_wait3A_628 : memref<1x128xi32, #tpu.memory_space<vmem>> -> memref<128xi32, #tpu.memory_space<vmem>>
    %dma_wait3A_630 = arith.constant 0 : i32
    %dma_wait3A_631 = arith.constant 0 : i32
    %dma_wait3A_632 = tpu.memref_slice %arg20[%dma_wait3A_630, %dma_wait3A_631] : memref<10240x32xf32, #tpu.memory_space<vmem_shared>> -> memref<10240x32xf32, #tpu.memory_space<vmem_shared>>
    tpu.wait_indirect_dma semaphore(%arg29 : memref<!tpu.dma_semaphore, #tpu.memory_space<semaphore_mem>>) src(%dma_wait3A_632 : memref<10240x32xf32, #tpu.memory_space<vmem_shared>>) dst(%arg16 : memref<128x32xf32, #tpu.memory_space<vmem>>)
    %dma_start3A_633 = arith.constant 8 : i32
    %dma_start3A_634 = arith.constant 0 : i32
    %dma_start3A_635 = tpu.memref_slice %arg7[%dma_start3A_633, %dma_start3A_634] : memref<80x128xi32, #tpu.memory_space<vmem>> -> memref<1x128xi32, #tpu.memory_space<vmem>>
    %dma_start3A_636 = tpu.memref_squeeze %dma_start3A_635 : memref<1x128xi32, #tpu.memory_space<vmem>> -> memref<128xi32, #tpu.memory_space<vmem>>
    %dma_start3A_637 = arith.constant 0 : i32
    %dma_start3A_638 = arith.constant 0 : i32
    %dma_start3A_639 = tpu.memref_slice %arg19[%dma_start3A_637, %dma_start3A_638] : memref<10240x32xf32, #tpu.memory_space<vmem_shared>> -> memref<10240x32xf32, #tpu.memory_space<vmem_shared>>
    tpu.enqueue_indirect_dma source(%arg16 : memref<128x32xf32, #tpu.memory_space<vmem>>) target(%dma_start3A_639 : memref<10240x32xf32, #tpu.memory_space<vmem_shared>>) offsets(%dma_start3A_636 : memref<128xi32, #tpu.memory_space<vmem>>) semaphore(%arg39 : memref<!tpu.dma_semaphore, #tpu.memory_space<semaphore_mem>>) {add = true}
    %dma_wait3A_640 = arith.constant 0 : i32
    %dma_wait3A_641 = arith.constant 0 : i32
    %dma_wait3A_642 = tpu.memref_slice %arg7[%dma_wait3A_640, %dma_wait3A_641] : memref<80x128xi32, #tpu.memory_space<vmem>> -> memref<1x128xi32, #tpu.memory_space<vmem>>
    %dma_wait3A_643 = tpu.memref_squeeze %dma_wait3A_642 : memref<1x128xi32, #tpu.memory_space<vmem>> -> memref<128xi32, #tpu.memory_space<vmem>>
    %dma_wait3A_644 = arith.constant 0 : i32
    %dma_wait3A_645 = arith.constant 0 : i32
    %dma_wait3A_646 = tpu.memref_slice %arg19[%dma_wait3A_644, %dma_wait3A_645] : memref<10240x32xf32, #tpu.memory_space<vmem_shared>> -> memref<10240x32xf32, #tpu.memory_space<vmem_shared>>
    tpu.wait_indirect_dma semaphore(%arg35 : memref<!tpu.dma_semaphore, #tpu.memory_space<semaphore_mem>>) src(%arg12 : memref<128x32xf32, #tpu.memory_space<vmem>>) dst(%dma_wait3A_646 : memref<10240x32xf32, #tpu.memory_space<vmem_shared>>)
    %dma_start3A_647 = arith.constant 14 : i32
    %dma_start3A_648 = arith.constant 0 : i32
    %dma_start3A_649 = tpu.memref_slice %arg6[%dma_start3A_647, %dma_start3A_648] : memref<80x128xi32, #tpu.memory_space<vmem>> -> memref<1x128xi32, #tpu.memory_space<vmem>>
    %dma_start3A_650 = tpu.memref_squeeze %dma_start3A_649 : memref<1x128xi32, #tpu.memory_space<vmem>> -> memref<128xi32, #tpu.memory_space<vmem>>
    %dma_start3A_651 = arith.constant 0 : i32
    %dma_start3A_652 = arith.constant 0 : i32
    %dma_start3A_653 = tpu.memref_slice %arg20[%dma_start3A_651, %dma_start3A_652] : memref<10240x32xf32, #tpu.memory_space<vmem_shared>> -> memref<10240x32xf32, #tpu.memory_space<vmem_shared>>
    tpu.enqueue_indirect_dma source(%dma_start3A_653 : memref<10240x32xf32, #tpu.memory_space<vmem_shared>>) target(%arg12 : memref<128x32xf32, #tpu.memory_space<vmem>>) offsets(%dma_start3A_650 : memref<128xi32, #tpu.memory_space<vmem>>) semaphore(%arg25 : memref<!tpu.dma_semaphore, #tpu.memory_space<semaphore_mem>>)
    %dma_wait3A_654 = arith.constant 0 : i32
    %dma_wait3A_655 = arith.constant 0 : i32
    %dma_wait3A_656 = tpu.memref_slice %arg6[%dma_wait3A_654, %dma_wait3A_655] : memref<80x128xi32, #tpu.memory_space<vmem>> -> memref<1x128xi32, #tpu.memory_space<vmem>>
    %dma_wait3A_657 = tpu.memref_squeeze %dma_wait3A_656 : memref<1x128xi32, #tpu.memory_space<vmem>> -> memref<128xi32, #tpu.memory_space<vmem>>
    %dma_wait3A_658 = arith.constant 0 : i32
    %dma_wait3A_659 = arith.constant 0 : i32
    %dma_wait3A_660 = tpu.memref_slice %arg20[%dma_wait3A_658, %dma_wait3A_659] : memref<10240x32xf32, #tpu.memory_space<vmem_shared>> -> memref<10240x32xf32, #tpu.memory_space<vmem_shared>>
    tpu.wait_indirect_dma semaphore(%arg30 : memref<!tpu.dma_semaphore, #tpu.memory_space<semaphore_mem>>) src(%dma_wait3A_660 : memref<10240x32xf32, #tpu.memory_space<vmem_shared>>) dst(%arg17 : memref<128x32xf32, #tpu.memory_space<vmem>>)
    %dma_start3A_661 = arith.constant 9 : i32
    %dma_start3A_662 = arith.constant 0 : i32
    %dma_start3A_663 = tpu.memref_slice %arg7[%dma_start3A_661, %dma_start3A_662] : memref<80x128xi32, #tpu.memory_space<vmem>> -> memref<1x128xi32, #tpu.memory_space<vmem>>
    %dma_start3A_664 = tpu.memref_squeeze %dma_start3A_663 : memref<1x128xi32, #tpu.memory_space<vmem>> -> memref<128xi32, #tpu.memory_space<vmem>>
    %dma_start3A_665 = arith.constant 0 : i32
    %dma_start3A_666 = arith.constant 0 : i32
    %dma_start3A_667 = tpu.memref_slice %arg19[%dma_start3A_665, %dma_start3A_666] : memref<10240x32xf32, #tpu.memory_space<vmem_shared>> -> memref<10240x32xf32, #tpu.memory_space<vmem_shared>>
    tpu.enqueue_indirect_dma source(%arg17 : memref<128x32xf32, #tpu.memory_space<vmem>>) target(%dma_start3A_667 : memref<10240x32xf32, #tpu.memory_space<vmem_shared>>) offsets(%dma_start3A_664 : memref<128xi32, #tpu.memory_space<vmem>>) semaphore(%arg40 : memref<!tpu.dma_semaphore, #tpu.memory_space<semaphore_mem>>) {add = true}
    %scan3A_668 = arith.constant 0 : i32
    %scan3A_669 = arith.constant 1 : i32
    %scan3A_670 = arith.constant 7 : i32
    %scan3A_671 = arith.addi %scan3A_669, %scan3A_670 : i32
    %scan3A_672 = arith.constant 1 : i32
    scf.for %scan3A_745 = %scan3A_669 to %scan3A_671 step %scan3A_672  : i32 {
      %mul3A_746 = arith.constant 10 : i32
      %mul3A_747 = arith.muli %mul3A_746, %scan3A_745 : i32
      %add3A_748 = arith.constant 0 : i32
      %add3A_749 = arith.addi %mul3A_747, %add3A_748 : i32
      %dma_wait3A_750 = arith.constant 0 : i32
      %dma_wait3A_751 = arith.constant 0 : i32
      %dma_wait3A_752 = tpu.memref_slice %arg7[%dma_wait3A_750, %dma_wait3A_751] : memref<80x128xi32, #tpu.memory_space<vmem>> -> memref<1x128xi32, #tpu.memory_space<vmem>>
      %dma_wait3A_753 = tpu.memref_squeeze %dma_wait3A_752 : memref<1x128xi32, #tpu.memory_space<vmem>> -> memref<128xi32, #tpu.memory_space<vmem>>
      %dma_wait3A_754 = arith.constant 0 : i32
      %dma_wait3A_755 = arith.constant 0 : i32
      %dma_wait3A_756 = tpu.memref_slice %arg19[%dma_wait3A_754, %dma_wait3A_755] : memref<10240x32xf32, #tpu.memory_space<vmem_shared>> -> memref<10240x32xf32, #tpu.memory_space<vmem_shared>>
      tpu.wait_indirect_dma semaphore(%arg36 : memref<!tpu.dma_semaphore, #tpu.memory_space<semaphore_mem>>) src(%arg13 : memref<128x32xf32, #tpu.memory_space<vmem>>) dst(%dma_wait3A_756 : memref<10240x32xf32, #tpu.memory_space<vmem_shared>>)
      %add3A_757 = arith.constant 5 : i32
      %add3A_758 = arith.addi %add3A_749, %add3A_757 : i32
      %min3A = arith.constant 79 : i32
      %min3A_759 = arith.minsi %add3A_758, %min3A : i32
      %dma_start3A_760 = arith.constant 0 : i32
      %dma_start3A_761 = tpu.memref_slice %arg6[%min3A_759, %dma_start3A_760] : memref<80x128xi32, #tpu.memory_space<vmem>> -> memref<1x128xi32, #tpu.memory_space<vmem>>
      %dma_start3A_762 = tpu.memref_squeeze %dma_start3A_761 : memref<1x128xi32, #tpu.memory_space<vmem>> -> memref<128xi32, #tpu.memory_space<vmem>>
      %dma_start3A_763 = arith.constant 0 : i32
      %dma_start3A_764 = arith.constant 0 : i32
      %dma_start3A_765 = tpu.memref_slice %arg20[%dma_start3A_763, %dma_start3A_764] : memref<10240x32xf32, #tpu.memory_space<vmem_shared>> -> memref<10240x32xf32, #tpu.memory_space<vmem_shared>>
      tpu.enqueue_indirect_dma source(%dma_start3A_765 : memref<10240x32xf32, #tpu.memory_space<vmem_shared>>) target(%arg13 : memref<128x32xf32, #tpu.memory_space<vmem>>) offsets(%dma_start3A_762 : memref<128xi32, #tpu.memory_space<vmem>>) semaphore(%arg26 : memref<!tpu.dma_semaphore, #tpu.memory_space<semaphore_mem>>)
      %dma_wait3A_766 = arith.constant 0 : i32
      %dma_wait3A_767 = arith.constant 0 : i32
      %dma_wait3A_768 = tpu.memref_slice %arg6[%dma_wait3A_766, %dma_wait3A_767] : memref<80x128xi32, #tpu.memory_space<vmem>> -> memref<1x128xi32, #tpu.memory_space<vmem>>
      %dma_wait3A_769 = tpu.memref_squeeze %dma_wait3A_768 : memref<1x128xi32, #tpu.memory_space<vmem>> -> memref<128xi32, #tpu.memory_space<vmem>>
      %dma_wait3A_770 = arith.constant 0 : i32
      %dma_wait3A_771 = arith.constant 0 : i32
      %dma_wait3A_772 = tpu.memref_slice %arg20[%dma_wait3A_770, %dma_wait3A_771] : memref<10240x32xf32, #tpu.memory_space<vmem_shared>> -> memref<10240x32xf32, #tpu.memory_space<vmem_shared>>
      tpu.wait_indirect_dma semaphore(%arg21 : memref<!tpu.dma_semaphore, #tpu.memory_space<semaphore_mem>>) src(%dma_wait3A_772 : memref<10240x32xf32, #tpu.memory_space<vmem_shared>>) dst(%arg8 : memref<128x32xf32, #tpu.memory_space<vmem>>)
      %dma_start3A_773 = arith.constant 0 : i32
      %dma_start3A_774 = tpu.memref_slice %arg7[%add3A_749, %dma_start3A_773] : memref<80x128xi32, #tpu.memory_space<vmem>> -> memref<1x128xi32, #tpu.memory_space<vmem>>
      %dma_start3A_775 = tpu.memref_squeeze %dma_start3A_774 : memref<1x128xi32, #tpu.memory_space<vmem>> -> memref<128xi32, #tpu.memory_space<vmem>>
      %dma_start3A_776 = arith.constant 0 : i32
      %dma_start3A_777 = arith.constant 0 : i32
      %dma_start3A_778 = tpu.memref_slice %arg19[%dma_start3A_776, %dma_start3A_777] : memref<10240x32xf32, #tpu.memory_space<vmem_shared>> -> memref<10240x32xf32, #tpu.memory_space<vmem_shared>>
      tpu.enqueue_indirect_dma source(%arg8 : memref<128x32xf32, #tpu.memory_space<vmem>>) target(%dma_start3A_778 : memref<10240x32xf32, #tpu.memory_space<vmem_shared>>) offsets(%dma_start3A_775 : memref<128xi32, #tpu.memory_space<vmem>>) semaphore(%arg31 : memref<!tpu.dma_semaphore, #tpu.memory_space<semaphore_mem>>) {add = true}
      %mul3A_779 = arith.constant 10 : i32
      %mul3A_780 = arith.muli %mul3A_779, %scan3A_745 : i32
      %add3A_781 = arith.constant 1 : i32
      %add3A_782 = arith.addi %mul3A_780, %add3A_781 : i32
      %dma_wait3A_783 = arith.constant 0 : i32
      %dma_wait3A_784 = arith.constant 0 : i32
      %dma_wait3A_785 = tpu.memref_slice %arg7[%dma_wait3A_783, %dma_wait3A_784] : memref<80x128xi32, #tpu.memory_space<vmem>> -> memref<1x128xi32, #tpu.memory_space<vmem>>
      %dma_wait3A_786 = tpu.memref_squeeze %dma_wait3A_785 : memref<1x128xi32, #tpu.memory_space<vmem>> -> memref<128xi32, #tpu.memory_space<vmem>>
      %dma_wait3A_787 = arith.constant 0 : i32
      %dma_wait3A_788 = arith.constant 0 : i32
      %dma_wait3A_789 = tpu.memref_slice %arg19[%dma_wait3A_787, %dma_wait3A_788] : memref<10240x32xf32, #tpu.memory_space<vmem_shared>> -> memref<10240x32xf32, #tpu.memory_space<vmem_shared>>
      tpu.wait_indirect_dma semaphore(%arg37 : memref<!tpu.dma_semaphore, #tpu.memory_space<semaphore_mem>>) src(%arg14 : memref<128x32xf32, #tpu.memory_space<vmem>>) dst(%dma_wait3A_789 : memref<10240x32xf32, #tpu.memory_space<vmem_shared>>)
      %add3A_790 = arith.constant 5 : i32
      %add3A_791 = arith.addi %add3A_782, %add3A_790 : i32
      %min3A_792 = arith.constant 79 : i32
      %min3A_793 = arith.minsi %add3A_791, %min3A_792 : i32
      %dma_start3A_794 = arith.constant 0 : i32
      %dma_start3A_795 = tpu.memref_slice %arg6[%min3A_793, %dma_start3A_794] : memref<80x128xi32, #tpu.memory_space<vmem>> -> memref<1x128xi32, #tpu.memory_space<vmem>>
      %dma_start3A_796 = tpu.memref_squeeze %dma_start3A_795 : memref<1x128xi32, #tpu.memory_space<vmem>> -> memref<128xi32, #tpu.memory_space<vmem>>
      %dma_start3A_797 = arith.constant 0 : i32
      %dma_start3A_798 = arith.constant 0 : i32
      %dma_start3A_799 = tpu.memref_slice %arg20[%dma_start3A_797, %dma_start3A_798] : memref<10240x32xf32, #tpu.memory_space<vmem_shared>> -> memref<10240x32xf32, #tpu.memory_space<vmem_shared>>
      tpu.enqueue_indirect_dma source(%dma_start3A_799 : memref<10240x32xf32, #tpu.memory_space<vmem_shared>>) target(%arg14 : memref<128x32xf32, #tpu.memory_space<vmem>>) offsets(%dma_start3A_796 : memref<128xi32, #tpu.memory_space<vmem>>) semaphore(%arg27 : memref<!tpu.dma_semaphore, #tpu.memory_space<semaphore_mem>>)
      %dma_wait3A_800 = arith.constant 0 : i32
      %dma_wait3A_801 = arith.constant 0 : i32
      %dma_wait3A_802 = tpu.memref_slice %arg6[%dma_wait3A_800, %dma_wait3A_801] : memref<80x128xi32, #tpu.memory_space<vmem>> -> memref<1x128xi32, #tpu.memory_space<vmem>>
      %dma_wait3A_803 = tpu.memref_squeeze %dma_wait3A_802 : memref<1x128xi32, #tpu.memory_space<vmem>> -> memref<128xi32, #tpu.memory_space<vmem>>
      %dma_wait3A_804 = arith.constant 0 : i32
      %dma_wait3A_805 = arith.constant 0 : i32
      %dma_wait3A_806 = tpu.memref_slice %arg20[%dma_wait3A_804, %dma_wait3A_805] : memref<10240x32xf32, #tpu.memory_space<vmem_shared>> -> memref<10240x32xf32, #tpu.memory_space<vmem_shared>>
      tpu.wait_indirect_dma semaphore(%arg22 : memref<!tpu.dma_semaphore, #tpu.memory_space<semaphore_mem>>) src(%dma_wait3A_806 : memref<10240x32xf32, #tpu.memory_space<vmem_shared>>) dst(%arg9 : memref<128x32xf32, #tpu.memory_space<vmem>>)
      %dma_start3A_807 = arith.constant 0 : i32
      %dma_start3A_808 = tpu.memref_slice %arg7[%add3A_782, %dma_start3A_807] : memref<80x128xi32, #tpu.memory_space<vmem>> -> memref<1x128xi32, #tpu.memory_space<vmem>>
      %dma_start3A_809 = tpu.memref_squeeze %dma_start3A_808 : memref<1x128xi32, #tpu.memory_space<vmem>> -> memref<128xi32, #tpu.memory_space<vmem>>
      %dma_start3A_810 = arith.constant 0 : i32
      %dma_start3A_811 = arith.constant 0 : i32
      %dma_start3A_812 = tpu.memref_slice %arg19[%dma_start3A_810, %dma_start3A_811] : memref<10240x32xf32, #tpu.memory_space<vmem_shared>> -> memref<10240x32xf32, #tpu.memory_space<vmem_shared>>
      tpu.enqueue_indirect_dma source(%arg9 : memref<128x32xf32, #tpu.memory_space<vmem>>) target(%dma_start3A_812 : memref<10240x32xf32, #tpu.memory_space<vmem_shared>>) offsets(%dma_start3A_809 : memref<128xi32, #tpu.memory_space<vmem>>) semaphore(%arg32 : memref<!tpu.dma_semaphore, #tpu.memory_space<semaphore_mem>>) {add = true}
      %mul3A_813 = arith.constant 10 : i32
      %mul3A_814 = arith.muli %mul3A_813, %scan3A_745 : i32
      %add3A_815 = arith.constant 2 : i32
      %add3A_816 = arith.addi %mul3A_814, %add3A_815 : i32
      %dma_wait3A_817 = arith.constant 0 : i32
      %dma_wait3A_818 = arith.constant 0 : i32
      %dma_wait3A_819 = tpu.memref_slice %arg7[%dma_wait3A_817, %dma_wait3A_818] : memref<80x128xi32, #tpu.memory_space<vmem>> -> memref<1x128xi32, #tpu.memory_space<vmem>>
      %dma_wait3A_820 = tpu.memref_squeeze %dma_wait3A_819 : memref<1x128xi32, #tpu.memory_space<vmem>> -> memref<128xi32, #tpu.memory_space<vmem>>
      %dma_wait3A_821 = arith.constant 0 : i32
      %dma_wait3A_822 = arith.constant 0 : i32
      %dma_wait3A_823 = tpu.memref_slice %arg19[%dma_wait3A_821, %dma_wait3A_822] : memref<10240x32xf32, #tpu.memory_space<vmem_shared>> -> memref<10240x32xf32, #tpu.memory_space<vmem_shared>>
      tpu.wait_indirect_dma semaphore(%arg38 : memref<!tpu.dma_semaphore, #tpu.memory_space<semaphore_mem>>) src(%arg15 : memref<128x32xf32, #tpu.memory_space<vmem>>) dst(%dma_wait3A_823 : memref<10240x32xf32, #tpu.memory_space<vmem_shared>>)
      %add3A_824 = arith.constant 5 : i32
      %add3A_825 = arith.addi %add3A_816, %add3A_824 : i32
      %min3A_826 = arith.constant 79 : i32
      %min3A_827 = arith.minsi %add3A_825, %min3A_826 : i32
      %dma_start3A_828 = arith.constant 0 : i32
      %dma_start3A_829 = tpu.memref_slice %arg6[%min3A_827, %dma_start3A_828] : memref<80x128xi32, #tpu.memory_space<vmem>> -> memref<1x128xi32, #tpu.memory_space<vmem>>
      %dma_start3A_830 = tpu.memref_squeeze %dma_start3A_829 : memref<1x128xi32, #tpu.memory_space<vmem>> -> memref<128xi32, #tpu.memory_space<vmem>>
      %dma_start3A_831 = arith.constant 0 : i32
      %dma_start3A_832 = arith.constant 0 : i32
      %dma_start3A_833 = tpu.memref_slice %arg20[%dma_start3A_831, %dma_start3A_832] : memref<10240x32xf32, #tpu.memory_space<vmem_shared>> -> memref<10240x32xf32, #tpu.memory_space<vmem_shared>>
      tpu.enqueue_indirect_dma source(%dma_start3A_833 : memref<10240x32xf32, #tpu.memory_space<vmem_shared>>) target(%arg15 : memref<128x32xf32, #tpu.memory_space<vmem>>) offsets(%dma_start3A_830 : memref<128xi32, #tpu.memory_space<vmem>>) semaphore(%arg28 : memref<!tpu.dma_semaphore, #tpu.memory_space<semaphore_mem>>)
      %dma_wait3A_834 = arith.constant 0 : i32
      %dma_wait3A_835 = arith.constant 0 : i32
      %dma_wait3A_836 = tpu.memref_slice %arg6[%dma_wait3A_834, %dma_wait3A_835] : memref<80x128xi32, #tpu.memory_space<vmem>> -> memref<1x128xi32, #tpu.memory_space<vmem>>
      %dma_wait3A_837 = tpu.memref_squeeze %dma_wait3A_836 : memref<1x128xi32, #tpu.memory_space<vmem>> -> memref<128xi32, #tpu.memory_space<vmem>>
      %dma_wait3A_838 = arith.constant 0 : i32
      %dma_wait3A_839 = arith.constant 0 : i32
      %dma_wait3A_840 = tpu.memref_slice %arg20[%dma_wait3A_838, %dma_wait3A_839] : memref<10240x32xf32, #tpu.memory_space<vmem_shared>> -> memref<10240x32xf32, #tpu.memory_space<vmem_shared>>
      tpu.wait_indirect_dma semaphore(%arg23 : memref<!tpu.dma_semaphore, #tpu.memory_space<semaphore_mem>>) src(%dma_wait3A_840 : memref<10240x32xf32, #tpu.memory_space<vmem_shared>>) dst(%arg10 : memref<128x32xf32, #tpu.memory_space<vmem>>)
      %dma_start3A_841 = arith.constant 0 : i32
      %dma_start3A_842 = tpu.memref_slice %arg7[%add3A_816, %dma_start3A_841] : memref<80x128xi32, #tpu.memory_space<vmem>> -> memref<1x128xi32, #tpu.memory_space<vmem>>
      %dma_start3A_843 = tpu.memref_squeeze %dma_start3A_842 : memref<1x128xi32, #tpu.memory_space<vmem>> -> memref<128xi32, #tpu.memory_space<vmem>>
      %dma_start3A_844 = arith.constant 0 : i32
      %dma_start3A_845 = arith.constant 0 : i32
      %dma_start3A_846 = tpu.memref_slice %arg19[%dma_start3A_844, %dma_start3A_845] : memref<10240x32xf32, #tpu.memory_space<vmem_shared>> -> memref<10240x32xf32, #tpu.memory_space<vmem_shared>>
      tpu.enqueue_indirect_dma source(%arg10 : memref<128x32xf32, #tpu.memory_space<vmem>>) target(%dma_start3A_846 : memref<10240x32xf32, #tpu.memory_space<vmem_shared>>) offsets(%dma_start3A_843 : memref<128xi32, #tpu.memory_space<vmem>>) semaphore(%arg33 : memref<!tpu.dma_semaphore, #tpu.memory_space<semaphore_mem>>) {add = true}
      %mul3A_847 = arith.constant 10 : i32
      %mul3A_848 = arith.muli %mul3A_847, %scan3A_745 : i32
      %add3A_849 = arith.constant 3 : i32
      %add3A_850 = arith.addi %mul3A_848, %add3A_849 : i32
      %dma_wait3A_851 = arith.constant 0 : i32
      %dma_wait3A_852 = arith.constant 0 : i32
      %dma_wait3A_853 = tpu.memref_slice %arg7[%dma_wait3A_851, %dma_wait3A_852] : memref<80x128xi32, #tpu.memory_space<vmem>> -> memref<1x128xi32, #tpu.memory_space<vmem>>
      %dma_wait3A_854 = tpu.memref_squeeze %dma_wait3A_853 : memref<1x128xi32, #tpu.memory_space<vmem>> -> memref<128xi32, #tpu.memory_space<vmem>>
      %dma_wait3A_855 = arith.constant 0 : i32
      %dma_wait3A_856 = arith.constant 0 : i32
      %dma_wait3A_857 = tpu.memref_slice %arg19[%dma_wait3A_855, %dma_wait3A_856] : memref<10240x32xf32, #tpu.memory_space<vmem_shared>> -> memref<10240x32xf32, #tpu.memory_space<vmem_shared>>
      tpu.wait_indirect_dma semaphore(%arg39 : memref<!tpu.dma_semaphore, #tpu.memory_space<semaphore_mem>>) src(%arg16 : memref<128x32xf32, #tpu.memory_space<vmem>>) dst(%dma_wait3A_857 : memref<10240x32xf32, #tpu.memory_space<vmem_shared>>)
      %add3A_858 = arith.constant 5 : i32
      %add3A_859 = arith.addi %add3A_850, %add3A_858 : i32
      %min3A_860 = arith.constant 79 : i32
      %min3A_861 = arith.minsi %add3A_859, %min3A_860 : i32
      %dma_start3A_862 = arith.constant 0 : i32
      %dma_start3A_863 = tpu.memref_slice %arg6[%min3A_861, %dma_start3A_862] : memref<80x128xi32, #tpu.memory_space<vmem>> -> memref<1x128xi32, #tpu.memory_space<vmem>>
      %dma_start3A_864 = tpu.memref_squeeze %dma_start3A_863 : memref<1x128xi32, #tpu.memory_space<vmem>> -> memref<128xi32, #tpu.memory_space<vmem>>
      %dma_start3A_865 = arith.constant 0 : i32
      %dma_start3A_866 = arith.constant 0 : i32
      %dma_start3A_867 = tpu.memref_slice %arg20[%dma_start3A_865, %dma_start3A_866] : memref<10240x32xf32, #tpu.memory_space<vmem_shared>> -> memref<10240x32xf32, #tpu.memory_space<vmem_shared>>
      tpu.enqueue_indirect_dma source(%dma_start3A_867 : memref<10240x32xf32, #tpu.memory_space<vmem_shared>>) target(%arg16 : memref<128x32xf32, #tpu.memory_space<vmem>>) offsets(%dma_start3A_864 : memref<128xi32, #tpu.memory_space<vmem>>) semaphore(%arg29 : memref<!tpu.dma_semaphore, #tpu.memory_space<semaphore_mem>>)
      %dma_wait3A_868 = arith.constant 0 : i32
      %dma_wait3A_869 = arith.constant 0 : i32
      %dma_wait3A_870 = tpu.memref_slice %arg6[%dma_wait3A_868, %dma_wait3A_869] : memref<80x128xi32, #tpu.memory_space<vmem>> -> memref<1x128xi32, #tpu.memory_space<vmem>>
      %dma_wait3A_871 = tpu.memref_squeeze %dma_wait3A_870 : memref<1x128xi32, #tpu.memory_space<vmem>> -> memref<128xi32, #tpu.memory_space<vmem>>
      %dma_wait3A_872 = arith.constant 0 : i32
      %dma_wait3A_873 = arith.constant 0 : i32
      %dma_wait3A_874 = tpu.memref_slice %arg20[%dma_wait3A_872, %dma_wait3A_873] : memref<10240x32xf32, #tpu.memory_space<vmem_shared>> -> memref<10240x32xf32, #tpu.memory_space<vmem_shared>>
      tpu.wait_indirect_dma semaphore(%arg24 : memref<!tpu.dma_semaphore, #tpu.memory_space<semaphore_mem>>) src(%dma_wait3A_874 : memref<10240x32xf32, #tpu.memory_space<vmem_shared>>) dst(%arg11 : memref<128x32xf32, #tpu.memory_space<vmem>>)
      %dma_start3A_875 = arith.constant 0 : i32
      %dma_start3A_876 = tpu.memref_slice %arg7[%add3A_850, %dma_start3A_875] : memref<80x128xi32, #tpu.memory_space<vmem>> -> memref<1x128xi32, #tpu.memory_space<vmem>>
      %dma_start3A_877 = tpu.memref_squeeze %dma_start3A_876 : memref<1x128xi32, #tpu.memory_space<vmem>> -> memref<128xi32, #tpu.memory_space<vmem>>
      %dma_start3A_878 = arith.constant 0 : i32
      %dma_start3A_879 = arith.constant 0 : i32
      %dma_start3A_880 = tpu.memref_slice %arg19[%dma_start3A_878, %dma_start3A_879] : memref<10240x32xf32, #tpu.memory_space<vmem_shared>> -> memref<10240x32xf32, #tpu.memory_space<vmem_shared>>
      tpu.enqueue_indirect_dma source(%arg11 : memref<128x32xf32, #tpu.memory_space<vmem>>) target(%dma_start3A_880 : memref<10240x32xf32, #tpu.memory_space<vmem_shared>>) offsets(%dma_start3A_877 : memref<128xi32, #tpu.memory_space<vmem>>) semaphore(%arg34 : memref<!tpu.dma_semaphore, #tpu.memory_space<semaphore_mem>>) {add = true}
      %mul3A_881 = arith.constant 10 : i32
      %mul3A_882 = arith.muli %mul3A_881, %scan3A_745 : i32
      %add3A_883 = arith.constant 4 : i32
      %add3A_884 = arith.addi %mul3A_882, %add3A_883 : i32
      %dma_wait3A_885 = arith.constant 0 : i32
      %dma_wait3A_886 = arith.constant 0 : i32
      %dma_wait3A_887 = tpu.memref_slice %arg7[%dma_wait3A_885, %dma_wait3A_886] : memref<80x128xi32, #tpu.memory_space<vmem>> -> memref<1x128xi32, #tpu.memory_space<vmem>>
      %dma_wait3A_888 = tpu.memref_squeeze %dma_wait3A_887 : memref<1x128xi32, #tpu.memory_space<vmem>> -> memref<128xi32, #tpu.memory_space<vmem>>
      %dma_wait3A_889 = arith.constant 0 : i32
      %dma_wait3A_890 = arith.constant 0 : i32
      %dma_wait3A_891 = tpu.memref_slice %arg19[%dma_wait3A_889, %dma_wait3A_890] : memref<10240x32xf32, #tpu.memory_space<vmem_shared>> -> memref<10240x32xf32, #tpu.memory_space<vmem_shared>>
      tpu.wait_indirect_dma semaphore(%arg40 : memref<!tpu.dma_semaphore, #tpu.memory_space<semaphore_mem>>) src(%arg17 : memref<128x32xf32, #tpu.memory_space<vmem>>) dst(%dma_wait3A_891 : memref<10240x32xf32, #tpu.memory_space<vmem_shared>>)
      %add3A_892 = arith.constant 5 : i32
      %add3A_893 = arith.addi %add3A_884, %add3A_892 : i32
      %min3A_894 = arith.constant 79 : i32
      %min3A_895 = arith.minsi %add3A_893, %min3A_894 : i32
      %dma_start3A_896 = arith.constant 0 : i32
      %dma_start3A_897 = tpu.memref_slice %arg6[%min3A_895, %dma_start3A_896] : memref<80x128xi32, #tpu.memory_space<vmem>> -> memref<1x128xi32, #tpu.memory_space<vmem>>
      %dma_start3A_898 = tpu.memref_squeeze %dma_start3A_897 : memref<1x128xi32, #tpu.memory_space<vmem>> -> memref<128xi32, #tpu.memory_space<vmem>>
      %dma_start3A_899 = arith.constant 0 : i32
      %dma_start3A_900 = arith.constant 0 : i32
      %dma_start3A_901 = tpu.memref_slice %arg20[%dma_start3A_899, %dma_start3A_900] : memref<10240x32xf32, #tpu.memory_space<vmem_shared>> -> memref<10240x32xf32, #tpu.memory_space<vmem_shared>>
      tpu.enqueue_indirect_dma source(%dma_start3A_901 : memref<10240x32xf32, #tpu.memory_space<vmem_shared>>) target(%arg17 : memref<128x32xf32, #tpu.memory_space<vmem>>) offsets(%dma_start3A_898 : memref<128xi32, #tpu.memory_space<vmem>>) semaphore(%arg30 : memref<!tpu.dma_semaphore, #tpu.memory_space<semaphore_mem>>)
      %dma_wait3A_902 = arith.constant 0 : i32
      %dma_wait3A_903 = arith.constant 0 : i32
      %dma_wait3A_904 = tpu.memref_slice %arg6[%dma_wait3A_902, %dma_wait3A_903] : memref<80x128xi32, #tpu.memory_space<vmem>> -> memref<1x128xi32, #tpu.memory_space<vmem>>
      %dma_wait3A_905 = tpu.memref_squeeze %dma_wait3A_904 : memref<1x128xi32, #tpu.memory_space<vmem>> -> memref<128xi32, #tpu.memory_space<vmem>>
      %dma_wait3A_906 = arith.constant 0 : i32
      %dma_wait3A_907 = arith.constant 0 : i32
      %dma_wait3A_908 = tpu.memref_slice %arg20[%dma_wait3A_906, %dma_wait3A_907] : memref<10240x32xf32, #tpu.memory_space<vmem_shared>> -> memref<10240x32xf32, #tpu.memory_space<vmem_shared>>
      tpu.wait_indirect_dma semaphore(%arg25 : memref<!tpu.dma_semaphore, #tpu.memory_space<semaphore_mem>>) src(%dma_wait3A_908 : memref<10240x32xf32, #tpu.memory_space<vmem_shared>>) dst(%arg12 : memref<128x32xf32, #tpu.memory_space<vmem>>)
      %dma_start3A_909 = arith.constant 0 : i32
      %dma_start3A_910 = tpu.memref_slice %arg7[%add3A_884, %dma_start3A_909] : memref<80x128xi32, #tpu.memory_space<vmem>> -> memref<1x128xi32, #tpu.memory_space<vmem>>
      %dma_start3A_911 = tpu.memref_squeeze %dma_start3A_910 : memref<1x128xi32, #tpu.memory_space<vmem>> -> memref<128xi32, #tpu.memory_space<vmem>>
      %dma_start3A_912 = arith.constant 0 : i32
      %dma_start3A_913 = arith.constant 0 : i32
      %dma_start3A_914 = tpu.memref_slice %arg19[%dma_start3A_912, %dma_start3A_913] : memref<10240x32xf32, #tpu.memory_space<vmem_shared>> -> memref<10240x32xf32, #tpu.memory_space<vmem_shared>>
      tpu.enqueue_indirect_dma source(%arg12 : memref<128x32xf32, #tpu.memory_space<vmem>>) target(%dma_start3A_914 : memref<10240x32xf32, #tpu.memory_space<vmem_shared>>) offsets(%dma_start3A_911 : memref<128xi32, #tpu.memory_space<vmem>>) semaphore(%arg35 : memref<!tpu.dma_semaphore, #tpu.memory_space<semaphore_mem>>) {add = true}
      %mul3A_915 = arith.constant 10 : i32
      %mul3A_916 = arith.muli %mul3A_915, %scan3A_745 : i32
      %add3A_917 = arith.constant 5 : i32
      %add3A_918 = arith.addi %mul3A_916, %add3A_917 : i32
      %dma_wait3A_919 = arith.constant 0 : i32
      %dma_wait3A_920 = arith.constant 0 : i32
      %dma_wait3A_921 = tpu.memref_slice %arg7[%dma_wait3A_919, %dma_wait3A_920] : memref<80x128xi32, #tpu.memory_space<vmem>> -> memref<1x128xi32, #tpu.memory_space<vmem>>
      %dma_wait3A_922 = tpu.memref_squeeze %dma_wait3A_921 : memref<1x128xi32, #tpu.memory_space<vmem>> -> memref<128xi32, #tpu.memory_space<vmem>>
      %dma_wait3A_923 = arith.constant 0 : i32
      %dma_wait3A_924 = arith.constant 0 : i32
      %dma_wait3A_925 = tpu.memref_slice %arg19[%dma_wait3A_923, %dma_wait3A_924] : memref<10240x32xf32, #tpu.memory_space<vmem_shared>> -> memref<10240x32xf32, #tpu.memory_space<vmem_shared>>
      tpu.wait_indirect_dma semaphore(%arg31 : memref<!tpu.dma_semaphore, #tpu.memory_space<semaphore_mem>>) src(%arg8 : memref<128x32xf32, #tpu.memory_space<vmem>>) dst(%dma_wait3A_925 : memref<10240x32xf32, #tpu.memory_space<vmem_shared>>)
      %add3A_926 = arith.constant 5 : i32
      %add3A_927 = arith.addi %add3A_918, %add3A_926 : i32
      %min3A_928 = arith.constant 79 : i32
      %min3A_929 = arith.minsi %add3A_927, %min3A_928 : i32
      %dma_start3A_930 = arith.constant 0 : i32
      %dma_start3A_931 = tpu.memref_slice %arg6[%min3A_929, %dma_start3A_930] : memref<80x128xi32, #tpu.memory_space<vmem>> -> memref<1x128xi32, #tpu.memory_space<vmem>>
      %dma_start3A_932 = tpu.memref_squeeze %dma_start3A_931 : memref<1x128xi32, #tpu.memory_space<vmem>> -> memref<128xi32, #tpu.memory_space<vmem>>
      %dma_start3A_933 = arith.constant 0 : i32
      %dma_start3A_934 = arith.constant 0 : i32
      %dma_start3A_935 = tpu.memref_slice %arg20[%dma_start3A_933, %dma_start3A_934] : memref<10240x32xf32, #tpu.memory_space<vmem_shared>> -> memref<10240x32xf32, #tpu.memory_space<vmem_shared>>
      tpu.enqueue_indirect_dma source(%dma_start3A_935 : memref<10240x32xf32, #tpu.memory_space<vmem_shared>>) target(%arg8 : memref<128x32xf32, #tpu.memory_space<vmem>>) offsets(%dma_start3A_932 : memref<128xi32, #tpu.memory_space<vmem>>) semaphore(%arg21 : memref<!tpu.dma_semaphore, #tpu.memory_space<semaphore_mem>>)
      %dma_wait3A_936 = arith.constant 0 : i32
      %dma_wait3A_937 = arith.constant 0 : i32
      %dma_wait3A_938 = tpu.memref_slice %arg6[%dma_wait3A_936, %dma_wait3A_937] : memref<80x128xi32, #tpu.memory_space<vmem>> -> memref<1x128xi32, #tpu.memory_space<vmem>>
      %dma_wait3A_939 = tpu.memref_squeeze %dma_wait3A_938 : memref<1x128xi32, #tpu.memory_space<vmem>> -> memref<128xi32, #tpu.memory_space<vmem>>
      %dma_wait3A_940 = arith.constant 0 : i32
      %dma_wait3A_941 = arith.constant 0 : i32
      %dma_wait3A_942 = tpu.memref_slice %arg20[%dma_wait3A_940, %dma_wait3A_941] : memref<10240x32xf32, #tpu.memory_space<vmem_shared>> -> memref<10240x32xf32, #tpu.memory_space<vmem_shared>>
      tpu.wait_indirect_dma semaphore(%arg26 : memref<!tpu.dma_semaphore, #tpu.memory_space<semaphore_mem>>) src(%dma_wait3A_942 : memref<10240x32xf32, #tpu.memory_space<vmem_shared>>) dst(%arg13 : memref<128x32xf32, #tpu.memory_space<vmem>>)
      %dma_start3A_943 = arith.constant 0 : i32
      %dma_start3A_944 = tpu.memref_slice %arg7[%add3A_918, %dma_start3A_943] : memref<80x128xi32, #tpu.memory_space<vmem>> -> memref<1x128xi32, #tpu.memory_space<vmem>>
      %dma_start3A_945 = tpu.memref_squeeze %dma_start3A_944 : memref<1x128xi32, #tpu.memory_space<vmem>> -> memref<128xi32, #tpu.memory_space<vmem>>
      %dma_start3A_946 = arith.constant 0 : i32
      %dma_start3A_947 = arith.constant 0 : i32
      %dma_start3A_948 = tpu.memref_slice %arg19[%dma_start3A_946, %dma_start3A_947] : memref<10240x32xf32, #tpu.memory_space<vmem_shared>> -> memref<10240x32xf32, #tpu.memory_space<vmem_shared>>
      tpu.enqueue_indirect_dma source(%arg13 : memref<128x32xf32, #tpu.memory_space<vmem>>) target(%dma_start3A_948 : memref<10240x32xf32, #tpu.memory_space<vmem_shared>>) offsets(%dma_start3A_945 : memref<128xi32, #tpu.memory_space<vmem>>) semaphore(%arg36 : memref<!tpu.dma_semaphore, #tpu.memory_space<semaphore_mem>>) {add = true}
      %mul3A_949 = arith.constant 10 : i32
      %mul3A_950 = arith.muli %mul3A_949, %scan3A_745 : i32
      %add3A_951 = arith.constant 6 : i32
      %add3A_952 = arith.addi %mul3A_950, %add3A_951 : i32
      %dma_wait3A_953 = arith.constant 0 : i32
      %dma_wait3A_954 = arith.constant 0 : i32
      %dma_wait3A_955 = tpu.memref_slice %arg7[%dma_wait3A_953, %dma_wait3A_954] : memref<80x128xi32, #tpu.memory_space<vmem>> -> memref<1x128xi32, #tpu.memory_space<vmem>>
      %dma_wait3A_956 = tpu.memref_squeeze %dma_wait3A_955 : memref<1x128xi32, #tpu.memory_space<vmem>> -> memref<128xi32, #tpu.memory_space<vmem>>
      %dma_wait3A_957 = arith.constant 0 : i32
      %dma_wait3A_958 = arith.constant 0 : i32
      %dma_wait3A_959 = tpu.memref_slice %arg19[%dma_wait3A_957, %dma_wait3A_958] : memref<10240x32xf32, #tpu.memory_space<vmem_shared>> -> memref<10240x32xf32, #tpu.memory_space<vmem_shared>>
      tpu.wait_indirect_dma semaphore(%arg32 : memref<!tpu.dma_semaphore, #tpu.memory_space<semaphore_mem>>) src(%arg9 : memref<128x32xf32, #tpu.memory_space<vmem>>) dst(%dma_wait3A_959 : memref<10240x32xf32, #tpu.memory_space<vmem_shared>>)
      %add3A_960 = arith.constant 5 : i32
      %add3A_961 = arith.addi %add3A_952, %add3A_960 : i32
      %min3A_962 = arith.constant 79 : i32
      %min3A_963 = arith.minsi %add3A_961, %min3A_962 : i32
      %dma_start3A_964 = arith.constant 0 : i32
      %dma_start3A_965 = tpu.memref_slice %arg6[%min3A_963, %dma_start3A_964] : memref<80x128xi32, #tpu.memory_space<vmem>> -> memref<1x128xi32, #tpu.memory_space<vmem>>
      %dma_start3A_966 = tpu.memref_squeeze %dma_start3A_965 : memref<1x128xi32, #tpu.memory_space<vmem>> -> memref<128xi32, #tpu.memory_space<vmem>>
      %dma_start3A_967 = arith.constant 0 : i32
      %dma_start3A_968 = arith.constant 0 : i32
      %dma_start3A_969 = tpu.memref_slice %arg20[%dma_start3A_967, %dma_start3A_968] : memref<10240x32xf32, #tpu.memory_space<vmem_shared>> -> memref<10240x32xf32, #tpu.memory_space<vmem_shared>>
      tpu.enqueue_indirect_dma source(%dma_start3A_969 : memref<10240x32xf32, #tpu.memory_space<vmem_shared>>) target(%arg9 : memref<128x32xf32, #tpu.memory_space<vmem>>) offsets(%dma_start3A_966 : memref<128xi32, #tpu.memory_space<vmem>>) semaphore(%arg22 : memref<!tpu.dma_semaphore, #tpu.memory_space<semaphore_mem>>)
      %dma_wait3A_970 = arith.constant 0 : i32
      %dma_wait3A_971 = arith.constant 0 : i32
      %dma_wait3A_972 = tpu.memref_slice %arg6[%dma_wait3A_970, %dma_wait3A_971] : memref<80x128xi32, #tpu.memory_space<vmem>> -> memref<1x128xi32, #tpu.memory_space<vmem>>
      %dma_wait3A_973 = tpu.memref_squeeze %dma_wait3A_972 : memref<1x128xi32, #tpu.memory_space<vmem>> -> memref<128xi32, #tpu.memory_space<vmem>>
      %dma_wait3A_974 = arith.constant 0 : i32
      %dma_wait3A_975 = arith.constant 0 : i32
      %dma_wait3A_976 = tpu.memref_slice %arg20[%dma_wait3A_974, %dma_wait3A_975] : memref<10240x32xf32, #tpu.memory_space<vmem_shared>> -> memref<10240x32xf32, #tpu.memory_space<vmem_shared>>
      tpu.wait_indirect_dma semaphore(%arg27 : memref<!tpu.dma_semaphore, #tpu.memory_space<semaphore_mem>>) src(%dma_wait3A_976 : memref<10240x32xf32, #tpu.memory_space<vmem_shared>>) dst(%arg14 : memref<128x32xf32, #tpu.memory_space<vmem>>)
      %dma_start3A_977 = arith.constant 0 : i32
      %dma_start3A_978 = tpu.memref_slice %arg7[%add3A_952, %dma_start3A_977] : memref<80x128xi32, #tpu.memory_space<vmem>> -> memref<1x128xi32, #tpu.memory_space<vmem>>
      %dma_start3A_979 = tpu.memref_squeeze %dma_start3A_978 : memref<1x128xi32, #tpu.memory_space<vmem>> -> memref<128xi32, #tpu.memory_space<vmem>>
      %dma_start3A_980 = arith.constant 0 : i32
      %dma_start3A_981 = arith.constant 0 : i32
      %dma_start3A_982 = tpu.memref_slice %arg19[%dma_start3A_980, %dma_start3A_981] : memref<10240x32xf32, #tpu.memory_space<vmem_shared>> -> memref<10240x32xf32, #tpu.memory_space<vmem_shared>>
      tpu.enqueue_indirect_dma source(%arg14 : memref<128x32xf32, #tpu.memory_space<vmem>>) target(%dma_start3A_982 : memref<10240x32xf32, #tpu.memory_space<vmem_shared>>) offsets(%dma_start3A_979 : memref<128xi32, #tpu.memory_space<vmem>>) semaphore(%arg37 : memref<!tpu.dma_semaphore, #tpu.memory_space<semaphore_mem>>) {add = true}
      %mul3A_983 = arith.constant 10 : i32
      %mul3A_984 = arith.muli %mul3A_983, %scan3A_745 : i32
      %add3A_985 = arith.constant 7 : i32
      %add3A_986 = arith.addi %mul3A_984, %add3A_985 : i32
      %dma_wait3A_987 = arith.constant 0 : i32
      %dma_wait3A_988 = arith.constant 0 : i32
      %dma_wait3A_989 = tpu.memref_slice %arg7[%dma_wait3A_987, %dma_wait3A_988] : memref<80x128xi32, #tpu.memory_space<vmem>> -> memref<1x128xi32, #tpu.memory_space<vmem>>
      %dma_wait3A_990 = tpu.memref_squeeze %dma_wait3A_989 : memref<1x128xi32, #tpu.memory_space<vmem>> -> memref<128xi32, #tpu.memory_space<vmem>>
      %dma_wait3A_991 = arith.constant 0 : i32
      %dma_wait3A_992 = arith.constant 0 : i32
      %dma_wait3A_993 = tpu.memref_slice %arg19[%dma_wait3A_991, %dma_wait3A_992] : memref<10240x32xf32, #tpu.memory_space<vmem_shared>> -> memref<10240x32xf32, #tpu.memory_space<vmem_shared>>
      tpu.wait_indirect_dma semaphore(%arg33 : memref<!tpu.dma_semaphore, #tpu.memory_space<semaphore_mem>>) src(%arg10 : memref<128x32xf32, #tpu.memory_space<vmem>>) dst(%dma_wait3A_993 : memref<10240x32xf32, #tpu.memory_space<vmem_shared>>)
      %add3A_994 = arith.constant 5 : i32
      %add3A_995 = arith.addi %add3A_986, %add3A_994 : i32
      %min3A_996 = arith.constant 79 : i32
      %min3A_997 = arith.minsi %add3A_995, %min3A_996 : i32
      %dma_start3A_998 = arith.constant 0 : i32
      %dma_start3A_999 = tpu.memref_slice %arg6[%min3A_997, %dma_start3A_998] : memref<80x128xi32, #tpu.memory_space<vmem>> -> memref<1x128xi32, #tpu.memory_space<vmem>>
      %dma_start3A_1000 = tpu.memref_squeeze %dma_start3A_999 : memref<1x128xi32, #tpu.memory_space<vmem>> -> memref<128xi32, #tpu.memory_space<vmem>>
      %dma_start3A_1001 = arith.constant 0 : i32
      %dma_start3A_1002 = arith.constant 0 : i32
      %dma_start3A_1003 = tpu.memref_slice %arg20[%dma_start3A_1001, %dma_start3A_1002] : memref<10240x32xf32, #tpu.memory_space<vmem_shared>> -> memref<10240x32xf32, #tpu.memory_space<vmem_shared>>
      tpu.enqueue_indirect_dma source(%dma_start3A_1003 : memref<10240x32xf32, #tpu.memory_space<vmem_shared>>) target(%arg10 : memref<128x32xf32, #tpu.memory_space<vmem>>) offsets(%dma_start3A_1000 : memref<128xi32, #tpu.memory_space<vmem>>) semaphore(%arg23 : memref<!tpu.dma_semaphore, #tpu.memory_space<semaphore_mem>>)
      %dma_wait3A_1004 = arith.constant 0 : i32
      %dma_wait3A_1005 = arith.constant 0 : i32
      %dma_wait3A_1006 = tpu.memref_slice %arg6[%dma_wait3A_1004, %dma_wait3A_1005] : memref<80x128xi32, #tpu.memory_space<vmem>> -> memref<1x128xi32, #tpu.memory_space<vmem>>
      %dma_wait3A_1007 = tpu.memref_squeeze %dma_wait3A_1006 : memref<1x128xi32, #tpu.memory_space<vmem>> -> memref<128xi32, #tpu.memory_space<vmem>>
      %dma_wait3A_1008 = arith.constant 0 : i32
      %dma_wait3A_1009 = arith.constant 0 : i32
      %dma_wait3A_1010 = tpu.memref_slice %arg20[%dma_wait3A_1008, %dma_wait3A_1009] : memref<10240x32xf32, #tpu.memory_space<vmem_shared>> -> memref<10240x32xf32, #tpu.memory_space<vmem_shared>>
      tpu.wait_indirect_dma semaphore(%arg28 : memref<!tpu.dma_semaphore, #tpu.memory_space<semaphore_mem>>) src(%dma_wait3A_1010 : memref<10240x32xf32, #tpu.memory_space<vmem_shared>>) dst(%arg15 : memref<128x32xf32, #tpu.memory_space<vmem>>)
      %dma_start3A_1011 = arith.constant 0 : i32
      %dma_start3A_1012 = tpu.memref_slice %arg7[%add3A_986, %dma_start3A_1011] : memref<80x128xi32, #tpu.memory_space<vmem>> -> memref<1x128xi32, #tpu.memory_space<vmem>>
      %dma_start3A_1013 = tpu.memref_squeeze %dma_start3A_1012 : memref<1x128xi32, #tpu.memory_space<vmem>> -> memref<128xi32, #tpu.memory_space<vmem>>
      %dma_start3A_1014 = arith.constant 0 : i32
      %dma_start3A_1015 = arith.constant 0 : i32
      %dma_start3A_1016 = tpu.memref_slice %arg19[%dma_start3A_1014, %dma_start3A_1015] : memref<10240x32xf32, #tpu.memory_space<vmem_shared>> -> memref<10240x32xf32, #tpu.memory_space<vmem_shared>>
      tpu.enqueue_indirect_dma source(%arg15 : memref<128x32xf32, #tpu.memory_space<vmem>>) target(%dma_start3A_1016 : memref<10240x32xf32, #tpu.memory_space<vmem_shared>>) offsets(%dma_start3A_1013 : memref<128xi32, #tpu.memory_space<vmem>>) semaphore(%arg38 : memref<!tpu.dma_semaphore, #tpu.memory_space<semaphore_mem>>) {add = true}
      %mul3A_1017 = arith.constant 10 : i32
      %mul3A_1018 = arith.muli %mul3A_1017, %scan3A_745 : i32
      %add3A_1019 = arith.constant 8 : i32
      %add3A_1020 = arith.addi %mul3A_1018, %add3A_1019 : i32
      %dma_wait3A_1021 = arith.constant 0 : i32
      %dma_wait3A_1022 = arith.constant 0 : i32
      %dma_wait3A_1023 = tpu.memref_slice %arg7[%dma_wait3A_1021, %dma_wait3A_1022] : memref<80x128xi32, #tpu.memory_space<vmem>> -> memref<1x128xi32, #tpu.memory_space<vmem>>
      %dma_wait3A_1024 = tpu.memref_squeeze %dma_wait3A_1023 : memref<1x128xi32, #tpu.memory_space<vmem>> -> memref<128xi32, #tpu.memory_space<vmem>>
      %dma_wait3A_1025 = arith.constant 0 : i32
      %dma_wait3A_1026 = arith.constant 0 : i32
      %dma_wait3A_1027 = tpu.memref_slice %arg19[%dma_wait3A_1025, %dma_wait3A_1026] : memref<10240x32xf32, #tpu.memory_space<vmem_shared>> -> memref<10240x32xf32, #tpu.memory_space<vmem_shared>>
      tpu.wait_indirect_dma semaphore(%arg34 : memref<!tpu.dma_semaphore, #tpu.memory_space<semaphore_mem>>) src(%arg11 : memref<128x32xf32, #tpu.memory_space<vmem>>) dst(%dma_wait3A_1027 : memref<10240x32xf32, #tpu.memory_space<vmem_shared>>)
      %add3A_1028 = arith.constant 5 : i32
      %add3A_1029 = arith.addi %add3A_1020, %add3A_1028 : i32
      %min3A_1030 = arith.constant 79 : i32
      %min3A_1031 = arith.minsi %add3A_1029, %min3A_1030 : i32
      %dma_start3A_1032 = arith.constant 0 : i32
      %dma_start3A_1033 = tpu.memref_slice %arg6[%min3A_1031, %dma_start3A_1032] : memref<80x128xi32, #tpu.memory_space<vmem>> -> memref<1x128xi32, #tpu.memory_space<vmem>>
      %dma_start3A_1034 = tpu.memref_squeeze %dma_start3A_1033 : memref<1x128xi32, #tpu.memory_space<vmem>> -> memref<128xi32, #tpu.memory_space<vmem>>
      %dma_start3A_1035 = arith.constant 0 : i32
      %dma_start3A_1036 = arith.constant 0 : i32
      %dma_start3A_1037 = tpu.memref_slice %arg20[%dma_start3A_1035, %dma_start3A_1036] : memref<10240x32xf32, #tpu.memory_space<vmem_shared>> -> memref<10240x32xf32, #tpu.memory_space<vmem_shared>>
      tpu.enqueue_indirect_dma source(%dma_start3A_1037 : memref<10240x32xf32, #tpu.memory_space<vmem_shared>>) target(%arg11 : memref<128x32xf32, #tpu.memory_space<vmem>>) offsets(%dma_start3A_1034 : memref<128xi32, #tpu.memory_space<vmem>>) semaphore(%arg24 : memref<!tpu.dma_semaphore, #tpu.memory_space<semaphore_mem>>)
      %dma_wait3A_1038 = arith.constant 0 : i32
      %dma_wait3A_1039 = arith.constant 0 : i32
      %dma_wait3A_1040 = tpu.memref_slice %arg6[%dma_wait3A_1038, %dma_wait3A_1039] : memref<80x128xi32, #tpu.memory_space<vmem>> -> memref<1x128xi32, #tpu.memory_space<vmem>>
      %dma_wait3A_1041 = tpu.memref_squeeze %dma_wait3A_1040 : memref<1x128xi32, #tpu.memory_space<vmem>> -> memref<128xi32, #tpu.memory_space<vmem>>
      %dma_wait3A_1042 = arith.constant 0 : i32
      %dma_wait3A_1043 = arith.constant 0 : i32
      %dma_wait3A_1044 = tpu.memref_slice %arg20[%dma_wait3A_1042, %dma_wait3A_1043] : memref<10240x32xf32, #tpu.memory_space<vmem_shared>> -> memref<10240x32xf32, #tpu.memory_space<vmem_shared>>
      tpu.wait_indirect_dma semaphore(%arg29 : memref<!tpu.dma_semaphore, #tpu.memory_space<semaphore_mem>>) src(%dma_wait3A_1044 : memref<10240x32xf32, #tpu.memory_space<vmem_shared>>) dst(%arg16 : memref<128x32xf32, #tpu.memory_space<vmem>>)
      %dma_start3A_1045 = arith.constant 0 : i32
      %dma_start3A_1046 = tpu.memref_slice %arg7[%add3A_1020, %dma_start3A_1045] : memref<80x128xi32, #tpu.memory_space<vmem>> -> memref<1x128xi32, #tpu.memory_space<vmem>>
      %dma_start3A_1047 = tpu.memref_squeeze %dma_start3A_1046 : memref<1x128xi32, #tpu.memory_space<vmem>> -> memref<128xi32, #tpu.memory_space<vmem>>
      %dma_start3A_1048 = arith.constant 0 : i32
      %dma_start3A_1049 = arith.constant 0 : i32
      %dma_start3A_1050 = tpu.memref_slice %arg19[%dma_start3A_1048, %dma_start3A_1049] : memref<10240x32xf32, #tpu.memory_space<vmem_shared>> -> memref<10240x32xf32, #tpu.memory_space<vmem_shared>>
      tpu.enqueue_indirect_dma source(%arg16 : memref<128x32xf32, #tpu.memory_space<vmem>>) target(%dma_start3A_1050 : memref<10240x32xf32, #tpu.memory_space<vmem_shared>>) offsets(%dma_start3A_1047 : memref<128xi32, #tpu.memory_space<vmem>>) semaphore(%arg39 : memref<!tpu.dma_semaphore, #tpu.memory_space<semaphore_mem>>) {add = true}
      %mul3A_1051 = arith.constant 10 : i32
      %mul3A_1052 = arith.muli %mul3A_1051, %scan3A_745 : i32
      %add3A_1053 = arith.constant 9 : i32
      %add3A_1054 = arith.addi %mul3A_1052, %add3A_1053 : i32
      %dma_wait3A_1055 = arith.constant 0 : i32
      %dma_wait3A_1056 = arith.constant 0 : i32
      %dma_wait3A_1057 = tpu.memref_slice %arg7[%dma_wait3A_1055, %dma_wait3A_1056] : memref<80x128xi32, #tpu.memory_space<vmem>> -> memref<1x128xi32, #tpu.memory_space<vmem>>
      %dma_wait3A_1058 = tpu.memref_squeeze %dma_wait3A_1057 : memref<1x128xi32, #tpu.memory_space<vmem>> -> memref<128xi32, #tpu.memory_space<vmem>>
      %dma_wait3A_1059 = arith.constant 0 : i32
      %dma_wait3A_1060 = arith.constant 0 : i32
      %dma_wait3A_1061 = tpu.memref_slice %arg19[%dma_wait3A_1059, %dma_wait3A_1060] : memref<10240x32xf32, #tpu.memory_space<vmem_shared>> -> memref<10240x32xf32, #tpu.memory_space<vmem_shared>>
      tpu.wait_indirect_dma semaphore(%arg35 : memref<!tpu.dma_semaphore, #tpu.memory_space<semaphore_mem>>) src(%arg12 : memref<128x32xf32, #tpu.memory_space<vmem>>) dst(%dma_wait3A_1061 : memref<10240x32xf32, #tpu.memory_space<vmem_shared>>)
      %add3A_1062 = arith.constant 5 : i32
      %add3A_1063 = arith.addi %add3A_1054, %add3A_1062 : i32
      %min3A_1064 = arith.constant 79 : i32
      %min3A_1065 = arith.minsi %add3A_1063, %min3A_1064 : i32
      %dma_start3A_1066 = arith.constant 0 : i32
      %dma_start3A_1067 = tpu.memref_slice %arg6[%min3A_1065, %dma_start3A_1066] : memref<80x128xi32, #tpu.memory_space<vmem>> -> memref<1x128xi32, #tpu.memory_space<vmem>>
      %dma_start3A_1068 = tpu.memref_squeeze %dma_start3A_1067 : memref<1x128xi32, #tpu.memory_space<vmem>> -> memref<128xi32, #tpu.memory_space<vmem>>
      %dma_start3A_1069 = arith.constant 0 : i32
      %dma_start3A_1070 = arith.constant 0 : i32
      %dma_start3A_1071 = tpu.memref_slice %arg20[%dma_start3A_1069, %dma_start3A_1070] : memref<10240x32xf32, #tpu.memory_space<vmem_shared>> -> memref<10240x32xf32, #tpu.memory_space<vmem_shared>>
      tpu.enqueue_indirect_dma source(%dma_start3A_1071 : memref<10240x32xf32, #tpu.memory_space<vmem_shared>>) target(%arg12 : memref<128x32xf32, #tpu.memory_space<vmem>>) offsets(%dma_start3A_1068 : memref<128xi32, #tpu.memory_space<vmem>>) semaphore(%arg25 : memref<!tpu.dma_semaphore, #tpu.memory_space<semaphore_mem>>)
      %dma_wait3A_1072 = arith.constant 0 : i32
      %dma_wait3A_1073 = arith.constant 0 : i32
      %dma_wait3A_1074 = tpu.memref_slice %arg6[%dma_wait3A_1072, %dma_wait3A_1073] : memref<80x128xi32, #tpu.memory_space<vmem>> -> memref<1x128xi32, #tpu.memory_space<vmem>>
      %dma_wait3A_1075 = tpu.memref_squeeze %dma_wait3A_1074 : memref<1x128xi32, #tpu.memory_space<vmem>> -> memref<128xi32, #tpu.memory_space<vmem>>
      %dma_wait3A_1076 = arith.constant 0 : i32
      %dma_wait3A_1077 = arith.constant 0 : i32
      %dma_wait3A_1078 = tpu.memref_slice %arg20[%dma_wait3A_1076, %dma_wait3A_1077] : memref<10240x32xf32, #tpu.memory_space<vmem_shared>> -> memref<10240x32xf32, #tpu.memory_space<vmem_shared>>
      tpu.wait_indirect_dma semaphore(%arg30 : memref<!tpu.dma_semaphore, #tpu.memory_space<semaphore_mem>>) src(%dma_wait3A_1078 : memref<10240x32xf32, #tpu.memory_space<vmem_shared>>) dst(%arg17 : memref<128x32xf32, #tpu.memory_space<vmem>>)
      %dma_start3A_1079 = arith.constant 0 : i32
      %dma_start3A_1080 = tpu.memref_slice %arg7[%add3A_1054, %dma_start3A_1079] : memref<80x128xi32, #tpu.memory_space<vmem>> -> memref<1x128xi32, #tpu.memory_space<vmem>>
      %dma_start3A_1081 = tpu.memref_squeeze %dma_start3A_1080 : memref<1x128xi32, #tpu.memory_space<vmem>> -> memref<128xi32, #tpu.memory_space<vmem>>
      %dma_start3A_1082 = arith.constant 0 : i32
      %dma_start3A_1083 = arith.constant 0 : i32
      %dma_start3A_1084 = tpu.memref_slice %arg19[%dma_start3A_1082, %dma_start3A_1083] : memref<10240x32xf32, #tpu.memory_space<vmem_shared>> -> memref<10240x32xf32, #tpu.memory_space<vmem_shared>>
      tpu.enqueue_indirect_dma source(%arg17 : memref<128x32xf32, #tpu.memory_space<vmem>>) target(%dma_start3A_1084 : memref<10240x32xf32, #tpu.memory_space<vmem_shared>>) offsets(%dma_start3A_1081 : memref<128xi32, #tpu.memory_space<vmem>>) semaphore(%arg40 : memref<!tpu.dma_semaphore, #tpu.memory_space<semaphore_mem>>) {add = true}
    }
    %scan3A_673 = arith.constant 7 : i32
    %dma_wait3A_674 = arith.constant 0 : i32
    %dma_wait3A_675 = arith.constant 0 : i32
    %dma_wait3A_676 = tpu.memref_slice %arg6[%dma_wait3A_674, %dma_wait3A_675] : memref<80x128xi32, #tpu.memory_space<vmem>> -> memref<1x128xi32, #tpu.memory_space<vmem>>
    %dma_wait3A_677 = tpu.memref_squeeze %dma_wait3A_676 : memref<1x128xi32, #tpu.memory_space<vmem>> -> memref<128xi32, #tpu.memory_space<vmem>>
    %dma_wait3A_678 = arith.constant 0 : i32
    %dma_wait3A_679 = arith.constant 0 : i32
    %dma_wait3A_680 = tpu.memref_slice %arg20[%dma_wait3A_678, %dma_wait3A_679] : memref<10240x32xf32, #tpu.memory_space<vmem_shared>> -> memref<10240x32xf32, #tpu.memory_space<vmem_shared>>
    tpu.wait_indirect_dma semaphore(%arg21 : memref<!tpu.dma_semaphore, #tpu.memory_space<semaphore_mem>>) src(%dma_wait3A_680 : memref<10240x32xf32, #tpu.memory_space<vmem_shared>>) dst(%arg8 : memref<128x32xf32, #tpu.memory_space<vmem>>)
    %dma_wait3A_681 = arith.constant 0 : i32
    %dma_wait3A_682 = arith.constant 0 : i32
    %dma_wait3A_683 = tpu.memref_slice %arg6[%dma_wait3A_681, %dma_wait3A_682] : memref<80x128xi32, #tpu.memory_space<vmem>> -> memref<1x128xi32, #tpu.memory_space<vmem>>
    %dma_wait3A_684 = tpu.memref_squeeze %dma_wait3A_683 : memref<1x128xi32, #tpu.memory_space<vmem>> -> memref<128xi32, #tpu.memory_space<vmem>>
    %dma_wait3A_685 = arith.constant 0 : i32
    %dma_wait3A_686 = arith.constant 0 : i32
    %dma_wait3A_687 = tpu.memref_slice %arg20[%dma_wait3A_685, %dma_wait3A_686] : memref<10240x32xf32, #tpu.memory_space<vmem_shared>> -> memref<10240x32xf32, #tpu.memory_space<vmem_shared>>
    tpu.wait_indirect_dma semaphore(%arg22 : memref<!tpu.dma_semaphore, #tpu.memory_space<semaphore_mem>>) src(%dma_wait3A_687 : memref<10240x32xf32, #tpu.memory_space<vmem_shared>>) dst(%arg9 : memref<128x32xf32, #tpu.memory_space<vmem>>)
    %dma_wait3A_688 = arith.constant 0 : i32
    %dma_wait3A_689 = arith.constant 0 : i32
    %dma_wait3A_690 = tpu.memref_slice %arg6[%dma_wait3A_688, %dma_wait3A_689] : memref<80x128xi32, #tpu.memory_space<vmem>> -> memref<1x128xi32, #tpu.memory_space<vmem>>
    %dma_wait3A_691 = tpu.memref_squeeze %dma_wait3A_690 : memref<1x128xi32, #tpu.memory_space<vmem>> -> memref<128xi32, #tpu.memory_space<vmem>>
    %dma_wait3A_692 = arith.constant 0 : i32
    %dma_wait3A_693 = arith.constant 0 : i32
    %dma_wait3A_694 = tpu.memref_slice %arg20[%dma_wait3A_692, %dma_wait3A_693] : memref<10240x32xf32, #tpu.memory_space<vmem_shared>> -> memref<10240x32xf32, #tpu.memory_space<vmem_shared>>
    tpu.wait_indirect_dma semaphore(%arg23 : memref<!tpu.dma_semaphore, #tpu.memory_space<semaphore_mem>>) src(%dma_wait3A_694 : memref<10240x32xf32, #tpu.memory_space<vmem_shared>>) dst(%arg10 : memref<128x32xf32, #tpu.memory_space<vmem>>)
    %dma_wait3A_695 = arith.constant 0 : i32
    %dma_wait3A_696 = arith.constant 0 : i32
    %dma_wait3A_697 = tpu.memref_slice %arg6[%dma_wait3A_695, %dma_wait3A_696] : memref<80x128xi32, #tpu.memory_space<vmem>> -> memref<1x128xi32, #tpu.memory_space<vmem>>
    %dma_wait3A_698 = tpu.memref_squeeze %dma_wait3A_697 : memref<1x128xi32, #tpu.memory_space<vmem>> -> memref<128xi32, #tpu.memory_space<vmem>>
    %dma_wait3A_699 = arith.constant 0 : i32
    %dma_wait3A_700 = arith.constant 0 : i32
    %dma_wait3A_701 = tpu.memref_slice %arg20[%dma_wait3A_699, %dma_wait3A_700] : memref<10240x32xf32, #tpu.memory_space<vmem_shared>> -> memref<10240x32xf32, #tpu.memory_space<vmem_shared>>
    tpu.wait_indirect_dma semaphore(%arg24 : memref<!tpu.dma_semaphore, #tpu.memory_space<semaphore_mem>>) src(%dma_wait3A_701 : memref<10240x32xf32, #tpu.memory_space<vmem_shared>>) dst(%arg11 : memref<128x32xf32, #tpu.memory_space<vmem>>)
    %dma_wait3A_702 = arith.constant 0 : i32
    %dma_wait3A_703 = arith.constant 0 : i32
    %dma_wait3A_704 = tpu.memref_slice %arg6[%dma_wait3A_702, %dma_wait3A_703] : memref<80x128xi32, #tpu.memory_space<vmem>> -> memref<1x128xi32, #tpu.memory_space<vmem>>
    %dma_wait3A_705 = tpu.memref_squeeze %dma_wait3A_704 : memref<1x128xi32, #tpu.memory_space<vmem>> -> memref<128xi32, #tpu.memory_space<vmem>>
    %dma_wait3A_706 = arith.constant 0 : i32
    %dma_wait3A_707 = arith.constant 0 : i32
    %dma_wait3A_708 = tpu.memref_slice %arg20[%dma_wait3A_706, %dma_wait3A_707] : memref<10240x32xf32, #tpu.memory_space<vmem_shared>> -> memref<10240x32xf32, #tpu.memory_space<vmem_shared>>
    tpu.wait_indirect_dma semaphore(%arg25 : memref<!tpu.dma_semaphore, #tpu.memory_space<semaphore_mem>>) src(%dma_wait3A_708 : memref<10240x32xf32, #tpu.memory_space<vmem_shared>>) dst(%arg12 : memref<128x32xf32, #tpu.memory_space<vmem>>)
    %dma_wait3A_709 = arith.constant 0 : i32
    %dma_wait3A_710 = arith.constant 0 : i32
    %dma_wait3A_711 = tpu.memref_slice %arg7[%dma_wait3A_709, %dma_wait3A_710] : memref<80x128xi32, #tpu.memory_space<vmem>> -> memref<1x128xi32, #tpu.memory_space<vmem>>
    %dma_wait3A_712 = tpu.memref_squeeze %dma_wait3A_711 : memref<1x128xi32, #tpu.memory_space<vmem>> -> memref<128xi32, #tpu.memory_space<vmem>>
    %dma_wait3A_713 = arith.constant 0 : i32
    %dma_wait3A_714 = arith.constant 0 : i32
    %dma_wait3A_715 = tpu.memref_slice %arg19[%dma_wait3A_713, %dma_wait3A_714] : memref<10240x32xf32, #tpu.memory_space<vmem_shared>> -> memref<10240x32xf32, #tpu.memory_space<vmem_shared>>
    tpu.wait_indirect_dma semaphore(%arg36 : memref<!tpu.dma_semaphore, #tpu.memory_space<semaphore_mem>>) src(%arg13 : memref<128x32xf32, #tpu.memory_space<vmem>>) dst(%dma_wait3A_715 : memref<10240x32xf32, #tpu.memory_space<vmem_shared>>)
    %dma_wait3A_716 = arith.constant 0 : i32
    %dma_wait3A_717 = arith.constant 0 : i32
    %dma_wait3A_718 = tpu.memref_slice %arg7[%dma_wait3A_716, %dma_wait3A_717] : memref<80x128xi32, #tpu.memory_space<vmem>> -> memref<1x128xi32, #tpu.memory_space<vmem>>
    %dma_wait3A_719 = tpu.memref_squeeze %dma_wait3A_718 : memref<1x128xi32, #tpu.memory_space<vmem>> -> memref<128xi32, #tpu.memory_space<vmem>>
    %dma_wait3A_720 = arith.constant 0 : i32
    %dma_wait3A_721 = arith.constant 0 : i32
    %dma_wait3A_722 = tpu.memref_slice %arg19[%dma_wait3A_720, %dma_wait3A_721] : memref<10240x32xf32, #tpu.memory_space<vmem_shared>> -> memref<10240x32xf32, #tpu.memory_space<vmem_shared>>
    tpu.wait_indirect_dma semaphore(%arg37 : memref<!tpu.dma_semaphore, #tpu.memory_space<semaphore_mem>>) src(%arg14 : memref<128x32xf32, #tpu.memory_space<vmem>>) dst(%dma_wait3A_722 : memref<10240x32xf32, #tpu.memory_space<vmem_shared>>)
    %dma_wait3A_723 = arith.constant 0 : i32
    %dma_wait3A_724 = arith.constant 0 : i32
    %dma_wait3A_725 = tpu.memref_slice %arg7[%dma_wait3A_723, %dma_wait3A_724] : memref<80x128xi32, #tpu.memory_space<vmem>> -> memref<1x128xi32, #tpu.memory_space<vmem>>
    %dma_wait3A_726 = tpu.memref_squeeze %dma_wait3A_725 : memref<1x128xi32, #tpu.memory_space<vmem>> -> memref<128xi32, #tpu.memory_space<vmem>>
    %dma_wait3A_727 = arith.constant 0 : i32
    %dma_wait3A_728 = arith.constant 0 : i32
    %dma_wait3A_729 = tpu.memref_slice %arg19[%dma_wait3A_727, %dma_wait3A_728] : memref<10240x32xf32, #tpu.memory_space<vmem_shared>> -> memref<10240x32xf32, #tpu.memory_space<vmem_shared>>
    tpu.wait_indirect_dma semaphore(%arg38 : memref<!tpu.dma_semaphore, #tpu.memory_space<semaphore_mem>>) src(%arg15 : memref<128x32xf32, #tpu.memory_space<vmem>>) dst(%dma_wait3A_729 : memref<10240x32xf32, #tpu.memory_space<vmem_shared>>)
    %dma_wait3A_730 = arith.constant 0 : i32
    %dma_wait3A_731 = arith.constant 0 : i32
    %dma_wait3A_732 = tpu.memref_slice %arg7[%dma_wait3A_730, %dma_wait3A_731] : memref<80x128xi32, #tpu.memory_space<vmem>> -> memref<1x128xi32, #tpu.memory_space<vmem>>
    %dma_wait3A_733 = tpu.memref_squeeze %dma_wait3A_732 : memref<1x128xi32, #tpu.memory_space<vmem>> -> memref<128xi32, #tpu.memory_space<vmem>>
    %dma_wait3A_734 = arith.constant 0 : i32
    %dma_wait3A_735 = arith.constant 0 : i32
    %dma_wait3A_736 = tpu.memref_slice %arg19[%dma_wait3A_734, %dma_wait3A_735] : memref<10240x32xf32, #tpu.memory_space<vmem_shared>> -> memref<10240x32xf32, #tpu.memory_space<vmem_shared>>
    tpu.wait_indirect_dma semaphore(%arg39 : memref<!tpu.dma_semaphore, #tpu.memory_space<semaphore_mem>>) src(%arg16 : memref<128x32xf32, #tpu.memory_space<vmem>>) dst(%dma_wait3A_736 : memref<10240x32xf32, #tpu.memory_space<vmem_shared>>)
    %dma_wait3A_737 = arith.constant 0 : i32
    %dma_wait3A_738 = arith.constant 0 : i32
    %dma_wait3A_739 = tpu.memref_slice %arg7[%dma_wait3A_737, %dma_wait3A_738] : memref<80x128xi32, #tpu.memory_space<vmem>> -> memref<1x128xi32, #tpu.memory_space<vmem>>
    %dma_wait3A_740 = tpu.memref_squeeze %dma_wait3A_739 : memref<1x128xi32, #tpu.memory_space<vmem>> -> memref<128xi32, #tpu.memory_space<vmem>>
    %dma_wait3A_741 = arith.constant 0 : i32
    %dma_wait3A_742 = arith.constant 0 : i32
    %dma_wait3A_743 = tpu.memref_slice %arg19[%dma_wait3A_741, %dma_wait3A_742] : memref<10240x32xf32, #tpu.memory_space<vmem_shared>> -> memref<10240x32xf32, #tpu.memory_space<vmem_shared>>
    tpu.wait_indirect_dma semaphore(%arg40 : memref<!tpu.dma_semaphore, #tpu.memory_space<semaphore_mem>>) src(%arg17 : memref<128x32xf32, #tpu.memory_space<vmem>>) dst(%dma_wait3A_743 : memref<10240x32xf32, #tpu.memory_space<vmem_shared>>)
    %barrier3A_744 = arith.constant 0 : index
    tpu.barrier barrier_id(%barrier3A_744)
    "tpu.region"() ({
      %run_scoped3A = tpu.sem_alloc : memref<!tpu.dma_semaphore, #tpu.memory_space<semaphore_mem>>
      %dma_start3A_745 = arith.constant 0 : i32
      %dma_start3A_746 = tpu.memref_slice %arg5[%arg0, %mul3A_384, %dma_start3A_745] : memref<2x10240x32xf32, #tpu.memory_space<hbm>> -> memref<1x640x32xf32, #tpu.memory_space<hbm>>
      %dma_start3A_747 = tpu.memref_squeeze %dma_start3A_746 : memref<1x640x32xf32, #tpu.memory_space<hbm>> -> memref<640x32xf32, #tpu.memory_space<hbm>>
      %dma_start3A_748 = arith.constant 0 : i32
      %dma_start3A_749 = tpu.memref_slice %arg19[%mul3A_384, %dma_start3A_748] : memref<10240x32xf32, #tpu.memory_space<vmem_shared>> -> memref<640x32xf32, #tpu.memory_space<vmem_shared>>
      tpu.enqueue_dma source(%dma_start3A_749 : memref<640x32xf32, #tpu.memory_space<vmem_shared>>) target(%dma_start3A_747 : memref<640x32xf32, #tpu.memory_space<hbm>>) target_semaphore(%run_scoped3A : memref<!tpu.dma_semaphore, #tpu.memory_space<semaphore_mem>>)
      %dma_wait3A_750 = arith.constant 0 : i32
      %dma_wait3A_751 = tpu.memref_slice %arg5[%arg0, %mul3A_384, %dma_wait3A_750] : memref<2x10240x32xf32, #tpu.memory_space<hbm>> -> memref<1x640x32xf32, #tpu.memory_space<hbm>>
      %dma_wait3A_752 = tpu.memref_squeeze %dma_wait3A_751 : memref<1x640x32xf32, #tpu.memory_space<hbm>> -> memref<640x32xf32, #tpu.memory_space<hbm>>
      %dma_wait3A_753 = arith.constant 0 : i32
      %dma_wait3A_754 = tpu.memref_slice %arg19[%mul3A_384, %dma_wait3A_753] : memref<10240x32xf32, #tpu.memory_space<vmem_shared>> -> memref<640x32xf32, #tpu.memory_space<vmem_shared>>
      tpu.wait_dma2 semaphore(%run_scoped3A : memref<!tpu.dma_semaphore, #tpu.memory_space<semaphore_mem>>) src(%dma_wait3A_754 : memref<640x32xf32, #tpu.memory_space<vmem_shared>>) dst(%dma_wait3A_752 : memref<640x32xf32, #tpu.memory_space<hbm>>)
      tpu.yield
    }) : () -> ()
    return
  }
}

#map = affine_map<(d0, d1) -> (0, 0)>
#map1 = affine_map<(d0, d1) -> (0, 0, 0)>
module attributes {stable_mosaic.version = 14 : i64} {
  func.func @edge_pass(%arg0: i32, %arg1: i32, %arg2: memref<10240x40xf32, #tpu.memory_space<hbm>>, %arg3: memref<32x80x128xi32, #tpu.memory_space<hbm>>, %arg4: memref<32x80x128xi32, #tpu.memory_space<hbm>>, %arg5: memref<2x10240x40xf32, #tpu.memory_space<hbm>>, %arg6: memref<80x128xi32, #tpu.memory_space<vmem>>, %arg7: memref<80x128xi32, #tpu.memory_space<vmem>>, %arg8: memref<128x40xf32, #tpu.memory_space<vmem>>, %arg9: memref<128x40xf32, #tpu.memory_space<vmem>>, %arg10: memref<128x40xf32, #tpu.memory_space<vmem>>, %arg11: memref<128x40xf32, #tpu.memory_space<vmem>>, %arg12: memref<128x40xf32, #tpu.memory_space<vmem>>, %arg13: memref<128x40xf32, #tpu.memory_space<vmem>>, %arg14: memref<128x40xf32, #tpu.memory_space<vmem>>, %arg15: memref<128x40xf32, #tpu.memory_space<vmem>>, %arg16: memref<128x40xf32, #tpu.memory_space<vmem>>, %arg17: memref<128x40xf32, #tpu.memory_space<vmem>>, %arg18: memref<16x40xf32, #tpu.memory_space<vmem>>, %arg19: memref<10240x40xf32, #tpu.memory_space<vmem_shared>>, %arg20: memref<10240x40xf32, #tpu.memory_space<vmem_shared>>, %arg21: memref<!tpu.dma_semaphore, #tpu.memory_space<semaphore_mem>>, %arg22: memref<!tpu.dma_semaphore, #tpu.memory_space<semaphore_mem>>, %arg23: memref<!tpu.dma_semaphore, #tpu.memory_space<semaphore_mem>>, %arg24: memref<!tpu.dma_semaphore, #tpu.memory_space<semaphore_mem>>, %arg25: memref<!tpu.dma_semaphore, #tpu.memory_space<semaphore_mem>>, %arg26: memref<!tpu.dma_semaphore, #tpu.memory_space<semaphore_mem>>, %arg27: memref<!tpu.dma_semaphore, #tpu.memory_space<semaphore_mem>>, %arg28: memref<!tpu.dma_semaphore, #tpu.memory_space<semaphore_mem>>, %arg29: memref<!tpu.dma_semaphore, #tpu.memory_space<semaphore_mem>>, %arg30: memref<!tpu.dma_semaphore, #tpu.memory_space<semaphore_mem>>, %arg31: memref<!tpu.dma_semaphore, #tpu.memory_space<semaphore_mem>>, %arg32: memref<!tpu.dma_semaphore, #tpu.memory_space<semaphore_mem>>, %arg33: memref<!tpu.dma_semaphore, #tpu.memory_space<semaphore_mem>>, %arg34: memref<!tpu.dma_semaphore, #tpu.memory_space<semaphore_mem>>, %arg35: memref<!tpu.dma_semaphore, #tpu.memory_space<semaphore_mem>>, %arg36: memref<!tpu.dma_semaphore, #tpu.memory_space<semaphore_mem>>, %arg37: memref<!tpu.dma_semaphore, #tpu.memory_space<semaphore_mem>>, %arg38: memref<!tpu.dma_semaphore, #tpu.memory_space<semaphore_mem>>, %arg39: memref<!tpu.dma_semaphore, #tpu.memory_space<semaphore_mem>>, %arg40: memref<!tpu.dma_semaphore, #tpu.memory_space<semaphore_mem>>) attributes {dimension_semantics = [#tpu.dimension_semantics<core_parallel>, #tpu.dimension_semantics<subcore_parallel>], iteration_bounds = array<i64: 2, 16>, scalar_prefetch = 0 : i64, scratch_operands = 35 : i64, tpu.core_type = #tpu.core_type<sc_vector_subcore>, window_params = [{transform_indices = #map}, {transform_indices = #map1}, {transform_indices = #map1}, {transform_indices = #map1}]} {
    %mul3A = arith.constant 2 : i32
    %mul3A_0 = arith.muli %arg1, %mul3A : i32
    %add3A = arith.addi %mul3A_0, %arg0 : i32
    %broadcast_in_dim3A = arith.constant 0.000000e+00 : f32
    %broadcast_in_dim3A_1 = vector.broadcast %broadcast_in_dim3A : f32 to vector<16xf32>
    %swap3A = arith.constant 0 : i32
    %swap3A_2 = arith.index_cast %swap3A : i32 to index
    %swap3A_3 = arith.constant 0 : index
    %swap3A_4 = tpu.vector_load %arg18[%swap3A_2, %swap3A_3] {strides = array<i32>} : memref<16x40xf32, #tpu.memory_space<vmem>>, vector<1x16xf32>,
    %swap3A_5 = vector.shape_cast %swap3A_4 : vector<1x16xf32> to vector<16xf32>
    %swap3A_6 = vector.shape_cast %broadcast_in_dim3A_1 : vector<16xf32> to vector<1x16xf32>
    tpu.vector_store %arg18[%swap3A_2, %swap3A_3], %swap3A_6 {strides = array<i32>} : memref<16x40xf32, #tpu.memory_space<vmem>>, vector<1x16xf32>,
    %broadcast_in_dim3A_7 = arith.constant 0.000000e+00 : f32
    %broadcast_in_dim3A_8 = vector.broadcast %broadcast_in_dim3A_7 : f32 to vector<16xf32>
    %swap3A_9 = arith.constant 1 : i32
    %swap3A_10 = arith.index_cast %swap3A_9 : i32 to index
    %swap3A_11 = arith.constant 0 : index
    %swap3A_12 = tpu.vector_load %arg18[%swap3A_10, %swap3A_11] {strides = array<i32>} : memref<16x40xf32, #tpu.memory_space<vmem>>, vector<1x16xf32>,
    %swap3A_13 = vector.shape_cast %swap3A_12 : vector<1x16xf32> to vector<16xf32>
    %swap3A_14 = vector.shape_cast %broadcast_in_dim3A_8 : vector<16xf32> to vector<1x16xf32>
    tpu.vector_store %arg18[%swap3A_10, %swap3A_11], %swap3A_14 {strides = array<i32>} : memref<16x40xf32, #tpu.memory_space<vmem>>, vector<1x16xf32>,
    %broadcast_in_dim3A_15 = arith.constant 0.000000e+00 : f32
    %broadcast_in_dim3A_16 = vector.broadcast %broadcast_in_dim3A_15 : f32 to vector<16xf32>
    %swap3A_17 = arith.constant 2 : i32
    %swap3A_18 = arith.index_cast %swap3A_17 : i32 to index
    %swap3A_19 = arith.constant 0 : index
    %swap3A_20 = tpu.vector_load %arg18[%swap3A_18, %swap3A_19] {strides = array<i32>} : memref<16x40xf32, #tpu.memory_space<vmem>>, vector<1x16xf32>,
    %swap3A_21 = vector.shape_cast %swap3A_20 : vector<1x16xf32> to vector<16xf32>
    %swap3A_22 = vector.shape_cast %broadcast_in_dim3A_16 : vector<16xf32> to vector<1x16xf32>
    tpu.vector_store %arg18[%swap3A_18, %swap3A_19], %swap3A_22 {strides = array<i32>} : memref<16x40xf32, #tpu.memory_space<vmem>>, vector<1x16xf32>,
    %broadcast_in_dim3A_23 = arith.constant 0.000000e+00 : f32
    %broadcast_in_dim3A_24 = vector.broadcast %broadcast_in_dim3A_23 : f32 to vector<16xf32>
    %swap3A_25 = arith.constant 3 : i32
    %swap3A_26 = arith.index_cast %swap3A_25 : i32 to index
    %swap3A_27 = arith.constant 0 : index
    %swap3A_28 = tpu.vector_load %arg18[%swap3A_26, %swap3A_27] {strides = array<i32>} : memref<16x40xf32, #tpu.memory_space<vmem>>, vector<1x16xf32>,
    %swap3A_29 = vector.shape_cast %swap3A_28 : vector<1x16xf32> to vector<16xf32>
    %swap3A_30 = vector.shape_cast %broadcast_in_dim3A_24 : vector<16xf32> to vector<1x16xf32>
    tpu.vector_store %arg18[%swap3A_26, %swap3A_27], %swap3A_30 {strides = array<i32>} : memref<16x40xf32, #tpu.memory_space<vmem>>, vector<1x16xf32>,
    %broadcast_in_dim3A_31 = arith.constant 0.000000e+00 : f32
    %broadcast_in_dim3A_32 = vector.broadcast %broadcast_in_dim3A_31 : f32 to vector<16xf32>
    %swap3A_33 = arith.constant 4 : i32
    %swap3A_34 = arith.index_cast %swap3A_33 : i32 to index
    %swap3A_35 = arith.constant 0 : index
    %swap3A_36 = tpu.vector_load %arg18[%swap3A_34, %swap3A_35] {strides = array<i32>} : memref<16x40xf32, #tpu.memory_space<vmem>>, vector<1x16xf32>,
    %swap3A_37 = vector.shape_cast %swap3A_36 : vector<1x16xf32> to vector<16xf32>
    %swap3A_38 = vector.shape_cast %broadcast_in_dim3A_32 : vector<16xf32> to vector<1x16xf32>
    tpu.vector_store %arg18[%swap3A_34, %swap3A_35], %swap3A_38 {strides = array<i32>} : memref<16x40xf32, #tpu.memory_space<vmem>>, vector<1x16xf32>,
    %broadcast_in_dim3A_39 = arith.constant 0.000000e+00 : f32
    %broadcast_in_dim3A_40 = vector.broadcast %broadcast_in_dim3A_39 : f32 to vector<16xf32>
    %swap3A_41 = arith.constant 5 : i32
    %swap3A_42 = arith.index_cast %swap3A_41 : i32 to index
    %swap3A_43 = arith.constant 0 : index
    %swap3A_44 = tpu.vector_load %arg18[%swap3A_42, %swap3A_43] {strides = array<i32>} : memref<16x40xf32, #tpu.memory_space<vmem>>, vector<1x16xf32>,
    %swap3A_45 = vector.shape_cast %swap3A_44 : vector<1x16xf32> to vector<16xf32>
    %swap3A_46 = vector.shape_cast %broadcast_in_dim3A_40 : vector<16xf32> to vector<1x16xf32>
    tpu.vector_store %arg18[%swap3A_42, %swap3A_43], %swap3A_46 {strides = array<i32>} : memref<16x40xf32, #tpu.memory_space<vmem>>, vector<1x16xf32>,
    %broadcast_in_dim3A_47 = arith.constant 0.000000e+00 : f32
    %broadcast_in_dim3A_48 = vector.broadcast %broadcast_in_dim3A_47 : f32 to vector<16xf32>
    %swap3A_49 = arith.constant 6 : i32
    %swap3A_50 = arith.index_cast %swap3A_49 : i32 to index
    %swap3A_51 = arith.constant 0 : index
    %swap3A_52 = tpu.vector_load %arg18[%swap3A_50, %swap3A_51] {strides = array<i32>} : memref<16x40xf32, #tpu.memory_space<vmem>>, vector<1x16xf32>,
    %swap3A_53 = vector.shape_cast %swap3A_52 : vector<1x16xf32> to vector<16xf32>
    %swap3A_54 = vector.shape_cast %broadcast_in_dim3A_48 : vector<16xf32> to vector<1x16xf32>
    tpu.vector_store %arg18[%swap3A_50, %swap3A_51], %swap3A_54 {strides = array<i32>} : memref<16x40xf32, #tpu.memory_space<vmem>>, vector<1x16xf32>,
    %broadcast_in_dim3A_55 = arith.constant 0.000000e+00 : f32
    %broadcast_in_dim3A_56 = vector.broadcast %broadcast_in_dim3A_55 : f32 to vector<16xf32>
    %swap3A_57 = arith.constant 7 : i32
    %swap3A_58 = arith.index_cast %swap3A_57 : i32 to index
    %swap3A_59 = arith.constant 0 : index
    %swap3A_60 = tpu.vector_load %arg18[%swap3A_58, %swap3A_59] {strides = array<i32>} : memref<16x40xf32, #tpu.memory_space<vmem>>, vector<1x16xf32>,
    %swap3A_61 = vector.shape_cast %swap3A_60 : vector<1x16xf32> to vector<16xf32>
    %swap3A_62 = vector.shape_cast %broadcast_in_dim3A_56 : vector<16xf32> to vector<1x16xf32>
    tpu.vector_store %arg18[%swap3A_58, %swap3A_59], %swap3A_62 {strides = array<i32>} : memref<16x40xf32, #tpu.memory_space<vmem>>, vector<1x16xf32>,
    %broadcast_in_dim3A_63 = arith.constant 0.000000e+00 : f32
    %broadcast_in_dim3A_64 = vector.broadcast %broadcast_in_dim3A_63 : f32 to vector<16xf32>
    %swap3A_65 = arith.constant 8 : i32
    %swap3A_66 = arith.index_cast %swap3A_65 : i32 to index
    %swap3A_67 = arith.constant 0 : index
    %swap3A_68 = tpu.vector_load %arg18[%swap3A_66, %swap3A_67] {strides = array<i32>} : memref<16x40xf32, #tpu.memory_space<vmem>>, vector<1x16xf32>,
    %swap3A_69 = vector.shape_cast %swap3A_68 : vector<1x16xf32> to vector<16xf32>
    %swap3A_70 = vector.shape_cast %broadcast_in_dim3A_64 : vector<16xf32> to vector<1x16xf32>
    tpu.vector_store %arg18[%swap3A_66, %swap3A_67], %swap3A_70 {strides = array<i32>} : memref<16x40xf32, #tpu.memory_space<vmem>>, vector<1x16xf32>,
    %broadcast_in_dim3A_71 = arith.constant 0.000000e+00 : f32
    %broadcast_in_dim3A_72 = vector.broadcast %broadcast_in_dim3A_71 : f32 to vector<16xf32>
    %swap3A_73 = arith.constant 9 : i32
    %swap3A_74 = arith.index_cast %swap3A_73 : i32 to index
    %swap3A_75 = arith.constant 0 : index
    %swap3A_76 = tpu.vector_load %arg18[%swap3A_74, %swap3A_75] {strides = array<i32>} : memref<16x40xf32, #tpu.memory_space<vmem>>, vector<1x16xf32>,
    %swap3A_77 = vector.shape_cast %swap3A_76 : vector<1x16xf32> to vector<16xf32>
    %swap3A_78 = vector.shape_cast %broadcast_in_dim3A_72 : vector<16xf32> to vector<1x16xf32>
    tpu.vector_store %arg18[%swap3A_74, %swap3A_75], %swap3A_78 {strides = array<i32>} : memref<16x40xf32, #tpu.memory_space<vmem>>, vector<1x16xf32>,
    %broadcast_in_dim3A_79 = arith.constant 0.000000e+00 : f32
    %broadcast_in_dim3A_80 = vector.broadcast %broadcast_in_dim3A_79 : f32 to vector<16xf32>
    %swap3A_81 = arith.constant 10 : i32
    %swap3A_82 = arith.index_cast %swap3A_81 : i32 to index
    %swap3A_83 = arith.constant 0 : index
    %swap3A_84 = tpu.vector_load %arg18[%swap3A_82, %swap3A_83] {strides = array<i32>} : memref<16x40xf32, #tpu.memory_space<vmem>>, vector<1x16xf32>,
    %swap3A_85 = vector.shape_cast %swap3A_84 : vector<1x16xf32> to vector<16xf32>
    %swap3A_86 = vector.shape_cast %broadcast_in_dim3A_80 : vector<16xf32> to vector<1x16xf32>
    tpu.vector_store %arg18[%swap3A_82, %swap3A_83], %swap3A_86 {strides = array<i32>} : memref<16x40xf32, #tpu.memory_space<vmem>>, vector<1x16xf32>,
    %broadcast_in_dim3A_87 = arith.constant 0.000000e+00 : f32
    %broadcast_in_dim3A_88 = vector.broadcast %broadcast_in_dim3A_87 : f32 to vector<16xf32>
    %swap3A_89 = arith.constant 11 : i32
    %swap3A_90 = arith.index_cast %swap3A_89 : i32 to index
    %swap3A_91 = arith.constant 0 : index
    %swap3A_92 = tpu.vector_load %arg18[%swap3A_90, %swap3A_91] {strides = array<i32>} : memref<16x40xf32, #tpu.memory_space<vmem>>, vector<1x16xf32>,
    %swap3A_93 = vector.shape_cast %swap3A_92 : vector<1x16xf32> to vector<16xf32>
    %swap3A_94 = vector.shape_cast %broadcast_in_dim3A_88 : vector<16xf32> to vector<1x16xf32>
    tpu.vector_store %arg18[%swap3A_90, %swap3A_91], %swap3A_94 {strides = array<i32>} : memref<16x40xf32, #tpu.memory_space<vmem>>, vector<1x16xf32>,
    %broadcast_in_dim3A_95 = arith.constant 0.000000e+00 : f32
    %broadcast_in_dim3A_96 = vector.broadcast %broadcast_in_dim3A_95 : f32 to vector<16xf32>
    %swap3A_97 = arith.constant 12 : i32
    %swap3A_98 = arith.index_cast %swap3A_97 : i32 to index
    %swap3A_99 = arith.constant 0 : index
    %swap3A_100 = tpu.vector_load %arg18[%swap3A_98, %swap3A_99] {strides = array<i32>} : memref<16x40xf32, #tpu.memory_space<vmem>>, vector<1x16xf32>,
    %swap3A_101 = vector.shape_cast %swap3A_100 : vector<1x16xf32> to vector<16xf32>
    %swap3A_102 = vector.shape_cast %broadcast_in_dim3A_96 : vector<16xf32> to vector<1x16xf32>
    tpu.vector_store %arg18[%swap3A_98, %swap3A_99], %swap3A_102 {strides = array<i32>} : memref<16x40xf32, #tpu.memory_space<vmem>>, vector<1x16xf32>,
    %broadcast_in_dim3A_103 = arith.constant 0.000000e+00 : f32
    %broadcast_in_dim3A_104 = vector.broadcast %broadcast_in_dim3A_103 : f32 to vector<16xf32>
    %swap3A_105 = arith.constant 13 : i32
    %swap3A_106 = arith.index_cast %swap3A_105 : i32 to index
    %swap3A_107 = arith.constant 0 : index
    %swap3A_108 = tpu.vector_load %arg18[%swap3A_106, %swap3A_107] {strides = array<i32>} : memref<16x40xf32, #tpu.memory_space<vmem>>, vector<1x16xf32>,
    %swap3A_109 = vector.shape_cast %swap3A_108 : vector<1x16xf32> to vector<16xf32>
    %swap3A_110 = vector.shape_cast %broadcast_in_dim3A_104 : vector<16xf32> to vector<1x16xf32>
    tpu.vector_store %arg18[%swap3A_106, %swap3A_107], %swap3A_110 {strides = array<i32>} : memref<16x40xf32, #tpu.memory_space<vmem>>, vector<1x16xf32>,
    %broadcast_in_dim3A_111 = arith.constant 0.000000e+00 : f32
    %broadcast_in_dim3A_112 = vector.broadcast %broadcast_in_dim3A_111 : f32 to vector<16xf32>
    %swap3A_113 = arith.constant 14 : i32
    %swap3A_114 = arith.index_cast %swap3A_113 : i32 to index
    %swap3A_115 = arith.constant 0 : index
    %swap3A_116 = tpu.vector_load %arg18[%swap3A_114, %swap3A_115] {strides = array<i32>} : memref<16x40xf32, #tpu.memory_space<vmem>>, vector<1x16xf32>,
    %swap3A_117 = vector.shape_cast %swap3A_116 : vector<1x16xf32> to vector<16xf32>
    %swap3A_118 = vector.shape_cast %broadcast_in_dim3A_112 : vector<16xf32> to vector<1x16xf32>
    tpu.vector_store %arg18[%swap3A_114, %swap3A_115], %swap3A_118 {strides = array<i32>} : memref<16x40xf32, #tpu.memory_space<vmem>>, vector<1x16xf32>,
    %broadcast_in_dim3A_119 = arith.constant 0.000000e+00 : f32
    %broadcast_in_dim3A_120 = vector.broadcast %broadcast_in_dim3A_119 : f32 to vector<16xf32>
    %swap3A_121 = arith.constant 15 : i32
    %swap3A_122 = arith.index_cast %swap3A_121 : i32 to index
    %swap3A_123 = arith.constant 0 : index
    %swap3A_124 = tpu.vector_load %arg18[%swap3A_122, %swap3A_123] {strides = array<i32>} : memref<16x40xf32, #tpu.memory_space<vmem>>, vector<1x16xf32>,
    %swap3A_125 = vector.shape_cast %swap3A_124 : vector<1x16xf32> to vector<16xf32>
    %swap3A_126 = vector.shape_cast %broadcast_in_dim3A_120 : vector<16xf32> to vector<1x16xf32>
    tpu.vector_store %arg18[%swap3A_122, %swap3A_123], %swap3A_126 {strides = array<i32>} : memref<16x40xf32, #tpu.memory_space<vmem>>, vector<1x16xf32>,
    %broadcast_in_dim3A_127 = arith.constant 0.000000e+00 : f32
    %broadcast_in_dim3A_128 = vector.broadcast %broadcast_in_dim3A_127 : f32 to vector<16xf32>
    %swap3A_129 = arith.constant 0 : i32
    %swap3A_130 = arith.index_cast %swap3A_129 : i32 to index
    %swap3A_131 = arith.constant 16 : index
    %swap3A_132 = tpu.vector_load %arg18[%swap3A_130, %swap3A_131] {strides = array<i32>} : memref<16x40xf32, #tpu.memory_space<vmem>>, vector<1x16xf32>,
    %swap3A_133 = vector.shape_cast %swap3A_132 : vector<1x16xf32> to vector<16xf32>
    %swap3A_134 = vector.shape_cast %broadcast_in_dim3A_128 : vector<16xf32> to vector<1x16xf32>
    tpu.vector_store %arg18[%swap3A_130, %swap3A_131], %swap3A_134 {strides = array<i32>} : memref<16x40xf32, #tpu.memory_space<vmem>>, vector<1x16xf32>,
    %broadcast_in_dim3A_135 = arith.constant 0.000000e+00 : f32
    %broadcast_in_dim3A_136 = vector.broadcast %broadcast_in_dim3A_135 : f32 to vector<16xf32>
    %swap3A_137 = arith.constant 1 : i32
    %swap3A_138 = arith.index_cast %swap3A_137 : i32 to index
    %swap3A_139 = arith.constant 16 : index
    %swap3A_140 = tpu.vector_load %arg18[%swap3A_138, %swap3A_139] {strides = array<i32>} : memref<16x40xf32, #tpu.memory_space<vmem>>, vector<1x16xf32>,
    %swap3A_141 = vector.shape_cast %swap3A_140 : vector<1x16xf32> to vector<16xf32>
    %swap3A_142 = vector.shape_cast %broadcast_in_dim3A_136 : vector<16xf32> to vector<1x16xf32>
    tpu.vector_store %arg18[%swap3A_138, %swap3A_139], %swap3A_142 {strides = array<i32>} : memref<16x40xf32, #tpu.memory_space<vmem>>, vector<1x16xf32>,
    %broadcast_in_dim3A_143 = arith.constant 0.000000e+00 : f32
    %broadcast_in_dim3A_144 = vector.broadcast %broadcast_in_dim3A_143 : f32 to vector<16xf32>
    %swap3A_145 = arith.constant 2 : i32
    %swap3A_146 = arith.index_cast %swap3A_145 : i32 to index
    %swap3A_147 = arith.constant 16 : index
    %swap3A_148 = tpu.vector_load %arg18[%swap3A_146, %swap3A_147] {strides = array<i32>} : memref<16x40xf32, #tpu.memory_space<vmem>>, vector<1x16xf32>,
    %swap3A_149 = vector.shape_cast %swap3A_148 : vector<1x16xf32> to vector<16xf32>
    %swap3A_150 = vector.shape_cast %broadcast_in_dim3A_144 : vector<16xf32> to vector<1x16xf32>
    tpu.vector_store %arg18[%swap3A_146, %swap3A_147], %swap3A_150 {strides = array<i32>} : memref<16x40xf32, #tpu.memory_space<vmem>>, vector<1x16xf32>,
    %broadcast_in_dim3A_151 = arith.constant 0.000000e+00 : f32
    %broadcast_in_dim3A_152 = vector.broadcast %broadcast_in_dim3A_151 : f32 to vector<16xf32>
    %swap3A_153 = arith.constant 3 : i32
    %swap3A_154 = arith.index_cast %swap3A_153 : i32 to index
    %swap3A_155 = arith.constant 16 : index
    %swap3A_156 = tpu.vector_load %arg18[%swap3A_154, %swap3A_155] {strides = array<i32>} : memref<16x40xf32, #tpu.memory_space<vmem>>, vector<1x16xf32>,
    %swap3A_157 = vector.shape_cast %swap3A_156 : vector<1x16xf32> to vector<16xf32>
    %swap3A_158 = vector.shape_cast %broadcast_in_dim3A_152 : vector<16xf32> to vector<1x16xf32>
    tpu.vector_store %arg18[%swap3A_154, %swap3A_155], %swap3A_158 {strides = array<i32>} : memref<16x40xf32, #tpu.memory_space<vmem>>, vector<1x16xf32>,
    %broadcast_in_dim3A_159 = arith.constant 0.000000e+00 : f32
    %broadcast_in_dim3A_160 = vector.broadcast %broadcast_in_dim3A_159 : f32 to vector<16xf32>
    %swap3A_161 = arith.constant 4 : i32
    %swap3A_162 = arith.index_cast %swap3A_161 : i32 to index
    %swap3A_163 = arith.constant 16 : index
    %swap3A_164 = tpu.vector_load %arg18[%swap3A_162, %swap3A_163] {strides = array<i32>} : memref<16x40xf32, #tpu.memory_space<vmem>>, vector<1x16xf32>,
    %swap3A_165 = vector.shape_cast %swap3A_164 : vector<1x16xf32> to vector<16xf32>
    %swap3A_166 = vector.shape_cast %broadcast_in_dim3A_160 : vector<16xf32> to vector<1x16xf32>
    tpu.vector_store %arg18[%swap3A_162, %swap3A_163], %swap3A_166 {strides = array<i32>} : memref<16x40xf32, #tpu.memory_space<vmem>>, vector<1x16xf32>,
    %broadcast_in_dim3A_167 = arith.constant 0.000000e+00 : f32
    %broadcast_in_dim3A_168 = vector.broadcast %broadcast_in_dim3A_167 : f32 to vector<16xf32>
    %swap3A_169 = arith.constant 5 : i32
    %swap3A_170 = arith.index_cast %swap3A_169 : i32 to index
    %swap3A_171 = arith.constant 16 : index
    %swap3A_172 = tpu.vector_load %arg18[%swap3A_170, %swap3A_171] {strides = array<i32>} : memref<16x40xf32, #tpu.memory_space<vmem>>, vector<1x16xf32>,
    %swap3A_173 = vector.shape_cast %swap3A_172 : vector<1x16xf32> to vector<16xf32>
    %swap3A_174 = vector.shape_cast %broadcast_in_dim3A_168 : vector<16xf32> to vector<1x16xf32>
    tpu.vector_store %arg18[%swap3A_170, %swap3A_171], %swap3A_174 {strides = array<i32>} : memref<16x40xf32, #tpu.memory_space<vmem>>, vector<1x16xf32>,
    %broadcast_in_dim3A_175 = arith.constant 0.000000e+00 : f32
    %broadcast_in_dim3A_176 = vector.broadcast %broadcast_in_dim3A_175 : f32 to vector<16xf32>
    %swap3A_177 = arith.constant 6 : i32
    %swap3A_178 = arith.index_cast %swap3A_177 : i32 to index
    %swap3A_179 = arith.constant 16 : index
    %swap3A_180 = tpu.vector_load %arg18[%swap3A_178, %swap3A_179] {strides = array<i32>} : memref<16x40xf32, #tpu.memory_space<vmem>>, vector<1x16xf32>,
    %swap3A_181 = vector.shape_cast %swap3A_180 : vector<1x16xf32> to vector<16xf32>
    %swap3A_182 = vector.shape_cast %broadcast_in_dim3A_176 : vector<16xf32> to vector<1x16xf32>
    tpu.vector_store %arg18[%swap3A_178, %swap3A_179], %swap3A_182 {strides = array<i32>} : memref<16x40xf32, #tpu.memory_space<vmem>>, vector<1x16xf32>,
    %broadcast_in_dim3A_183 = arith.constant 0.000000e+00 : f32
    %broadcast_in_dim3A_184 = vector.broadcast %broadcast_in_dim3A_183 : f32 to vector<16xf32>
    %swap3A_185 = arith.constant 7 : i32
    %swap3A_186 = arith.index_cast %swap3A_185 : i32 to index
    %swap3A_187 = arith.constant 16 : index
    %swap3A_188 = tpu.vector_load %arg18[%swap3A_186, %swap3A_187] {strides = array<i32>} : memref<16x40xf32, #tpu.memory_space<vmem>>, vector<1x16xf32>,
    %swap3A_189 = vector.shape_cast %swap3A_188 : vector<1x16xf32> to vector<16xf32>
    %swap3A_190 = vector.shape_cast %broadcast_in_dim3A_184 : vector<16xf32> to vector<1x16xf32>
    tpu.vector_store %arg18[%swap3A_186, %swap3A_187], %swap3A_190 {strides = array<i32>} : memref<16x40xf32, #tpu.memory_space<vmem>>, vector<1x16xf32>,
    %broadcast_in_dim3A_191 = arith.constant 0.000000e+00 : f32
    %broadcast_in_dim3A_192 = vector.broadcast %broadcast_in_dim3A_191 : f32 to vector<16xf32>
    %swap3A_193 = arith.constant 8 : i32
    %swap3A_194 = arith.index_cast %swap3A_193 : i32 to index
    %swap3A_195 = arith.constant 16 : index
    %swap3A_196 = tpu.vector_load %arg18[%swap3A_194, %swap3A_195] {strides = array<i32>} : memref<16x40xf32, #tpu.memory_space<vmem>>, vector<1x16xf32>,
    %swap3A_197 = vector.shape_cast %swap3A_196 : vector<1x16xf32> to vector<16xf32>
    %swap3A_198 = vector.shape_cast %broadcast_in_dim3A_192 : vector<16xf32> to vector<1x16xf32>
    tpu.vector_store %arg18[%swap3A_194, %swap3A_195], %swap3A_198 {strides = array<i32>} : memref<16x40xf32, #tpu.memory_space<vmem>>, vector<1x16xf32>,
    %broadcast_in_dim3A_199 = arith.constant 0.000000e+00 : f32
    %broadcast_in_dim3A_200 = vector.broadcast %broadcast_in_dim3A_199 : f32 to vector<16xf32>
    %swap3A_201 = arith.constant 9 : i32
    %swap3A_202 = arith.index_cast %swap3A_201 : i32 to index
    %swap3A_203 = arith.constant 16 : index
    %swap3A_204 = tpu.vector_load %arg18[%swap3A_202, %swap3A_203] {strides = array<i32>} : memref<16x40xf32, #tpu.memory_space<vmem>>, vector<1x16xf32>,
    %swap3A_205 = vector.shape_cast %swap3A_204 : vector<1x16xf32> to vector<16xf32>
    %swap3A_206 = vector.shape_cast %broadcast_in_dim3A_200 : vector<16xf32> to vector<1x16xf32>
    tpu.vector_store %arg18[%swap3A_202, %swap3A_203], %swap3A_206 {strides = array<i32>} : memref<16x40xf32, #tpu.memory_space<vmem>>, vector<1x16xf32>,
    %broadcast_in_dim3A_207 = arith.constant 0.000000e+00 : f32
    %broadcast_in_dim3A_208 = vector.broadcast %broadcast_in_dim3A_207 : f32 to vector<16xf32>
    %swap3A_209 = arith.constant 10 : i32
    %swap3A_210 = arith.index_cast %swap3A_209 : i32 to index
    %swap3A_211 = arith.constant 16 : index
    %swap3A_212 = tpu.vector_load %arg18[%swap3A_210, %swap3A_211] {strides = array<i32>} : memref<16x40xf32, #tpu.memory_space<vmem>>, vector<1x16xf32>,
    %swap3A_213 = vector.shape_cast %swap3A_212 : vector<1x16xf32> to vector<16xf32>
    %swap3A_214 = vector.shape_cast %broadcast_in_dim3A_208 : vector<16xf32> to vector<1x16xf32>
    tpu.vector_store %arg18[%swap3A_210, %swap3A_211], %swap3A_214 {strides = array<i32>} : memref<16x40xf32, #tpu.memory_space<vmem>>, vector<1x16xf32>,
    %broadcast_in_dim3A_215 = arith.constant 0.000000e+00 : f32
    %broadcast_in_dim3A_216 = vector.broadcast %broadcast_in_dim3A_215 : f32 to vector<16xf32>
    %swap3A_217 = arith.constant 11 : i32
    %swap3A_218 = arith.index_cast %swap3A_217 : i32 to index
    %swap3A_219 = arith.constant 16 : index
    %swap3A_220 = tpu.vector_load %arg18[%swap3A_218, %swap3A_219] {strides = array<i32>} : memref<16x40xf32, #tpu.memory_space<vmem>>, vector<1x16xf32>,
    %swap3A_221 = vector.shape_cast %swap3A_220 : vector<1x16xf32> to vector<16xf32>
    %swap3A_222 = vector.shape_cast %broadcast_in_dim3A_216 : vector<16xf32> to vector<1x16xf32>
    tpu.vector_store %arg18[%swap3A_218, %swap3A_219], %swap3A_222 {strides = array<i32>} : memref<16x40xf32, #tpu.memory_space<vmem>>, vector<1x16xf32>,
    %broadcast_in_dim3A_223 = arith.constant 0.000000e+00 : f32
    %broadcast_in_dim3A_224 = vector.broadcast %broadcast_in_dim3A_223 : f32 to vector<16xf32>
    %swap3A_225 = arith.constant 12 : i32
    %swap3A_226 = arith.index_cast %swap3A_225 : i32 to index
    %swap3A_227 = arith.constant 16 : index
    %swap3A_228 = tpu.vector_load %arg18[%swap3A_226, %swap3A_227] {strides = array<i32>} : memref<16x40xf32, #tpu.memory_space<vmem>>, vector<1x16xf32>,
    %swap3A_229 = vector.shape_cast %swap3A_228 : vector<1x16xf32> to vector<16xf32>
    %swap3A_230 = vector.shape_cast %broadcast_in_dim3A_224 : vector<16xf32> to vector<1x16xf32>
    tpu.vector_store %arg18[%swap3A_226, %swap3A_227], %swap3A_230 {strides = array<i32>} : memref<16x40xf32, #tpu.memory_space<vmem>>, vector<1x16xf32>,
    %broadcast_in_dim3A_231 = arith.constant 0.000000e+00 : f32
    %broadcast_in_dim3A_232 = vector.broadcast %broadcast_in_dim3A_231 : f32 to vector<16xf32>
    %swap3A_233 = arith.constant 13 : i32
    %swap3A_234 = arith.index_cast %swap3A_233 : i32 to index
    %swap3A_235 = arith.constant 16 : index
    %swap3A_236 = tpu.vector_load %arg18[%swap3A_234, %swap3A_235] {strides = array<i32>} : memref<16x40xf32, #tpu.memory_space<vmem>>, vector<1x16xf32>,
    %swap3A_237 = vector.shape_cast %swap3A_236 : vector<1x16xf32> to vector<16xf32>
    %swap3A_238 = vector.shape_cast %broadcast_in_dim3A_232 : vector<16xf32> to vector<1x16xf32>
    tpu.vector_store %arg18[%swap3A_234, %swap3A_235], %swap3A_238 {strides = array<i32>} : memref<16x40xf32, #tpu.memory_space<vmem>>, vector<1x16xf32>,
    %broadcast_in_dim3A_239 = arith.constant 0.000000e+00 : f32
    %broadcast_in_dim3A_240 = vector.broadcast %broadcast_in_dim3A_239 : f32 to vector<16xf32>
    %swap3A_241 = arith.constant 14 : i32
    %swap3A_242 = arith.index_cast %swap3A_241 : i32 to index
    %swap3A_243 = arith.constant 16 : index
    %swap3A_244 = tpu.vector_load %arg18[%swap3A_242, %swap3A_243] {strides = array<i32>} : memref<16x40xf32, #tpu.memory_space<vmem>>, vector<1x16xf32>,
    %swap3A_245 = vector.shape_cast %swap3A_244 : vector<1x16xf32> to vector<16xf32>
    %swap3A_246 = vector.shape_cast %broadcast_in_dim3A_240 : vector<16xf32> to vector<1x16xf32>
    tpu.vector_store %arg18[%swap3A_242, %swap3A_243], %swap3A_246 {strides = array<i32>} : memref<16x40xf32, #tpu.memory_space<vmem>>, vector<1x16xf32>,
    %broadcast_in_dim3A_247 = arith.constant 0.000000e+00 : f32
    %broadcast_in_dim3A_248 = vector.broadcast %broadcast_in_dim3A_247 : f32 to vector<16xf32>
    %swap3A_249 = arith.constant 15 : i32
    %swap3A_250 = arith.index_cast %swap3A_249 : i32 to index
    %swap3A_251 = arith.constant 16 : index
    %swap3A_252 = tpu.vector_load %arg18[%swap3A_250, %swap3A_251] {strides = array<i32>} : memref<16x40xf32, #tpu.memory_space<vmem>>, vector<1x16xf32>,
    %swap3A_253 = vector.shape_cast %swap3A_252 : vector<1x16xf32> to vector<16xf32>
    %swap3A_254 = vector.shape_cast %broadcast_in_dim3A_248 : vector<16xf32> to vector<1x16xf32>
    tpu.vector_store %arg18[%swap3A_250, %swap3A_251], %swap3A_254 {strides = array<i32>} : memref<16x40xf32, #tpu.memory_space<vmem>>, vector<1x16xf32>,
    %broadcast_in_dim3A_255 = arith.constant 0.000000e+00 : f32
    %broadcast_in_dim3A_256 = vector.broadcast %broadcast_in_dim3A_255 : f32 to vector<16xf32>
    %swap3A_257 = arith.constant 0 : i32
    %swap3A_258 = arith.index_cast %swap3A_257 : i32 to index
    %swap3A_259 = arith.constant 24 : index
    %swap3A_260 = tpu.vector_load %arg18[%swap3A_258, %swap3A_259] {strides = array<i32>} : memref<16x40xf32, #tpu.memory_space<vmem>>, vector<1x16xf32>,
    %swap3A_261 = vector.shape_cast %swap3A_260 : vector<1x16xf32> to vector<16xf32>
    %swap3A_262 = vector.shape_cast %broadcast_in_dim3A_256 : vector<16xf32> to vector<1x16xf32>
    tpu.vector_store %arg18[%swap3A_258, %swap3A_259], %swap3A_262 {strides = array<i32>} : memref<16x40xf32, #tpu.memory_space<vmem>>, vector<1x16xf32>,
    %broadcast_in_dim3A_263 = arith.constant 0.000000e+00 : f32
    %broadcast_in_dim3A_264 = vector.broadcast %broadcast_in_dim3A_263 : f32 to vector<16xf32>
    %swap3A_265 = arith.constant 1 : i32
    %swap3A_266 = arith.index_cast %swap3A_265 : i32 to index
    %swap3A_267 = arith.constant 24 : index
    %swap3A_268 = tpu.vector_load %arg18[%swap3A_266, %swap3A_267] {strides = array<i32>} : memref<16x40xf32, #tpu.memory_space<vmem>>, vector<1x16xf32>,
    %swap3A_269 = vector.shape_cast %swap3A_268 : vector<1x16xf32> to vector<16xf32>
    %swap3A_270 = vector.shape_cast %broadcast_in_dim3A_264 : vector<16xf32> to vector<1x16xf32>
    tpu.vector_store %arg18[%swap3A_266, %swap3A_267], %swap3A_270 {strides = array<i32>} : memref<16x40xf32, #tpu.memory_space<vmem>>, vector<1x16xf32>,
    %broadcast_in_dim3A_271 = arith.constant 0.000000e+00 : f32
    %broadcast_in_dim3A_272 = vector.broadcast %broadcast_in_dim3A_271 : f32 to vector<16xf32>
    %swap3A_273 = arith.constant 2 : i32
    %swap3A_274 = arith.index_cast %swap3A_273 : i32 to index
    %swap3A_275 = arith.constant 24 : index
    %swap3A_276 = tpu.vector_load %arg18[%swap3A_274, %swap3A_275] {strides = array<i32>} : memref<16x40xf32, #tpu.memory_space<vmem>>, vector<1x16xf32>,
    %swap3A_277 = vector.shape_cast %swap3A_276 : vector<1x16xf32> to vector<16xf32>
    %swap3A_278 = vector.shape_cast %broadcast_in_dim3A_272 : vector<16xf32> to vector<1x16xf32>
    tpu.vector_store %arg18[%swap3A_274, %swap3A_275], %swap3A_278 {strides = array<i32>} : memref<16x40xf32, #tpu.memory_space<vmem>>, vector<1x16xf32>,
    %broadcast_in_dim3A_279 = arith.constant 0.000000e+00 : f32
    %broadcast_in_dim3A_280 = vector.broadcast %broadcast_in_dim3A_279 : f32 to vector<16xf32>
    %swap3A_281 = arith.constant 3 : i32
    %swap3A_282 = arith.index_cast %swap3A_281 : i32 to index
    %swap3A_283 = arith.constant 24 : index
    %swap3A_284 = tpu.vector_load %arg18[%swap3A_282, %swap3A_283] {strides = array<i32>} : memref<16x40xf32, #tpu.memory_space<vmem>>, vector<1x16xf32>,
    %swap3A_285 = vector.shape_cast %swap3A_284 : vector<1x16xf32> to vector<16xf32>
    %swap3A_286 = vector.shape_cast %broadcast_in_dim3A_280 : vector<16xf32> to vector<1x16xf32>
    tpu.vector_store %arg18[%swap3A_282, %swap3A_283], %swap3A_286 {strides = array<i32>} : memref<16x40xf32, #tpu.memory_space<vmem>>, vector<1x16xf32>,
    %broadcast_in_dim3A_287 = arith.constant 0.000000e+00 : f32
    %broadcast_in_dim3A_288 = vector.broadcast %broadcast_in_dim3A_287 : f32 to vector<16xf32>
    %swap3A_289 = arith.constant 4 : i32
    %swap3A_290 = arith.index_cast %swap3A_289 : i32 to index
    %swap3A_291 = arith.constant 24 : index
    %swap3A_292 = tpu.vector_load %arg18[%swap3A_290, %swap3A_291] {strides = array<i32>} : memref<16x40xf32, #tpu.memory_space<vmem>>, vector<1x16xf32>,
    %swap3A_293 = vector.shape_cast %swap3A_292 : vector<1x16xf32> to vector<16xf32>
    %swap3A_294 = vector.shape_cast %broadcast_in_dim3A_288 : vector<16xf32> to vector<1x16xf32>
    tpu.vector_store %arg18[%swap3A_290, %swap3A_291], %swap3A_294 {strides = array<i32>} : memref<16x40xf32, #tpu.memory_space<vmem>>, vector<1x16xf32>,
    %broadcast_in_dim3A_295 = arith.constant 0.000000e+00 : f32
    %broadcast_in_dim3A_296 = vector.broadcast %broadcast_in_dim3A_295 : f32 to vector<16xf32>
    %swap3A_297 = arith.constant 5 : i32
    %swap3A_298 = arith.index_cast %swap3A_297 : i32 to index
    %swap3A_299 = arith.constant 24 : index
    %swap3A_300 = tpu.vector_load %arg18[%swap3A_298, %swap3A_299] {strides = array<i32>} : memref<16x40xf32, #tpu.memory_space<vmem>>, vector<1x16xf32>,
    %swap3A_301 = vector.shape_cast %swap3A_300 : vector<1x16xf32> to vector<16xf32>
    %swap3A_302 = vector.shape_cast %broadcast_in_dim3A_296 : vector<16xf32> to vector<1x16xf32>
    tpu.vector_store %arg18[%swap3A_298, %swap3A_299], %swap3A_302 {strides = array<i32>} : memref<16x40xf32, #tpu.memory_space<vmem>>, vector<1x16xf32>,
    %broadcast_in_dim3A_303 = arith.constant 0.000000e+00 : f32
    %broadcast_in_dim3A_304 = vector.broadcast %broadcast_in_dim3A_303 : f32 to vector<16xf32>
    %swap3A_305 = arith.constant 6 : i32
    %swap3A_306 = arith.index_cast %swap3A_305 : i32 to index
    %swap3A_307 = arith.constant 24 : index
    %swap3A_308 = tpu.vector_load %arg18[%swap3A_306, %swap3A_307] {strides = array<i32>} : memref<16x40xf32, #tpu.memory_space<vmem>>, vector<1x16xf32>,
    %swap3A_309 = vector.shape_cast %swap3A_308 : vector<1x16xf32> to vector<16xf32>
    %swap3A_310 = vector.shape_cast %broadcast_in_dim3A_304 : vector<16xf32> to vector<1x16xf32>
    tpu.vector_store %arg18[%swap3A_306, %swap3A_307], %swap3A_310 {strides = array<i32>} : memref<16x40xf32, #tpu.memory_space<vmem>>, vector<1x16xf32>,
    %broadcast_in_dim3A_311 = arith.constant 0.000000e+00 : f32
    %broadcast_in_dim3A_312 = vector.broadcast %broadcast_in_dim3A_311 : f32 to vector<16xf32>
    %swap3A_313 = arith.constant 7 : i32
    %swap3A_314 = arith.index_cast %swap3A_313 : i32 to index
    %swap3A_315 = arith.constant 24 : index
    %swap3A_316 = tpu.vector_load %arg18[%swap3A_314, %swap3A_315] {strides = array<i32>} : memref<16x40xf32, #tpu.memory_space<vmem>>, vector<1x16xf32>,
    %swap3A_317 = vector.shape_cast %swap3A_316 : vector<1x16xf32> to vector<16xf32>
    %swap3A_318 = vector.shape_cast %broadcast_in_dim3A_312 : vector<16xf32> to vector<1x16xf32>
    tpu.vector_store %arg18[%swap3A_314, %swap3A_315], %swap3A_318 {strides = array<i32>} : memref<16x40xf32, #tpu.memory_space<vmem>>, vector<1x16xf32>,
    %broadcast_in_dim3A_319 = arith.constant 0.000000e+00 : f32
    %broadcast_in_dim3A_320 = vector.broadcast %broadcast_in_dim3A_319 : f32 to vector<16xf32>
    %swap3A_321 = arith.constant 8 : i32
    %swap3A_322 = arith.index_cast %swap3A_321 : i32 to index
    %swap3A_323 = arith.constant 24 : index
    %swap3A_324 = tpu.vector_load %arg18[%swap3A_322, %swap3A_323] {strides = array<i32>} : memref<16x40xf32, #tpu.memory_space<vmem>>, vector<1x16xf32>,
    %swap3A_325 = vector.shape_cast %swap3A_324 : vector<1x16xf32> to vector<16xf32>
    %swap3A_326 = vector.shape_cast %broadcast_in_dim3A_320 : vector<16xf32> to vector<1x16xf32>
    tpu.vector_store %arg18[%swap3A_322, %swap3A_323], %swap3A_326 {strides = array<i32>} : memref<16x40xf32, #tpu.memory_space<vmem>>, vector<1x16xf32>,
    %broadcast_in_dim3A_327 = arith.constant 0.000000e+00 : f32
    %broadcast_in_dim3A_328 = vector.broadcast %broadcast_in_dim3A_327 : f32 to vector<16xf32>
    %swap3A_329 = arith.constant 9 : i32
    %swap3A_330 = arith.index_cast %swap3A_329 : i32 to index
    %swap3A_331 = arith.constant 24 : index
    %swap3A_332 = tpu.vector_load %arg18[%swap3A_330, %swap3A_331] {strides = array<i32>} : memref<16x40xf32, #tpu.memory_space<vmem>>, vector<1x16xf32>,
    %swap3A_333 = vector.shape_cast %swap3A_332 : vector<1x16xf32> to vector<16xf32>
    %swap3A_334 = vector.shape_cast %broadcast_in_dim3A_328 : vector<16xf32> to vector<1x16xf32>
    tpu.vector_store %arg18[%swap3A_330, %swap3A_331], %swap3A_334 {strides = array<i32>} : memref<16x40xf32, #tpu.memory_space<vmem>>, vector<1x16xf32>,
    %broadcast_in_dim3A_335 = arith.constant 0.000000e+00 : f32
    %broadcast_in_dim3A_336 = vector.broadcast %broadcast_in_dim3A_335 : f32 to vector<16xf32>
    %swap3A_337 = arith.constant 10 : i32
    %swap3A_338 = arith.index_cast %swap3A_337 : i32 to index
    %swap3A_339 = arith.constant 24 : index
    %swap3A_340 = tpu.vector_load %arg18[%swap3A_338, %swap3A_339] {strides = array<i32>} : memref<16x40xf32, #tpu.memory_space<vmem>>, vector<1x16xf32>,
    %swap3A_341 = vector.shape_cast %swap3A_340 : vector<1x16xf32> to vector<16xf32>
    %swap3A_342 = vector.shape_cast %broadcast_in_dim3A_336 : vector<16xf32> to vector<1x16xf32>
    tpu.vector_store %arg18[%swap3A_338, %swap3A_339], %swap3A_342 {strides = array<i32>} : memref<16x40xf32, #tpu.memory_space<vmem>>, vector<1x16xf32>,
    %broadcast_in_dim3A_343 = arith.constant 0.000000e+00 : f32
    %broadcast_in_dim3A_344 = vector.broadcast %broadcast_in_dim3A_343 : f32 to vector<16xf32>
    %swap3A_345 = arith.constant 11 : i32
    %swap3A_346 = arith.index_cast %swap3A_345 : i32 to index
    %swap3A_347 = arith.constant 24 : index
    %swap3A_348 = tpu.vector_load %arg18[%swap3A_346, %swap3A_347] {strides = array<i32>} : memref<16x40xf32, #tpu.memory_space<vmem>>, vector<1x16xf32>,
    %swap3A_349 = vector.shape_cast %swap3A_348 : vector<1x16xf32> to vector<16xf32>
    %swap3A_350 = vector.shape_cast %broadcast_in_dim3A_344 : vector<16xf32> to vector<1x16xf32>
    tpu.vector_store %arg18[%swap3A_346, %swap3A_347], %swap3A_350 {strides = array<i32>} : memref<16x40xf32, #tpu.memory_space<vmem>>, vector<1x16xf32>,
    %broadcast_in_dim3A_351 = arith.constant 0.000000e+00 : f32
    %broadcast_in_dim3A_352 = vector.broadcast %broadcast_in_dim3A_351 : f32 to vector<16xf32>
    %swap3A_353 = arith.constant 12 : i32
    %swap3A_354 = arith.index_cast %swap3A_353 : i32 to index
    %swap3A_355 = arith.constant 24 : index
    %swap3A_356 = tpu.vector_load %arg18[%swap3A_354, %swap3A_355] {strides = array<i32>} : memref<16x40xf32, #tpu.memory_space<vmem>>, vector<1x16xf32>,
    %swap3A_357 = vector.shape_cast %swap3A_356 : vector<1x16xf32> to vector<16xf32>
    %swap3A_358 = vector.shape_cast %broadcast_in_dim3A_352 : vector<16xf32> to vector<1x16xf32>
    tpu.vector_store %arg18[%swap3A_354, %swap3A_355], %swap3A_358 {strides = array<i32>} : memref<16x40xf32, #tpu.memory_space<vmem>>, vector<1x16xf32>,
    %broadcast_in_dim3A_359 = arith.constant 0.000000e+00 : f32
    %broadcast_in_dim3A_360 = vector.broadcast %broadcast_in_dim3A_359 : f32 to vector<16xf32>
    %swap3A_361 = arith.constant 13 : i32
    %swap3A_362 = arith.index_cast %swap3A_361 : i32 to index
    %swap3A_363 = arith.constant 24 : index
    %swap3A_364 = tpu.vector_load %arg18[%swap3A_362, %swap3A_363] {strides = array<i32>} : memref<16x40xf32, #tpu.memory_space<vmem>>, vector<1x16xf32>,
    %swap3A_365 = vector.shape_cast %swap3A_364 : vector<1x16xf32> to vector<16xf32>
    %swap3A_366 = vector.shape_cast %broadcast_in_dim3A_360 : vector<16xf32> to vector<1x16xf32>
    tpu.vector_store %arg18[%swap3A_362, %swap3A_363], %swap3A_366 {strides = array<i32>} : memref<16x40xf32, #tpu.memory_space<vmem>>, vector<1x16xf32>,
    %broadcast_in_dim3A_367 = arith.constant 0.000000e+00 : f32
    %broadcast_in_dim3A_368 = vector.broadcast %broadcast_in_dim3A_367 : f32 to vector<16xf32>
    %swap3A_369 = arith.constant 14 : i32
    %swap3A_370 = arith.index_cast %swap3A_369 : i32 to index
    %swap3A_371 = arith.constant 24 : index
    %swap3A_372 = tpu.vector_load %arg18[%swap3A_370, %swap3A_371] {strides = array<i32>} : memref<16x40xf32, #tpu.memory_space<vmem>>, vector<1x16xf32>,
    %swap3A_373 = vector.shape_cast %swap3A_372 : vector<1x16xf32> to vector<16xf32>
    %swap3A_374 = vector.shape_cast %broadcast_in_dim3A_368 : vector<16xf32> to vector<1x16xf32>
    tpu.vector_store %arg18[%swap3A_370, %swap3A_371], %swap3A_374 {strides = array<i32>} : memref<16x40xf32, #tpu.memory_space<vmem>>, vector<1x16xf32>,
    %broadcast_in_dim3A_375 = arith.constant 0.000000e+00 : f32
    %broadcast_in_dim3A_376 = vector.broadcast %broadcast_in_dim3A_375 : f32 to vector<16xf32>
    %swap3A_377 = arith.constant 15 : i32
    %swap3A_378 = arith.index_cast %swap3A_377 : i32 to index
    %swap3A_379 = arith.constant 24 : index
    %swap3A_380 = tpu.vector_load %arg18[%swap3A_378, %swap3A_379] {strides = array<i32>} : memref<16x40xf32, #tpu.memory_space<vmem>>, vector<1x16xf32>,
    %swap3A_381 = vector.shape_cast %swap3A_380 : vector<1x16xf32> to vector<16xf32>
    %swap3A_382 = vector.shape_cast %broadcast_in_dim3A_376 : vector<16xf32> to vector<1x16xf32>
    tpu.vector_store %arg18[%swap3A_378, %swap3A_379], %swap3A_382 {strides = array<i32>} : memref<16x40xf32, #tpu.memory_space<vmem>>, vector<1x16xf32>,
    %mul3A_383 = arith.constant 640 : i32
    %mul3A_384 = arith.muli %arg1, %mul3A_383 : i32
    %scan3A = arith.constant 0 : i32
    %scan3A_385 = arith.constant 0 : i32
    %scan3A_386 = arith.constant 40 : i32
    %scan3A_387 = arith.addi %scan3A_385, %scan3A_386 : i32
    %scan3A_388 = arith.constant 1 : i32
    scf.for %scan3A_745 = %scan3A_385 to %scan3A_387 step %scan3A_388  : i32 {
      %mul3A_746 = arith.constant 16 : i32
      %mul3A_747 = arith.muli %scan3A_745, %mul3A_746 : i32
      %add3A_748 = arith.addi %mul3A_384, %mul3A_747 : i32
      "tpu.region"() ({
        %run_scoped3A = tpu.sem_alloc : memref<!tpu.dma_semaphore, #tpu.memory_space<semaphore_mem>>
        %dma_start3A_749 = arith.constant 0 : i32
        %dma_start3A_750 = tpu.memref_slice %arg19[%add3A_748, %dma_start3A_749] : memref<10240x40xf32, #tpu.memory_space<vmem_shared>> -> memref<16x40xf32, #tpu.memory_space<vmem_shared>>
        %dma_start3A_751 = arith.constant 0 : i32
        %dma_start3A_752 = tpu.memref_slice %arg19[%add3A_748, %dma_start3A_751] : memref<10240x40xf32, #tpu.memory_space<vmem_shared>> -> memref<16x40xf32, #tpu.memory_space<vmem_shared>>
        tpu.enqueue_dma source(%arg18 : memref<16x40xf32, #tpu.memory_space<vmem>>) target(%dma_start3A_752 : memref<16x40xf32, #tpu.memory_space<vmem_shared>>) target_semaphore(%run_scoped3A : memref<!tpu.dma_semaphore, #tpu.memory_space<semaphore_mem>>)
        %dma_wait3A_753 = arith.constant 0 : i32
        %dma_wait3A_754 = tpu.memref_slice %arg19[%add3A_748, %dma_wait3A_753] : memref<10240x40xf32, #tpu.memory_space<vmem_shared>> -> memref<16x40xf32, #tpu.memory_space<vmem_shared>>
        %dma_wait3A_755 = arith.constant 0 : i32
        %dma_wait3A_756 = tpu.memref_slice %arg19[%add3A_748, %dma_wait3A_755] : memref<10240x40xf32, #tpu.memory_space<vmem_shared>> -> memref<16x40xf32, #tpu.memory_space<vmem_shared>>
        tpu.wait_dma2 semaphore(%run_scoped3A : memref<!tpu.dma_semaphore, #tpu.memory_space<semaphore_mem>>) src(%arg18 : memref<16x40xf32, #tpu.memory_space<vmem>>) dst(%dma_wait3A_756 : memref<16x40xf32, #tpu.memory_space<vmem_shared>>)
        tpu.yield
      }) : () -> ()
    }
    %scan3A_389 = arith.constant 40 : i32
    "tpu.region"() ({
      %run_scoped3A = tpu.sem_alloc : memref<!tpu.dma_semaphore, #tpu.memory_space<semaphore_mem>>
      %dma_start3A_745 = arith.constant 0 : i32
      %dma_start3A_746 = arith.constant 0 : i32
      %dma_start3A_747 = tpu.memref_slice %arg3[%add3A, %dma_start3A_745, %dma_start3A_746] : memref<32x80x128xi32, #tpu.memory_space<hbm>> -> memref<1x80x128xi32, #tpu.memory_space<hbm>>
      %dma_start3A_748 = tpu.memref_squeeze %dma_start3A_747 : memref<1x80x128xi32, #tpu.memory_space<hbm>> -> memref<80x128xi32, #tpu.memory_space<hbm>>
      %dma_start3A_749 = arith.constant 0 : i32
      %dma_start3A_750 = arith.constant 0 : i32
      %dma_start3A_751 = tpu.memref_slice %arg3[%add3A, %dma_start3A_749, %dma_start3A_750] : memref<32x80x128xi32, #tpu.memory_space<hbm>> -> memref<1x80x128xi32, #tpu.memory_space<hbm>>
      %dma_start3A_752 = tpu.memref_squeeze %dma_start3A_751 : memref<1x80x128xi32, #tpu.memory_space<hbm>> -> memref<80x128xi32, #tpu.memory_space<hbm>>
      tpu.enqueue_dma source(%dma_start3A_752 : memref<80x128xi32, #tpu.memory_space<hbm>>) target(%arg6 : memref<80x128xi32, #tpu.memory_space<vmem>>) target_semaphore(%run_scoped3A : memref<!tpu.dma_semaphore, #tpu.memory_space<semaphore_mem>>)
      %dma_wait3A_753 = arith.constant 0 : i32
      %dma_wait3A_754 = arith.constant 0 : i32
      %dma_wait3A_755 = tpu.memref_slice %arg3[%add3A, %dma_wait3A_753, %dma_wait3A_754] : memref<32x80x128xi32, #tpu.memory_space<hbm>> -> memref<1x80x128xi32, #tpu.memory_space<hbm>>
      %dma_wait3A_756 = tpu.memref_squeeze %dma_wait3A_755 : memref<1x80x128xi32, #tpu.memory_space<hbm>> -> memref<80x128xi32, #tpu.memory_space<hbm>>
      %dma_wait3A_757 = arith.constant 0 : i32
      %dma_wait3A_758 = arith.constant 0 : i32
      %dma_wait3A_759 = tpu.memref_slice %arg3[%add3A, %dma_wait3A_757, %dma_wait3A_758] : memref<32x80x128xi32, #tpu.memory_space<hbm>> -> memref<1x80x128xi32, #tpu.memory_space<hbm>>
      %dma_wait3A_760 = tpu.memref_squeeze %dma_wait3A_759 : memref<1x80x128xi32, #tpu.memory_space<hbm>> -> memref<80x128xi32, #tpu.memory_space<hbm>>
      tpu.wait_dma2 semaphore(%run_scoped3A : memref<!tpu.dma_semaphore, #tpu.memory_space<semaphore_mem>>) src(%dma_wait3A_760 : memref<80x128xi32, #tpu.memory_space<hbm>>) dst(%arg6 : memref<80x128xi32, #tpu.memory_space<vmem>>)
      tpu.yield
    }) : () -> ()
    "tpu.region"() ({
      %run_scoped3A = tpu.sem_alloc : memref<!tpu.dma_semaphore, #tpu.memory_space<semaphore_mem>>
      %dma_start3A_745 = arith.constant 0 : i32
      %dma_start3A_746 = arith.constant 0 : i32
      %dma_start3A_747 = tpu.memref_slice %arg4[%add3A, %dma_start3A_745, %dma_start3A_746] : memref<32x80x128xi32, #tpu.memory_space<hbm>> -> memref<1x80x128xi32, #tpu.memory_space<hbm>>
      %dma_start3A_748 = tpu.memref_squeeze %dma_start3A_747 : memref<1x80x128xi32, #tpu.memory_space<hbm>> -> memref<80x128xi32, #tpu.memory_space<hbm>>
      %dma_start3A_749 = arith.constant 0 : i32
      %dma_start3A_750 = arith.constant 0 : i32
      %dma_start3A_751 = tpu.memref_slice %arg4[%add3A, %dma_start3A_749, %dma_start3A_750] : memref<32x80x128xi32, #tpu.memory_space<hbm>> -> memref<1x80x128xi32, #tpu.memory_space<hbm>>
      %dma_start3A_752 = tpu.memref_squeeze %dma_start3A_751 : memref<1x80x128xi32, #tpu.memory_space<hbm>> -> memref<80x128xi32, #tpu.memory_space<hbm>>
      tpu.enqueue_dma source(%dma_start3A_752 : memref<80x128xi32, #tpu.memory_space<hbm>>) target(%arg7 : memref<80x128xi32, #tpu.memory_space<vmem>>) target_semaphore(%run_scoped3A : memref<!tpu.dma_semaphore, #tpu.memory_space<semaphore_mem>>)
      %dma_wait3A_753 = arith.constant 0 : i32
      %dma_wait3A_754 = arith.constant 0 : i32
      %dma_wait3A_755 = tpu.memref_slice %arg4[%add3A, %dma_wait3A_753, %dma_wait3A_754] : memref<32x80x128xi32, #tpu.memory_space<hbm>> -> memref<1x80x128xi32, #tpu.memory_space<hbm>>
      %dma_wait3A_756 = tpu.memref_squeeze %dma_wait3A_755 : memref<1x80x128xi32, #tpu.memory_space<hbm>> -> memref<80x128xi32, #tpu.memory_space<hbm>>
      %dma_wait3A_757 = arith.constant 0 : i32
      %dma_wait3A_758 = arith.constant 0 : i32
      %dma_wait3A_759 = tpu.memref_slice %arg4[%add3A, %dma_wait3A_757, %dma_wait3A_758] : memref<32x80x128xi32, #tpu.memory_space<hbm>> -> memref<1x80x128xi32, #tpu.memory_space<hbm>>
      %dma_wait3A_760 = tpu.memref_squeeze %dma_wait3A_759 : memref<1x80x128xi32, #tpu.memory_space<hbm>> -> memref<80x128xi32, #tpu.memory_space<hbm>>
      tpu.wait_dma2 semaphore(%run_scoped3A : memref<!tpu.dma_semaphore, #tpu.memory_space<semaphore_mem>>) src(%dma_wait3A_760 : memref<80x128xi32, #tpu.memory_space<hbm>>) dst(%arg7 : memref<80x128xi32, #tpu.memory_space<vmem>>)
      tpu.yield
    }) : () -> ()
    "tpu.region"() ({
      %run_scoped3A = tpu.sem_alloc : memref<!tpu.dma_semaphore, #tpu.memory_space<semaphore_mem>>
      %dma_start3A_745 = arith.constant 0 : i32
      %dma_start3A_746 = tpu.memref_slice %arg20[%mul3A_384, %dma_start3A_745] : memref<10240x40xf32, #tpu.memory_space<vmem_shared>> -> memref<640x40xf32, #tpu.memory_space<vmem_shared>>
      %dma_start3A_747 = arith.constant 0 : i32
      %dma_start3A_748 = tpu.memref_slice %arg2[%mul3A_384, %dma_start3A_747] : memref<10240x40xf32, #tpu.memory_space<hbm>> -> memref<640x40xf32, #tpu.memory_space<hbm>>
      tpu.enqueue_dma source(%dma_start3A_748 : memref<640x40xf32, #tpu.memory_space<hbm>>) target(%dma_start3A_746 : memref<640x40xf32, #tpu.memory_space<vmem_shared>>) target_semaphore(%run_scoped3A : memref<!tpu.dma_semaphore, #tpu.memory_space<semaphore_mem>>)
      %dma_wait3A_749 = arith.constant 0 : i32
      %dma_wait3A_750 = tpu.memref_slice %arg20[%mul3A_384, %dma_wait3A_749] : memref<10240x40xf32, #tpu.memory_space<vmem_shared>> -> memref<640x40xf32, #tpu.memory_space<vmem_shared>>
      %dma_wait3A_751 = arith.constant 0 : i32
      %dma_wait3A_752 = tpu.memref_slice %arg2[%mul3A_384, %dma_wait3A_751] : memref<10240x40xf32, #tpu.memory_space<hbm>> -> memref<640x40xf32, #tpu.memory_space<hbm>>
      tpu.wait_dma2 semaphore(%run_scoped3A : memref<!tpu.dma_semaphore, #tpu.memory_space<semaphore_mem>>) src(%dma_wait3A_752 : memref<640x40xf32, #tpu.memory_space<hbm>>) dst(%dma_wait3A_750 : memref<640x40xf32, #tpu.memory_space<vmem_shared>>)
      tpu.yield
    }) : () -> ()
    %barrier3A = arith.constant 0 : index
    tpu.barrier barrier_id(%barrier3A)
    %dma_start3A = arith.constant 0 : i32
    %dma_start3A_390 = arith.constant 0 : i32
    %dma_start3A_391 = tpu.memref_slice %arg6[%dma_start3A, %dma_start3A_390] : memref<80x128xi32, #tpu.memory_space<vmem>> -> memref<1x128xi32, #tpu.memory_space<vmem>>
    %dma_start3A_392 = tpu.memref_squeeze %dma_start3A_391 : memref<1x128xi32, #tpu.memory_space<vmem>> -> memref<128xi32, #tpu.memory_space<vmem>>
    %dma_start3A_393 = arith.constant 0 : i32
    %dma_start3A_394 = arith.constant 0 : i32
    %dma_start3A_395 = tpu.memref_slice %arg20[%dma_start3A_393, %dma_start3A_394] : memref<10240x40xf32, #tpu.memory_space<vmem_shared>> -> memref<10240x40xf32, #tpu.memory_space<vmem_shared>>
    tpu.enqueue_indirect_dma source(%dma_start3A_395 : memref<10240x40xf32, #tpu.memory_space<vmem_shared>>) target(%arg8 : memref<128x40xf32, #tpu.memory_space<vmem>>) offsets(%dma_start3A_392 : memref<128xi32, #tpu.memory_space<vmem>>) semaphore(%arg21 : memref<!tpu.dma_semaphore, #tpu.memory_space<semaphore_mem>>)
    %dma_start3A_396 = arith.constant 1 : i32
    %dma_start3A_397 = arith.constant 0 : i32
    %dma_start3A_398 = tpu.memref_slice %arg6[%dma_start3A_396, %dma_start3A_397] : memref<80x128xi32, #tpu.memory_space<vmem>> -> memref<1x128xi32, #tpu.memory_space<vmem>>
    %dma_start3A_399 = tpu.memref_squeeze %dma_start3A_398 : memref<1x128xi32, #tpu.memory_space<vmem>> -> memref<128xi32, #tpu.memory_space<vmem>>
    %dma_start3A_400 = arith.constant 0 : i32
    %dma_start3A_401 = arith.constant 0 : i32
    %dma_start3A_402 = tpu.memref_slice %arg20[%dma_start3A_400, %dma_start3A_401] : memref<10240x40xf32, #tpu.memory_space<vmem_shared>> -> memref<10240x40xf32, #tpu.memory_space<vmem_shared>>
    tpu.enqueue_indirect_dma source(%dma_start3A_402 : memref<10240x40xf32, #tpu.memory_space<vmem_shared>>) target(%arg9 : memref<128x40xf32, #tpu.memory_space<vmem>>) offsets(%dma_start3A_399 : memref<128xi32, #tpu.memory_space<vmem>>) semaphore(%arg22 : memref<!tpu.dma_semaphore, #tpu.memory_space<semaphore_mem>>)
    %dma_start3A_403 = arith.constant 2 : i32
    %dma_start3A_404 = arith.constant 0 : i32
    %dma_start3A_405 = tpu.memref_slice %arg6[%dma_start3A_403, %dma_start3A_404] : memref<80x128xi32, #tpu.memory_space<vmem>> -> memref<1x128xi32, #tpu.memory_space<vmem>>
    %dma_start3A_406 = tpu.memref_squeeze %dma_start3A_405 : memref<1x128xi32, #tpu.memory_space<vmem>> -> memref<128xi32, #tpu.memory_space<vmem>>
    %dma_start3A_407 = arith.constant 0 : i32
    %dma_start3A_408 = arith.constant 0 : i32
    %dma_start3A_409 = tpu.memref_slice %arg20[%dma_start3A_407, %dma_start3A_408] : memref<10240x40xf32, #tpu.memory_space<vmem_shared>> -> memref<10240x40xf32, #tpu.memory_space<vmem_shared>>
    tpu.enqueue_indirect_dma source(%dma_start3A_409 : memref<10240x40xf32, #tpu.memory_space<vmem_shared>>) target(%arg10 : memref<128x40xf32, #tpu.memory_space<vmem>>) offsets(%dma_start3A_406 : memref<128xi32, #tpu.memory_space<vmem>>) semaphore(%arg23 : memref<!tpu.dma_semaphore, #tpu.memory_space<semaphore_mem>>)
    %dma_start3A_410 = arith.constant 3 : i32
    %dma_start3A_411 = arith.constant 0 : i32
    %dma_start3A_412 = tpu.memref_slice %arg6[%dma_start3A_410, %dma_start3A_411] : memref<80x128xi32, #tpu.memory_space<vmem>> -> memref<1x128xi32, #tpu.memory_space<vmem>>
    %dma_start3A_413 = tpu.memref_squeeze %dma_start3A_412 : memref<1x128xi32, #tpu.memory_space<vmem>> -> memref<128xi32, #tpu.memory_space<vmem>>
    %dma_start3A_414 = arith.constant 0 : i32
    %dma_start3A_415 = arith.constant 0 : i32
    %dma_start3A_416 = tpu.memref_slice %arg20[%dma_start3A_414, %dma_start3A_415] : memref<10240x40xf32, #tpu.memory_space<vmem_shared>> -> memref<10240x40xf32, #tpu.memory_space<vmem_shared>>
    tpu.enqueue_indirect_dma source(%dma_start3A_416 : memref<10240x40xf32, #tpu.memory_space<vmem_shared>>) target(%arg11 : memref<128x40xf32, #tpu.memory_space<vmem>>) offsets(%dma_start3A_413 : memref<128xi32, #tpu.memory_space<vmem>>) semaphore(%arg24 : memref<!tpu.dma_semaphore, #tpu.memory_space<semaphore_mem>>)
    %dma_start3A_417 = arith.constant 4 : i32
    %dma_start3A_418 = arith.constant 0 : i32
    %dma_start3A_419 = tpu.memref_slice %arg6[%dma_start3A_417, %dma_start3A_418] : memref<80x128xi32, #tpu.memory_space<vmem>> -> memref<1x128xi32, #tpu.memory_space<vmem>>
    %dma_start3A_420 = tpu.memref_squeeze %dma_start3A_419 : memref<1x128xi32, #tpu.memory_space<vmem>> -> memref<128xi32, #tpu.memory_space<vmem>>
    %dma_start3A_421 = arith.constant 0 : i32
    %dma_start3A_422 = arith.constant 0 : i32
    %dma_start3A_423 = tpu.memref_slice %arg20[%dma_start3A_421, %dma_start3A_422] : memref<10240x40xf32, #tpu.memory_space<vmem_shared>> -> memref<10240x40xf32, #tpu.memory_space<vmem_shared>>
    tpu.enqueue_indirect_dma source(%dma_start3A_423 : memref<10240x40xf32, #tpu.memory_space<vmem_shared>>) target(%arg12 : memref<128x40xf32, #tpu.memory_space<vmem>>) offsets(%dma_start3A_420 : memref<128xi32, #tpu.memory_space<vmem>>) semaphore(%arg25 : memref<!tpu.dma_semaphore, #tpu.memory_space<semaphore_mem>>)
    %dma_start3A_424 = arith.constant 5 : i32
    %dma_start3A_425 = arith.constant 0 : i32
    %dma_start3A_426 = tpu.memref_slice %arg6[%dma_start3A_424, %dma_start3A_425] : memref<80x128xi32, #tpu.memory_space<vmem>> -> memref<1x128xi32, #tpu.memory_space<vmem>>
    %dma_start3A_427 = tpu.memref_squeeze %dma_start3A_426 : memref<1x128xi32, #tpu.memory_space<vmem>> -> memref<128xi32, #tpu.memory_space<vmem>>
    %dma_start3A_428 = arith.constant 0 : i32
    %dma_start3A_429 = arith.constant 0 : i32
    %dma_start3A_430 = tpu.memref_slice %arg20[%dma_start3A_428, %dma_start3A_429] : memref<10240x40xf32, #tpu.memory_space<vmem_shared>> -> memref<10240x40xf32, #tpu.memory_space<vmem_shared>>
    tpu.enqueue_indirect_dma source(%dma_start3A_430 : memref<10240x40xf32, #tpu.memory_space<vmem_shared>>) target(%arg13 : memref<128x40xf32, #tpu.memory_space<vmem>>) offsets(%dma_start3A_427 : memref<128xi32, #tpu.memory_space<vmem>>) semaphore(%arg26 : memref<!tpu.dma_semaphore, #tpu.memory_space<semaphore_mem>>)
    %dma_wait3A = arith.constant 0 : i32
    %dma_wait3A_431 = arith.constant 0 : i32
    %dma_wait3A_432 = tpu.memref_slice %arg6[%dma_wait3A, %dma_wait3A_431] : memref<80x128xi32, #tpu.memory_space<vmem>> -> memref<1x128xi32, #tpu.memory_space<vmem>>
    %dma_wait3A_433 = tpu.memref_squeeze %dma_wait3A_432 : memref<1x128xi32, #tpu.memory_space<vmem>> -> memref<128xi32, #tpu.memory_space<vmem>>
    %dma_wait3A_434 = arith.constant 0 : i32
    %dma_wait3A_435 = arith.constant 0 : i32
    %dma_wait3A_436 = tpu.memref_slice %arg20[%dma_wait3A_434, %dma_wait3A_435] : memref<10240x40xf32, #tpu.memory_space<vmem_shared>> -> memref<10240x40xf32, #tpu.memory_space<vmem_shared>>
    tpu.wait_indirect_dma semaphore(%arg21 : memref<!tpu.dma_semaphore, #tpu.memory_space<semaphore_mem>>) src(%dma_wait3A_436 : memref<10240x40xf32, #tpu.memory_space<vmem_shared>>) dst(%arg8 : memref<128x40xf32, #tpu.memory_space<vmem>>)
    %dma_start3A_437 = arith.constant 0 : i32
    %dma_start3A_438 = arith.constant 0 : i32
    %dma_start3A_439 = tpu.memref_slice %arg7[%dma_start3A_437, %dma_start3A_438] : memref<80x128xi32, #tpu.memory_space<vmem>> -> memref<1x128xi32, #tpu.memory_space<vmem>>
    %dma_start3A_440 = tpu.memref_squeeze %dma_start3A_439 : memref<1x128xi32, #tpu.memory_space<vmem>> -> memref<128xi32, #tpu.memory_space<vmem>>
    %dma_start3A_441 = arith.constant 0 : i32
    %dma_start3A_442 = arith.constant 0 : i32
    %dma_start3A_443 = tpu.memref_slice %arg19[%dma_start3A_441, %dma_start3A_442] : memref<10240x40xf32, #tpu.memory_space<vmem_shared>> -> memref<10240x40xf32, #tpu.memory_space<vmem_shared>>
    tpu.enqueue_indirect_dma source(%arg8 : memref<128x40xf32, #tpu.memory_space<vmem>>) target(%dma_start3A_443 : memref<10240x40xf32, #tpu.memory_space<vmem_shared>>) offsets(%dma_start3A_440 : memref<128xi32, #tpu.memory_space<vmem>>) semaphore(%arg31 : memref<!tpu.dma_semaphore, #tpu.memory_space<semaphore_mem>>) {add = true}
    %dma_start3A_444 = arith.constant 6 : i32
    %dma_start3A_445 = arith.constant 0 : i32
    %dma_start3A_446 = tpu.memref_slice %arg6[%dma_start3A_444, %dma_start3A_445] : memref<80x128xi32, #tpu.memory_space<vmem>> -> memref<1x128xi32, #tpu.memory_space<vmem>>
    %dma_start3A_447 = tpu.memref_squeeze %dma_start3A_446 : memref<1x128xi32, #tpu.memory_space<vmem>> -> memref<128xi32, #tpu.memory_space<vmem>>
    %dma_start3A_448 = arith.constant 0 : i32
    %dma_start3A_449 = arith.constant 0 : i32
    %dma_start3A_450 = tpu.memref_slice %arg20[%dma_start3A_448, %dma_start3A_449] : memref<10240x40xf32, #tpu.memory_space<vmem_shared>> -> memref<10240x40xf32, #tpu.memory_space<vmem_shared>>
    tpu.enqueue_indirect_dma source(%dma_start3A_450 : memref<10240x40xf32, #tpu.memory_space<vmem_shared>>) target(%arg14 : memref<128x40xf32, #tpu.memory_space<vmem>>) offsets(%dma_start3A_447 : memref<128xi32, #tpu.memory_space<vmem>>) semaphore(%arg27 : memref<!tpu.dma_semaphore, #tpu.memory_space<semaphore_mem>>)
    %dma_wait3A_451 = arith.constant 0 : i32
    %dma_wait3A_452 = arith.constant 0 : i32
    %dma_wait3A_453 = tpu.memref_slice %arg6[%dma_wait3A_451, %dma_wait3A_452] : memref<80x128xi32, #tpu.memory_space<vmem>> -> memref<1x128xi32, #tpu.memory_space<vmem>>
    %dma_wait3A_454 = tpu.memref_squeeze %dma_wait3A_453 : memref<1x128xi32, #tpu.memory_space<vmem>> -> memref<128xi32, #tpu.memory_space<vmem>>
    %dma_wait3A_455 = arith.constant 0 : i32
    %dma_wait3A_456 = arith.constant 0 : i32
    %dma_wait3A_457 = tpu.memref_slice %arg20[%dma_wait3A_455, %dma_wait3A_456] : memref<10240x40xf32, #tpu.memory_space<vmem_shared>> -> memref<10240x40xf32, #tpu.memory_space<vmem_shared>>
    tpu.wait_indirect_dma semaphore(%arg22 : memref<!tpu.dma_semaphore, #tpu.memory_space<semaphore_mem>>) src(%dma_wait3A_457 : memref<10240x40xf32, #tpu.memory_space<vmem_shared>>) dst(%arg9 : memref<128x40xf32, #tpu.memory_space<vmem>>)
    %dma_start3A_458 = arith.constant 1 : i32
    %dma_start3A_459 = arith.constant 0 : i32
    %dma_start3A_460 = tpu.memref_slice %arg7[%dma_start3A_458, %dma_start3A_459] : memref<80x128xi32, #tpu.memory_space<vmem>> -> memref<1x128xi32, #tpu.memory_space<vmem>>
    %dma_start3A_461 = tpu.memref_squeeze %dma_start3A_460 : memref<1x128xi32, #tpu.memory_space<vmem>> -> memref<128xi32, #tpu.memory_space<vmem>>
    %dma_start3A_462 = arith.constant 0 : i32
    %dma_start3A_463 = arith.constant 0 : i32
    %dma_start3A_464 = tpu.memref_slice %arg19[%dma_start3A_462, %dma_start3A_463] : memref<10240x40xf32, #tpu.memory_space<vmem_shared>> -> memref<10240x40xf32, #tpu.memory_space<vmem_shared>>
    tpu.enqueue_indirect_dma source(%arg9 : memref<128x40xf32, #tpu.memory_space<vmem>>) target(%dma_start3A_464 : memref<10240x40xf32, #tpu.memory_space<vmem_shared>>) offsets(%dma_start3A_461 : memref<128xi32, #tpu.memory_space<vmem>>) semaphore(%arg32 : memref<!tpu.dma_semaphore, #tpu.memory_space<semaphore_mem>>) {add = true}
    %dma_start3A_465 = arith.constant 7 : i32
    %dma_start3A_466 = arith.constant 0 : i32
    %dma_start3A_467 = tpu.memref_slice %arg6[%dma_start3A_465, %dma_start3A_466] : memref<80x128xi32, #tpu.memory_space<vmem>> -> memref<1x128xi32, #tpu.memory_space<vmem>>
    %dma_start3A_468 = tpu.memref_squeeze %dma_start3A_467 : memref<1x128xi32, #tpu.memory_space<vmem>> -> memref<128xi32, #tpu.memory_space<vmem>>
    %dma_start3A_469 = arith.constant 0 : i32
    %dma_start3A_470 = arith.constant 0 : i32
    %dma_start3A_471 = tpu.memref_slice %arg20[%dma_start3A_469, %dma_start3A_470] : memref<10240x40xf32, #tpu.memory_space<vmem_shared>> -> memref<10240x40xf32, #tpu.memory_space<vmem_shared>>
    tpu.enqueue_indirect_dma source(%dma_start3A_471 : memref<10240x40xf32, #tpu.memory_space<vmem_shared>>) target(%arg15 : memref<128x40xf32, #tpu.memory_space<vmem>>) offsets(%dma_start3A_468 : memref<128xi32, #tpu.memory_space<vmem>>) semaphore(%arg28 : memref<!tpu.dma_semaphore, #tpu.memory_space<semaphore_mem>>)
    %dma_wait3A_472 = arith.constant 0 : i32
    %dma_wait3A_473 = arith.constant 0 : i32
    %dma_wait3A_474 = tpu.memref_slice %arg6[%dma_wait3A_472, %dma_wait3A_473] : memref<80x128xi32, #tpu.memory_space<vmem>> -> memref<1x128xi32, #tpu.memory_space<vmem>>
    %dma_wait3A_475 = tpu.memref_squeeze %dma_wait3A_474 : memref<1x128xi32, #tpu.memory_space<vmem>> -> memref<128xi32, #tpu.memory_space<vmem>>
    %dma_wait3A_476 = arith.constant 0 : i32
    %dma_wait3A_477 = arith.constant 0 : i32
    %dma_wait3A_478 = tpu.memref_slice %arg20[%dma_wait3A_476, %dma_wait3A_477] : memref<10240x40xf32, #tpu.memory_space<vmem_shared>> -> memref<10240x40xf32, #tpu.memory_space<vmem_shared>>
    tpu.wait_indirect_dma semaphore(%arg23 : memref<!tpu.dma_semaphore, #tpu.memory_space<semaphore_mem>>) src(%dma_wait3A_478 : memref<10240x40xf32, #tpu.memory_space<vmem_shared>>) dst(%arg10 : memref<128x40xf32, #tpu.memory_space<vmem>>)
    %dma_start3A_479 = arith.constant 2 : i32
    %dma_start3A_480 = arith.constant 0 : i32
    %dma_start3A_481 = tpu.memref_slice %arg7[%dma_start3A_479, %dma_start3A_480] : memref<80x128xi32, #tpu.memory_space<vmem>> -> memref<1x128xi32, #tpu.memory_space<vmem>>
    %dma_start3A_482 = tpu.memref_squeeze %dma_start3A_481 : memref<1x128xi32, #tpu.memory_space<vmem>> -> memref<128xi32, #tpu.memory_space<vmem>>
    %dma_start3A_483 = arith.constant 0 : i32
    %dma_start3A_484 = arith.constant 0 : i32
    %dma_start3A_485 = tpu.memref_slice %arg19[%dma_start3A_483, %dma_start3A_484] : memref<10240x40xf32, #tpu.memory_space<vmem_shared>> -> memref<10240x40xf32, #tpu.memory_space<vmem_shared>>
    tpu.enqueue_indirect_dma source(%arg10 : memref<128x40xf32, #tpu.memory_space<vmem>>) target(%dma_start3A_485 : memref<10240x40xf32, #tpu.memory_space<vmem_shared>>) offsets(%dma_start3A_482 : memref<128xi32, #tpu.memory_space<vmem>>) semaphore(%arg33 : memref<!tpu.dma_semaphore, #tpu.memory_space<semaphore_mem>>) {add = true}
    %dma_start3A_486 = arith.constant 8 : i32
    %dma_start3A_487 = arith.constant 0 : i32
    %dma_start3A_488 = tpu.memref_slice %arg6[%dma_start3A_486, %dma_start3A_487] : memref<80x128xi32, #tpu.memory_space<vmem>> -> memref<1x128xi32, #tpu.memory_space<vmem>>
    %dma_start3A_489 = tpu.memref_squeeze %dma_start3A_488 : memref<1x128xi32, #tpu.memory_space<vmem>> -> memref<128xi32, #tpu.memory_space<vmem>>
    %dma_start3A_490 = arith.constant 0 : i32
    %dma_start3A_491 = arith.constant 0 : i32
    %dma_start3A_492 = tpu.memref_slice %arg20[%dma_start3A_490, %dma_start3A_491] : memref<10240x40xf32, #tpu.memory_space<vmem_shared>> -> memref<10240x40xf32, #tpu.memory_space<vmem_shared>>
    tpu.enqueue_indirect_dma source(%dma_start3A_492 : memref<10240x40xf32, #tpu.memory_space<vmem_shared>>) target(%arg16 : memref<128x40xf32, #tpu.memory_space<vmem>>) offsets(%dma_start3A_489 : memref<128xi32, #tpu.memory_space<vmem>>) semaphore(%arg29 : memref<!tpu.dma_semaphore, #tpu.memory_space<semaphore_mem>>)
    %dma_wait3A_493 = arith.constant 0 : i32
    %dma_wait3A_494 = arith.constant 0 : i32
    %dma_wait3A_495 = tpu.memref_slice %arg6[%dma_wait3A_493, %dma_wait3A_494] : memref<80x128xi32, #tpu.memory_space<vmem>> -> memref<1x128xi32, #tpu.memory_space<vmem>>
    %dma_wait3A_496 = tpu.memref_squeeze %dma_wait3A_495 : memref<1x128xi32, #tpu.memory_space<vmem>> -> memref<128xi32, #tpu.memory_space<vmem>>
    %dma_wait3A_497 = arith.constant 0 : i32
    %dma_wait3A_498 = arith.constant 0 : i32
    %dma_wait3A_499 = tpu.memref_slice %arg20[%dma_wait3A_497, %dma_wait3A_498] : memref<10240x40xf32, #tpu.memory_space<vmem_shared>> -> memref<10240x40xf32, #tpu.memory_space<vmem_shared>>
    tpu.wait_indirect_dma semaphore(%arg24 : memref<!tpu.dma_semaphore, #tpu.memory_space<semaphore_mem>>) src(%dma_wait3A_499 : memref<10240x40xf32, #tpu.memory_space<vmem_shared>>) dst(%arg11 : memref<128x40xf32, #tpu.memory_space<vmem>>)
    %dma_start3A_500 = arith.constant 3 : i32
    %dma_start3A_501 = arith.constant 0 : i32
    %dma_start3A_502 = tpu.memref_slice %arg7[%dma_start3A_500, %dma_start3A_501] : memref<80x128xi32, #tpu.memory_space<vmem>> -> memref<1x128xi32, #tpu.memory_space<vmem>>
    %dma_start3A_503 = tpu.memref_squeeze %dma_start3A_502 : memref<1x128xi32, #tpu.memory_space<vmem>> -> memref<128xi32, #tpu.memory_space<vmem>>
    %dma_start3A_504 = arith.constant 0 : i32
    %dma_start3A_505 = arith.constant 0 : i32
    %dma_start3A_506 = tpu.memref_slice %arg19[%dma_start3A_504, %dma_start3A_505] : memref<10240x40xf32, #tpu.memory_space<vmem_shared>> -> memref<10240x40xf32, #tpu.memory_space<vmem_shared>>
    tpu.enqueue_indirect_dma source(%arg11 : memref<128x40xf32, #tpu.memory_space<vmem>>) target(%dma_start3A_506 : memref<10240x40xf32, #tpu.memory_space<vmem_shared>>) offsets(%dma_start3A_503 : memref<128xi32, #tpu.memory_space<vmem>>) semaphore(%arg34 : memref<!tpu.dma_semaphore, #tpu.memory_space<semaphore_mem>>) {add = true}
    %dma_start3A_507 = arith.constant 9 : i32
    %dma_start3A_508 = arith.constant 0 : i32
    %dma_start3A_509 = tpu.memref_slice %arg6[%dma_start3A_507, %dma_start3A_508] : memref<80x128xi32, #tpu.memory_space<vmem>> -> memref<1x128xi32, #tpu.memory_space<vmem>>
    %dma_start3A_510 = tpu.memref_squeeze %dma_start3A_509 : memref<1x128xi32, #tpu.memory_space<vmem>> -> memref<128xi32, #tpu.memory_space<vmem>>
    %dma_start3A_511 = arith.constant 0 : i32
    %dma_start3A_512 = arith.constant 0 : i32
    %dma_start3A_513 = tpu.memref_slice %arg20[%dma_start3A_511, %dma_start3A_512] : memref<10240x40xf32, #tpu.memory_space<vmem_shared>> -> memref<10240x40xf32, #tpu.memory_space<vmem_shared>>
    tpu.enqueue_indirect_dma source(%dma_start3A_513 : memref<10240x40xf32, #tpu.memory_space<vmem_shared>>) target(%arg17 : memref<128x40xf32, #tpu.memory_space<vmem>>) offsets(%dma_start3A_510 : memref<128xi32, #tpu.memory_space<vmem>>) semaphore(%arg30 : memref<!tpu.dma_semaphore, #tpu.memory_space<semaphore_mem>>)
    %dma_wait3A_514 = arith.constant 0 : i32
    %dma_wait3A_515 = arith.constant 0 : i32
    %dma_wait3A_516 = tpu.memref_slice %arg6[%dma_wait3A_514, %dma_wait3A_515] : memref<80x128xi32, #tpu.memory_space<vmem>> -> memref<1x128xi32, #tpu.memory_space<vmem>>
    %dma_wait3A_517 = tpu.memref_squeeze %dma_wait3A_516 : memref<1x128xi32, #tpu.memory_space<vmem>> -> memref<128xi32, #tpu.memory_space<vmem>>
    %dma_wait3A_518 = arith.constant 0 : i32
    %dma_wait3A_519 = arith.constant 0 : i32
    %dma_wait3A_520 = tpu.memref_slice %arg20[%dma_wait3A_518, %dma_wait3A_519] : memref<10240x40xf32, #tpu.memory_space<vmem_shared>> -> memref<10240x40xf32, #tpu.memory_space<vmem_shared>>
    tpu.wait_indirect_dma semaphore(%arg25 : memref<!tpu.dma_semaphore, #tpu.memory_space<semaphore_mem>>) src(%dma_wait3A_520 : memref<10240x40xf32, #tpu.memory_space<vmem_shared>>) dst(%arg12 : memref<128x40xf32, #tpu.memory_space<vmem>>)
    %dma_start3A_521 = arith.constant 4 : i32
    %dma_start3A_522 = arith.constant 0 : i32
    %dma_start3A_523 = tpu.memref_slice %arg7[%dma_start3A_521, %dma_start3A_522] : memref<80x128xi32, #tpu.memory_space<vmem>> -> memref<1x128xi32, #tpu.memory_space<vmem>>
    %dma_start3A_524 = tpu.memref_squeeze %dma_start3A_523 : memref<1x128xi32, #tpu.memory_space<vmem>> -> memref<128xi32, #tpu.memory_space<vmem>>
    %dma_start3A_525 = arith.constant 0 : i32
    %dma_start3A_526 = arith.constant 0 : i32
    %dma_start3A_527 = tpu.memref_slice %arg19[%dma_start3A_525, %dma_start3A_526] : memref<10240x40xf32, #tpu.memory_space<vmem_shared>> -> memref<10240x40xf32, #tpu.memory_space<vmem_shared>>
    tpu.enqueue_indirect_dma source(%arg12 : memref<128x40xf32, #tpu.memory_space<vmem>>) target(%dma_start3A_527 : memref<10240x40xf32, #tpu.memory_space<vmem_shared>>) offsets(%dma_start3A_524 : memref<128xi32, #tpu.memory_space<vmem>>) semaphore(%arg35 : memref<!tpu.dma_semaphore, #tpu.memory_space<semaphore_mem>>) {add = true}
    %dma_wait3A_528 = arith.constant 0 : i32
    %dma_wait3A_529 = arith.constant 0 : i32
    %dma_wait3A_530 = tpu.memref_slice %arg7[%dma_wait3A_528, %dma_wait3A_529] : memref<80x128xi32, #tpu.memory_space<vmem>> -> memref<1x128xi32, #tpu.memory_space<vmem>>
    %dma_wait3A_531 = tpu.memref_squeeze %dma_wait3A_530 : memref<1x128xi32, #tpu.memory_space<vmem>> -> memref<128xi32, #tpu.memory_space<vmem>>
    %dma_wait3A_532 = arith.constant 0 : i32
    %dma_wait3A_533 = arith.constant 0 : i32
    %dma_wait3A_534 = tpu.memref_slice %arg19[%dma_wait3A_532, %dma_wait3A_533] : memref<10240x40xf32, #tpu.memory_space<vmem_shared>> -> memref<10240x40xf32, #tpu.memory_space<vmem_shared>>
    tpu.wait_indirect_dma semaphore(%arg31 : memref<!tpu.dma_semaphore, #tpu.memory_space<semaphore_mem>>) src(%arg8 : memref<128x40xf32, #tpu.memory_space<vmem>>) dst(%dma_wait3A_534 : memref<10240x40xf32, #tpu.memory_space<vmem_shared>>)
    %dma_start3A_535 = arith.constant 10 : i32
    %dma_start3A_536 = arith.constant 0 : i32
    %dma_start3A_537 = tpu.memref_slice %arg6[%dma_start3A_535, %dma_start3A_536] : memref<80x128xi32, #tpu.memory_space<vmem>> -> memref<1x128xi32, #tpu.memory_space<vmem>>
    %dma_start3A_538 = tpu.memref_squeeze %dma_start3A_537 : memref<1x128xi32, #tpu.memory_space<vmem>> -> memref<128xi32, #tpu.memory_space<vmem>>
    %dma_start3A_539 = arith.constant 0 : i32
    %dma_start3A_540 = arith.constant 0 : i32
    %dma_start3A_541 = tpu.memref_slice %arg20[%dma_start3A_539, %dma_start3A_540] : memref<10240x40xf32, #tpu.memory_space<vmem_shared>> -> memref<10240x40xf32, #tpu.memory_space<vmem_shared>>
    tpu.enqueue_indirect_dma source(%dma_start3A_541 : memref<10240x40xf32, #tpu.memory_space<vmem_shared>>) target(%arg8 : memref<128x40xf32, #tpu.memory_space<vmem>>) offsets(%dma_start3A_538 : memref<128xi32, #tpu.memory_space<vmem>>) semaphore(%arg21 : memref<!tpu.dma_semaphore, #tpu.memory_space<semaphore_mem>>)
    %dma_wait3A_542 = arith.constant 0 : i32
    %dma_wait3A_543 = arith.constant 0 : i32
    %dma_wait3A_544 = tpu.memref_slice %arg6[%dma_wait3A_542, %dma_wait3A_543] : memref<80x128xi32, #tpu.memory_space<vmem>> -> memref<1x128xi32, #tpu.memory_space<vmem>>
    %dma_wait3A_545 = tpu.memref_squeeze %dma_wait3A_544 : memref<1x128xi32, #tpu.memory_space<vmem>> -> memref<128xi32, #tpu.memory_space<vmem>>
    %dma_wait3A_546 = arith.constant 0 : i32
    %dma_wait3A_547 = arith.constant 0 : i32
    %dma_wait3A_548 = tpu.memref_slice %arg20[%dma_wait3A_546, %dma_wait3A_547] : memref<10240x40xf32, #tpu.memory_space<vmem_shared>> -> memref<10240x40xf32, #tpu.memory_space<vmem_shared>>
    tpu.wait_indirect_dma semaphore(%arg26 : memref<!tpu.dma_semaphore, #tpu.memory_space<semaphore_mem>>) src(%dma_wait3A_548 : memref<10240x40xf32, #tpu.memory_space<vmem_shared>>) dst(%arg13 : memref<128x40xf32, #tpu.memory_space<vmem>>)
    %dma_start3A_549 = arith.constant 5 : i32
    %dma_start3A_550 = arith.constant 0 : i32
    %dma_start3A_551 = tpu.memref_slice %arg7[%dma_start3A_549, %dma_start3A_550] : memref<80x128xi32, #tpu.memory_space<vmem>> -> memref<1x128xi32, #tpu.memory_space<vmem>>
    %dma_start3A_552 = tpu.memref_squeeze %dma_start3A_551 : memref<1x128xi32, #tpu.memory_space<vmem>> -> memref<128xi32, #tpu.memory_space<vmem>>
    %dma_start3A_553 = arith.constant 0 : i32
    %dma_start3A_554 = arith.constant 0 : i32
    %dma_start3A_555 = tpu.memref_slice %arg19[%dma_start3A_553, %dma_start3A_554] : memref<10240x40xf32, #tpu.memory_space<vmem_shared>> -> memref<10240x40xf32, #tpu.memory_space<vmem_shared>>
    tpu.enqueue_indirect_dma source(%arg13 : memref<128x40xf32, #tpu.memory_space<vmem>>) target(%dma_start3A_555 : memref<10240x40xf32, #tpu.memory_space<vmem_shared>>) offsets(%dma_start3A_552 : memref<128xi32, #tpu.memory_space<vmem>>) semaphore(%arg36 : memref<!tpu.dma_semaphore, #tpu.memory_space<semaphore_mem>>) {add = true}
    %dma_wait3A_556 = arith.constant 0 : i32
    %dma_wait3A_557 = arith.constant 0 : i32
    %dma_wait3A_558 = tpu.memref_slice %arg7[%dma_wait3A_556, %dma_wait3A_557] : memref<80x128xi32, #tpu.memory_space<vmem>> -> memref<1x128xi32, #tpu.memory_space<vmem>>
    %dma_wait3A_559 = tpu.memref_squeeze %dma_wait3A_558 : memref<1x128xi32, #tpu.memory_space<vmem>> -> memref<128xi32, #tpu.memory_space<vmem>>
    %dma_wait3A_560 = arith.constant 0 : i32
    %dma_wait3A_561 = arith.constant 0 : i32
    %dma_wait3A_562 = tpu.memref_slice %arg19[%dma_wait3A_560, %dma_wait3A_561] : memref<10240x40xf32, #tpu.memory_space<vmem_shared>> -> memref<10240x40xf32, #tpu.memory_space<vmem_shared>>
    tpu.wait_indirect_dma semaphore(%arg32 : memref<!tpu.dma_semaphore, #tpu.memory_space<semaphore_mem>>) src(%arg9 : memref<128x40xf32, #tpu.memory_space<vmem>>) dst(%dma_wait3A_562 : memref<10240x40xf32, #tpu.memory_space<vmem_shared>>)
    %dma_start3A_563 = arith.constant 11 : i32
    %dma_start3A_564 = arith.constant 0 : i32
    %dma_start3A_565 = tpu.memref_slice %arg6[%dma_start3A_563, %dma_start3A_564] : memref<80x128xi32, #tpu.memory_space<vmem>> -> memref<1x128xi32, #tpu.memory_space<vmem>>
    %dma_start3A_566 = tpu.memref_squeeze %dma_start3A_565 : memref<1x128xi32, #tpu.memory_space<vmem>> -> memref<128xi32, #tpu.memory_space<vmem>>
    %dma_start3A_567 = arith.constant 0 : i32
    %dma_start3A_568 = arith.constant 0 : i32
    %dma_start3A_569 = tpu.memref_slice %arg20[%dma_start3A_567, %dma_start3A_568] : memref<10240x40xf32, #tpu.memory_space<vmem_shared>> -> memref<10240x40xf32, #tpu.memory_space<vmem_shared>>
    tpu.enqueue_indirect_dma source(%dma_start3A_569 : memref<10240x40xf32, #tpu.memory_space<vmem_shared>>) target(%arg9 : memref<128x40xf32, #tpu.memory_space<vmem>>) offsets(%dma_start3A_566 : memref<128xi32, #tpu.memory_space<vmem>>) semaphore(%arg22 : memref<!tpu.dma_semaphore, #tpu.memory_space<semaphore_mem>>)
    %dma_wait3A_570 = arith.constant 0 : i32
    %dma_wait3A_571 = arith.constant 0 : i32
    %dma_wait3A_572 = tpu.memref_slice %arg6[%dma_wait3A_570, %dma_wait3A_571] : memref<80x128xi32, #tpu.memory_space<vmem>> -> memref<1x128xi32, #tpu.memory_space<vmem>>
    %dma_wait3A_573 = tpu.memref_squeeze %dma_wait3A_572 : memref<1x128xi32, #tpu.memory_space<vmem>> -> memref<128xi32, #tpu.memory_space<vmem>>
    %dma_wait3A_574 = arith.constant 0 : i32
    %dma_wait3A_575 = arith.constant 0 : i32
    %dma_wait3A_576 = tpu.memref_slice %arg20[%dma_wait3A_574, %dma_wait3A_575] : memref<10240x40xf32, #tpu.memory_space<vmem_shared>> -> memref<10240x40xf32, #tpu.memory_space<vmem_shared>>
    tpu.wait_indirect_dma semaphore(%arg27 : memref<!tpu.dma_semaphore, #tpu.memory_space<semaphore_mem>>) src(%dma_wait3A_576 : memref<10240x40xf32, #tpu.memory_space<vmem_shared>>) dst(%arg14 : memref<128x40xf32, #tpu.memory_space<vmem>>)
    %dma_start3A_577 = arith.constant 6 : i32
    %dma_start3A_578 = arith.constant 0 : i32
    %dma_start3A_579 = tpu.memref_slice %arg7[%dma_start3A_577, %dma_start3A_578] : memref<80x128xi32, #tpu.memory_space<vmem>> -> memref<1x128xi32, #tpu.memory_space<vmem>>
    %dma_start3A_580 = tpu.memref_squeeze %dma_start3A_579 : memref<1x128xi32, #tpu.memory_space<vmem>> -> memref<128xi32, #tpu.memory_space<vmem>>
    %dma_start3A_581 = arith.constant 0 : i32
    %dma_start3A_582 = arith.constant 0 : i32
    %dma_start3A_583 = tpu.memref_slice %arg19[%dma_start3A_581, %dma_start3A_582] : memref<10240x40xf32, #tpu.memory_space<vmem_shared>> -> memref<10240x40xf32, #tpu.memory_space<vmem_shared>>
    tpu.enqueue_indirect_dma source(%arg14 : memref<128x40xf32, #tpu.memory_space<vmem>>) target(%dma_start3A_583 : memref<10240x40xf32, #tpu.memory_space<vmem_shared>>) offsets(%dma_start3A_580 : memref<128xi32, #tpu.memory_space<vmem>>) semaphore(%arg37 : memref<!tpu.dma_semaphore, #tpu.memory_space<semaphore_mem>>) {add = true}
    %dma_wait3A_584 = arith.constant 0 : i32
    %dma_wait3A_585 = arith.constant 0 : i32
    %dma_wait3A_586 = tpu.memref_slice %arg7[%dma_wait3A_584, %dma_wait3A_585] : memref<80x128xi32, #tpu.memory_space<vmem>> -> memref<1x128xi32, #tpu.memory_space<vmem>>
    %dma_wait3A_587 = tpu.memref_squeeze %dma_wait3A_586 : memref<1x128xi32, #tpu.memory_space<vmem>> -> memref<128xi32, #tpu.memory_space<vmem>>
    %dma_wait3A_588 = arith.constant 0 : i32
    %dma_wait3A_589 = arith.constant 0 : i32
    %dma_wait3A_590 = tpu.memref_slice %arg19[%dma_wait3A_588, %dma_wait3A_589] : memref<10240x40xf32, #tpu.memory_space<vmem_shared>> -> memref<10240x40xf32, #tpu.memory_space<vmem_shared>>
    tpu.wait_indirect_dma semaphore(%arg33 : memref<!tpu.dma_semaphore, #tpu.memory_space<semaphore_mem>>) src(%arg10 : memref<128x40xf32, #tpu.memory_space<vmem>>) dst(%dma_wait3A_590 : memref<10240x40xf32, #tpu.memory_space<vmem_shared>>)
    %dma_start3A_591 = arith.constant 12 : i32
    %dma_start3A_592 = arith.constant 0 : i32
    %dma_start3A_593 = tpu.memref_slice %arg6[%dma_start3A_591, %dma_start3A_592] : memref<80x128xi32, #tpu.memory_space<vmem>> -> memref<1x128xi32, #tpu.memory_space<vmem>>
    %dma_start3A_594 = tpu.memref_squeeze %dma_start3A_593 : memref<1x128xi32, #tpu.memory_space<vmem>> -> memref<128xi32, #tpu.memory_space<vmem>>
    %dma_start3A_595 = arith.constant 0 : i32
    %dma_start3A_596 = arith.constant 0 : i32
    %dma_start3A_597 = tpu.memref_slice %arg20[%dma_start3A_595, %dma_start3A_596] : memref<10240x40xf32, #tpu.memory_space<vmem_shared>> -> memref<10240x40xf32, #tpu.memory_space<vmem_shared>>
    tpu.enqueue_indirect_dma source(%dma_start3A_597 : memref<10240x40xf32, #tpu.memory_space<vmem_shared>>) target(%arg10 : memref<128x40xf32, #tpu.memory_space<vmem>>) offsets(%dma_start3A_594 : memref<128xi32, #tpu.memory_space<vmem>>) semaphore(%arg23 : memref<!tpu.dma_semaphore, #tpu.memory_space<semaphore_mem>>)
    %dma_wait3A_598 = arith.constant 0 : i32
    %dma_wait3A_599 = arith.constant 0 : i32
    %dma_wait3A_600 = tpu.memref_slice %arg6[%dma_wait3A_598, %dma_wait3A_599] : memref<80x128xi32, #tpu.memory_space<vmem>> -> memref<1x128xi32, #tpu.memory_space<vmem>>
    %dma_wait3A_601 = tpu.memref_squeeze %dma_wait3A_600 : memref<1x128xi32, #tpu.memory_space<vmem>> -> memref<128xi32, #tpu.memory_space<vmem>>
    %dma_wait3A_602 = arith.constant 0 : i32
    %dma_wait3A_603 = arith.constant 0 : i32
    %dma_wait3A_604 = tpu.memref_slice %arg20[%dma_wait3A_602, %dma_wait3A_603] : memref<10240x40xf32, #tpu.memory_space<vmem_shared>> -> memref<10240x40xf32, #tpu.memory_space<vmem_shared>>
    tpu.wait_indirect_dma semaphore(%arg28 : memref<!tpu.dma_semaphore, #tpu.memory_space<semaphore_mem>>) src(%dma_wait3A_604 : memref<10240x40xf32, #tpu.memory_space<vmem_shared>>) dst(%arg15 : memref<128x40xf32, #tpu.memory_space<vmem>>)
    %dma_start3A_605 = arith.constant 7 : i32
    %dma_start3A_606 = arith.constant 0 : i32
    %dma_start3A_607 = tpu.memref_slice %arg7[%dma_start3A_605, %dma_start3A_606] : memref<80x128xi32, #tpu.memory_space<vmem>> -> memref<1x128xi32, #tpu.memory_space<vmem>>
    %dma_start3A_608 = tpu.memref_squeeze %dma_start3A_607 : memref<1x128xi32, #tpu.memory_space<vmem>> -> memref<128xi32, #tpu.memory_space<vmem>>
    %dma_start3A_609 = arith.constant 0 : i32
    %dma_start3A_610 = arith.constant 0 : i32
    %dma_start3A_611 = tpu.memref_slice %arg19[%dma_start3A_609, %dma_start3A_610] : memref<10240x40xf32, #tpu.memory_space<vmem_shared>> -> memref<10240x40xf32, #tpu.memory_space<vmem_shared>>
    tpu.enqueue_indirect_dma source(%arg15 : memref<128x40xf32, #tpu.memory_space<vmem>>) target(%dma_start3A_611 : memref<10240x40xf32, #tpu.memory_space<vmem_shared>>) offsets(%dma_start3A_608 : memref<128xi32, #tpu.memory_space<vmem>>) semaphore(%arg38 : memref<!tpu.dma_semaphore, #tpu.memory_space<semaphore_mem>>) {add = true}
    %dma_wait3A_612 = arith.constant 0 : i32
    %dma_wait3A_613 = arith.constant 0 : i32
    %dma_wait3A_614 = tpu.memref_slice %arg7[%dma_wait3A_612, %dma_wait3A_613] : memref<80x128xi32, #tpu.memory_space<vmem>> -> memref<1x128xi32, #tpu.memory_space<vmem>>
    %dma_wait3A_615 = tpu.memref_squeeze %dma_wait3A_614 : memref<1x128xi32, #tpu.memory_space<vmem>> -> memref<128xi32, #tpu.memory_space<vmem>>
    %dma_wait3A_616 = arith.constant 0 : i32
    %dma_wait3A_617 = arith.constant 0 : i32
    %dma_wait3A_618 = tpu.memref_slice %arg19[%dma_wait3A_616, %dma_wait3A_617] : memref<10240x40xf32, #tpu.memory_space<vmem_shared>> -> memref<10240x40xf32, #tpu.memory_space<vmem_shared>>
    tpu.wait_indirect_dma semaphore(%arg34 : memref<!tpu.dma_semaphore, #tpu.memory_space<semaphore_mem>>) src(%arg11 : memref<128x40xf32, #tpu.memory_space<vmem>>) dst(%dma_wait3A_618 : memref<10240x40xf32, #tpu.memory_space<vmem_shared>>)
    %dma_start3A_619 = arith.constant 13 : i32
    %dma_start3A_620 = arith.constant 0 : i32
    %dma_start3A_621 = tpu.memref_slice %arg6[%dma_start3A_619, %dma_start3A_620] : memref<80x128xi32, #tpu.memory_space<vmem>> -> memref<1x128xi32, #tpu.memory_space<vmem>>
    %dma_start3A_622 = tpu.memref_squeeze %dma_start3A_621 : memref<1x128xi32, #tpu.memory_space<vmem>> -> memref<128xi32, #tpu.memory_space<vmem>>
    %dma_start3A_623 = arith.constant 0 : i32
    %dma_start3A_624 = arith.constant 0 : i32
    %dma_start3A_625 = tpu.memref_slice %arg20[%dma_start3A_623, %dma_start3A_624] : memref<10240x40xf32, #tpu.memory_space<vmem_shared>> -> memref<10240x40xf32, #tpu.memory_space<vmem_shared>>
    tpu.enqueue_indirect_dma source(%dma_start3A_625 : memref<10240x40xf32, #tpu.memory_space<vmem_shared>>) target(%arg11 : memref<128x40xf32, #tpu.memory_space<vmem>>) offsets(%dma_start3A_622 : memref<128xi32, #tpu.memory_space<vmem>>) semaphore(%arg24 : memref<!tpu.dma_semaphore, #tpu.memory_space<semaphore_mem>>)
    %dma_wait3A_626 = arith.constant 0 : i32
    %dma_wait3A_627 = arith.constant 0 : i32
    %dma_wait3A_628 = tpu.memref_slice %arg6[%dma_wait3A_626, %dma_wait3A_627] : memref<80x128xi32, #tpu.memory_space<vmem>> -> memref<1x128xi32, #tpu.memory_space<vmem>>
    %dma_wait3A_629 = tpu.memref_squeeze %dma_wait3A_628 : memref<1x128xi32, #tpu.memory_space<vmem>> -> memref<128xi32, #tpu.memory_space<vmem>>
    %dma_wait3A_630 = arith.constant 0 : i32
    %dma_wait3A_631 = arith.constant 0 : i32
    %dma_wait3A_632 = tpu.memref_slice %arg20[%dma_wait3A_630, %dma_wait3A_631] : memref<10240x40xf32, #tpu.memory_space<vmem_shared>> -> memref<10240x40xf32, #tpu.memory_space<vmem_shared>>
    tpu.wait_indirect_dma semaphore(%arg29 : memref<!tpu.dma_semaphore, #tpu.memory_space<semaphore_mem>>) src(%dma_wait3A_632 : memref<10240x40xf32, #tpu.memory_space<vmem_shared>>) dst(%arg16 : memref<128x40xf32, #tpu.memory_space<vmem>>)
    %dma_start3A_633 = arith.constant 8 : i32
    %dma_start3A_634 = arith.constant 0 : i32
    %dma_start3A_635 = tpu.memref_slice %arg7[%dma_start3A_633, %dma_start3A_634] : memref<80x128xi32, #tpu.memory_space<vmem>> -> memref<1x128xi32, #tpu.memory_space<vmem>>
    %dma_start3A_636 = tpu.memref_squeeze %dma_start3A_635 : memref<1x128xi32, #tpu.memory_space<vmem>> -> memref<128xi32, #tpu.memory_space<vmem>>
    %dma_start3A_637 = arith.constant 0 : i32
    %dma_start3A_638 = arith.constant 0 : i32
    %dma_start3A_639 = tpu.memref_slice %arg19[%dma_start3A_637, %dma_start3A_638] : memref<10240x40xf32, #tpu.memory_space<vmem_shared>> -> memref<10240x40xf32, #tpu.memory_space<vmem_shared>>
    tpu.enqueue_indirect_dma source(%arg16 : memref<128x40xf32, #tpu.memory_space<vmem>>) target(%dma_start3A_639 : memref<10240x40xf32, #tpu.memory_space<vmem_shared>>) offsets(%dma_start3A_636 : memref<128xi32, #tpu.memory_space<vmem>>) semaphore(%arg39 : memref<!tpu.dma_semaphore, #tpu.memory_space<semaphore_mem>>) {add = true}
    %dma_wait3A_640 = arith.constant 0 : i32
    %dma_wait3A_641 = arith.constant 0 : i32
    %dma_wait3A_642 = tpu.memref_slice %arg7[%dma_wait3A_640, %dma_wait3A_641] : memref<80x128xi32, #tpu.memory_space<vmem>> -> memref<1x128xi32, #tpu.memory_space<vmem>>
    %dma_wait3A_643 = tpu.memref_squeeze %dma_wait3A_642 : memref<1x128xi32, #tpu.memory_space<vmem>> -> memref<128xi32, #tpu.memory_space<vmem>>
    %dma_wait3A_644 = arith.constant 0 : i32
    %dma_wait3A_645 = arith.constant 0 : i32
    %dma_wait3A_646 = tpu.memref_slice %arg19[%dma_wait3A_644, %dma_wait3A_645] : memref<10240x40xf32, #tpu.memory_space<vmem_shared>> -> memref<10240x40xf32, #tpu.memory_space<vmem_shared>>
    tpu.wait_indirect_dma semaphore(%arg35 : memref<!tpu.dma_semaphore, #tpu.memory_space<semaphore_mem>>) src(%arg12 : memref<128x40xf32, #tpu.memory_space<vmem>>) dst(%dma_wait3A_646 : memref<10240x40xf32, #tpu.memory_space<vmem_shared>>)
    %dma_start3A_647 = arith.constant 14 : i32
    %dma_start3A_648 = arith.constant 0 : i32
    %dma_start3A_649 = tpu.memref_slice %arg6[%dma_start3A_647, %dma_start3A_648] : memref<80x128xi32, #tpu.memory_space<vmem>> -> memref<1x128xi32, #tpu.memory_space<vmem>>
    %dma_start3A_650 = tpu.memref_squeeze %dma_start3A_649 : memref<1x128xi32, #tpu.memory_space<vmem>> -> memref<128xi32, #tpu.memory_space<vmem>>
    %dma_start3A_651 = arith.constant 0 : i32
    %dma_start3A_652 = arith.constant 0 : i32
    %dma_start3A_653 = tpu.memref_slice %arg20[%dma_start3A_651, %dma_start3A_652] : memref<10240x40xf32, #tpu.memory_space<vmem_shared>> -> memref<10240x40xf32, #tpu.memory_space<vmem_shared>>
    tpu.enqueue_indirect_dma source(%dma_start3A_653 : memref<10240x40xf32, #tpu.memory_space<vmem_shared>>) target(%arg12 : memref<128x40xf32, #tpu.memory_space<vmem>>) offsets(%dma_start3A_650 : memref<128xi32, #tpu.memory_space<vmem>>) semaphore(%arg25 : memref<!tpu.dma_semaphore, #tpu.memory_space<semaphore_mem>>)
    %dma_wait3A_654 = arith.constant 0 : i32
    %dma_wait3A_655 = arith.constant 0 : i32
    %dma_wait3A_656 = tpu.memref_slice %arg6[%dma_wait3A_654, %dma_wait3A_655] : memref<80x128xi32, #tpu.memory_space<vmem>> -> memref<1x128xi32, #tpu.memory_space<vmem>>
    %dma_wait3A_657 = tpu.memref_squeeze %dma_wait3A_656 : memref<1x128xi32, #tpu.memory_space<vmem>> -> memref<128xi32, #tpu.memory_space<vmem>>
    %dma_wait3A_658 = arith.constant 0 : i32
    %dma_wait3A_659 = arith.constant 0 : i32
    %dma_wait3A_660 = tpu.memref_slice %arg20[%dma_wait3A_658, %dma_wait3A_659] : memref<10240x40xf32, #tpu.memory_space<vmem_shared>> -> memref<10240x40xf32, #tpu.memory_space<vmem_shared>>
    tpu.wait_indirect_dma semaphore(%arg30 : memref<!tpu.dma_semaphore, #tpu.memory_space<semaphore_mem>>) src(%dma_wait3A_660 : memref<10240x40xf32, #tpu.memory_space<vmem_shared>>) dst(%arg17 : memref<128x40xf32, #tpu.memory_space<vmem>>)
    %dma_start3A_661 = arith.constant 9 : i32
    %dma_start3A_662 = arith.constant 0 : i32
    %dma_start3A_663 = tpu.memref_slice %arg7[%dma_start3A_661, %dma_start3A_662] : memref<80x128xi32, #tpu.memory_space<vmem>> -> memref<1x128xi32, #tpu.memory_space<vmem>>
    %dma_start3A_664 = tpu.memref_squeeze %dma_start3A_663 : memref<1x128xi32, #tpu.memory_space<vmem>> -> memref<128xi32, #tpu.memory_space<vmem>>
    %dma_start3A_665 = arith.constant 0 : i32
    %dma_start3A_666 = arith.constant 0 : i32
    %dma_start3A_667 = tpu.memref_slice %arg19[%dma_start3A_665, %dma_start3A_666] : memref<10240x40xf32, #tpu.memory_space<vmem_shared>> -> memref<10240x40xf32, #tpu.memory_space<vmem_shared>>
    tpu.enqueue_indirect_dma source(%arg17 : memref<128x40xf32, #tpu.memory_space<vmem>>) target(%dma_start3A_667 : memref<10240x40xf32, #tpu.memory_space<vmem_shared>>) offsets(%dma_start3A_664 : memref<128xi32, #tpu.memory_space<vmem>>) semaphore(%arg40 : memref<!tpu.dma_semaphore, #tpu.memory_space<semaphore_mem>>) {add = true}
    %scan3A_668 = arith.constant 0 : i32
    %scan3A_669 = arith.constant 1 : i32
    %scan3A_670 = arith.constant 7 : i32
    %scan3A_671 = arith.addi %scan3A_669, %scan3A_670 : i32
    %scan3A_672 = arith.constant 1 : i32
    scf.for %scan3A_745 = %scan3A_669 to %scan3A_671 step %scan3A_672  : i32 {
      %mul3A_746 = arith.constant 10 : i32
      %mul3A_747 = arith.muli %mul3A_746, %scan3A_745 : i32
      %add3A_748 = arith.constant 0 : i32
      %add3A_749 = arith.addi %mul3A_747, %add3A_748 : i32
      %dma_wait3A_750 = arith.constant 0 : i32
      %dma_wait3A_751 = arith.constant 0 : i32
      %dma_wait3A_752 = tpu.memref_slice %arg7[%dma_wait3A_750, %dma_wait3A_751] : memref<80x128xi32, #tpu.memory_space<vmem>> -> memref<1x128xi32, #tpu.memory_space<vmem>>
      %dma_wait3A_753 = tpu.memref_squeeze %dma_wait3A_752 : memref<1x128xi32, #tpu.memory_space<vmem>> -> memref<128xi32, #tpu.memory_space<vmem>>
      %dma_wait3A_754 = arith.constant 0 : i32
      %dma_wait3A_755 = arith.constant 0 : i32
      %dma_wait3A_756 = tpu.memref_slice %arg19[%dma_wait3A_754, %dma_wait3A_755] : memref<10240x40xf32, #tpu.memory_space<vmem_shared>> -> memref<10240x40xf32, #tpu.memory_space<vmem_shared>>
      tpu.wait_indirect_dma semaphore(%arg36 : memref<!tpu.dma_semaphore, #tpu.memory_space<semaphore_mem>>) src(%arg13 : memref<128x40xf32, #tpu.memory_space<vmem>>) dst(%dma_wait3A_756 : memref<10240x40xf32, #tpu.memory_space<vmem_shared>>)
      %add3A_757 = arith.constant 5 : i32
      %add3A_758 = arith.addi %add3A_749, %add3A_757 : i32
      %min3A = arith.constant 79 : i32
      %min3A_759 = arith.minsi %add3A_758, %min3A : i32
      %dma_start3A_760 = arith.constant 0 : i32
      %dma_start3A_761 = tpu.memref_slice %arg6[%min3A_759, %dma_start3A_760] : memref<80x128xi32, #tpu.memory_space<vmem>> -> memref<1x128xi32, #tpu.memory_space<vmem>>
      %dma_start3A_762 = tpu.memref_squeeze %dma_start3A_761 : memref<1x128xi32, #tpu.memory_space<vmem>> -> memref<128xi32, #tpu.memory_space<vmem>>
      %dma_start3A_763 = arith.constant 0 : i32
      %dma_start3A_764 = arith.constant 0 : i32
      %dma_start3A_765 = tpu.memref_slice %arg20[%dma_start3A_763, %dma_start3A_764] : memref<10240x40xf32, #tpu.memory_space<vmem_shared>> -> memref<10240x40xf32, #tpu.memory_space<vmem_shared>>
      tpu.enqueue_indirect_dma source(%dma_start3A_765 : memref<10240x40xf32, #tpu.memory_space<vmem_shared>>) target(%arg13 : memref<128x40xf32, #tpu.memory_space<vmem>>) offsets(%dma_start3A_762 : memref<128xi32, #tpu.memory_space<vmem>>) semaphore(%arg26 : memref<!tpu.dma_semaphore, #tpu.memory_space<semaphore_mem>>)
      %dma_wait3A_766 = arith.constant 0 : i32
      %dma_wait3A_767 = arith.constant 0 : i32
      %dma_wait3A_768 = tpu.memref_slice %arg6[%dma_wait3A_766, %dma_wait3A_767] : memref<80x128xi32, #tpu.memory_space<vmem>> -> memref<1x128xi32, #tpu.memory_space<vmem>>
      %dma_wait3A_769 = tpu.memref_squeeze %dma_wait3A_768 : memref<1x128xi32, #tpu.memory_space<vmem>> -> memref<128xi32, #tpu.memory_space<vmem>>
      %dma_wait3A_770 = arith.constant 0 : i32
      %dma_wait3A_771 = arith.constant 0 : i32
      %dma_wait3A_772 = tpu.memref_slice %arg20[%dma_wait3A_770, %dma_wait3A_771] : memref<10240x40xf32, #tpu.memory_space<vmem_shared>> -> memref<10240x40xf32, #tpu.memory_space<vmem_shared>>
      tpu.wait_indirect_dma semaphore(%arg21 : memref<!tpu.dma_semaphore, #tpu.memory_space<semaphore_mem>>) src(%dma_wait3A_772 : memref<10240x40xf32, #tpu.memory_space<vmem_shared>>) dst(%arg8 : memref<128x40xf32, #tpu.memory_space<vmem>>)
      %dma_start3A_773 = arith.constant 0 : i32
      %dma_start3A_774 = tpu.memref_slice %arg7[%add3A_749, %dma_start3A_773] : memref<80x128xi32, #tpu.memory_space<vmem>> -> memref<1x128xi32, #tpu.memory_space<vmem>>
      %dma_start3A_775 = tpu.memref_squeeze %dma_start3A_774 : memref<1x128xi32, #tpu.memory_space<vmem>> -> memref<128xi32, #tpu.memory_space<vmem>>
      %dma_start3A_776 = arith.constant 0 : i32
      %dma_start3A_777 = arith.constant 0 : i32
      %dma_start3A_778 = tpu.memref_slice %arg19[%dma_start3A_776, %dma_start3A_777] : memref<10240x40xf32, #tpu.memory_space<vmem_shared>> -> memref<10240x40xf32, #tpu.memory_space<vmem_shared>>
      tpu.enqueue_indirect_dma source(%arg8 : memref<128x40xf32, #tpu.memory_space<vmem>>) target(%dma_start3A_778 : memref<10240x40xf32, #tpu.memory_space<vmem_shared>>) offsets(%dma_start3A_775 : memref<128xi32, #tpu.memory_space<vmem>>) semaphore(%arg31 : memref<!tpu.dma_semaphore, #tpu.memory_space<semaphore_mem>>) {add = true}
      %mul3A_779 = arith.constant 10 : i32
      %mul3A_780 = arith.muli %mul3A_779, %scan3A_745 : i32
      %add3A_781 = arith.constant 1 : i32
      %add3A_782 = arith.addi %mul3A_780, %add3A_781 : i32
      %dma_wait3A_783 = arith.constant 0 : i32
      %dma_wait3A_784 = arith.constant 0 : i32
      %dma_wait3A_785 = tpu.memref_slice %arg7[%dma_wait3A_783, %dma_wait3A_784] : memref<80x128xi32, #tpu.memory_space<vmem>> -> memref<1x128xi32, #tpu.memory_space<vmem>>
      %dma_wait3A_786 = tpu.memref_squeeze %dma_wait3A_785 : memref<1x128xi32, #tpu.memory_space<vmem>> -> memref<128xi32, #tpu.memory_space<vmem>>
      %dma_wait3A_787 = arith.constant 0 : i32
      %dma_wait3A_788 = arith.constant 0 : i32
      %dma_wait3A_789 = tpu.memref_slice %arg19[%dma_wait3A_787, %dma_wait3A_788] : memref<10240x40xf32, #tpu.memory_space<vmem_shared>> -> memref<10240x40xf32, #tpu.memory_space<vmem_shared>>
      tpu.wait_indirect_dma semaphore(%arg37 : memref<!tpu.dma_semaphore, #tpu.memory_space<semaphore_mem>>) src(%arg14 : memref<128x40xf32, #tpu.memory_space<vmem>>) dst(%dma_wait3A_789 : memref<10240x40xf32, #tpu.memory_space<vmem_shared>>)
      %add3A_790 = arith.constant 5 : i32
      %add3A_791 = arith.addi %add3A_782, %add3A_790 : i32
      %min3A_792 = arith.constant 79 : i32
      %min3A_793 = arith.minsi %add3A_791, %min3A_792 : i32
      %dma_start3A_794 = arith.constant 0 : i32
      %dma_start3A_795 = tpu.memref_slice %arg6[%min3A_793, %dma_start3A_794] : memref<80x128xi32, #tpu.memory_space<vmem>> -> memref<1x128xi32, #tpu.memory_space<vmem>>
      %dma_start3A_796 = tpu.memref_squeeze %dma_start3A_795 : memref<1x128xi32, #tpu.memory_space<vmem>> -> memref<128xi32, #tpu.memory_space<vmem>>
      %dma_start3A_797 = arith.constant 0 : i32
      %dma_start3A_798 = arith.constant 0 : i32
      %dma_start3A_799 = tpu.memref_slice %arg20[%dma_start3A_797, %dma_start3A_798] : memref<10240x40xf32, #tpu.memory_space<vmem_shared>> -> memref<10240x40xf32, #tpu.memory_space<vmem_shared>>
      tpu.enqueue_indirect_dma source(%dma_start3A_799 : memref<10240x40xf32, #tpu.memory_space<vmem_shared>>) target(%arg14 : memref<128x40xf32, #tpu.memory_space<vmem>>) offsets(%dma_start3A_796 : memref<128xi32, #tpu.memory_space<vmem>>) semaphore(%arg27 : memref<!tpu.dma_semaphore, #tpu.memory_space<semaphore_mem>>)
      %dma_wait3A_800 = arith.constant 0 : i32
      %dma_wait3A_801 = arith.constant 0 : i32
      %dma_wait3A_802 = tpu.memref_slice %arg6[%dma_wait3A_800, %dma_wait3A_801] : memref<80x128xi32, #tpu.memory_space<vmem>> -> memref<1x128xi32, #tpu.memory_space<vmem>>
      %dma_wait3A_803 = tpu.memref_squeeze %dma_wait3A_802 : memref<1x128xi32, #tpu.memory_space<vmem>> -> memref<128xi32, #tpu.memory_space<vmem>>
      %dma_wait3A_804 = arith.constant 0 : i32
      %dma_wait3A_805 = arith.constant 0 : i32
      %dma_wait3A_806 = tpu.memref_slice %arg20[%dma_wait3A_804, %dma_wait3A_805] : memref<10240x40xf32, #tpu.memory_space<vmem_shared>> -> memref<10240x40xf32, #tpu.memory_space<vmem_shared>>
      tpu.wait_indirect_dma semaphore(%arg22 : memref<!tpu.dma_semaphore, #tpu.memory_space<semaphore_mem>>) src(%dma_wait3A_806 : memref<10240x40xf32, #tpu.memory_space<vmem_shared>>) dst(%arg9 : memref<128x40xf32, #tpu.memory_space<vmem>>)
      %dma_start3A_807 = arith.constant 0 : i32
      %dma_start3A_808 = tpu.memref_slice %arg7[%add3A_782, %dma_start3A_807] : memref<80x128xi32, #tpu.memory_space<vmem>> -> memref<1x128xi32, #tpu.memory_space<vmem>>
      %dma_start3A_809 = tpu.memref_squeeze %dma_start3A_808 : memref<1x128xi32, #tpu.memory_space<vmem>> -> memref<128xi32, #tpu.memory_space<vmem>>
      %dma_start3A_810 = arith.constant 0 : i32
      %dma_start3A_811 = arith.constant 0 : i32
      %dma_start3A_812 = tpu.memref_slice %arg19[%dma_start3A_810, %dma_start3A_811] : memref<10240x40xf32, #tpu.memory_space<vmem_shared>> -> memref<10240x40xf32, #tpu.memory_space<vmem_shared>>
      tpu.enqueue_indirect_dma source(%arg9 : memref<128x40xf32, #tpu.memory_space<vmem>>) target(%dma_start3A_812 : memref<10240x40xf32, #tpu.memory_space<vmem_shared>>) offsets(%dma_start3A_809 : memref<128xi32, #tpu.memory_space<vmem>>) semaphore(%arg32 : memref<!tpu.dma_semaphore, #tpu.memory_space<semaphore_mem>>) {add = true}
      %mul3A_813 = arith.constant 10 : i32
      %mul3A_814 = arith.muli %mul3A_813, %scan3A_745 : i32
      %add3A_815 = arith.constant 2 : i32
      %add3A_816 = arith.addi %mul3A_814, %add3A_815 : i32
      %dma_wait3A_817 = arith.constant 0 : i32
      %dma_wait3A_818 = arith.constant 0 : i32
      %dma_wait3A_819 = tpu.memref_slice %arg7[%dma_wait3A_817, %dma_wait3A_818] : memref<80x128xi32, #tpu.memory_space<vmem>> -> memref<1x128xi32, #tpu.memory_space<vmem>>
      %dma_wait3A_820 = tpu.memref_squeeze %dma_wait3A_819 : memref<1x128xi32, #tpu.memory_space<vmem>> -> memref<128xi32, #tpu.memory_space<vmem>>
      %dma_wait3A_821 = arith.constant 0 : i32
      %dma_wait3A_822 = arith.constant 0 : i32
      %dma_wait3A_823 = tpu.memref_slice %arg19[%dma_wait3A_821, %dma_wait3A_822] : memref<10240x40xf32, #tpu.memory_space<vmem_shared>> -> memref<10240x40xf32, #tpu.memory_space<vmem_shared>>
      tpu.wait_indirect_dma semaphore(%arg38 : memref<!tpu.dma_semaphore, #tpu.memory_space<semaphore_mem>>) src(%arg15 : memref<128x40xf32, #tpu.memory_space<vmem>>) dst(%dma_wait3A_823 : memref<10240x40xf32, #tpu.memory_space<vmem_shared>>)
      %add3A_824 = arith.constant 5 : i32
      %add3A_825 = arith.addi %add3A_816, %add3A_824 : i32
      %min3A_826 = arith.constant 79 : i32
      %min3A_827 = arith.minsi %add3A_825, %min3A_826 : i32
      %dma_start3A_828 = arith.constant 0 : i32
      %dma_start3A_829 = tpu.memref_slice %arg6[%min3A_827, %dma_start3A_828] : memref<80x128xi32, #tpu.memory_space<vmem>> -> memref<1x128xi32, #tpu.memory_space<vmem>>
      %dma_start3A_830 = tpu.memref_squeeze %dma_start3A_829 : memref<1x128xi32, #tpu.memory_space<vmem>> -> memref<128xi32, #tpu.memory_space<vmem>>
      %dma_start3A_831 = arith.constant 0 : i32
      %dma_start3A_832 = arith.constant 0 : i32
      %dma_start3A_833 = tpu.memref_slice %arg20[%dma_start3A_831, %dma_start3A_832] : memref<10240x40xf32, #tpu.memory_space<vmem_shared>> -> memref<10240x40xf32, #tpu.memory_space<vmem_shared>>
      tpu.enqueue_indirect_dma source(%dma_start3A_833 : memref<10240x40xf32, #tpu.memory_space<vmem_shared>>) target(%arg15 : memref<128x40xf32, #tpu.memory_space<vmem>>) offsets(%dma_start3A_830 : memref<128xi32, #tpu.memory_space<vmem>>) semaphore(%arg28 : memref<!tpu.dma_semaphore, #tpu.memory_space<semaphore_mem>>)
      %dma_wait3A_834 = arith.constant 0 : i32
      %dma_wait3A_835 = arith.constant 0 : i32
      %dma_wait3A_836 = tpu.memref_slice %arg6[%dma_wait3A_834, %dma_wait3A_835] : memref<80x128xi32, #tpu.memory_space<vmem>> -> memref<1x128xi32, #tpu.memory_space<vmem>>
      %dma_wait3A_837 = tpu.memref_squeeze %dma_wait3A_836 : memref<1x128xi32, #tpu.memory_space<vmem>> -> memref<128xi32, #tpu.memory_space<vmem>>
      %dma_wait3A_838 = arith.constant 0 : i32
      %dma_wait3A_839 = arith.constant 0 : i32
      %dma_wait3A_840 = tpu.memref_slice %arg20[%dma_wait3A_838, %dma_wait3A_839] : memref<10240x40xf32, #tpu.memory_space<vmem_shared>> -> memref<10240x40xf32, #tpu.memory_space<vmem_shared>>
      tpu.wait_indirect_dma semaphore(%arg23 : memref<!tpu.dma_semaphore, #tpu.memory_space<semaphore_mem>>) src(%dma_wait3A_840 : memref<10240x40xf32, #tpu.memory_space<vmem_shared>>) dst(%arg10 : memref<128x40xf32, #tpu.memory_space<vmem>>)
      %dma_start3A_841 = arith.constant 0 : i32
      %dma_start3A_842 = tpu.memref_slice %arg7[%add3A_816, %dma_start3A_841] : memref<80x128xi32, #tpu.memory_space<vmem>> -> memref<1x128xi32, #tpu.memory_space<vmem>>
      %dma_start3A_843 = tpu.memref_squeeze %dma_start3A_842 : memref<1x128xi32, #tpu.memory_space<vmem>> -> memref<128xi32, #tpu.memory_space<vmem>>
      %dma_start3A_844 = arith.constant 0 : i32
      %dma_start3A_845 = arith.constant 0 : i32
      %dma_start3A_846 = tpu.memref_slice %arg19[%dma_start3A_844, %dma_start3A_845] : memref<10240x40xf32, #tpu.memory_space<vmem_shared>> -> memref<10240x40xf32, #tpu.memory_space<vmem_shared>>
      tpu.enqueue_indirect_dma source(%arg10 : memref<128x40xf32, #tpu.memory_space<vmem>>) target(%dma_start3A_846 : memref<10240x40xf32, #tpu.memory_space<vmem_shared>>) offsets(%dma_start3A_843 : memref<128xi32, #tpu.memory_space<vmem>>) semaphore(%arg33 : memref<!tpu.dma_semaphore, #tpu.memory_space<semaphore_mem>>) {add = true}
      %mul3A_847 = arith.constant 10 : i32
      %mul3A_848 = arith.muli %mul3A_847, %scan3A_745 : i32
      %add3A_849 = arith.constant 3 : i32
      %add3A_850 = arith.addi %mul3A_848, %add3A_849 : i32
      %dma_wait3A_851 = arith.constant 0 : i32
      %dma_wait3A_852 = arith.constant 0 : i32
      %dma_wait3A_853 = tpu.memref_slice %arg7[%dma_wait3A_851, %dma_wait3A_852] : memref<80x128xi32, #tpu.memory_space<vmem>> -> memref<1x128xi32, #tpu.memory_space<vmem>>
      %dma_wait3A_854 = tpu.memref_squeeze %dma_wait3A_853 : memref<1x128xi32, #tpu.memory_space<vmem>> -> memref<128xi32, #tpu.memory_space<vmem>>
      %dma_wait3A_855 = arith.constant 0 : i32
      %dma_wait3A_856 = arith.constant 0 : i32
      %dma_wait3A_857 = tpu.memref_slice %arg19[%dma_wait3A_855, %dma_wait3A_856] : memref<10240x40xf32, #tpu.memory_space<vmem_shared>> -> memref<10240x40xf32, #tpu.memory_space<vmem_shared>>
      tpu.wait_indirect_dma semaphore(%arg39 : memref<!tpu.dma_semaphore, #tpu.memory_space<semaphore_mem>>) src(%arg16 : memref<128x40xf32, #tpu.memory_space<vmem>>) dst(%dma_wait3A_857 : memref<10240x40xf32, #tpu.memory_space<vmem_shared>>)
      %add3A_858 = arith.constant 5 : i32
      %add3A_859 = arith.addi %add3A_850, %add3A_858 : i32
      %min3A_860 = arith.constant 79 : i32
      %min3A_861 = arith.minsi %add3A_859, %min3A_860 : i32
      %dma_start3A_862 = arith.constant 0 : i32
      %dma_start3A_863 = tpu.memref_slice %arg6[%min3A_861, %dma_start3A_862] : memref<80x128xi32, #tpu.memory_space<vmem>> -> memref<1x128xi32, #tpu.memory_space<vmem>>
      %dma_start3A_864 = tpu.memref_squeeze %dma_start3A_863 : memref<1x128xi32, #tpu.memory_space<vmem>> -> memref<128xi32, #tpu.memory_space<vmem>>
      %dma_start3A_865 = arith.constant 0 : i32
      %dma_start3A_866 = arith.constant 0 : i32
      %dma_start3A_867 = tpu.memref_slice %arg20[%dma_start3A_865, %dma_start3A_866] : memref<10240x40xf32, #tpu.memory_space<vmem_shared>> -> memref<10240x40xf32, #tpu.memory_space<vmem_shared>>
      tpu.enqueue_indirect_dma source(%dma_start3A_867 : memref<10240x40xf32, #tpu.memory_space<vmem_shared>>) target(%arg16 : memref<128x40xf32, #tpu.memory_space<vmem>>) offsets(%dma_start3A_864 : memref<128xi32, #tpu.memory_space<vmem>>) semaphore(%arg29 : memref<!tpu.dma_semaphore, #tpu.memory_space<semaphore_mem>>)
      %dma_wait3A_868 = arith.constant 0 : i32
      %dma_wait3A_869 = arith.constant 0 : i32
      %dma_wait3A_870 = tpu.memref_slice %arg6[%dma_wait3A_868, %dma_wait3A_869] : memref<80x128xi32, #tpu.memory_space<vmem>> -> memref<1x128xi32, #tpu.memory_space<vmem>>
      %dma_wait3A_871 = tpu.memref_squeeze %dma_wait3A_870 : memref<1x128xi32, #tpu.memory_space<vmem>> -> memref<128xi32, #tpu.memory_space<vmem>>
      %dma_wait3A_872 = arith.constant 0 : i32
      %dma_wait3A_873 = arith.constant 0 : i32
      %dma_wait3A_874 = tpu.memref_slice %arg20[%dma_wait3A_872, %dma_wait3A_873] : memref<10240x40xf32, #tpu.memory_space<vmem_shared>> -> memref<10240x40xf32, #tpu.memory_space<vmem_shared>>
      tpu.wait_indirect_dma semaphore(%arg24 : memref<!tpu.dma_semaphore, #tpu.memory_space<semaphore_mem>>) src(%dma_wait3A_874 : memref<10240x40xf32, #tpu.memory_space<vmem_shared>>) dst(%arg11 : memref<128x40xf32, #tpu.memory_space<vmem>>)
      %dma_start3A_875 = arith.constant 0 : i32
      %dma_start3A_876 = tpu.memref_slice %arg7[%add3A_850, %dma_start3A_875] : memref<80x128xi32, #tpu.memory_space<vmem>> -> memref<1x128xi32, #tpu.memory_space<vmem>>
      %dma_start3A_877 = tpu.memref_squeeze %dma_start3A_876 : memref<1x128xi32, #tpu.memory_space<vmem>> -> memref<128xi32, #tpu.memory_space<vmem>>
      %dma_start3A_878 = arith.constant 0 : i32
      %dma_start3A_879 = arith.constant 0 : i32
      %dma_start3A_880 = tpu.memref_slice %arg19[%dma_start3A_878, %dma_start3A_879] : memref<10240x40xf32, #tpu.memory_space<vmem_shared>> -> memref<10240x40xf32, #tpu.memory_space<vmem_shared>>
      tpu.enqueue_indirect_dma source(%arg11 : memref<128x40xf32, #tpu.memory_space<vmem>>) target(%dma_start3A_880 : memref<10240x40xf32, #tpu.memory_space<vmem_shared>>) offsets(%dma_start3A_877 : memref<128xi32, #tpu.memory_space<vmem>>) semaphore(%arg34 : memref<!tpu.dma_semaphore, #tpu.memory_space<semaphore_mem>>) {add = true}
      %mul3A_881 = arith.constant 10 : i32
      %mul3A_882 = arith.muli %mul3A_881, %scan3A_745 : i32
      %add3A_883 = arith.constant 4 : i32
      %add3A_884 = arith.addi %mul3A_882, %add3A_883 : i32
      %dma_wait3A_885 = arith.constant 0 : i32
      %dma_wait3A_886 = arith.constant 0 : i32
      %dma_wait3A_887 = tpu.memref_slice %arg7[%dma_wait3A_885, %dma_wait3A_886] : memref<80x128xi32, #tpu.memory_space<vmem>> -> memref<1x128xi32, #tpu.memory_space<vmem>>
      %dma_wait3A_888 = tpu.memref_squeeze %dma_wait3A_887 : memref<1x128xi32, #tpu.memory_space<vmem>> -> memref<128xi32, #tpu.memory_space<vmem>>
      %dma_wait3A_889 = arith.constant 0 : i32
      %dma_wait3A_890 = arith.constant 0 : i32
      %dma_wait3A_891 = tpu.memref_slice %arg19[%dma_wait3A_889, %dma_wait3A_890] : memref<10240x40xf32, #tpu.memory_space<vmem_shared>> -> memref<10240x40xf32, #tpu.memory_space<vmem_shared>>
      tpu.wait_indirect_dma semaphore(%arg40 : memref<!tpu.dma_semaphore, #tpu.memory_space<semaphore_mem>>) src(%arg17 : memref<128x40xf32, #tpu.memory_space<vmem>>) dst(%dma_wait3A_891 : memref<10240x40xf32, #tpu.memory_space<vmem_shared>>)
      %add3A_892 = arith.constant 5 : i32
      %add3A_893 = arith.addi %add3A_884, %add3A_892 : i32
      %min3A_894 = arith.constant 79 : i32
      %min3A_895 = arith.minsi %add3A_893, %min3A_894 : i32
      %dma_start3A_896 = arith.constant 0 : i32
      %dma_start3A_897 = tpu.memref_slice %arg6[%min3A_895, %dma_start3A_896] : memref<80x128xi32, #tpu.memory_space<vmem>> -> memref<1x128xi32, #tpu.memory_space<vmem>>
      %dma_start3A_898 = tpu.memref_squeeze %dma_start3A_897 : memref<1x128xi32, #tpu.memory_space<vmem>> -> memref<128xi32, #tpu.memory_space<vmem>>
      %dma_start3A_899 = arith.constant 0 : i32
      %dma_start3A_900 = arith.constant 0 : i32
      %dma_start3A_901 = tpu.memref_slice %arg20[%dma_start3A_899, %dma_start3A_900] : memref<10240x40xf32, #tpu.memory_space<vmem_shared>> -> memref<10240x40xf32, #tpu.memory_space<vmem_shared>>
      tpu.enqueue_indirect_dma source(%dma_start3A_901 : memref<10240x40xf32, #tpu.memory_space<vmem_shared>>) target(%arg17 : memref<128x40xf32, #tpu.memory_space<vmem>>) offsets(%dma_start3A_898 : memref<128xi32, #tpu.memory_space<vmem>>) semaphore(%arg30 : memref<!tpu.dma_semaphore, #tpu.memory_space<semaphore_mem>>)
      %dma_wait3A_902 = arith.constant 0 : i32
      %dma_wait3A_903 = arith.constant 0 : i32
      %dma_wait3A_904 = tpu.memref_slice %arg6[%dma_wait3A_902, %dma_wait3A_903] : memref<80x128xi32, #tpu.memory_space<vmem>> -> memref<1x128xi32, #tpu.memory_space<vmem>>
      %dma_wait3A_905 = tpu.memref_squeeze %dma_wait3A_904 : memref<1x128xi32, #tpu.memory_space<vmem>> -> memref<128xi32, #tpu.memory_space<vmem>>
      %dma_wait3A_906 = arith.constant 0 : i32
      %dma_wait3A_907 = arith.constant 0 : i32
      %dma_wait3A_908 = tpu.memref_slice %arg20[%dma_wait3A_906, %dma_wait3A_907] : memref<10240x40xf32, #tpu.memory_space<vmem_shared>> -> memref<10240x40xf32, #tpu.memory_space<vmem_shared>>
      tpu.wait_indirect_dma semaphore(%arg25 : memref<!tpu.dma_semaphore, #tpu.memory_space<semaphore_mem>>) src(%dma_wait3A_908 : memref<10240x40xf32, #tpu.memory_space<vmem_shared>>) dst(%arg12 : memref<128x40xf32, #tpu.memory_space<vmem>>)
      %dma_start3A_909 = arith.constant 0 : i32
      %dma_start3A_910 = tpu.memref_slice %arg7[%add3A_884, %dma_start3A_909] : memref<80x128xi32, #tpu.memory_space<vmem>> -> memref<1x128xi32, #tpu.memory_space<vmem>>
      %dma_start3A_911 = tpu.memref_squeeze %dma_start3A_910 : memref<1x128xi32, #tpu.memory_space<vmem>> -> memref<128xi32, #tpu.memory_space<vmem>>
      %dma_start3A_912 = arith.constant 0 : i32
      %dma_start3A_913 = arith.constant 0 : i32
      %dma_start3A_914 = tpu.memref_slice %arg19[%dma_start3A_912, %dma_start3A_913] : memref<10240x40xf32, #tpu.memory_space<vmem_shared>> -> memref<10240x40xf32, #tpu.memory_space<vmem_shared>>
      tpu.enqueue_indirect_dma source(%arg12 : memref<128x40xf32, #tpu.memory_space<vmem>>) target(%dma_start3A_914 : memref<10240x40xf32, #tpu.memory_space<vmem_shared>>) offsets(%dma_start3A_911 : memref<128xi32, #tpu.memory_space<vmem>>) semaphore(%arg35 : memref<!tpu.dma_semaphore, #tpu.memory_space<semaphore_mem>>) {add = true}
      %mul3A_915 = arith.constant 10 : i32
      %mul3A_916 = arith.muli %mul3A_915, %scan3A_745 : i32
      %add3A_917 = arith.constant 5 : i32
      %add3A_918 = arith.addi %mul3A_916, %add3A_917 : i32
      %dma_wait3A_919 = arith.constant 0 : i32
      %dma_wait3A_920 = arith.constant 0 : i32
      %dma_wait3A_921 = tpu.memref_slice %arg7[%dma_wait3A_919, %dma_wait3A_920] : memref<80x128xi32, #tpu.memory_space<vmem>> -> memref<1x128xi32, #tpu.memory_space<vmem>>
      %dma_wait3A_922 = tpu.memref_squeeze %dma_wait3A_921 : memref<1x128xi32, #tpu.memory_space<vmem>> -> memref<128xi32, #tpu.memory_space<vmem>>
      %dma_wait3A_923 = arith.constant 0 : i32
      %dma_wait3A_924 = arith.constant 0 : i32
      %dma_wait3A_925 = tpu.memref_slice %arg19[%dma_wait3A_923, %dma_wait3A_924] : memref<10240x40xf32, #tpu.memory_space<vmem_shared>> -> memref<10240x40xf32, #tpu.memory_space<vmem_shared>>
      tpu.wait_indirect_dma semaphore(%arg31 : memref<!tpu.dma_semaphore, #tpu.memory_space<semaphore_mem>>) src(%arg8 : memref<128x40xf32, #tpu.memory_space<vmem>>) dst(%dma_wait3A_925 : memref<10240x40xf32, #tpu.memory_space<vmem_shared>>)
      %add3A_926 = arith.constant 5 : i32
      %add3A_927 = arith.addi %add3A_918, %add3A_926 : i32
      %min3A_928 = arith.constant 79 : i32
      %min3A_929 = arith.minsi %add3A_927, %min3A_928 : i32
      %dma_start3A_930 = arith.constant 0 : i32
      %dma_start3A_931 = tpu.memref_slice %arg6[%min3A_929, %dma_start3A_930] : memref<80x128xi32, #tpu.memory_space<vmem>> -> memref<1x128xi32, #tpu.memory_space<vmem>>
      %dma_start3A_932 = tpu.memref_squeeze %dma_start3A_931 : memref<1x128xi32, #tpu.memory_space<vmem>> -> memref<128xi32, #tpu.memory_space<vmem>>
      %dma_start3A_933 = arith.constant 0 : i32
      %dma_start3A_934 = arith.constant 0 : i32
      %dma_start3A_935 = tpu.memref_slice %arg20[%dma_start3A_933, %dma_start3A_934] : memref<10240x40xf32, #tpu.memory_space<vmem_shared>> -> memref<10240x40xf32, #tpu.memory_space<vmem_shared>>
      tpu.enqueue_indirect_dma source(%dma_start3A_935 : memref<10240x40xf32, #tpu.memory_space<vmem_shared>>) target(%arg8 : memref<128x40xf32, #tpu.memory_space<vmem>>) offsets(%dma_start3A_932 : memref<128xi32, #tpu.memory_space<vmem>>) semaphore(%arg21 : memref<!tpu.dma_semaphore, #tpu.memory_space<semaphore_mem>>)
      %dma_wait3A_936 = arith.constant 0 : i32
      %dma_wait3A_937 = arith.constant 0 : i32
      %dma_wait3A_938 = tpu.memref_slice %arg6[%dma_wait3A_936, %dma_wait3A_937] : memref<80x128xi32, #tpu.memory_space<vmem>> -> memref<1x128xi32, #tpu.memory_space<vmem>>
      %dma_wait3A_939 = tpu.memref_squeeze %dma_wait3A_938 : memref<1x128xi32, #tpu.memory_space<vmem>> -> memref<128xi32, #tpu.memory_space<vmem>>
      %dma_wait3A_940 = arith.constant 0 : i32
      %dma_wait3A_941 = arith.constant 0 : i32
      %dma_wait3A_942 = tpu.memref_slice %arg20[%dma_wait3A_940, %dma_wait3A_941] : memref<10240x40xf32, #tpu.memory_space<vmem_shared>> -> memref<10240x40xf32, #tpu.memory_space<vmem_shared>>
      tpu.wait_indirect_dma semaphore(%arg26 : memref<!tpu.dma_semaphore, #tpu.memory_space<semaphore_mem>>) src(%dma_wait3A_942 : memref<10240x40xf32, #tpu.memory_space<vmem_shared>>) dst(%arg13 : memref<128x40xf32, #tpu.memory_space<vmem>>)
      %dma_start3A_943 = arith.constant 0 : i32
      %dma_start3A_944 = tpu.memref_slice %arg7[%add3A_918, %dma_start3A_943] : memref<80x128xi32, #tpu.memory_space<vmem>> -> memref<1x128xi32, #tpu.memory_space<vmem>>
      %dma_start3A_945 = tpu.memref_squeeze %dma_start3A_944 : memref<1x128xi32, #tpu.memory_space<vmem>> -> memref<128xi32, #tpu.memory_space<vmem>>
      %dma_start3A_946 = arith.constant 0 : i32
      %dma_start3A_947 = arith.constant 0 : i32
      %dma_start3A_948 = tpu.memref_slice %arg19[%dma_start3A_946, %dma_start3A_947] : memref<10240x40xf32, #tpu.memory_space<vmem_shared>> -> memref<10240x40xf32, #tpu.memory_space<vmem_shared>>
      tpu.enqueue_indirect_dma source(%arg13 : memref<128x40xf32, #tpu.memory_space<vmem>>) target(%dma_start3A_948 : memref<10240x40xf32, #tpu.memory_space<vmem_shared>>) offsets(%dma_start3A_945 : memref<128xi32, #tpu.memory_space<vmem>>) semaphore(%arg36 : memref<!tpu.dma_semaphore, #tpu.memory_space<semaphore_mem>>) {add = true}
      %mul3A_949 = arith.constant 10 : i32
      %mul3A_950 = arith.muli %mul3A_949, %scan3A_745 : i32
      %add3A_951 = arith.constant 6 : i32
      %add3A_952 = arith.addi %mul3A_950, %add3A_951 : i32
      %dma_wait3A_953 = arith.constant 0 : i32
      %dma_wait3A_954 = arith.constant 0 : i32
      %dma_wait3A_955 = tpu.memref_slice %arg7[%dma_wait3A_953, %dma_wait3A_954] : memref<80x128xi32, #tpu.memory_space<vmem>> -> memref<1x128xi32, #tpu.memory_space<vmem>>
      %dma_wait3A_956 = tpu.memref_squeeze %dma_wait3A_955 : memref<1x128xi32, #tpu.memory_space<vmem>> -> memref<128xi32, #tpu.memory_space<vmem>>
      %dma_wait3A_957 = arith.constant 0 : i32
      %dma_wait3A_958 = arith.constant 0 : i32
      %dma_wait3A_959 = tpu.memref_slice %arg19[%dma_wait3A_957, %dma_wait3A_958] : memref<10240x40xf32, #tpu.memory_space<vmem_shared>> -> memref<10240x40xf32, #tpu.memory_space<vmem_shared>>
      tpu.wait_indirect_dma semaphore(%arg32 : memref<!tpu.dma_semaphore, #tpu.memory_space<semaphore_mem>>) src(%arg9 : memref<128x40xf32, #tpu.memory_space<vmem>>) dst(%dma_wait3A_959 : memref<10240x40xf32, #tpu.memory_space<vmem_shared>>)
      %add3A_960 = arith.constant 5 : i32
      %add3A_961 = arith.addi %add3A_952, %add3A_960 : i32
      %min3A_962 = arith.constant 79 : i32
      %min3A_963 = arith.minsi %add3A_961, %min3A_962 : i32
      %dma_start3A_964 = arith.constant 0 : i32
      %dma_start3A_965 = tpu.memref_slice %arg6[%min3A_963, %dma_start3A_964] : memref<80x128xi32, #tpu.memory_space<vmem>> -> memref<1x128xi32, #tpu.memory_space<vmem>>
      %dma_start3A_966 = tpu.memref_squeeze %dma_start3A_965 : memref<1x128xi32, #tpu.memory_space<vmem>> -> memref<128xi32, #tpu.memory_space<vmem>>
      %dma_start3A_967 = arith.constant 0 : i32
      %dma_start3A_968 = arith.constant 0 : i32
      %dma_start3A_969 = tpu.memref_slice %arg20[%dma_start3A_967, %dma_start3A_968] : memref<10240x40xf32, #tpu.memory_space<vmem_shared>> -> memref<10240x40xf32, #tpu.memory_space<vmem_shared>>
      tpu.enqueue_indirect_dma source(%dma_start3A_969 : memref<10240x40xf32, #tpu.memory_space<vmem_shared>>) target(%arg9 : memref<128x40xf32, #tpu.memory_space<vmem>>) offsets(%dma_start3A_966 : memref<128xi32, #tpu.memory_space<vmem>>) semaphore(%arg22 : memref<!tpu.dma_semaphore, #tpu.memory_space<semaphore_mem>>)
      %dma_wait3A_970 = arith.constant 0 : i32
      %dma_wait3A_971 = arith.constant 0 : i32
      %dma_wait3A_972 = tpu.memref_slice %arg6[%dma_wait3A_970, %dma_wait3A_971] : memref<80x128xi32, #tpu.memory_space<vmem>> -> memref<1x128xi32, #tpu.memory_space<vmem>>
      %dma_wait3A_973 = tpu.memref_squeeze %dma_wait3A_972 : memref<1x128xi32, #tpu.memory_space<vmem>> -> memref<128xi32, #tpu.memory_space<vmem>>
      %dma_wait3A_974 = arith.constant 0 : i32
      %dma_wait3A_975 = arith.constant 0 : i32
      %dma_wait3A_976 = tpu.memref_slice %arg20[%dma_wait3A_974, %dma_wait3A_975] : memref<10240x40xf32, #tpu.memory_space<vmem_shared>> -> memref<10240x40xf32, #tpu.memory_space<vmem_shared>>
      tpu.wait_indirect_dma semaphore(%arg27 : memref<!tpu.dma_semaphore, #tpu.memory_space<semaphore_mem>>) src(%dma_wait3A_976 : memref<10240x40xf32, #tpu.memory_space<vmem_shared>>) dst(%arg14 : memref<128x40xf32, #tpu.memory_space<vmem>>)
      %dma_start3A_977 = arith.constant 0 : i32
      %dma_start3A_978 = tpu.memref_slice %arg7[%add3A_952, %dma_start3A_977] : memref<80x128xi32, #tpu.memory_space<vmem>> -> memref<1x128xi32, #tpu.memory_space<vmem>>
      %dma_start3A_979 = tpu.memref_squeeze %dma_start3A_978 : memref<1x128xi32, #tpu.memory_space<vmem>> -> memref<128xi32, #tpu.memory_space<vmem>>
      %dma_start3A_980 = arith.constant 0 : i32
      %dma_start3A_981 = arith.constant 0 : i32
      %dma_start3A_982 = tpu.memref_slice %arg19[%dma_start3A_980, %dma_start3A_981] : memref<10240x40xf32, #tpu.memory_space<vmem_shared>> -> memref<10240x40xf32, #tpu.memory_space<vmem_shared>>
      tpu.enqueue_indirect_dma source(%arg14 : memref<128x40xf32, #tpu.memory_space<vmem>>) target(%dma_start3A_982 : memref<10240x40xf32, #tpu.memory_space<vmem_shared>>) offsets(%dma_start3A_979 : memref<128xi32, #tpu.memory_space<vmem>>) semaphore(%arg37 : memref<!tpu.dma_semaphore, #tpu.memory_space<semaphore_mem>>) {add = true}
      %mul3A_983 = arith.constant 10 : i32
      %mul3A_984 = arith.muli %mul3A_983, %scan3A_745 : i32
      %add3A_985 = arith.constant 7 : i32
      %add3A_986 = arith.addi %mul3A_984, %add3A_985 : i32
      %dma_wait3A_987 = arith.constant 0 : i32
      %dma_wait3A_988 = arith.constant 0 : i32
      %dma_wait3A_989 = tpu.memref_slice %arg7[%dma_wait3A_987, %dma_wait3A_988] : memref<80x128xi32, #tpu.memory_space<vmem>> -> memref<1x128xi32, #tpu.memory_space<vmem>>
      %dma_wait3A_990 = tpu.memref_squeeze %dma_wait3A_989 : memref<1x128xi32, #tpu.memory_space<vmem>> -> memref<128xi32, #tpu.memory_space<vmem>>
      %dma_wait3A_991 = arith.constant 0 : i32
      %dma_wait3A_992 = arith.constant 0 : i32
      %dma_wait3A_993 = tpu.memref_slice %arg19[%dma_wait3A_991, %dma_wait3A_992] : memref<10240x40xf32, #tpu.memory_space<vmem_shared>> -> memref<10240x40xf32, #tpu.memory_space<vmem_shared>>
      tpu.wait_indirect_dma semaphore(%arg33 : memref<!tpu.dma_semaphore, #tpu.memory_space<semaphore_mem>>) src(%arg10 : memref<128x40xf32, #tpu.memory_space<vmem>>) dst(%dma_wait3A_993 : memref<10240x40xf32, #tpu.memory_space<vmem_shared>>)
      %add3A_994 = arith.constant 5 : i32
      %add3A_995 = arith.addi %add3A_986, %add3A_994 : i32
      %min3A_996 = arith.constant 79 : i32
      %min3A_997 = arith.minsi %add3A_995, %min3A_996 : i32
      %dma_start3A_998 = arith.constant 0 : i32
      %dma_start3A_999 = tpu.memref_slice %arg6[%min3A_997, %dma_start3A_998] : memref<80x128xi32, #tpu.memory_space<vmem>> -> memref<1x128xi32, #tpu.memory_space<vmem>>
      %dma_start3A_1000 = tpu.memref_squeeze %dma_start3A_999 : memref<1x128xi32, #tpu.memory_space<vmem>> -> memref<128xi32, #tpu.memory_space<vmem>>
      %dma_start3A_1001 = arith.constant 0 : i32
      %dma_start3A_1002 = arith.constant 0 : i32
      %dma_start3A_1003 = tpu.memref_slice %arg20[%dma_start3A_1001, %dma_start3A_1002] : memref<10240x40xf32, #tpu.memory_space<vmem_shared>> -> memref<10240x40xf32, #tpu.memory_space<vmem_shared>>
      tpu.enqueue_indirect_dma source(%dma_start3A_1003 : memref<10240x40xf32, #tpu.memory_space<vmem_shared>>) target(%arg10 : memref<128x40xf32, #tpu.memory_space<vmem>>) offsets(%dma_start3A_1000 : memref<128xi32, #tpu.memory_space<vmem>>) semaphore(%arg23 : memref<!tpu.dma_semaphore, #tpu.memory_space<semaphore_mem>>)
      %dma_wait3A_1004 = arith.constant 0 : i32
      %dma_wait3A_1005 = arith.constant 0 : i32
      %dma_wait3A_1006 = tpu.memref_slice %arg6[%dma_wait3A_1004, %dma_wait3A_1005] : memref<80x128xi32, #tpu.memory_space<vmem>> -> memref<1x128xi32, #tpu.memory_space<vmem>>
      %dma_wait3A_1007 = tpu.memref_squeeze %dma_wait3A_1006 : memref<1x128xi32, #tpu.memory_space<vmem>> -> memref<128xi32, #tpu.memory_space<vmem>>
      %dma_wait3A_1008 = arith.constant 0 : i32
      %dma_wait3A_1009 = arith.constant 0 : i32
      %dma_wait3A_1010 = tpu.memref_slice %arg20[%dma_wait3A_1008, %dma_wait3A_1009] : memref<10240x40xf32, #tpu.memory_space<vmem_shared>> -> memref<10240x40xf32, #tpu.memory_space<vmem_shared>>
      tpu.wait_indirect_dma semaphore(%arg28 : memref<!tpu.dma_semaphore, #tpu.memory_space<semaphore_mem>>) src(%dma_wait3A_1010 : memref<10240x40xf32, #tpu.memory_space<vmem_shared>>) dst(%arg15 : memref<128x40xf32, #tpu.memory_space<vmem>>)
      %dma_start3A_1011 = arith.constant 0 : i32
      %dma_start3A_1012 = tpu.memref_slice %arg7[%add3A_986, %dma_start3A_1011] : memref<80x128xi32, #tpu.memory_space<vmem>> -> memref<1x128xi32, #tpu.memory_space<vmem>>
      %dma_start3A_1013 = tpu.memref_squeeze %dma_start3A_1012 : memref<1x128xi32, #tpu.memory_space<vmem>> -> memref<128xi32, #tpu.memory_space<vmem>>
      %dma_start3A_1014 = arith.constant 0 : i32
      %dma_start3A_1015 = arith.constant 0 : i32
      %dma_start3A_1016 = tpu.memref_slice %arg19[%dma_start3A_1014, %dma_start3A_1015] : memref<10240x40xf32, #tpu.memory_space<vmem_shared>> -> memref<10240x40xf32, #tpu.memory_space<vmem_shared>>
      tpu.enqueue_indirect_dma source(%arg15 : memref<128x40xf32, #tpu.memory_space<vmem>>) target(%dma_start3A_1016 : memref<10240x40xf32, #tpu.memory_space<vmem_shared>>) offsets(%dma_start3A_1013 : memref<128xi32, #tpu.memory_space<vmem>>) semaphore(%arg38 : memref<!tpu.dma_semaphore, #tpu.memory_space<semaphore_mem>>) {add = true}
      %mul3A_1017 = arith.constant 10 : i32
      %mul3A_1018 = arith.muli %mul3A_1017, %scan3A_745 : i32
      %add3A_1019 = arith.constant 8 : i32
      %add3A_1020 = arith.addi %mul3A_1018, %add3A_1019 : i32
      %dma_wait3A_1021 = arith.constant 0 : i32
      %dma_wait3A_1022 = arith.constant 0 : i32
      %dma_wait3A_1023 = tpu.memref_slice %arg7[%dma_wait3A_1021, %dma_wait3A_1022] : memref<80x128xi32, #tpu.memory_space<vmem>> -> memref<1x128xi32, #tpu.memory_space<vmem>>
      %dma_wait3A_1024 = tpu.memref_squeeze %dma_wait3A_1023 : memref<1x128xi32, #tpu.memory_space<vmem>> -> memref<128xi32, #tpu.memory_space<vmem>>
      %dma_wait3A_1025 = arith.constant 0 : i32
      %dma_wait3A_1026 = arith.constant 0 : i32
      %dma_wait3A_1027 = tpu.memref_slice %arg19[%dma_wait3A_1025, %dma_wait3A_1026] : memref<10240x40xf32, #tpu.memory_space<vmem_shared>> -> memref<10240x40xf32, #tpu.memory_space<vmem_shared>>
      tpu.wait_indirect_dma semaphore(%arg34 : memref<!tpu.dma_semaphore, #tpu.memory_space<semaphore_mem>>) src(%arg11 : memref<128x40xf32, #tpu.memory_space<vmem>>) dst(%dma_wait3A_1027 : memref<10240x40xf32, #tpu.memory_space<vmem_shared>>)
      %add3A_1028 = arith.constant 5 : i32
      %add3A_1029 = arith.addi %add3A_1020, %add3A_1028 : i32
      %min3A_1030 = arith.constant 79 : i32
      %min3A_1031 = arith.minsi %add3A_1029, %min3A_1030 : i32
      %dma_start3A_1032 = arith.constant 0 : i32
      %dma_start3A_1033 = tpu.memref_slice %arg6[%min3A_1031, %dma_start3A_1032] : memref<80x128xi32, #tpu.memory_space<vmem>> -> memref<1x128xi32, #tpu.memory_space<vmem>>
      %dma_start3A_1034 = tpu.memref_squeeze %dma_start3A_1033 : memref<1x128xi32, #tpu.memory_space<vmem>> -> memref<128xi32, #tpu.memory_space<vmem>>
      %dma_start3A_1035 = arith.constant 0 : i32
      %dma_start3A_1036 = arith.constant 0 : i32
      %dma_start3A_1037 = tpu.memref_slice %arg20[%dma_start3A_1035, %dma_start3A_1036] : memref<10240x40xf32, #tpu.memory_space<vmem_shared>> -> memref<10240x40xf32, #tpu.memory_space<vmem_shared>>
      tpu.enqueue_indirect_dma source(%dma_start3A_1037 : memref<10240x40xf32, #tpu.memory_space<vmem_shared>>) target(%arg11 : memref<128x40xf32, #tpu.memory_space<vmem>>) offsets(%dma_start3A_1034 : memref<128xi32, #tpu.memory_space<vmem>>) semaphore(%arg24 : memref<!tpu.dma_semaphore, #tpu.memory_space<semaphore_mem>>)
      %dma_wait3A_1038 = arith.constant 0 : i32
      %dma_wait3A_1039 = arith.constant 0 : i32
      %dma_wait3A_1040 = tpu.memref_slice %arg6[%dma_wait3A_1038, %dma_wait3A_1039] : memref<80x128xi32, #tpu.memory_space<vmem>> -> memref<1x128xi32, #tpu.memory_space<vmem>>
      %dma_wait3A_1041 = tpu.memref_squeeze %dma_wait3A_1040 : memref<1x128xi32, #tpu.memory_space<vmem>> -> memref<128xi32, #tpu.memory_space<vmem>>
      %dma_wait3A_1042 = arith.constant 0 : i32
      %dma_wait3A_1043 = arith.constant 0 : i32
      %dma_wait3A_1044 = tpu.memref_slice %arg20[%dma_wait3A_1042, %dma_wait3A_1043] : memref<10240x40xf32, #tpu.memory_space<vmem_shared>> -> memref<10240x40xf32, #tpu.memory_space<vmem_shared>>
      tpu.wait_indirect_dma semaphore(%arg29 : memref<!tpu.dma_semaphore, #tpu.memory_space<semaphore_mem>>) src(%dma_wait3A_1044 : memref<10240x40xf32, #tpu.memory_space<vmem_shared>>) dst(%arg16 : memref<128x40xf32, #tpu.memory_space<vmem>>)
      %dma_start3A_1045 = arith.constant 0 : i32
      %dma_start3A_1046 = tpu.memref_slice %arg7[%add3A_1020, %dma_start3A_1045] : memref<80x128xi32, #tpu.memory_space<vmem>> -> memref<1x128xi32, #tpu.memory_space<vmem>>
      %dma_start3A_1047 = tpu.memref_squeeze %dma_start3A_1046 : memref<1x128xi32, #tpu.memory_space<vmem>> -> memref<128xi32, #tpu.memory_space<vmem>>
      %dma_start3A_1048 = arith.constant 0 : i32
      %dma_start3A_1049 = arith.constant 0 : i32
      %dma_start3A_1050 = tpu.memref_slice %arg19[%dma_start3A_1048, %dma_start3A_1049] : memref<10240x40xf32, #tpu.memory_space<vmem_shared>> -> memref<10240x40xf32, #tpu.memory_space<vmem_shared>>
      tpu.enqueue_indirect_dma source(%arg16 : memref<128x40xf32, #tpu.memory_space<vmem>>) target(%dma_start3A_1050 : memref<10240x40xf32, #tpu.memory_space<vmem_shared>>) offsets(%dma_start3A_1047 : memref<128xi32, #tpu.memory_space<vmem>>) semaphore(%arg39 : memref<!tpu.dma_semaphore, #tpu.memory_space<semaphore_mem>>) {add = true}
      %mul3A_1051 = arith.constant 10 : i32
      %mul3A_1052 = arith.muli %mul3A_1051, %scan3A_745 : i32
      %add3A_1053 = arith.constant 9 : i32
      %add3A_1054 = arith.addi %mul3A_1052, %add3A_1053 : i32
      %dma_wait3A_1055 = arith.constant 0 : i32
      %dma_wait3A_1056 = arith.constant 0 : i32
      %dma_wait3A_1057 = tpu.memref_slice %arg7[%dma_wait3A_1055, %dma_wait3A_1056] : memref<80x128xi32, #tpu.memory_space<vmem>> -> memref<1x128xi32, #tpu.memory_space<vmem>>
      %dma_wait3A_1058 = tpu.memref_squeeze %dma_wait3A_1057 : memref<1x128xi32, #tpu.memory_space<vmem>> -> memref<128xi32, #tpu.memory_space<vmem>>
      %dma_wait3A_1059 = arith.constant 0 : i32
      %dma_wait3A_1060 = arith.constant 0 : i32
      %dma_wait3A_1061 = tpu.memref_slice %arg19[%dma_wait3A_1059, %dma_wait3A_1060] : memref<10240x40xf32, #tpu.memory_space<vmem_shared>> -> memref<10240x40xf32, #tpu.memory_space<vmem_shared>>
      tpu.wait_indirect_dma semaphore(%arg35 : memref<!tpu.dma_semaphore, #tpu.memory_space<semaphore_mem>>) src(%arg12 : memref<128x40xf32, #tpu.memory_space<vmem>>) dst(%dma_wait3A_1061 : memref<10240x40xf32, #tpu.memory_space<vmem_shared>>)
      %add3A_1062 = arith.constant 5 : i32
      %add3A_1063 = arith.addi %add3A_1054, %add3A_1062 : i32
      %min3A_1064 = arith.constant 79 : i32
      %min3A_1065 = arith.minsi %add3A_1063, %min3A_1064 : i32
      %dma_start3A_1066 = arith.constant 0 : i32
      %dma_start3A_1067 = tpu.memref_slice %arg6[%min3A_1065, %dma_start3A_1066] : memref<80x128xi32, #tpu.memory_space<vmem>> -> memref<1x128xi32, #tpu.memory_space<vmem>>
      %dma_start3A_1068 = tpu.memref_squeeze %dma_start3A_1067 : memref<1x128xi32, #tpu.memory_space<vmem>> -> memref<128xi32, #tpu.memory_space<vmem>>
      %dma_start3A_1069 = arith.constant 0 : i32
      %dma_start3A_1070 = arith.constant 0 : i32
      %dma_start3A_1071 = tpu.memref_slice %arg20[%dma_start3A_1069, %dma_start3A_1070] : memref<10240x40xf32, #tpu.memory_space<vmem_shared>> -> memref<10240x40xf32, #tpu.memory_space<vmem_shared>>
      tpu.enqueue_indirect_dma source(%dma_start3A_1071 : memref<10240x40xf32, #tpu.memory_space<vmem_shared>>) target(%arg12 : memref<128x40xf32, #tpu.memory_space<vmem>>) offsets(%dma_start3A_1068 : memref<128xi32, #tpu.memory_space<vmem>>) semaphore(%arg25 : memref<!tpu.dma_semaphore, #tpu.memory_space<semaphore_mem>>)
      %dma_wait3A_1072 = arith.constant 0 : i32
      %dma_wait3A_1073 = arith.constant 0 : i32
      %dma_wait3A_1074 = tpu.memref_slice %arg6[%dma_wait3A_1072, %dma_wait3A_1073] : memref<80x128xi32, #tpu.memory_space<vmem>> -> memref<1x128xi32, #tpu.memory_space<vmem>>
      %dma_wait3A_1075 = tpu.memref_squeeze %dma_wait3A_1074 : memref<1x128xi32, #tpu.memory_space<vmem>> -> memref<128xi32, #tpu.memory_space<vmem>>
      %dma_wait3A_1076 = arith.constant 0 : i32
      %dma_wait3A_1077 = arith.constant 0 : i32
      %dma_wait3A_1078 = tpu.memref_slice %arg20[%dma_wait3A_1076, %dma_wait3A_1077] : memref<10240x40xf32, #tpu.memory_space<vmem_shared>> -> memref<10240x40xf32, #tpu.memory_space<vmem_shared>>
      tpu.wait_indirect_dma semaphore(%arg30 : memref<!tpu.dma_semaphore, #tpu.memory_space<semaphore_mem>>) src(%dma_wait3A_1078 : memref<10240x40xf32, #tpu.memory_space<vmem_shared>>) dst(%arg17 : memref<128x40xf32, #tpu.memory_space<vmem>>)
      %dma_start3A_1079 = arith.constant 0 : i32
      %dma_start3A_1080 = tpu.memref_slice %arg7[%add3A_1054, %dma_start3A_1079] : memref<80x128xi32, #tpu.memory_space<vmem>> -> memref<1x128xi32, #tpu.memory_space<vmem>>
      %dma_start3A_1081 = tpu.memref_squeeze %dma_start3A_1080 : memref<1x128xi32, #tpu.memory_space<vmem>> -> memref<128xi32, #tpu.memory_space<vmem>>
      %dma_start3A_1082 = arith.constant 0 : i32
      %dma_start3A_1083 = arith.constant 0 : i32
      %dma_start3A_1084 = tpu.memref_slice %arg19[%dma_start3A_1082, %dma_start3A_1083] : memref<10240x40xf32, #tpu.memory_space<vmem_shared>> -> memref<10240x40xf32, #tpu.memory_space<vmem_shared>>
      tpu.enqueue_indirect_dma source(%arg17 : memref<128x40xf32, #tpu.memory_space<vmem>>) target(%dma_start3A_1084 : memref<10240x40xf32, #tpu.memory_space<vmem_shared>>) offsets(%dma_start3A_1081 : memref<128xi32, #tpu.memory_space<vmem>>) semaphore(%arg40 : memref<!tpu.dma_semaphore, #tpu.memory_space<semaphore_mem>>) {add = true}
    }
    %scan3A_673 = arith.constant 7 : i32
    %dma_wait3A_674 = arith.constant 0 : i32
    %dma_wait3A_675 = arith.constant 0 : i32
    %dma_wait3A_676 = tpu.memref_slice %arg6[%dma_wait3A_674, %dma_wait3A_675] : memref<80x128xi32, #tpu.memory_space<vmem>> -> memref<1x128xi32, #tpu.memory_space<vmem>>
    %dma_wait3A_677 = tpu.memref_squeeze %dma_wait3A_676 : memref<1x128xi32, #tpu.memory_space<vmem>> -> memref<128xi32, #tpu.memory_space<vmem>>
    %dma_wait3A_678 = arith.constant 0 : i32
    %dma_wait3A_679 = arith.constant 0 : i32
    %dma_wait3A_680 = tpu.memref_slice %arg20[%dma_wait3A_678, %dma_wait3A_679] : memref<10240x40xf32, #tpu.memory_space<vmem_shared>> -> memref<10240x40xf32, #tpu.memory_space<vmem_shared>>
    tpu.wait_indirect_dma semaphore(%arg21 : memref<!tpu.dma_semaphore, #tpu.memory_space<semaphore_mem>>) src(%dma_wait3A_680 : memref<10240x40xf32, #tpu.memory_space<vmem_shared>>) dst(%arg8 : memref<128x40xf32, #tpu.memory_space<vmem>>)
    %dma_wait3A_681 = arith.constant 0 : i32
    %dma_wait3A_682 = arith.constant 0 : i32
    %dma_wait3A_683 = tpu.memref_slice %arg6[%dma_wait3A_681, %dma_wait3A_682] : memref<80x128xi32, #tpu.memory_space<vmem>> -> memref<1x128xi32, #tpu.memory_space<vmem>>
    %dma_wait3A_684 = tpu.memref_squeeze %dma_wait3A_683 : memref<1x128xi32, #tpu.memory_space<vmem>> -> memref<128xi32, #tpu.memory_space<vmem>>
    %dma_wait3A_685 = arith.constant 0 : i32
    %dma_wait3A_686 = arith.constant 0 : i32
    %dma_wait3A_687 = tpu.memref_slice %arg20[%dma_wait3A_685, %dma_wait3A_686] : memref<10240x40xf32, #tpu.memory_space<vmem_shared>> -> memref<10240x40xf32, #tpu.memory_space<vmem_shared>>
    tpu.wait_indirect_dma semaphore(%arg22 : memref<!tpu.dma_semaphore, #tpu.memory_space<semaphore_mem>>) src(%dma_wait3A_687 : memref<10240x40xf32, #tpu.memory_space<vmem_shared>>) dst(%arg9 : memref<128x40xf32, #tpu.memory_space<vmem>>)
    %dma_wait3A_688 = arith.constant 0 : i32
    %dma_wait3A_689 = arith.constant 0 : i32
    %dma_wait3A_690 = tpu.memref_slice %arg6[%dma_wait3A_688, %dma_wait3A_689] : memref<80x128xi32, #tpu.memory_space<vmem>> -> memref<1x128xi32, #tpu.memory_space<vmem>>
    %dma_wait3A_691 = tpu.memref_squeeze %dma_wait3A_690 : memref<1x128xi32, #tpu.memory_space<vmem>> -> memref<128xi32, #tpu.memory_space<vmem>>
    %dma_wait3A_692 = arith.constant 0 : i32
    %dma_wait3A_693 = arith.constant 0 : i32
    %dma_wait3A_694 = tpu.memref_slice %arg20[%dma_wait3A_692, %dma_wait3A_693] : memref<10240x40xf32, #tpu.memory_space<vmem_shared>> -> memref<10240x40xf32, #tpu.memory_space<vmem_shared>>
    tpu.wait_indirect_dma semaphore(%arg23 : memref<!tpu.dma_semaphore, #tpu.memory_space<semaphore_mem>>) src(%dma_wait3A_694 : memref<10240x40xf32, #tpu.memory_space<vmem_shared>>) dst(%arg10 : memref<128x40xf32, #tpu.memory_space<vmem>>)
    %dma_wait3A_695 = arith.constant 0 : i32
    %dma_wait3A_696 = arith.constant 0 : i32
    %dma_wait3A_697 = tpu.memref_slice %arg6[%dma_wait3A_695, %dma_wait3A_696] : memref<80x128xi32, #tpu.memory_space<vmem>> -> memref<1x128xi32, #tpu.memory_space<vmem>>
    %dma_wait3A_698 = tpu.memref_squeeze %dma_wait3A_697 : memref<1x128xi32, #tpu.memory_space<vmem>> -> memref<128xi32, #tpu.memory_space<vmem>>
    %dma_wait3A_699 = arith.constant 0 : i32
    %dma_wait3A_700 = arith.constant 0 : i32
    %dma_wait3A_701 = tpu.memref_slice %arg20[%dma_wait3A_699, %dma_wait3A_700] : memref<10240x40xf32, #tpu.memory_space<vmem_shared>> -> memref<10240x40xf32, #tpu.memory_space<vmem_shared>>
    tpu.wait_indirect_dma semaphore(%arg24 : memref<!tpu.dma_semaphore, #tpu.memory_space<semaphore_mem>>) src(%dma_wait3A_701 : memref<10240x40xf32, #tpu.memory_space<vmem_shared>>) dst(%arg11 : memref<128x40xf32, #tpu.memory_space<vmem>>)
    %dma_wait3A_702 = arith.constant 0 : i32
    %dma_wait3A_703 = arith.constant 0 : i32
    %dma_wait3A_704 = tpu.memref_slice %arg6[%dma_wait3A_702, %dma_wait3A_703] : memref<80x128xi32, #tpu.memory_space<vmem>> -> memref<1x128xi32, #tpu.memory_space<vmem>>
    %dma_wait3A_705 = tpu.memref_squeeze %dma_wait3A_704 : memref<1x128xi32, #tpu.memory_space<vmem>> -> memref<128xi32, #tpu.memory_space<vmem>>
    %dma_wait3A_706 = arith.constant 0 : i32
    %dma_wait3A_707 = arith.constant 0 : i32
    %dma_wait3A_708 = tpu.memref_slice %arg20[%dma_wait3A_706, %dma_wait3A_707] : memref<10240x40xf32, #tpu.memory_space<vmem_shared>> -> memref<10240x40xf32, #tpu.memory_space<vmem_shared>>
    tpu.wait_indirect_dma semaphore(%arg25 : memref<!tpu.dma_semaphore, #tpu.memory_space<semaphore_mem>>) src(%dma_wait3A_708 : memref<10240x40xf32, #tpu.memory_space<vmem_shared>>) dst(%arg12 : memref<128x40xf32, #tpu.memory_space<vmem>>)
    %dma_wait3A_709 = arith.constant 0 : i32
    %dma_wait3A_710 = arith.constant 0 : i32
    %dma_wait3A_711 = tpu.memref_slice %arg7[%dma_wait3A_709, %dma_wait3A_710] : memref<80x128xi32, #tpu.memory_space<vmem>> -> memref<1x128xi32, #tpu.memory_space<vmem>>
    %dma_wait3A_712 = tpu.memref_squeeze %dma_wait3A_711 : memref<1x128xi32, #tpu.memory_space<vmem>> -> memref<128xi32, #tpu.memory_space<vmem>>
    %dma_wait3A_713 = arith.constant 0 : i32
    %dma_wait3A_714 = arith.constant 0 : i32
    %dma_wait3A_715 = tpu.memref_slice %arg19[%dma_wait3A_713, %dma_wait3A_714] : memref<10240x40xf32, #tpu.memory_space<vmem_shared>> -> memref<10240x40xf32, #tpu.memory_space<vmem_shared>>
    tpu.wait_indirect_dma semaphore(%arg36 : memref<!tpu.dma_semaphore, #tpu.memory_space<semaphore_mem>>) src(%arg13 : memref<128x40xf32, #tpu.memory_space<vmem>>) dst(%dma_wait3A_715 : memref<10240x40xf32, #tpu.memory_space<vmem_shared>>)
    %dma_wait3A_716 = arith.constant 0 : i32
    %dma_wait3A_717 = arith.constant 0 : i32
    %dma_wait3A_718 = tpu.memref_slice %arg7[%dma_wait3A_716, %dma_wait3A_717] : memref<80x128xi32, #tpu.memory_space<vmem>> -> memref<1x128xi32, #tpu.memory_space<vmem>>
    %dma_wait3A_719 = tpu.memref_squeeze %dma_wait3A_718 : memref<1x128xi32, #tpu.memory_space<vmem>> -> memref<128xi32, #tpu.memory_space<vmem>>
    %dma_wait3A_720 = arith.constant 0 : i32
    %dma_wait3A_721 = arith.constant 0 : i32
    %dma_wait3A_722 = tpu.memref_slice %arg19[%dma_wait3A_720, %dma_wait3A_721] : memref<10240x40xf32, #tpu.memory_space<vmem_shared>> -> memref<10240x40xf32, #tpu.memory_space<vmem_shared>>
    tpu.wait_indirect_dma semaphore(%arg37 : memref<!tpu.dma_semaphore, #tpu.memory_space<semaphore_mem>>) src(%arg14 : memref<128x40xf32, #tpu.memory_space<vmem>>) dst(%dma_wait3A_722 : memref<10240x40xf32, #tpu.memory_space<vmem_shared>>)
    %dma_wait3A_723 = arith.constant 0 : i32
    %dma_wait3A_724 = arith.constant 0 : i32
    %dma_wait3A_725 = tpu.memref_slice %arg7[%dma_wait3A_723, %dma_wait3A_724] : memref<80x128xi32, #tpu.memory_space<vmem>> -> memref<1x128xi32, #tpu.memory_space<vmem>>
    %dma_wait3A_726 = tpu.memref_squeeze %dma_wait3A_725 : memref<1x128xi32, #tpu.memory_space<vmem>> -> memref<128xi32, #tpu.memory_space<vmem>>
    %dma_wait3A_727 = arith.constant 0 : i32
    %dma_wait3A_728 = arith.constant 0 : i32
    %dma_wait3A_729 = tpu.memref_slice %arg19[%dma_wait3A_727, %dma_wait3A_728] : memref<10240x40xf32, #tpu.memory_space<vmem_shared>> -> memref<10240x40xf32, #tpu.memory_space<vmem_shared>>
    tpu.wait_indirect_dma semaphore(%arg38 : memref<!tpu.dma_semaphore, #tpu.memory_space<semaphore_mem>>) src(%arg15 : memref<128x40xf32, #tpu.memory_space<vmem>>) dst(%dma_wait3A_729 : memref<10240x40xf32, #tpu.memory_space<vmem_shared>>)
    %dma_wait3A_730 = arith.constant 0 : i32
    %dma_wait3A_731 = arith.constant 0 : i32
    %dma_wait3A_732 = tpu.memref_slice %arg7[%dma_wait3A_730, %dma_wait3A_731] : memref<80x128xi32, #tpu.memory_space<vmem>> -> memref<1x128xi32, #tpu.memory_space<vmem>>
    %dma_wait3A_733 = tpu.memref_squeeze %dma_wait3A_732 : memref<1x128xi32, #tpu.memory_space<vmem>> -> memref<128xi32, #tpu.memory_space<vmem>>
    %dma_wait3A_734 = arith.constant 0 : i32
    %dma_wait3A_735 = arith.constant 0 : i32
    %dma_wait3A_736 = tpu.memref_slice %arg19[%dma_wait3A_734, %dma_wait3A_735] : memref<10240x40xf32, #tpu.memory_space<vmem_shared>> -> memref<10240x40xf32, #tpu.memory_space<vmem_shared>>
    tpu.wait_indirect_dma semaphore(%arg39 : memref<!tpu.dma_semaphore, #tpu.memory_space<semaphore_mem>>) src(%arg16 : memref<128x40xf32, #tpu.memory_space<vmem>>) dst(%dma_wait3A_736 : memref<10240x40xf32, #tpu.memory_space<vmem_shared>>)
    %dma_wait3A_737 = arith.constant 0 : i32
    %dma_wait3A_738 = arith.constant 0 : i32
    %dma_wait3A_739 = tpu.memref_slice %arg7[%dma_wait3A_737, %dma_wait3A_738] : memref<80x128xi32, #tpu.memory_space<vmem>> -> memref<1x128xi32, #tpu.memory_space<vmem>>
    %dma_wait3A_740 = tpu.memref_squeeze %dma_wait3A_739 : memref<1x128xi32, #tpu.memory_space<vmem>> -> memref<128xi32, #tpu.memory_space<vmem>>
    %dma_wait3A_741 = arith.constant 0 : i32
    %dma_wait3A_742 = arith.constant 0 : i32
    %dma_wait3A_743 = tpu.memref_slice %arg19[%dma_wait3A_741, %dma_wait3A_742] : memref<10240x40xf32, #tpu.memory_space<vmem_shared>> -> memref<10240x40xf32, #tpu.memory_space<vmem_shared>>
    tpu.wait_indirect_dma semaphore(%arg40 : memref<!tpu.dma_semaphore, #tpu.memory_space<semaphore_mem>>) src(%arg17 : memref<128x40xf32, #tpu.memory_space<vmem>>) dst(%dma_wait3A_743 : memref<10240x40xf32, #tpu.memory_space<vmem_shared>>)
    %barrier3A_744 = arith.constant 0 : index
    tpu.barrier barrier_id(%barrier3A_744)
    "tpu.region"() ({
      %run_scoped3A = tpu.sem_alloc : memref<!tpu.dma_semaphore, #tpu.memory_space<semaphore_mem>>
      %dma_start3A_745 = arith.constant 0 : i32
      %dma_start3A_746 = tpu.memref_slice %arg5[%arg0, %mul3A_384, %dma_start3A_745] : memref<2x10240x40xf32, #tpu.memory_space<hbm>> -> memref<1x640x40xf32, #tpu.memory_space<hbm>>
      %dma_start3A_747 = tpu.memref_squeeze %dma_start3A_746 : memref<1x640x40xf32, #tpu.memory_space<hbm>> -> memref<640x40xf32, #tpu.memory_space<hbm>>
      %dma_start3A_748 = arith.constant 0 : i32
      %dma_start3A_749 = tpu.memref_slice %arg19[%mul3A_384, %dma_start3A_748] : memref<10240x40xf32, #tpu.memory_space<vmem_shared>> -> memref<640x40xf32, #tpu.memory_space<vmem_shared>>
      tpu.enqueue_dma source(%dma_start3A_749 : memref<640x40xf32, #tpu.memory_space<vmem_shared>>) target(%dma_start3A_747 : memref<640x40xf32, #tpu.memory_space<hbm>>) target_semaphore(%run_scoped3A : memref<!tpu.dma_semaphore, #tpu.memory_space<semaphore_mem>>)
      %dma_wait3A_750 = arith.constant 0 : i32
      %dma_wait3A_751 = tpu.memref_slice %arg5[%arg0, %mul3A_384, %dma_wait3A_750] : memref<2x10240x40xf32, #tpu.memory_space<hbm>> -> memref<1x640x40xf32, #tpu.memory_space<hbm>>
      %dma_wait3A_752 = tpu.memref_squeeze %dma_wait3A_751 : memref<1x640x40xf32, #tpu.memory_space<hbm>> -> memref<640x40xf32, #tpu.memory_space<hbm>>
      %dma_wait3A_753 = arith.constant 0 : i32
      %dma_wait3A_754 = tpu.memref_slice %arg19[%mul3A_384, %dma_wait3A_753] : memref<10240x40xf32, #tpu.memory_space<vmem_shared>> -> memref<640x40xf32, #tpu.memory_space<vmem_shared>>
      tpu.wait_dma2 semaphore(%run_scoped3A : memref<!tpu.dma_semaphore, #tpu.memory_space<semaphore_mem>>) src(%dma_wait3A_754 : memref<640x40xf32, #tpu.memory_space<vmem_shared>>) dst(%dma_wait3A_752 : memref<640x40xf32, #tpu.memory_space<hbm>>)
      tpu.yield
    }) : () -> ()
    return
  }
}

module attributes {stable_mosaic.version = 14 : i64} {
  func.func @body(%arg0: i32, %arg1: memref<2000x128xf32, #tpu.memory_space<vmem>>, %arg2: memref<64x128xf32, #tpu.memory_space<vmem>>, %arg3: memref<1x32xf32, #tpu.memory_space<vmem>>, %arg4: memref<2000x40xf32, #tpu.memory_space<vmem>>, %arg5: memref<2000x32xf32, #tpu.memory_space<vmem>>) attributes {dimension_semantics = [#tpu.dimension_semantics<arbitrary>], iteration_bounds = array<i64: 5>, scalar_prefetch = 0 : i64, scratch_operands = 0 : i64, tpu.core_type = #tpu.core_type<tc>, window_params = [{transform_indices = @transform_0, window_bounds = array<i64: 2000, 128>}, {pipeline_mode = #tpu.pipeline_mode<synchronous>, transform_indices = @transform_1, window_bounds = array<i64: 64, 128>}, {pipeline_mode = #tpu.pipeline_mode<synchronous>, transform_indices = @transform_2, window_bounds = array<i64: 1, 32>}, {transform_indices = @transform_3, window_bounds = array<i64: 2000, 40>}, {transform_indices = @transform_4, window_bounds = array<i64: 2000, 32>}]} {
    %get3A = arith.constant 0 : index
    %get3A_0 = arith.constant 0 : index
    %get3A_1 = vector.load %arg1[%get3A, %get3A_0] : memref<2000x128xf32, #tpu.memory_space<vmem>>, vector<2000x128xf32>
    %get3A_2 = arith.constant 0 : index
    %get3A_3 = arith.constant 0 : index
    %get3A_4 = vector.load %arg2[%get3A_2, %get3A_3] : memref<64x128xf32, #tpu.memory_space<vmem>>, vector<64x128xf32>
    %dot_general3A = arith.constant dense<0.000000e+00> : vector<2000x64xf32>
    %dot_general3A_5 = tpu.matmul %get3A_1, %get3A_4, %dot_general3A {dimension_numbers = #tpu.dot_dimension_numbers<[1], [1], [0], [0], [0, 0, 1, 0], [], []>, transpose_lhs_hint = false} : vector<2000x128xf32>, vector<64x128xf32>, vector<2000x64xf32> -> vector<2000x64xf32>
    %slice3A = vector.extract_strided_slice %dot_general3A_5 {offsets = [0, 0], sizes = [2000, 32], strides = [1, 1]} : vector<2000x64xf32> to vector<2000x32xf32>
    %broadcast_in_dim3A = arith.constant 1.000000e+00 : f32
    %broadcast_in_dim3A_6 = vector.broadcast %broadcast_in_dim3A : f32 to vector<2000x1xf32>
    %broadcast_in_dim3A_7 = arith.constant 0.000000e+00 : f32
    %broadcast_in_dim3A_8 = vector.broadcast %broadcast_in_dim3A_7 : f32 to vector<2000x7xf32>
    %concatenate3A = tpu.concatenate %slice3A, %broadcast_in_dim3A_6, %broadcast_in_dim3A_8 in 1 : vector<2000x32xf32>, vector<2000x1xf32>, vector<2000x7xf32> -> vector<2000x40xf32>
    %swap3A = arith.constant 0 : index
    %swap3A_9 = arith.constant 0 : index
    %swap3A_10 = vector.load %arg4[%swap3A, %swap3A_9] : memref<2000x40xf32, #tpu.memory_space<vmem>>, vector<2000x40xf32>
    tpu.vector_store %arg4[%swap3A, %swap3A_9], %concatenate3A {strides = array<i32>} : memref<2000x40xf32, #tpu.memory_space<vmem>>, vector<2000x40xf32>,
    %slice3A_11 = vector.extract_strided_slice %dot_general3A_5 {offsets = [0, 32], sizes = [2000, 32], strides = [1, 1]} : vector<2000x64xf32> to vector<2000x32xf32>
    %get3A_12 = arith.constant 0 : index
    %get3A_13 = arith.constant 0 : index
    %get3A_14 = vector.load %arg3[%get3A_12, %get3A_13] : memref<1x32xf32, #tpu.memory_space<vmem>>, vector<1x32xf32>
    %add3A = vector.broadcast %get3A_14 : vector<1x32xf32> to vector<2000x32xf32>
    %add3A_15 = arith.addf %slice3A_11, %add3A : vector<2000x32xf32>
    %swap3A_16 = arith.constant 0 : index
    %swap3A_17 = arith.constant 0 : index
    %swap3A_18 = vector.load %arg5[%swap3A_16, %swap3A_17] : memref<2000x32xf32, #tpu.memory_space<vmem>>, vector<2000x32xf32>
    tpu.vector_store %arg5[%swap3A_16, %swap3A_17], %add3A_15 {strides = array<i32>} : memref<2000x32xf32, #tpu.memory_space<vmem>>, vector<2000x32xf32>,
    return
  }
  func.func @transform_0(%arg0: i32) -> (i32, i32) {
    %c0_i32 = arith.constant 0 : i32
    %c0_i32_0 = arith.constant 0 : i32
    return %arg0, %c0_i32 : i32, i32
  }
  func.func @transform_1(%arg0: i32) -> (i32, i32) {
    %c0_i32 = arith.constant 0 : i32
    %c0_i32_0 = arith.constant 0 : i32
    %c0_i32_1 = arith.constant 0 : i32
    return %c0_i32, %c0_i32_0 : i32, i32
  }
  func.func @transform_2(%arg0: i32) -> (i32, i32) {
    %c0_i32 = arith.constant 0 : i32
    %c0_i32_0 = arith.constant 0 : i32
    %c0_i32_1 = arith.constant 0 : i32
    return %c0_i32, %c0_i32_0 : i32, i32
  }
  func.func @transform_3(%arg0: i32) -> (i32, i32) {
    %c0_i32 = arith.constant 0 : i32
    %c0_i32_0 = arith.constant 0 : i32
    return %arg0, %c0_i32 : i32, i32
  }
  func.func @transform_4(%arg0: i32) -> (i32, i32) {
    %c0_i32 = arith.constant 0 : i32
    %c0_i32_0 = arith.constant 0 : i32
    return %arg0, %c0_i32 : i32, i32
  }
}

module attributes {stable_mosaic.version = 14 : i64} {
  func.func @body(%arg0: i32, %arg1: memref<2x2560x40xf32, #tpu.memory_space<vmem>>, %arg2: memref<2560x32xf32, #tpu.memory_space<vmem>>, %arg3: memref<64x32xf32, #tpu.memory_space<vmem>>, %arg4: memref<1x32xf32, #tpu.memory_space<vmem>>, %arg5: memref<2560x32xf32, #tpu.memory_space<vmem>>, %arg6: memref<2560x32xf32, #tpu.memory_space<vmem>>) attributes {dimension_semantics = [#tpu.dimension_semantics<arbitrary>], iteration_bounds = array<i64: 4>, scalar_prefetch = 0 : i64, scratch_operands = 0 : i64, tpu.core_type = #tpu.core_type<tc>, window_params = [{transform_indices = @transform_0, window_bounds = array<i64: 2, 2560, 40>}, {transform_indices = @transform_1, window_bounds = array<i64: 2560, 32>}, {pipeline_mode = #tpu.pipeline_mode<synchronous>, transform_indices = @transform_2, window_bounds = array<i64: 64, 32>}, {pipeline_mode = #tpu.pipeline_mode<synchronous>, transform_indices = @transform_3, window_bounds = array<i64: 1, 32>}, {transform_indices = @transform_4, window_bounds = array<i64: 2560, 32>}, {transform_indices = @transform_5, window_bounds = array<i64: 2560, 32>}]} {
    %get3A = arith.constant 0 : index
    %get3A_0 = arith.constant 0 : index
    %get3A_1 = arith.constant 0 : index
    %get3A_2 = vector.load %arg1[%get3A, %get3A_0, %get3A_1] : memref<2x2560x40xf32, #tpu.memory_space<vmem>>, vector<1x2560x40xf32>
    %get3A_3 = vector.shape_cast %get3A_2 : vector<1x2560x40xf32> to vector<2560x40xf32>
    %get3A_4 = arith.constant 1 : index
    %get3A_5 = arith.constant 0 : index
    %get3A_6 = arith.constant 0 : index
    %get3A_7 = vector.load %arg1[%get3A_4, %get3A_5, %get3A_6] : memref<2x2560x40xf32, #tpu.memory_space<vmem>>, vector<1x2560x40xf32>
    %get3A_8 = vector.shape_cast %get3A_7 : vector<1x2560x40xf32> to vector<2560x40xf32>
    %add3A = arith.addf %get3A_3, %get3A_8 : vector<2560x40xf32>
    %slice3A = vector.extract_strided_slice %add3A {offsets = [0, 32], sizes = [2560, 1], strides = [1, 1]} : vector<2560x40xf32> to vector<2560x1xf32>
    %max3A = arith.constant 1.000000e+00 : f32
    %max3A_9 = vector.broadcast %max3A : f32 to vector<2560x1xf32>
    %max3A_10 = arith.maximumf %slice3A, %max3A_9 : vector<2560x1xf32>
    %slice3A_11 = vector.extract_strided_slice %add3A {offsets = [0, 0], sizes = [2560, 32], strides = [1, 1]} : vector<2560x40xf32> to vector<2560x32xf32>
    %div3A = vector.broadcast %max3A_10 : vector<2560x1xf32> to vector<2560x32xf32>
    %div3A_12 = arith.divf %slice3A_11, %div3A : vector<2560x32xf32>
    %get3A_13 = arith.constant 0 : index
    %get3A_14 = arith.constant 0 : index
    %get3A_15 = vector.load %arg2[%get3A_13, %get3A_14] : memref<2560x32xf32, #tpu.memory_space<vmem>>, vector<2560x32xf32>
    %add3A_16 = arith.addf %div3A_12, %get3A_15 : vector<2560x32xf32>
    %max3A_17 = arith.constant 0.000000e+00 : f32
    %max3A_18 = vector.broadcast %max3A_17 : f32 to vector<2560x32xf32>
    %max3A_19 = arith.maximumf %add3A_16, %max3A_18 : vector<2560x32xf32>
    %get3A_20 = arith.constant 0 : index
    %get3A_21 = arith.constant 0 : index
    %get3A_22 = vector.load %arg3[%get3A_20, %get3A_21] : memref<64x32xf32, #tpu.memory_space<vmem>>, vector<64x32xf32>
    %dot_general3A = arith.constant dense<0.000000e+00> : vector<2560x64xf32>
    %dot_general3A_23 = tpu.matmul %max3A_19, %get3A_22, %dot_general3A {dimension_numbers = #tpu.dot_dimension_numbers<[1], [1], [0], [0], [0, 0, 1, 0], [], []>, transpose_lhs_hint = false} : vector<2560x32xf32>, vector<64x32xf32>, vector<2560x64xf32> -> vector<2560x64xf32>
    %slice3A_24 = vector.extract_strided_slice %dot_general3A_23 {offsets = [0, 0], sizes = [2560, 32], strides = [1, 1]} : vector<2560x64xf32> to vector<2560x32xf32>
    %swap3A = arith.constant 0 : index
    %swap3A_25 = arith.constant 0 : index
    %swap3A_26 = vector.load %arg5[%swap3A, %swap3A_25] : memref<2560x32xf32, #tpu.memory_space<vmem>>, vector<2560x32xf32>
    tpu.vector_store %arg5[%swap3A, %swap3A_25], %slice3A_24 {strides = array<i32>} : memref<2560x32xf32, #tpu.memory_space<vmem>>, vector<2560x32xf32>,
    %slice3A_27 = vector.extract_strided_slice %dot_general3A_23 {offsets = [0, 32], sizes = [2560, 32], strides = [1, 1]} : vector<2560x64xf32> to vector<2560x32xf32>
    %get3A_28 = arith.constant 0 : index
    %get3A_29 = arith.constant 0 : index
    %get3A_30 = vector.load %arg4[%get3A_28, %get3A_29] : memref<1x32xf32, #tpu.memory_space<vmem>>, vector<1x32xf32>
    %add3A_31 = vector.broadcast %get3A_30 : vector<1x32xf32> to vector<2560x32xf32>
    %add3A_32 = arith.addf %slice3A_27, %add3A_31 : vector<2560x32xf32>
    %swap3A_33 = arith.constant 0 : index
    %swap3A_34 = arith.constant 0 : index
    %swap3A_35 = vector.load %arg6[%swap3A_33, %swap3A_34] : memref<2560x32xf32, #tpu.memory_space<vmem>>, vector<2560x32xf32>
    tpu.vector_store %arg6[%swap3A_33, %swap3A_34], %add3A_32 {strides = array<i32>} : memref<2560x32xf32, #tpu.memory_space<vmem>>, vector<2560x32xf32>,
    return
  }
  func.func @transform_0(%arg0: i32) -> (i32, i32, i32) {
    %c0_i32 = arith.constant 0 : i32
    %c0_i32_0 = arith.constant 0 : i32
    %c0_i32_1 = arith.constant 0 : i32
    return %c0_i32, %arg0, %c0_i32_0 : i32, i32, i32
  }
  func.func @transform_1(%arg0: i32) -> (i32, i32) {
    %c0_i32 = arith.constant 0 : i32
    %c0_i32_0 = arith.constant 0 : i32
    return %arg0, %c0_i32 : i32, i32
  }
  func.func @transform_2(%arg0: i32) -> (i32, i32) {
    %c0_i32 = arith.constant 0 : i32
    %c0_i32_0 = arith.constant 0 : i32
    %c0_i32_1 = arith.constant 0 : i32
    return %c0_i32, %c0_i32_0 : i32, i32
  }
  func.func @transform_3(%arg0: i32) -> (i32, i32) {
    %c0_i32 = arith.constant 0 : i32
    %c0_i32_0 = arith.constant 0 : i32
    %c0_i32_1 = arith.constant 0 : i32
    return %c0_i32, %c0_i32_0 : i32, i32
  }
  func.func @transform_4(%arg0: i32) -> (i32, i32) {
    %c0_i32 = arith.constant 0 : i32
    %c0_i32_0 = arith.constant 0 : i32
    return %arg0, %c0_i32 : i32, i32
  }
  func.func @transform_5(%arg0: i32) -> (i32, i32) {
    %c0_i32 = arith.constant 0 : i32
    %c0_i32_0 = arith.constant 0 : i32
    return %arg0, %c0_i32 : i32, i32
  }
}

module attributes {stable_mosaic.version = 14 : i64} {
  func.func @body(%arg0: i32, %arg1: memref<2x2000x32xf32, #tpu.memory_space<vmem>>, %arg2: memref<2x2000x40xf32, #tpu.memory_space<vmem>>, %arg3: memref<2000x32xf32, #tpu.memory_space<vmem>>, %arg4: memref<11x32xf32, #tpu.memory_space<vmem>>, %arg5: memref<1x11xf32, #tpu.memory_space<vmem>>, %arg6: memref<2000x3xf32, #tpu.memory_space<vmem>>, %arg7: memref<2000x8xf32, #tpu.memory_space<vmem>>) attributes {dimension_semantics = [#tpu.dimension_semantics<arbitrary>], iteration_bounds = array<i64: 5>, scalar_prefetch = 0 : i64, scratch_operands = 0 : i64, tpu.core_type = #tpu.core_type<tc>, window_params = [{transform_indices = @transform_0, window_bounds = array<i64: 2, 2000, 32>}, {transform_indices = @transform_1, window_bounds = array<i64: 2, 2000, 40>}, {transform_indices = @transform_2, window_bounds = array<i64: 2000, 32>}, {pipeline_mode = #tpu.pipeline_mode<synchronous>, transform_indices = @transform_3, window_bounds = array<i64: 11, 32>}, {pipeline_mode = #tpu.pipeline_mode<synchronous>, transform_indices = @transform_4, window_bounds = array<i64: 1, 11>}, {transform_indices = @transform_5, window_bounds = array<i64: 2000, 3>}, {transform_indices = @transform_6, window_bounds = array<i64: 2000, 8>}]} {
    %get3A = arith.constant 0 : index
    %get3A_0 = arith.constant 0 : index
    %get3A_1 = arith.constant 0 : index
    %get3A_2 = vector.load %arg1[%get3A, %get3A_0, %get3A_1] : memref<2x2000x32xf32, #tpu.memory_space<vmem>>, vector<1x2000x32xf32>
    %get3A_3 = vector.shape_cast %get3A_2 : vector<1x2000x32xf32> to vector<2000x32xf32>
    %get3A_4 = arith.constant 1 : index
    %get3A_5 = arith.constant 0 : index
    %get3A_6 = arith.constant 0 : index
    %get3A_7 = vector.load %arg1[%get3A_4, %get3A_5, %get3A_6] : memref<2x2000x32xf32, #tpu.memory_space<vmem>>, vector<1x2000x32xf32>
    %get3A_8 = vector.shape_cast %get3A_7 : vector<1x2000x32xf32> to vector<2000x32xf32>
    %add3A = arith.addf %get3A_3, %get3A_8 : vector<2000x32xf32>
    %get3A_9 = arith.constant 0 : index
    %get3A_10 = arith.constant 0 : index
    %get3A_11 = arith.constant 0 : index
    %get3A_12 = vector.load %arg2[%get3A_9, %get3A_10, %get3A_11] : memref<2x2000x40xf32, #tpu.memory_space<vmem>>, vector<1x2000x40xf32>
    %get3A_13 = vector.shape_cast %get3A_12 : vector<1x2000x40xf32> to vector<2000x40xf32>
    %get3A_14 = arith.constant 1 : index
    %get3A_15 = arith.constant 0 : index
    %get3A_16 = arith.constant 0 : index
    %get3A_17 = vector.load %arg2[%get3A_14, %get3A_15, %get3A_16] : memref<2x2000x40xf32, #tpu.memory_space<vmem>>, vector<1x2000x40xf32>
    %get3A_18 = vector.shape_cast %get3A_17 : vector<1x2000x40xf32> to vector<2000x40xf32>
    %add3A_19 = arith.addf %get3A_13, %get3A_18 : vector<2000x40xf32>
    %slice3A = vector.extract_strided_slice %add3A_19 {offsets = [0, 32], sizes = [2000, 1], strides = [1, 1]} : vector<2000x40xf32> to vector<2000x1xf32>
    %max3A = arith.constant 1.000000e+00 : f32
    %max3A_20 = vector.broadcast %max3A : f32 to vector<2000x1xf32>
    %max3A_21 = arith.maximumf %slice3A, %max3A_20 : vector<2000x1xf32>
    %div3A = vector.broadcast %max3A_21 : vector<2000x1xf32> to vector<2000x32xf32>
    %div3A_22 = arith.divf %add3A, %div3A : vector<2000x32xf32>
    %get3A_23 = arith.constant 0 : index
    %get3A_24 = arith.constant 0 : index
    %get3A_25 = vector.load %arg3[%get3A_23, %get3A_24] : memref<2000x32xf32, #tpu.memory_space<vmem>>, vector<2000x32xf32>
    %add3A_26 = arith.addf %div3A_22, %get3A_25 : vector<2000x32xf32>
    %max3A_27 = arith.constant 0.000000e+00 : f32
    %max3A_28 = vector.broadcast %max3A_27 : f32 to vector<2000x32xf32>
    %max3A_29 = arith.maximumf %add3A_26, %max3A_28 : vector<2000x32xf32>
    %get3A_30 = arith.constant 0 : index
    %get3A_31 = arith.constant 0 : index
    %get3A_32 = vector.load %arg4[%get3A_30, %get3A_31] : memref<11x32xf32, #tpu.memory_space<vmem>>, vector<11x32xf32>
    %dot_general3A = arith.constant dense<0.000000e+00> : vector<2000x11xf32>
    %dot_general3A_33 = tpu.matmul %max3A_29, %get3A_32, %dot_general3A {dimension_numbers = #tpu.dot_dimension_numbers<[1], [1], [0], [0], [0, 0, 1, 0], [], []>, transpose_lhs_hint = false} : vector<2000x32xf32>, vector<11x32xf32>, vector<2000x11xf32> -> vector<2000x11xf32>
    %get3A_34 = arith.constant 0 : index
    %get3A_35 = arith.constant 0 : index
    %get3A_36 = vector.load %arg5[%get3A_34, %get3A_35] : memref<1x11xf32, #tpu.memory_space<vmem>>, vector<1x11xf32>
    %add3A_37 = vector.broadcast %get3A_36 : vector<1x11xf32> to vector<2000x11xf32>
    %add3A_38 = arith.addf %dot_general3A_33, %add3A_37 : vector<2000x11xf32>
    %slice3A_39 = vector.extract_strided_slice %add3A_38 {offsets = [0, 0], sizes = [2000, 3], strides = [1, 1]} : vector<2000x11xf32> to vector<2000x3xf32>
    %swap3A = arith.constant 0 : index
    %swap3A_40 = arith.constant 0 : index
    %swap3A_41 = vector.load %arg6[%swap3A, %swap3A_40] : memref<2000x3xf32, #tpu.memory_space<vmem>>, vector<2000x3xf32>
    tpu.vector_store %arg6[%swap3A, %swap3A_40], %slice3A_39 {strides = array<i32>} : memref<2000x3xf32, #tpu.memory_space<vmem>>, vector<2000x3xf32>,
    %slice3A_42 = vector.extract_strided_slice %add3A_38 {offsets = [0, 3], sizes = [2000, 8], strides = [1, 1]} : vector<2000x11xf32> to vector<2000x8xf32>
    %swap3A_43 = arith.constant 0 : index
    %swap3A_44 = arith.constant 0 : index
    %swap3A_45 = vector.load %arg7[%swap3A_43, %swap3A_44] : memref<2000x8xf32, #tpu.memory_space<vmem>>, vector<2000x8xf32>
    tpu.vector_store %arg7[%swap3A_43, %swap3A_44], %slice3A_42 {strides = array<i32>} : memref<2000x8xf32, #tpu.memory_space<vmem>>, vector<2000x8xf32>,
    return
  }
  func.func @transform_0(%arg0: i32) -> (i32, i32, i32) {
    %c0_i32 = arith.constant 0 : i32
    %c0_i32_0 = arith.constant 0 : i32
    %c0_i32_1 = arith.constant 0 : i32
    return %c0_i32, %arg0, %c0_i32_0 : i32, i32, i32
  }
  func.func @transform_1(%arg0: i32) -> (i32, i32, i32) {
    %c0_i32 = arith.constant 0 : i32
    %c0_i32_0 = arith.constant 0 : i32
    %c0_i32_1 = arith.constant 0 : i32
    return %c0_i32, %arg0, %c0_i32_0 : i32, i32, i32
  }
  func.func @transform_2(%arg0: i32) -> (i32, i32) {
    %c0_i32 = arith.constant 0 : i32
    %c0_i32_0 = arith.constant 0 : i32
    return %arg0, %c0_i32 : i32, i32
  }
  func.func @transform_3(%arg0: i32) -> (i32, i32) {
    %c0_i32 = arith.constant 0 : i32
    %c0_i32_0 = arith.constant 0 : i32
    %c0_i32_1 = arith.constant 0 : i32
    return %c0_i32, %c0_i32_0 : i32, i32
  }
  func.func @transform_4(%arg0: i32) -> (i32, i32) {
    %c0_i32 = arith.constant 0 : i32
    %c0_i32_0 = arith.constant 0 : i32
    %c0_i32_1 = arith.constant 0 : i32
    return %c0_i32, %c0_i32_0 : i32, i32
  }
  func.func @transform_5(%arg0: i32) -> (i32, i32) {
    %c0_i32 = arith.constant 0 : i32
    %c0_i32_0 = arith.constant 0 : i32
    return %arg0, %c0_i32 : i32, i32
  }
  func.func @transform_6(%arg0: i32) -> (i32, i32) {
    %c0_i32 = arith.constant 0 : i32
    %c0_i32_0 = arith.constant 0 : i32
    return %arg0, %c0_i32 : i32, i32
  }
}

</mosaic_0001>

<sc_bundles>
// kernel: kernel.10.cloned.1.call-start
scs
__scs_entry_jumppad:
0x0: {  	(pc) =	sbr.rel $0x88, $3  }
0x1: {  	(tag) =	ssettag $0x0;
	lr =	simm.s32 $0x1  }
0x2: {  	[smem:$0x3F95] =	sst lr;
	_ =	strace $0xD0000000  }
0x3: {  	_ = 	snop  }
0x4: {  	_ = 	snop  }
0x5: {  	_ = 	snop  }
0x6: {  	_ = 	snop  }
0x7: {  	_ = 	snop  }
__scs_overlays_trampoline_lowered:
0x8: {  	[smem:$0x3FA4] =	sst s0  }
0x9: {  	[smem:$0x3FA5] =	sst s1  }
0xa: {  	[smem:$0x3FA6] =	sst s2  }
0xb: {  	[smem:$0x3FA7] =	sst s3  }
0xc: {  	[smem:$0x3FA8] =	sst s4  }
0xd: {  	[smem:$0x3FA9] =	sst s5  }
0xe: {  	[smem:$0x3FAA] =	sst s6  }
0xf: {  	[smem:$0x3FAB] =	sst s7  }
0x10: {  	[smem:$0x3FAC] =	sst s8  }
0x11: {  	[smem:$0x3FAD] =	sst s9;
	s0 =	simm.s32 @!p0 $0x0  }
0x12: {  	s1 =	sld [smem:$0x3F93];
	s0 =	simm.s32 @p0 $0x1  }
0x13: {  	[smem:$0x3FAE] =	sst s0;
	s0 =	simm.s32 @!p1 $0x0  }
0x14: {  	s2 =	sld [smem:$0x3F92];
	s0 =	simm.s32 @p1 $0x1  }
0x15: {  	[smem:$0x3FAF] =	sst s0;
	s0 =	simm.s32 @!p2 $0x0  }
0x16: {  	s3 =	sld [smem:$0x3FDB];
	s0 =	simm.s32 @p2 $0x1  }
0x17: {  	s4 =	simm.s32 $0x1BF5;
	[smem:$0x3FB1] =	sst s0  }
0x18: {  	s0 =	sld [smem:$0x3F94];
	_ =	swait.ge [sflag:s4], $0x0  }
0x19: {  	s7 =	sld [smem:$0x3F95]  }
0x1a: {  	s8 =	sadd.s32 $0xFFFFE003, lr  }
0x1b: {  	s9 =	sadd.s32 $0xFFFFFEF7, lr;
	s5 =	simm.s32 $0xFFFFFFFF;
	p2 =	slt.u32 s8, $0xFFFFF086  }
0x1c: {  	p1 =	slt.u32 s9, $0xF7A;
	s5 =	simm.s32 @!p2 $0x0  }
0x1d: {  	s5 =	simm.s32 @p1 $0x1;
	p0 =	seq.s32 s7, s2  }
0x1e: {  	s7 =	smul.u32 @!p0 $0xF7A, s2;
	p2 =	seq.s32 @!p0 s5, $0x0  }
0x1f: {  	s9 =	smul.u32 $0xF7A, s1;
	s8 =	simm.s32 @!p0 $0x1BF5;
	p2 =	por !p2, p0  }
0x20: {  	[sflag:s8] =	ssyncset.s32 @!p0 $0xFFFFF086;
	s6 =	sadd.s32 @!p0 s3, s7;
	s7 =	simm.s32 @!p0 $0x108  }
0x21: {  	s3 =	sadd.s32 s3, s9;
	s6 =	sadd.s32 @!p0 $0x88, s6;
	s7 =	simm.s32 @p2 $0x1082  }
0x22: {  	[simem:s7], [sflag:s8] =	dma.local @!p0 [hbm:s6], $0xF7A  }
0x23: {  	s9 =	sor.u32 $0xD0000000, s2;
	s6 =	simm.s32 $0x108;
	_ =	swait.ge @!p0 [sflag:s8], $0x0  }
0x24: {  	s3 =	sadd.s32 $0x88, s3;
	s6 =	simm.s32 @!p1 $0x1082;
	[sflag:s4] =	ssyncset.s32 $0xFFFFF086  }
0x25: {  	[simem:s6], [sflag:s4] =	dma.local [hbm:s3], $0xF7A  }
0x26: {  	[smem:$0x3F95] =	sst s1;
	(tag) =	ssettag s2;
	_ =	strace s9  }
0x27: {  	s1 =	sld [smem:$0x3FA5]  }
0x28: {  	s2 =	sld [smem:$0x3FA6]  }
0x29: {  	s4 =	sld [smem:$0x3FA8]  }
0x2a: {  	p0 =	seq.s32 s5, $0x0;
	s5 =	sld [smem:$0x3FA9]  }
0x2b: {  	s6 =	sld [smem:$0x3FAA]  }
0x2c: {  	s7 =	sld [smem:$0x3FAB]  }
0x2d: {  	s3 =	simm.s32 $0x108;
	s8 =	sld [smem:$0x3FAC]  }
0x2e: {  	s3 =	simm.s32 @!p0 $0x1082;
	s9 =	sld [smem:$0x3FAD]  }
0x2f: {  	lr =	sadd.s32 s0, s3;
	s0 =	sld [smem:$0x3FA4]  }
0x30: {  	s3 =	sld [smem:$0x3FA7]  }
0x31: {  	[smem:$0x3FB0] =	sst s10  }
0x32: {  	s10 =	sld [smem:$0x3FAE];
	_ =	sdelay $0x3  }
0x33: {  	p0 =	seq.s32 s10, $0x1;
	s10 =	sld [smem:$0x3FB0];
	_ =	sdelay $0x3  }
0x34: {  	[smem:$0x3FB0] =	sst s10  }
0x35: {  	s10 =	sld [smem:$0x3FAF];
	_ =	sdelay $0x3  }
0x36: {  	p1 =	seq.s32 s10, $0x1;
	s10 =	sld [smem:$0x3FB0];
	_ =	sdelay $0x3  }
0x37: {  	[smem:$0x3FB0] =	sst s10  }
0x38: {  	s10 =	sld [smem:$0x3FB1]  }
0x39: {  	_ = 	snop;
	(pc) =	sbr.ind lr, $3  }
0x3a: {  	_ = 	snop  }
0x3b: {  	_ = 	snop  }
0x3c: {  	p2 =	seq.s32 s10, $0x1;
	s10 =	sld [smem:$0x3FB0]  }
0x3d: {  	_ =	shalt  }
0x3e: {  	_ =	shalt  }
0x3f: {  	_ =	shalt  }
0x40: {  	_ =	shalt  }
0x41: {  	_ =	shalt  }
0x42: {  	_ =	shalt  }
0x43: {  	_ =	shalt  }
0x44: {  	_ =	shalt  }
0x45: {  	_ =	shalt  }
0x46: {  	_ =	shalt  }
0x47: {  	_ =	shalt  }
0x48: {  	_ =	shalt  }
0x49: {  	_ =	shalt  }
0x4a: {  	_ =	shalt  }
0x4b: {  	_ =	shalt  }
0x4c: {  	_ =	shalt  }
0x4d: {  	_ =	shalt  }
0x4e: {  	_ =	shalt  }
0x4f: {  	_ =	shalt  }
0x50: {  	_ =	shalt  }
0x51: {  	_ =	shalt  }
0x52: {  	_ =	shalt  }
0x53: {  	_ =	shalt  }
0x54: {  	_ =	shalt  }
0x55: {  	_ =	shalt  }
0x56: {  	_ =	shalt  }
0x57: {  	_ =	shalt  }
0x58: {  	_ =	shalt  }
0x59: {  	_ =	shalt  }
0x5a: {  	_ =	shalt  }
0x5b: {  	_ =	shalt  }
0x5c: {  	_ =	shalt  }
0x5d: {  	_ =	shalt  }
0x5e: {  	_ =	shalt  }
0x5f: {  	_ =	shalt  }
0x60: {  	_ =	shalt  }
0x61: {  	_ =	shalt  }
0x62: {  	_ =	shalt  }
0x63: {  	_ =	shalt  }
0x64: {  	_ =	shalt  }
0x65: {  	_ =	shalt  }
0x66: {  	_ =	shalt  }
0x67: {  	_ =	shalt  }
0x68: {  	_ =	shalt  }
0x69: {  	_ =	shalt  }
0x6a: {  	_ =	shalt  }
0x6b: {  	_ =	shalt  }
0x6c: {  	_ =	shalt  }
0x6d: {  	_ =	shalt  }
0x6e: {  	_ =	shalt  }
0x6f: {  	_ =	shalt  }
0x70: {  	_ =	shalt  }
0x71: {  	_ =	shalt  }
0x72: {  	_ =	shalt  }
0x73: {  	_ =	shalt  }
0x74: {  	_ =	shalt  }
0x75: {  	_ =	shalt  }
0x76: {  	_ =	shalt  }
0x77: {  	_ =	shalt  }
0x78: {  	_ =	shalt  }
0x79: {  	_ =	shalt  }
0x7a: {  	_ =	shalt  }
0x7b: {  	_ =	shalt  }
0x7c: {  	_ =	shalt  }
0x7d: {  	_ =	shalt  }
0x7e: {  	_ =	shalt  }
0x7f: {  	_ =	shalt  }
0x80: {  	_ =	shalt  }
0x81: {  	_ =	shalt  }
0x82: {  	_ =	shalt  }
0x83: {  	_ =	shalt  }
0x84: {  	_ =	shalt  }
0x85: {  	_ =	shalt  }
0x86: {  	_ =	shalt  }
0x87: {  	_ =	shalt  }
.Lfunc_end0:
.L_simem_size_0:
called_computation.1_lowered:
.L_overlay_start_0:
0x88: {  	s2 =	sld [smem:$0x3FD9]  }
0x89: {  	s3 =	sld [smem:$0x3FFE];
	_ =	sdelay $0x1  }
0x8a: {  	s1 =	srdreg.scid  }
0x8b: {  	s0 =	sand.u32 $0x1, s1  }
0x8c: {  	s16 =	sshll.u32 s0, $0xA;
	s2 =	sadd.s32 s3, s2  }
0x8d: {  	s2 =	sadd.s32 s2, s16  }
0x8e: {  	[smem:$0x3FBC] =	sst s2  }
0x8f: {  	_ = 	snop  }
0x90: {  	(tm) =	ssettm $0x1  }
0x91: {  	s17 =	sld [smem:$0x3FFB];
	_ =	sdelay $0x3  }
0x92: {  	_ =	strace s17  }
0x93: {  	s2 =	sld [smem:$0x3FFC];
	_ =	sdelay $0x3  }
0x94: {  	_ =	strace s2  }
0x95: {  	s2 =	sld [smem:$0x3FFD];
	_ =	sdelay $0x3  }
0x96: {  	_ =	strace s2  }
0x97: {  	_ =	strace $0x8FFFFFFF  }
0x98: {  	s18 =	sld [smem:$0x3FDB];
	_ =	sdelay $0x1  }
0x99: {  	s19 =	simm.s32 $_scs_section_size  }
0x9a: {  	s4 =	simm.s32 $_size__tile_overlayer_lowered;
	s5 =	simm.s32 $_tile_overlayer_lowered  }
0x9b: {  	s22 =	simm.s32 $0x1BFF;
	s21 =	sshll.u32 s5, $0x1;
	s2 =	sadd.s32 s19, s18  }
0x9c: {  	s6 =	simm.s32 $0x0;
	s20 =	sshll.u32 s4, $0x1;
	s4 =	sadd.s32 s21, s2  }
0x9d: {  	[timem:s6], [sflag:s22] =	dma.local [hbm:s4], s20  }
0x9e: {  	_ =	swait.ge [sflag:s22], s20  }
0x9f: {  	s3 =	ssub.s32 $0x0, s20;
	[sflag:s22] =	ssyncset.done $0x0  }
0xa0: {  	[sflag:s22] =	ssyncadd.s32 s3;
	_ =	sdelay $0x1  }
0xa1: {  	s23 =	simm.s32 $0x1B8B  }
0xa2: {  	_ =	swait.ge [sflag:s23], $0x1  }
0xa3: {  	[sflag:s23] =	ssyncset.done $0x0  }
0xa4: {  	s25 =	simm.s32 $0x1B8E;
	s24 =	sld [smem:$0x3FFE];
	[sflag:s23] =	ssyncadd.s32 $0xFFFFFFFF  }
0xa5: {  	s26 =	simm.s32 $execute0_lowered;
	[smem:$0x3FD2] =	sst s25  }
0xa6: {  	s4 =	sshll.u32 s26, $0x1;
	_ =	strace $0x80000049;
	[dreg:$0x1] =	wrdreg $0xFFFFFFFF  }
0xa7: {  	s28 =	simm.s32 $_size_execute0_lowered;
	s2 =	sadd.s32 s2, s4;
	[dreg:$0x0] =	wrdreg $0x0  }
0xa8: {  	s4 =	sshll.u32 s28, $0x1;
	[dreg:$0x2] =	wrdreg s2  }
0xa9: {  	[dreg:$0x3] =	wrdreg s4  }
0xaa: {  	[dreg:$0x4] =	wrdreg $0xC0  }
0xab: {  	_ =	task [dreg:s6], $0x5FFFF  }
0xac: {  	[dreg:$0x1] =	wrdreg $0xFFFFFFFF  }
0xad: {  	[dreg:$0x0] =	wrdreg $0x60  }
0xae: {  	[dreg:$0x2] =	wrdreg s24  }
0xaf: {  	[dreg:$0x3] =	wrdreg $0xF2000  }
0xb0: {  	[dreg:$0x4] =	wrdreg $0x142000  }
0xb1: {  	[dreg:$0x5] =	wrdreg $0x9  }
0xb2: {  	_ =	task.clear_ibuf [dreg:s6], $0x6FFFF;
	_ =	strace $0x90000049  }
0xb3: {  	s29 =	simm.s32 $0x9;
	_ =	strace $0x8000004B  }
0xb4: {  	_ =	swait.ge [sflag:s29], $0x1  }
0xb5: {  	[sflag:s29] =	ssyncadd.s32 $0xFFFFFFFF  }
0xb6: {  	_ =	strace $0x9000004B  }
0xb7: {  	_ =	sfence  }
0xb8: {  	s30 =	sld [smem:$0x0];
	_ =	sdelay $0x2  }
0xb9: {  	s31 =	sshll.u32 s1, $0xD;
	s1 =	sshrl.u32 s1, $0x2  }
0xba: {  	s3 =	sand.u32 $0x4000, s31;
	s1 =	sadd.s32 s1, s30  }
0xbb: {  	s0 =	sor.u32 s3, s0;
	s1 =	sshll.u32 s1, $0x11  }
0xbc: {  	s0 =	sor.u32 s1, s0  }
0xbd: {  	s0 =	sadd.s32 $0x8F2B, s0  }
0xbe: {  	[sflag:s0] =	ssyncadd.remote.s32 $0x1  }
0xbf: {  	_ =	sfence.sel $0xFFFF  }
0xc0: {  	[dreg:$0x0] =	wrdreg $0xFFFFFFFF;
	(pc) =	sbr.abs _section_cstart, $3  }
0xc1: {  	[dreg:$0x1] =	wrdreg $0xFFFFFFFF  }
0xc2: {  	_ =	task.clear_ibuf [dreg:s6], $0x2FFFF;
	_ =	strace $0x9FFFFFFF  }
0xc3: {  	(tm) =	ssettm $0x7FFFFFFF  }
tec
execute0_lowered:
.L_overlay_start_1:
0x0: {  	(tag) =	ssettag $0x1  }
0x1: {  	s0 =	rddreg [dreg:$0x0]  }
0x2: {  	s2 =	rddreg [dreg:$0x1]  }
0x3: {  	s3 =	rddreg [dreg:$0x2]  }
0x4: {  	s22 =	simm.s32 $0x0;
	s9 =	stileid.u32;
	s1 =	srdreg.scid  }
0x5: {  	s31 =	simm.s32 $0xF000;
	s12 =	simm.s32 $0x15;
	s16 =	simm.s32 $0x80  }
0x6: {  	s29 =	simm.s32 $0x1;
	s30 =	simm.s32 $0x5;
	s13 =	simm.s32 $0xC  }
0x7: {  	s10 =	simm.s32 $0x8;
	s15 =	simm.s32 $0xE;
	s14 =	simm.s32 $0xF  }
0x8: {  	s11 =	simm.s32 $0x12;
	s17 =	simm.s32 $0x13;
	s18 =	simm.s32 $0x14  }
0x9: {  	s4 =	smul.u32 $0x5000, s9;
	s1 =	sand.u32 $0x1, s1;
	s5 =	sshll.u32 s9, $0x1  }
0xa: {  	[smem:$0x7FF] =	sst s22;
	s8 =	smul.u32 $0x14000, s9;
	s25 =	sshll.u32 s9, $0x6  }
0xb: {  	s9 =	simm.s32 $0xD;
	s5 =	sor.u32 s1, s5;
	s6 =	smul.u32 $0x50000, s1  }
0xc: {  	_ =	strace $0x8000004A;
	s1 =	ssub.s32 $0x2, s1;
	s7 =	sshrl.u32 s4, $0x3  }
0xd: {  	s5 =	smul.u32 $0x500, s5;
	s19 =	sshrl.u32 s1, $0x1;
	s8 =	sshrl.u32 s8, $0x2  }
0xe: {  	s21 =	sadd.s32 s4, s3;
	s24 =	sadd.s32 s4, s2;
	s7 =	sadd.s32 s7, s0  }
0xf: {  	s6 =	sadd.s32 s4, s6;
	s1 =	ssub.s32 s1, s19;
	s28 =	sadd.s32 s8, s2  }
0x10: {  	s26 =	sshrl.u32 s21, $0x3;
	s19 =	simm.s32 $0x3;
	s8 =	simm.s32 $0x7  }
0x11: {  	s4 =	simm.s32 $0x10;
	s21 =	simm.s32 $0xA;
	[dreg:$0xc] =	wrdreg s26  }
0x12: {  	s5 =	sadd.s32 s5, s0;
	s23 =	sadd.s32 $0x1800, s7;
	[dreg:$0x5] =	wrdreg s28  }
0x13: {  	s6 =	sshrl.u32 s6, $0x3;
	s1 =	smax.u32 s1, $0x1;
	[dreg:$0x8] =	wrdreg s23  }
0x14: {  	s7 =	simm.s32 $0x6;
	s20 =	sadd.s32 $0x18000, s5;
	[dreg:$0xa] =	wrdreg s1  }
0x15: {  	s0 =	sadd.s32 s6, s0;
	s5 =	sadd.s32 $0xE000, s5;
	[dreg:$0x6] =	wrdreg s20  }
0x16: {  	s1 =	sor.u32 $0x1C15, s25;
	s23 =	simm.s32 $0x4;
	[dreg:$0x7] =	wrdreg s5  }
0x17: {  	s6 =	simm.s32 $0xB;
	s0 =	sadd.s32 $0x22000, s0;
	[dreg:$0xb] =	wrdreg s1  }
0x18: {  	s25 =	simm.s32 $0x9;
	[dreg:$0x9] =	wrdreg s0;
	s0 =	sshrl.u32 s24, $0x3  }
0x19: {  	v0 =	vimm.f32 $0.0e+00;
	s5 =	simm.s32 $0x11;
	[dreg:$0xd] =	wrdreg s0;
	s0 =	simm.s32 $0x2  }
.LBB2_1:
0x1a: {  	[tilespmem:$0xF000] =	vst v0  }
0x1b: {  	[tilespmem:$0xF020] =	vst v0  }
0x1c: {  	[tilespmem:$0xF040] =	vst v0  }
0x1d: {  	[tilespmem:$0xF060] =	vst v0  }
0x1e: {  	[tilespmem:$0xF080] =	vst v0  }
0x1f: {  	[tilespmem:$0xF0A0] =	vst v0  }
0x20: {  	[tilespmem:$0xF0C0] =	vst v0  }
0x21: {  	[tilespmem:$0xF0E0] =	vst v0  }
0x22: {  	[tilespmem:$0xF100] =	vst v0  }
0x23: {  	[tilespmem:$0xF120] =	vst v0  }
0x24: {  	[tilespmem:$0xF140] =	vst v0  }
0x25: {  	[tilespmem:$0xF160] =	vst v0  }
0x26: {  	[tilespmem:$0xF180] =	vst v0  }
0x27: {  	[tilespmem:$0xF1A0] =	vst v0  }
0x28: {  	[tilespmem:$0xF1C0] =	vst v0  }
0x29: {  	[tilespmem:$0xF1E0] =	vst v0  }
0x2a: {  	[tilespmem:$0xF010] =	vst v0  }
0x2b: {  	[tilespmem:$0xF030] =	vst v0  }
0x2c: {  	[tilespmem:$0xF050] =	vst v0  }
0x2d: {  	[tilespmem:$0xF070] =	vst v0  }
0x2e: {  	[tilespmem:$0xF090] =	vst v0  }
0x2f: {  	[tilespmem:$0xF0B0] =	vst v0  }
0x30: {  	[tilespmem:$0xF0D0] =	vst v0  }
0x31: {  	[tilespmem:$0xF0F0] =	vst v0  }
0x32: {  	[tilespmem:$0xF110] =	vst v0  }
0x33: {  	[tilespmem:$0xF130] =	vst v0  }
0x34: {  	[tilespmem:$0xF150] =	vst v0  }
0x35: {  	[tilespmem:$0xF170] =	vst v0  }
0x36: {  	[tilespmem:$0xF190] =	vst v0  }
0x37: {  	[tilespmem:$0xF1B0] =	vst v0  }
0x38: {  	[tilespmem:$0xF1D0] =	vst v0  }
0x39: {  	[dreg:$0x4] =	wrdreg s22;
	[tilespmem:$0xF1F0] =	vst v0;
	s26 =	sadd.s32 $0x0, s28  }
0x3a: {  	[spmem:s26] =	stream.linear.scatter [tilespmem:s31], [sflag:$0x15], $0x200, $0x38;
	[tilespmem:$0x19200] =	vst v63  }
0x3b: {  	s22 =	simm.s32 $0x800;
	_ =	swait.ge [sflag:s12], $0x200  }
.LBB2_2:
0x3c: {  	s24 =	sshra.s32 s22, $0x2;
	[sflag:s12] =	ssyncset.done $0x0;
	p0 =	sne.s32 s22, $0x13800  }
.Ltmp0:
0x3d: {  	s24 =	sadd.s32 s24, s28;
	[sflag:s12] =	ssyncadd.s32 $0xFFFFFE00;
	(pc) =	sbr.rel @p0 .LBB2_2-.Ltmp0, $3  }
0x3e: {  	[spmem:s24] =	stream.linear.scatter [tilespmem:s31], [sflag:$0x15], $0x200, $0x38;
	[tilespmem:$0x19200] =	vst v63  }
0x3f: {  	s22 =	sadd.s32 $0x800, s22;
	_ =	sdelay $0x1  }
0x40: {  	_ =	swait.ge [sflag:s12], $0x200  }
0x41: {  	[sflag:s12] =	ssyncset.done $0x0  }
0x42: {  	s22 =	simm.s32 $0x0;
	s24 =	rddreg [dreg:$0x6];
	[sflag:s12] =	ssyncadd.s32 $0xFFFFFE00  }
0x43: {  	[tilespmem:s22], [sflag:$0x15] =	stream.linear.gather [hbm4b:s24+s22], $0x2800, $0x38;
	[tilespmem:$0x19200] =	vst v63  }
0x44: {  	_ =	swait.ge [sflag:s12], $0x2800  }
0x45: {  	[sflag:s12] =	ssyncset.done $0x0  }
0x46: {  	s26 =	simm.s32 $0x2800;
	s1 =	rddreg [dreg:$0x7];
	[sflag:s12] =	ssyncadd.s32 $0xFFFFD800  }
0x47: {  	[tilespmem:s26], [sflag:$0x15] =	stream.linear.gather [hbm4b:s1+s22], $0x2800, $0x38;
	[tilespmem:$0x19200] =	vst v63  }
0x48: {  	_ =	swait.ge [sflag:s12], $0x2800  }
0x49: {  	s20 =	rddreg [dreg:$0x8]  }
0x4a: {  	[sflag:s12] =	ssyncset.done $0x0;
	s31 =	rddreg [dreg:$0xb]  }
0x4b: {  	s28 =	rddreg [dreg:$0xc];
	[sflag:s12] =	ssyncadd.s32 $0xFFFFD800  }
0x4c: {  	[spmem:s28], [sflag:s31] =	dma.local [hbm:s20], $0xA00  }
0x4d: {  	_ =	swait.ge [sflag:s12], $0xA00  }
0x4e: {  	[sflag:s12] =	ssyncset.done $0x0  }
0x4f: {  	[sflag:s12] =	ssyncadd.s32 $0xFFFFF600  }
0x50: {  	s28 =	simm.s32 $0x5000;
	[bflag:$0x0] =	sbarrier.arrive $0xFFFF  }
0x51: {  	[tilespmem:s28], [sflag:$0x1] =	stream.indirect.gather [spmem:s3], $0x20, s22, s16, $0xb8;
	[tilespmem:$0x19200] =	vst v63  }
0x52: {  	s31 =	simm.s32 $0x6000  }
0x53: {  	[tilespmem:s31], [sflag:$0x2] =	stream.indirect.gather [spmem:s3], $0x20, s16, s16, $0xb8;
	[tilespmem:$0x19200] =	vst v63  }
0x54: {  	s24 =	simm.s32 $0x100;
	s1 =	simm.s32 $0x7000  }
0x55: {  	[tilespmem:s1], [sflag:$0x3] =	stream.indirect.gather [spmem:s3], $0x20, s24, s16, $0xb8;
	[tilespmem:$0x19200] =	vst v63  }
0x56: {  	s12 =	simm.s32 $0x180;
	s24 =	simm.s32 $0x8000  }
0x57: {  	[tilespmem:s24], [sflag:$0x4] =	stream.indirect.gather [spmem:s3], $0x20, s12, s16, $0xb8;
	[tilespmem:$0x19200] =	vst v63  }
0x58: {  	s12 =	simm.s32 $0x200;
	s24 =	simm.s32 $0x9000  }
0x59: {  	[tilespmem:s24], [sflag:$0x5] =	stream.indirect.gather [spmem:s3], $0x20, s12, s16, $0xb8;
	[tilespmem:$0x19200] =	vst v63  }
0x5a: {  	s22 =	simm.s32 $0x280;
	s12 =	simm.s32 $0xA000  }
0x5b: {  	[tilespmem:s12], [sflag:$0x6] =	stream.indirect.gather [spmem:s3], $0x20, s22, s16, $0xb8;
	[tilespmem:$0x19200] =	vst v63  }
0x5c: {  	_ =	swait.ge [sflag:s29], $0x1000  }
0x5d: {  	[sflag:s29] =	ssyncset.done $0x0  }
0x5e: {  	[sflag:s29] =	ssyncadd.s32 $0xFFFFF000  }
0x5f: {  	[spmem:s2] =	stream.indirect.scatter.add.f32 [tilespmem:s28], [sflag:$0xB], $0x20, s26, s16, $0xb8;
	[tilespmem:$0x19200] =	vst v63  }
0x60: {  	s12 =	simm.s32 $0x300;
	s26 =	simm.s32 $0xB000  }
0x61: {  	[tilespmem:s26], [sflag:$0x7] =	stream.indirect.gather [spmem:s3], $0x20, s12, s16, $0xb8;
	[tilespmem:$0x19200] =	vst v63  }
0x62: {  	_ =	swait.ge [sflag:s0], $0x1000  }
0x63: {  	[sflag:s0] =	ssyncset.done $0x0  }
0x64: {  	s26 =	simm.s32 $0x2880;
	[sflag:s0] =	ssyncadd.s32 $0xFFFFF000  }
0x65: {  	[spmem:s2] =	stream.indirect.scatter.add.f32 [tilespmem:s31], [sflag:$0xC], $0x20, s26, s16, $0xb8;
	[tilespmem:$0x19200] =	vst v63  }
0x66: {  	s12 =	simm.s32 $0x380;
	s26 =	simm.s32 $0xC000  }
0x67: {  	[tilespmem:s26], [sflag:$0x8] =	stream.indirect.gather [spmem:s3], $0x20, s12, s16, $0xb8;
	[tilespmem:$0x19200] =	vst v63  }
0x68: {  	_ =	swait.ge [sflag:s19], $0x1000  }
0x69: {  	[sflag:s19] =	ssyncset.done $0x0  }
0x6a: {  	s20 =	simm.s32 $0x7000;
	s26 =	simm.s32 $0x2900;
	[sflag:s19] =	ssyncadd.s32 $0xFFFFF000  }
0x6b: {  	[spmem:s2] =	stream.indirect.scatter.add.f32 [tilespmem:s20], [sflag:$0xD], $0x20, s26, s16, $0xb8;
	[tilespmem:$0x19200] =	vst v63  }
0x6c: {  	s12 =	simm.s32 $0x400;
	s20 =	simm.s32 $0xD000  }
0x6d: {  	[tilespmem:s20], [sflag:$0x9] =	stream.indirect.gather [spmem:s3], $0x20, s12, s16, $0xb8;
	[tilespmem:$0x19200] =	vst v63  }
0x6e: {  	_ =	swait.ge [sflag:s23], $0x1000  }
0x6f: {  	[sflag:s23] =	ssyncset.done $0x0  }
0x70: {  	s1 =	simm.s32 $0x8000;
	s26 =	simm.s32 $0x2980;
	[sflag:s23] =	ssyncadd.s32 $0xFFFFF000  }
0x71: {  	[spmem:s2] =	stream.indirect.scatter.add.f32 [tilespmem:s1], [sflag:$0xE], $0x20, s26, s16, $0xb8;
	[tilespmem:$0x19200] =	vst v63  }
0x72: {  	s12 =	simm.s32 $0xE000;
	s1 =	simm.s32 $0x480  }
0x73: {  	[tilespmem:s12], [sflag:$0xA] =	stream.indirect.gather [spmem:s3], $0x20, s1, s16, $0xb8;
	[tilespmem:$0x19200] =	vst v63  }
0x74: {  	_ =	swait.ge [sflag:s30], $0x1000  }
0x75: {  	[sflag:s30] =	ssyncset.done $0x0  }
0x76: {  	s24 =	simm.s32 $0x9000;
	s20 =	simm.s32 $0x2A00;
	[sflag:s30] =	ssyncadd.s32 $0xFFFFF000  }
0x77: {  	[spmem:s2] =	stream.indirect.scatter.add.f32 [tilespmem:s24], [sflag:$0xF], $0x20, s20, s16, $0xb8;
	[tilespmem:$0x19200] =	vst v63  }
0x78: {  	_ =	swait.ge [sflag:s6], $0x1000  }
0x79: {  	[sflag:s6] =	ssyncset.done $0x0  }
0x7a: {  	s26 =	simm.s32 $0x500;
	[sflag:s6] =	ssyncadd.s32 $0xFFFFF000  }
0x7b: {  	[tilespmem:s28], [sflag:$0x1] =	stream.indirect.gather [spmem:s3], $0x20, s26, s16, $0xb8;
	[tilespmem:$0x19200] =	vst v63  }
0x7c: {  	_ =	swait.ge [sflag:s7], $0x1000  }
0x7d: {  	[sflag:s7] =	ssyncset.done $0x0  }
0x7e: {  	s1 =	simm.s32 $0x2A80;
	s26 =	simm.s32 $0xA000;
	[sflag:s7] =	ssyncadd.s32 $0xFFFFF000  }
0x7f: {  	[spmem:s2] =	stream.indirect.scatter.add.f32 [tilespmem:s26], [sflag:$0x10], $0x20, s1, s16, $0xb8;
	[tilespmem:$0x19200] =	vst v63  }
0x80: {  	_ =	swait.ge [sflag:s13], $0x1000  }
0x81: {  	[sflag:s13] =	ssyncset.done $0x0  }
0x82: {  	s20 =	simm.s32 $0x580;
	[sflag:s13] =	ssyncadd.s32 $0xFFFFF000  }
0x83: {  	[tilespmem:s31], [sflag:$0x2] =	stream.indirect.gather [spmem:s3], $0x20, s20, s16, $0xb8;
	[tilespmem:$0x19200] =	vst v63  }
0x84: {  	_ =	swait.ge [sflag:s8], $0x1000  }
0x85: {  	[sflag:s8] =	ssyncset.done $0x0  }
0x86: {  	s24 =	simm.s32 $0x2B00;
	s20 =	simm.s32 $0xB000;
	[sflag:s8] =	ssyncadd.s32 $0xFFFFF000  }
0x87: {  	[spmem:s2] =	stream.indirect.scatter.add.f32 [tilespmem:s20], [sflag:$0x11], $0x20, s24, s16, $0xb8;
	[tilespmem:$0x19200] =	vst v63  }
0x88: {  	_ =	swait.ge [sflag:s9], $0x1000  }
0x89: {  	[sflag:s9] =	ssyncset.done $0x0  }
0x8a: {  	s1 =	simm.s32 $0x600;
	s24 =	simm.s32 $0x7000;
	[sflag:s9] =	ssyncadd.s32 $0xFFFFF000  }
0x8b: {  	[tilespmem:s24], [sflag:$0x3] =	stream.indirect.gather [spmem:s3], $0x20, s1, s16, $0xb8;
	[tilespmem:$0x19200] =	vst v63  }
0x8c: {  	_ =	swait.ge [sflag:s10], $0x1000  }
0x8d: {  	[sflag:s10] =	ssyncset.done $0x0  }
0x8e: {  	s24 =	simm.s32 $0x2B80;
	s1 =	simm.s32 $0xC000;
	[sflag:s10] =	ssyncadd.s32 $0xFFFFF000  }
0x8f: {  	[spmem:s2] =	stream.indirect.scatter.add.f32 [tilespmem:s1], [sflag:$0x12], $0x20, s24, s16, $0xb8;
	[tilespmem:$0x19200] =	vst v63  }
0x90: {  	_ =	swait.ge [sflag:s15], $0x1000  }
0x91: {  	[sflag:s15] =	ssyncset.done $0x0  }
0x92: {  	s22 =	simm.s32 $0x680;
	s24 =	simm.s32 $0x8000;
	[sflag:s15] =	ssyncadd.s32 $0xFFFFF000  }
0x93: {  	[tilespmem:s24], [sflag:$0x4] =	stream.indirect.gather [spmem:s3], $0x20, s22, s16, $0xb8;
	[tilespmem:$0x19200] =	vst v63  }
0x94: {  	_ =	swait.ge [sflag:s25], $0x1000  }
0x95: {  	[sflag:s25] =	ssyncset.done $0x0  }
0x96: {  	s22 =	simm.s32 $0x2C00;
	s24 =	simm.s32 $0xD000;
	[sflag:s25] =	ssyncadd.s32 $0xFFFFF000  }
0x97: {  	[spmem:s2] =	stream.indirect.scatter.add.f32 [tilespmem:s24], [sflag:$0x13], $0x20, s22, s16, $0xb8;
	[tilespmem:$0x19200] =	vst v63  }
0x98: {  	_ =	swait.ge [sflag:s14], $0x1000  }
0x99: {  	[sflag:s14] =	ssyncset.done $0x0  }
0x9a: {  	s22 =	simm.s32 $0x700;
	s24 =	simm.s32 $0x9000;
	[sflag:s14] =	ssyncadd.s32 $0xFFFFF000  }
0x9b: {  	[tilespmem:s24], [sflag:$0x5] =	stream.indirect.gather [spmem:s3], $0x20, s22, s16, $0xb8;
	[tilespmem:$0x19200] =	vst v63  }
0x9c: {  	s22 =	simm.s32 $0xA  }
0x9d: {  	_ =	swait.ge [sflag:s22], $0x1000  }
0x9e: {  	[sflag:s22] =	ssyncset.done $0x0  }
0x9f: {  	s24 =	simm.s32 $0x2C80;
	[sflag:s22] =	ssyncadd.s32 $0xFFFFF000  }
0xa0: {  	[spmem:s2] =	stream.indirect.scatter.add.f32 [tilespmem:s12], [sflag:$0x14], $0x20, s24, s16, $0xb8;
	[tilespmem:$0x19200] =	vst v63  }
0xa1: {  	_ =	swait.ge [sflag:s4], $0x1000  }
0xa2: {  	[sflag:s4] =	ssyncset.done $0x0  }
0xa3: {  	[sflag:s4] =	ssyncadd.s32 $0xFFFFF000;
	s4 =	simm.s32 $0x780  }
0xa4: {  	[tilespmem:s26], [sflag:$0x6] =	stream.indirect.gather [spmem:s3], $0x20, s4, s16, $0xb8;
	[tilespmem:$0x19200] =	vst v63  }
0xa5: {  	_ =	swait.ge [sflag:s29], $0x1000  }
0xa6: {  	[sflag:s29] =	ssyncset.done $0x0  }
0xa7: {  	s4 =	simm.s32 $0x2D00;
	[sflag:s29] =	ssyncadd.s32 $0xFFFFF000  }
0xa8: {  	[spmem:s2] =	stream.indirect.scatter.add.f32 [tilespmem:s28], [sflag:$0xB], $0x20, s4, s16, $0xb8;
	[tilespmem:$0x19200] =	vst v63  }
0xa9: {  	_ =	swait.ge [sflag:s5], $0x1000  }
0xaa: {  	[sflag:s5] =	ssyncset.done $0x0  }
0xab: {  	[sflag:s5] =	ssyncadd.s32 $0xFFFFF000;
	s5 =	simm.s32 $0x800  }
0xac: {  	[tilespmem:s20], [sflag:$0x7] =	stream.indirect.gather [spmem:s3], $0x20, s5, s16, $0xb8;
	[tilespmem:$0x19200] =	vst v63  }
0xad: {  	_ =	swait.ge [sflag:s0], $0x1000  }
0xae: {  	[sflag:s0] =	ssyncset.done $0x0  }
0xaf: {  	s4 =	simm.s32 $0x2D80;
	[sflag:s0] =	ssyncadd.s32 $0xFFFFF000  }
0xb0: {  	[spmem:s2] =	stream.indirect.scatter.add.f32 [tilespmem:s31], [sflag:$0xC], $0x20, s4, s16, $0xb8;
	[tilespmem:$0x19200] =	vst v63  }
0xb1: {  	_ =	swait.ge [sflag:s11], $0x1000  }
0xb2: {  	[sflag:s11] =	ssyncset.done $0x0  }
0xb3: {  	s20 =	simm.s32 $0x880;
	[sflag:s11] =	ssyncadd.s32 $0xFFFFF000  }
0xb4: {  	[tilespmem:s1], [sflag:$0x8] =	stream.indirect.gather [spmem:s3], $0x20, s20, s16, $0xb8;
	[tilespmem:$0x19200] =	vst v63  }
0xb5: {  	_ =	swait.ge [sflag:s19], $0x1000  }
0xb6: {  	[sflag:s19] =	ssyncset.done $0x0  }
0xb7: {  	s0 =	simm.s32 $0x2E00;
	s11 =	simm.s32 $0x7000;
	[sflag:s19] =	ssyncadd.s32 $0xFFFFF000  }
0xb8: {  	[spmem:s2] =	stream.indirect.scatter.add.f32 [tilespmem:s11], [sflag:$0xD], $0x20, s0, s16, $0xb8;
	[tilespmem:$0x19200] =	vst v63  }
0xb9: {  	_ =	swait.ge [sflag:s17], $0x1000  }
0xba: {  	[sflag:s17] =	ssyncset.done $0x0  }
0xbb: {  	s4 =	simm.s32 $0x900;
	s0 =	simm.s32 $0xD000;
	[sflag:s17] =	ssyncadd.s32 $0xFFFFF000  }
0xbc: {  	[tilespmem:s0], [sflag:$0x9] =	stream.indirect.gather [spmem:s3], $0x20, s4, s16, $0xb8;
	[tilespmem:$0x19200] =	vst v63  }
0xbd: {  	_ =	swait.ge [sflag:s23], $0x1000  }
0xbe: {  	[sflag:s23] =	ssyncset.done $0x0  }
0xbf: {  	s17 =	simm.s32 $0x2E80;
	s4 =	simm.s32 $0x8000;
	[sflag:s23] =	ssyncadd.s32 $0xFFFFF000  }
0xc0: {  	[spmem:s2] =	stream.indirect.scatter.add.f32 [tilespmem:s4], [sflag:$0xE], $0x20, s17, s16, $0xb8;
	[tilespmem:$0x19200] =	vst v63  }
0xc1: {  	_ =	swait.ge [sflag:s18], $0x1000  }
0xc2: {  	[sflag:s18] =	ssyncset.done $0x0  }
0xc3: {  	s19 =	simm.s32 $0x980;
	[sflag:s18] =	ssyncadd.s32 $0xFFFFF000  }
0xc4: {  	[tilespmem:s12], [sflag:$0xA] =	stream.indirect.gather [spmem:s3], $0x20, s19, s16, $0xb8;
	[tilespmem:$0x19200] =	vst v63  }
0xc5: {  	_ =	swait.ge [sflag:s30], $0x1000  }
0xc6: {  	[sflag:s30] =	ssyncset.done $0x0  }
0xc7: {  	s20 =	simm.s32 $0x2F00;
	s12 =	simm.s32 $0x9000;
	[sflag:s30] =	ssyncadd.s32 $0xFFFFF000  }
0xc8: {  	[spmem:s2] =	stream.indirect.scatter.add.f32 [tilespmem:s12], [sflag:$0xF], $0x20, s20, s16, $0xb8;
	[tilespmem:$0x19200] =	vst v63  }
0xc9: {  	s23 =	smin.u32 s22, $0x45;
	_ =	swait.ge [sflag:s6], $0x1000  }
0xca: {  	s24 =	sshll.u32 s23, $0x7;
	[sflag:s6] =	ssyncset.done $0x0  }
0xcb: {  	s24 =	sadd.s32 $0x500, s24;
	[sflag:s6] =	ssyncadd.s32 $0xFFFFF000  }
0xcc: {  	[tilespmem:s28], [sflag:$0x1] =	stream.indirect.gather [spmem:s3], $0x20, s24, s16, $0xb8;
	[tilespmem:$0x19200] =	vst v63  }
0xcd: {  	_ =	swait.ge [sflag:s7], $0x1000  }
0xce: {  	[sflag:s7] =	ssyncset.done $0x0  }
0xcf: {  	s26 =	simm.s32 $0xA000;
	s17 =	simm.s32 $0x2F80;
	[sflag:s7] =	ssyncadd.s32 $0xFFFFF000  }
0xd0: {  	[spmem:s2] =	stream.indirect.scatter.add.f32 [tilespmem:s26], [sflag:$0x10], $0x20, s17, s16, $0xb8;
	[tilespmem:$0x19200] =	vst v63  }
0xd1: {  	s18 =	smin.u32 s22, $0x44;
	_ =	swait.ge [sflag:s13], $0x1000  }
0xd2: {  	s24 =	sshll.u32 s18, $0x7;
	[sflag:s13] =	ssyncset.done $0x0  }
0xd3: {  	s24 =	sadd.s32 $0x580, s24;
	[sflag:s13] =	ssyncadd.s32 $0xFFFFF000  }
0xd4: {  	[tilespmem:s31], [sflag:$0x2] =	stream.indirect.gather [spmem:s3], $0x20, s24, s16, $0xb8;
	[tilespmem:$0x19200] =	vst v63  }
0xd5: {  	_ =	swait.ge [sflag:s8], $0x1000  }
0xd6: {  	[sflag:s8] =	ssyncset.done $0x0  }
0xd7: {  	s5 =	simm.s32 $0xB000;
	s19 =	simm.s32 $0x3000;
	[sflag:s8] =	ssyncadd.s32 $0xFFFFF000  }
0xd8: {  	[spmem:s2] =	stream.indirect.scatter.add.f32 [tilespmem:s5], [sflag:$0x11], $0x20, s19, s16, $0xb8;
	[tilespmem:$0x19200] =	vst v63  }
0xd9: {  	s20 =	smin.u32 s22, $0x43;
	_ =	swait.ge [sflag:s9], $0x1000  }
0xda: {  	s24 =	sshll.u32 s20, $0x7;
	[sflag:s9] =	ssyncset.done $0x0  }
0xdb: {  	s24 =	sadd.s32 $0x600, s24;
	[sflag:s9] =	ssyncadd.s32 $0xFFFFF000  }
0xdc: {  	[tilespmem:s11], [sflag:$0x3] =	stream.indirect.gather [spmem:s3], $0x20, s24, s16, $0xb8;
	[tilespmem:$0x19200] =	vst v63  }
0xdd: {  	_ =	swait.ge [sflag:s10], $0x1000  }
0xde: {  	[sflag:s10] =	ssyncset.done $0x0  }
0xdf: {  	s1 =	simm.s32 $0xC000;
	s23 =	simm.s32 $0x3080;
	[sflag:s10] =	ssyncadd.s32 $0xFFFFF000  }
0xe0: {  	[spmem:s2] =	stream.indirect.scatter.add.f32 [tilespmem:s1], [sflag:$0x12], $0x20, s23, s16, $0xb8;
	[tilespmem:$0x19200] =	vst v63  }
0xe1: {  	s26 =	smin.u32 s22, $0x42;
	_ =	swait.ge [sflag:s15], $0x1000  }
0xe2: {  	s30 =	simm.s32 $0x4;
	s24 =	sshll.u32 s26, $0x7;
	[sflag:s15] =	ssyncset.done $0x0  }
0xe3: {  	s22 =	smin.u32 s22, $0x41;
	s24 =	sadd.s32 $0x680, s24;
	[sflag:s15] =	ssyncadd.s32 $0xFFFFF000  }
0xe4: {  	[tilespmem:s4], [sflag:$0x4] =	stream.indirect.gather [spmem:s3], $0x20, s24, s16, $0xb8;
	[tilespmem:$0x19200] =	vst v63  }
0xe5: {  	s28 =	simm.s32 $0x3180;
	s22 =	sshll.u32 s22, $0x7;
	_ =	swait.ge [sflag:s25], $0x1000  }
0xe6: {  	s7 =	simm.s32 $0xB;
	s22 =	sadd.s32 $0x700, s22;
	[sflag:s25] =	ssyncset.done $0x0  }
0xe7: {  	s13 =	simm.s32 $0x6;
	s31 =	simm.s32 $0x3100;
	[sflag:s25] =	ssyncadd.s32 $0xFFFFF000  }
0xe8: {  	[spmem:s2] =	stream.indirect.scatter.add.f32 [tilespmem:s0], [sflag:$0x13], $0x20, s31, s16, $0xb8;
	[tilespmem:$0x19200] =	vst v63  }
0xe9: {  	s20 =	simm.s32 $0xA;
	s8 =	simm.s32 $0xC;
	_ =	swait.ge [sflag:s14], $0x1000  }
0xea: {  	s19 =	simm.s32 $0x3;
	s9 =	simm.s32 $0x7;
	[sflag:s14] =	ssyncset.done $0x0  }
0xeb: {  	s10 =	simm.s32 $0xD;
	s23 =	simm.s32 $0x2;
	[sflag:s14] =	ssyncadd.s32 $0xFFFFF000  }
0xec: {  	[tilespmem:s12], [sflag:$0x5] =	stream.indirect.gather [spmem:s3], $0x20, s22, s16, $0xb8;
	[tilespmem:$0x19200] =	vst v63  }
0xed: {  	s15 =	simm.s32 $0x8;
	s24 =	simm.s32 $0x14;
	_ =	swait.ge [sflag:s21], $0x1000  }
0xee: {  	s4 =	simm.s32 $0xF;
	s25 =	simm.s32 $0xE;
	[sflag:s21] =	ssyncset.done $0x0  }
0xef: {  	s14 =	simm.s32 $0x9;
	s22 =	simm.s32 $0x1400;
	[sflag:s21] =	ssyncadd.s32 $0xFFFFF000  }
.LBB2_4:
0xf0: {  	s11 =	simm.s32 $0xE000  }
0xf1: {  	[spmem:s2] =	stream.indirect.scatter.add.f32 [tilespmem:s11], [sflag:$0x14], $0x20, s28, s16, $0xb8;
	[tilespmem:$0x19200] =	vst v63  }
0xf2: {  	s0 =	simm.s32 $0x10;
	s28 =	smov.u32 s22  }
0xf3: {  	p0 =	sne.s32 s22, $0x7800;
	s22 =	sadd.s32 $0x1400, s22;
	_ =	swait.ge [sflag:s0], $0x1000  }
0xf4: {  	s28 =	sshra.s32 s28, $0x2;
	[sflag:s0] =	ssyncset.done $0x0  }
0xf5: {  	s31 =	sadd.s32 $0x780, s28;
	[sflag:s0] =	ssyncadd.s32 $0xFFFFF000;
	s0 =	simm.s32 $0xA000  }
0xf6: {  	[tilespmem:s0], [sflag:$0x6] =	stream.indirect.gather [spmem:s3], $0x20, s31, s16, $0xb8;
	[tilespmem:$0x19200] =	vst v63  }
0xf7: {  	_ =	swait.ge [sflag:s29], $0x1000  }
0xf8: {  	s1 =	simm.s32 $0x5000;
	[sflag:s29] =	ssyncset.done $0x0  }
0xf9: {  	s5 =	simm.s32 $0x11;
	s31 =	sadd.s32 $0x2D00, s28;
	[sflag:s29] =	ssyncadd.s32 $0xFFFFF000  }
0xfa: {  	[spmem:s2] =	stream.indirect.scatter.add.f32 [tilespmem:s1], [sflag:$0xB], $0x20, s31, s16, $0xb8;
	[tilespmem:$0x19200] =	vst v63  }
0xfb: {  	_ =	swait.ge [sflag:s5], $0x1000  }
0xfc: {  	[sflag:s5] =	ssyncset.done $0x0  }
0xfd: {  	s18 =	simm.s32 $0xB000;
	s31 =	sadd.s32 $0x800, s28;
	[sflag:s5] =	ssyncadd.s32 $0xFFFFF000  }
0xfe: {  	[tilespmem:s18], [sflag:$0x7] =	stream.indirect.gather [spmem:s3], $0x20, s31, s16, $0xb8;
	[tilespmem:$0x19200] =	vst v63  }
0xff: {  	_ =	swait.ge [sflag:s23], $0x1000  }
0x100: {  	s21 =	simm.s32 $0x6000;
	[sflag:s23] =	ssyncset.done $0x0  }
0x101: {  	s5 =	simm.s32 $0x12;
	s31 =	sadd.s32 $0x2D80, s28;
	[sflag:s23] =	ssyncadd.s32 $0xFFFFF000  }
0x102: {  	[spmem:s2] =	stream.indirect.scatter.add.f32 [tilespmem:s21], [sflag:$0xC], $0x20, s31, s16, $0xb8;
	[tilespmem:$0x19200] =	vst v63  }
0x103: {  	_ =	swait.ge [sflag:s5], $0x1000  }
0x104: {  	[sflag:s5] =	ssyncset.done $0x0  }
0x105: {  	s17 =	simm.s32 $0xC000;
	s31 =	sadd.s32 $0x880, s28;
	[sflag:s5] =	ssyncadd.s32 $0xFFFFF000  }
0x106: {  	[tilespmem:s17], [sflag:$0x8] =	stream.indirect.gather [spmem:s3], $0x20, s31, s16, $0xb8;
	[tilespmem:$0x19200] =	vst v63  }
0x107: {  	_ =	swait.ge [sflag:s19], $0x1000  }
0x108: {  	s26 =	simm.s32 $0x7000;
	[sflag:s19] =	ssyncset.done $0x0  }
0x109: {  	s5 =	simm.s32 $0x13;
	s31 =	sadd.s32 $0x2E00, s28;
	[sflag:s19] =	ssyncadd.s32 $0xFFFFF000  }
0x10a: {  	[spmem:s2] =	stream.indirect.scatter.add.f32 [tilespmem:s26], [sflag:$0xD], $0x20, s31, s16, $0xb8;
	[tilespmem:$0x19200] =	vst v63  }
0x10b: {  	_ =	swait.ge [sflag:s5], $0x1000  }
0x10c: {  	[sflag:s5] =	ssyncset.done $0x0  }
0x10d: {  	s6 =	simm.s32 $0xD000;
	s31 =	sadd.s32 $0x900, s28;
	[sflag:s5] =	ssyncadd.s32 $0xFFFFF000  }
0x10e: {  	[tilespmem:s6], [sflag:$0x9] =	stream.indirect.gather [spmem:s3], $0x20, s31, s16, $0xb8;
	[tilespmem:$0x19200] =	vst v63  }
0x10f: {  	_ =	swait.ge [sflag:s30], $0x1000  }
0x110: {  	s12 =	simm.s32 $0x8000;
	[sflag:s30] =	ssyncset.done $0x0  }
0x111: {  	s5 =	simm.s32 $0x14;
	s31 =	sadd.s32 $0x2E80, s28;
	[sflag:s30] =	ssyncadd.s32 $0xFFFFF000  }
0x112: {  	[spmem:s2] =	stream.indirect.scatter.add.f32 [tilespmem:s12], [sflag:$0xE], $0x20, s31, s16, $0xb8;
	[tilespmem:$0x19200] =	vst v63  }
0x113: {  	_ =	swait.ge [sflag:s5], $0x1000  }
0x114: {  	[sflag:s5] =	ssyncset.done $0x0  }
0x115: {  	s31 =	sadd.s32 $0x980, s28;
	[sflag:s5] =	ssyncadd.s32 $0xFFFFF000  }
0x116: {  	[tilespmem:s11], [sflag:$0xA] =	stream.indirect.gather [spmem:s3], $0x20, s31, s16, $0xb8;
	[tilespmem:$0x19200] =	vst v63  }
0x117: {  	s5 =	simm.s32 $0xE000;
	s11 =	simm.s32 $0x5  }
0x118: {  	_ =	swait.ge [sflag:s11], $0x1000  }
0x119: {  	[sflag:s11] =	ssyncset.done $0x0  }
0x11a: {  	s29 =	simm.s32 $0x9000;
	s31 =	sadd.s32 $0x2F00, s28;
	[sflag:s11] =	ssyncadd.s32 $0xFFFFF000  }
0x11b: {  	[spmem:s2] =	stream.indirect.scatter.add.f32 [tilespmem:s29], [sflag:$0xF], $0x20, s31, s16, $0xb8;
	[tilespmem:$0x19200] =	vst v63  }
0x11c: {  	s31 =	smin.u32 s24, $0x45;
	_ =	swait.ge [sflag:s7], $0x1000  }
0x11d: {  	s31 =	sshll.u32 s31, $0x7;
	[sflag:s7] =	ssyncset.done $0x0  }
0x11e: {  	s31 =	sadd.s32 $0x500, s31;
	[sflag:s7] =	ssyncadd.s32 $0xFFFFF000  }
0x11f: {  	[tilespmem:s1], [sflag:$0x1] =	stream.indirect.gather [spmem:s3], $0x20, s31, s16, $0xb8;
	[tilespmem:$0x19200] =	vst v63  }
0x120: {  	_ =	swait.ge [sflag:s13], $0x1000  }
0x121: {  	[sflag:s13] =	ssyncset.done $0x0  }
0x122: {  	s31 =	sadd.s32 $0x2F80, s28;
	[sflag:s13] =	ssyncadd.s32 $0xFFFFF000  }
0x123: {  	[spmem:s2] =	stream.indirect.scatter.add.f32 [tilespmem:s0], [sflag:$0x10], $0x20, s31, s16, $0xb8;
	[tilespmem:$0x19200] =	vst v63  }
0x124: {  	s31 =	smin.u32 s24, $0x44;
	_ =	swait.ge [sflag:s8], $0x1000  }
0x125: {  	s31 =	sshll.u32 s31, $0x7;
	[sflag:s8] =	ssyncset.done $0x0  }
0x126: {  	s31 =	sadd.s32 $0x580, s31;
	[sflag:s8] =	ssyncadd.s32 $0xFFFFF000  }
0x127: {  	[tilespmem:s21], [sflag:$0x2] =	stream.indirect.gather [spmem:s3], $0x20, s31, s16, $0xb8;
	[tilespmem:$0x19200] =	vst v63  }
0x128: {  	_ =	swait.ge [sflag:s9], $0x1000  }
0x129: {  	[sflag:s9] =	ssyncset.done $0x0  }
0x12a: {  	s31 =	sadd.s32 $0x3000, s28;
	[sflag:s9] =	ssyncadd.s32 $0xFFFFF000  }
0x12b: {  	[spmem:s2] =	stream.indirect.scatter.add.f32 [tilespmem:s18], [sflag:$0x11], $0x20, s31, s16, $0xb8;
	[tilespmem:$0x19200] =	vst v63  }
0x12c: {  	s31 =	smin.u32 s24, $0x43;
	_ =	swait.ge [sflag:s10], $0x1000  }
0x12d: {  	s31 =	sshll.u32 s31, $0x7;
	[sflag:s10] =	ssyncset.done $0x0  }
0x12e: {  	s31 =	sadd.s32 $0x600, s31;
	[sflag:s10] =	ssyncadd.s32 $0xFFFFF000  }
0x12f: {  	[tilespmem:s26], [sflag:$0x3] =	stream.indirect.gather [spmem:s3], $0x20, s31, s16, $0xb8;
	[tilespmem:$0x19200] =	vst v63  }
0x130: {  	_ =	swait.ge [sflag:s15], $0x1000  }
0x131: {  	[sflag:s15] =	ssyncset.done $0x0  }
0x132: {  	s31 =	sadd.s32 $0x3080, s28;
	[sflag:s15] =	ssyncadd.s32 $0xFFFFF000  }
0x133: {  	[spmem:s2] =	stream.indirect.scatter.add.f32 [tilespmem:s17], [sflag:$0x12], $0x20, s31, s16, $0xb8;
	[tilespmem:$0x19200] =	vst v63  }
0x134: {  	s31 =	smin.u32 s24, $0x42;
	_ =	swait.ge [sflag:s25], $0x1000  }
0x135: {  	s31 =	sshll.u32 s31, $0x7;
	[sflag:s25] =	ssyncset.done $0x0  }
0x136: {  	s31 =	sadd.s32 $0x680, s31;
	[sflag:s25] =	ssyncadd.s32 $0xFFFFF000  }
0x137: {  	[tilespmem:s12], [sflag:$0x4] =	stream.indirect.gather [spmem:s3], $0x20, s31, s16, $0xb8;
	[tilespmem:$0x19200] =	vst v63  }
0x138: {  	_ =	swait.ge [sflag:s14], $0x1000  }
0x139: {  	[sflag:s14] =	ssyncset.done $0x0  }
0x13a: {  	s31 =	sadd.s32 $0x3100, s28;
	[sflag:s14] =	ssyncadd.s32 $0xFFFFF000  }
0x13b: {  	[spmem:s2] =	stream.indirect.scatter.add.f32 [tilespmem:s6], [sflag:$0x13], $0x20, s31, s16, $0xb8;
	[tilespmem:$0x19200] =	vst v63  }
0x13c: {  	s31 =	smin.u32 s24, $0x41;
	_ =	swait.ge [sflag:s4], $0x1000  }
0x13d: {  	s31 =	sshll.u32 s31, $0x7;
	[sflag:s4] =	ssyncset.done $0x0  }
0x13e: {  	s31 =	sadd.s32 $0x700, s31;
	[sflag:s4] =	ssyncadd.s32 $0xFFFFF000  }
0x13f: {  	[tilespmem:s29], [sflag:$0x5] =	stream.indirect.gather [spmem:s3], $0x20, s31, s16, $0xb8;
	[tilespmem:$0x19200] =	vst v63  }
.Ltmp1:
0x140: {  	_ = 	snop;
	(pc) =	sbr.rel @p0 .LBB2_4-.Ltmp1, $4  }
0x141: {  	s29 =	simm.s32 $0x1  }
0x142: {  	_ =	swait.ge [sflag:s20], $0x1000  }
0x143: {  	[sflag:s20] =	ssyncset.done $0x0  }
0x144: {  	s28 =	sadd.s32 $0x3180, s28;
	s24 =	sadd.s32 $0xA, s24;
	[sflag:s20] =	ssyncadd.s32 $0xFFFFF000  }
0x145: {  	[spmem:s2] =	stream.indirect.scatter.add.f32 [tilespmem:s5], [sflag:$0x14], $0x20, s28, s16, $0xb8;
	[tilespmem:$0x19200] =	vst v63  }
0x146: {  	_ =	swait.ge [sflag:s29], $0x1000  }
0x147: {  	[sflag:s29] =	ssyncset.done $0x0  }
0x148: {  	[sflag:s29] =	ssyncadd.s32 $0xFFFFF000  }
0x149: {  	_ =	swait.ge [sflag:s23], $0x1000  }
0x14a: {  	[sflag:s23] =	ssyncset.done $0x0  }
0x14b: {  	[sflag:s23] =	ssyncadd.s32 $0xFFFFF000  }
0x14c: {  	_ =	swait.ge [sflag:s19], $0x1000  }
0x14d: {  	[sflag:s19] =	ssyncset.done $0x0  }
0x14e: {  	[sflag:s19] =	ssyncadd.s32 $0xFFFFF000  }
0x14f: {  	_ =	swait.ge [sflag:s30], $0x1000  }
0x150: {  	[sflag:s30] =	ssyncset.done $0x0  }
0x151: {  	s0 =	simm.s32 $0x5;
	[sflag:s30] =	ssyncadd.s32 $0xFFFFF000  }
0x152: {  	_ =	swait.ge [sflag:s0], $0x1000  }
0x153: {  	[sflag:s0] =	ssyncset.done $0x0  }
0x154: {  	s20 =	simm.s32 $0x10;
	[sflag:s0] =	ssyncadd.s32 $0xFFFFF000  }
0x155: {  	_ =	swait.ge [sflag:s20], $0x1000  }
0x156: {  	[sflag:s20] =	ssyncset.done $0x0  }
0x157: {  	s21 =	simm.s32 $0x11;
	[sflag:s20] =	ssyncadd.s32 $0xFFFFF000  }
0x158: {  	_ =	swait.ge [sflag:s21], $0x1000  }
0x159: {  	[sflag:s21] =	ssyncset.done $0x0  }
0x15a: {  	s22 =	simm.s32 $0x12;
	[sflag:s21] =	ssyncadd.s32 $0xFFFFF000  }
0x15b: {  	_ =	swait.ge [sflag:s22], $0x1000  }
0x15c: {  	[sflag:s22] =	ssyncset.done $0x0  }
0x15d: {  	s23 =	simm.s32 $0x13;
	[sflag:s22] =	ssyncadd.s32 $0xFFFFF000  }
0x15e: {  	_ =	swait.ge [sflag:s23], $0x1000  }
0x15f: {  	[sflag:s23] =	ssyncset.done $0x0  }
0x160: {  	s24 =	simm.s32 $0x14;
	[sflag:s23] =	ssyncadd.s32 $0xFFFFF000  }
0x161: {  	_ =	swait.ge [sflag:s24], $0x1000  }
0x162: {  	[sflag:s24] =	ssyncset.done $0x0  }
0x163: {  	[sflag:s24] =	ssyncadd.s32 $0xFFFFF000  }
0x164: {  	[bflag:$0x0] =	sbarrier.arrive $0xFFFF  }
0x165: {  	s22 =	rddreg [dreg:$0x9]  }
0x166: {  	s12 =	simm.s32 $0x15;
	s24 =	rddreg [dreg:$0xb]  }
0x167: {  	s31 =	simm.s32 $0xF000;
	s6 =	simm.s32 $0xB;
	s1 =	rddreg [dreg:$0xd]  }
0x168: {  	[hbm:s22], [sflag:s24] =	dma.local [spmem:s1], $0xA00  }
0x169: {  	s7 =	simm.s32 $0x6;
	s13 =	simm.s32 $0xC;
	_ =	swait.ge [sflag:s12], $0xA00  }
0x16a: {  	s8 =	simm.s32 $0x7;
	s9 =	simm.s32 $0xD;
	s25 =	rddreg [dreg:$0x4]  }
0x16b: {  	s10 =	simm.s32 $0x8;
	s26 =	rddreg [dreg:$0xa];
	s22 =	sadd.s32 $0x1, s25  }
0x16c: {  	s15 =	simm.s32 $0xE;
	s14 =	simm.s32 $0xF;
	p0 =	sne.s32 s22, s26  }
.Ltmp2:
0x16d: {  	s4 =	simm.s32 $0x10;
	s5 =	simm.s32 $0x11;
	(pc) =	sbr.rel @p0 .LBB2_1-.Ltmp2, $4  }
0x16e: {  	s11 =	simm.s32 $0x12;
	s17 =	simm.s32 $0x13;
	s18 =	simm.s32 $0x14  }
0x16f: {  	s19 =	simm.s32 $0x3;
	s30 =	simm.s32 $0x5;
	s0 =	simm.s32 $0x2  }
0x170: {  	s21 =	simm.s32 $0xA;
	s23 =	simm.s32 $0x4;
	[sflag:s12] =	ssyncset.done $0x0  }
0x171: {  	s28 =	rddreg [dreg:$0x5];
	[sflag:s12] =	ssyncadd.s32 $0xFFFFF600;
	s25 =	simm.s32 $0x9  }
0x172: {  	_ =	sfence.sel $0x180000  }
0x173: {  	[bflag:$0x0] =	sbarrier.arrive $0xFFFF  }
0x174: {  	_ =	strace $0x9000004A  }
0x175: {  	s0 =	stileid.u32;
	[bflag:$0x2] =	sbarrier.arrive $0xFFFF  }
0x176: {  	p0 =	sne.s32 s0, $0x0;
	s0 =	rddreg [dreg:$0x3]  }
0x177: {  	s0 =	sadd.s32 @!p0 $0x100000, s0  }
0x178: {  	[sflag:s0] =	ssyncadd.tile.s32 @!p0 $0x1;
	_ =	shalt  }
.Lfunc_end2:
_tile_overlayer_lowered:
.L_overlay_start_2:
0x179: {  	(tag) =	ssettag $0x2  }
0x17a: {  	s0 =	rddreg [dreg:$0x0];
	s2 =	stileid.u32  }
0x17b: {  	s1 =	rddreg [dreg:$0x1];
	p0 =	sne.s32 s2, $0x0  }
0x17c: {  	s3 =	rddreg [dreg:$0x2];
	[bflag:$0x3] =	sbarrier.arrive $0xFFFF;
	s2 =	simm.s32 @!p0 $0x1C15  }
0x17d: {  	[timem:s3], [sflag:s2] =	dma.local @!p0 [hbm:s0], s1  }
0x17e: {  	s0 =	simm.s32 @!p0 $0x15  }
0x17f: {  	_ =	swait.ge @!p0 [sflag:s0], s1  }
0x180: {  	s1 =	ssub.s32 @!p0 $0x0, s1;
	[sflag:s0] =	ssyncset.done @!p0 $0x0  }
0x181: {  	[sflag:s0] =	ssyncadd.s32 @!p0 s1  }
0x182: {  	[bflag:$0x3] =	sbarrier.arrive $0xFFFF  }
0x183: {  	_ =	shalt  }

// kernel: kernel.7.cloned.1.call-start
scs
__scs_entry_jumppad:
0x0: {  	(pc) =	sbr.rel $0x88, $3  }
0x1: {  	(tag) =	ssettag $0x0;
	lr =	simm.s32 $0x1  }
0x2: {  	[smem:$0x3F95] =	sst lr;
	_ =	strace $0xD0000000  }
0x3: {  	_ = 	snop  }
0x4: {  	_ = 	snop  }
0x5: {  	_ = 	snop  }
0x6: {  	_ = 	snop  }
0x7: {  	_ = 	snop  }
__scs_overlays_trampoline_lowered:
0x8: {  	[smem:$0x3FA4] =	sst s0  }
0x9: {  	[smem:$0x3FA5] =	sst s1  }
0xa: {  	[smem:$0x3FA6] =	sst s2  }
0xb: {  	[smem:$0x3FA7] =	sst s3  }
0xc: {  	[smem:$0x3FA8] =	sst s4  }
0xd: {  	[smem:$0x3FA9] =	sst s5  }
0xe: {  	[smem:$0x3FAA] =	sst s6  }
0xf: {  	[smem:$0x3FAB] =	sst s7  }
0x10: {  	[smem:$0x3FAC] =	sst s8  }
0x11: {  	[smem:$0x3FAD] =	sst s9;
	s0 =	simm.s32 @!p0 $0x0  }
0x12: {  	s1 =	sld [smem:$0x3F93];
	s0 =	simm.s32 @p0 $0x1  }
0x13: {  	[smem:$0x3FAE] =	sst s0;
	s0 =	simm.s32 @!p1 $0x0  }
0x14: {  	s2 =	sld [smem:$0x3F92];
	s0 =	simm.s32 @p1 $0x1  }
0x15: {  	[smem:$0x3FAF] =	sst s0;
	s0 =	simm.s32 @!p2 $0x0  }
0x16: {  	s3 =	sld [smem:$0x3FDB];
	s0 =	simm.s32 @p2 $0x1  }
0x17: {  	s4 =	simm.s32 $0x1BF5;
	[smem:$0x3FB1] =	sst s0  }
0x18: {  	s0 =	sld [smem:$0x3F94];
	_ =	swait.ge [sflag:s4], $0x0  }
0x19: {  	s7 =	sld [smem:$0x3F95]  }
0x1a: {  	s8 =	sadd.s32 $0xFFFFE003, lr  }
0x1b: {  	s9 =	sadd.s32 $0xFFFFFEF7, lr;
	s5 =	simm.s32 $0xFFFFFFFF;
	p2 =	slt.u32 s8, $0xFFFFF086  }
0x1c: {  	p1 =	slt.u32 s9, $0xF7A;
	s5 =	simm.s32 @!p2 $0x0  }
0x1d: {  	s5 =	simm.s32 @p1 $0x1;
	p0 =	seq.s32 s7, s2  }
0x1e: {  	s7 =	smul.u32 @!p0 $0xF7A, s2;
	p2 =	seq.s32 @!p0 s5, $0x0  }
0x1f: {  	s9 =	smul.u32 $0xF7A, s1;
	s8 =	simm.s32 @!p0 $0x1BF5;
	p2 =	por !p2, p0  }
0x20: {  	[sflag:s8] =	ssyncset.s32 @!p0 $0xFFFFF086;
	s6 =	sadd.s32 @!p0 s3, s7;
	s7 =	simm.s32 @!p0 $0x108  }
0x21: {  	s3 =	sadd.s32 s3, s9;
	s6 =	sadd.s32 @!p0 $0x88, s6;
	s7 =	simm.s32 @p2 $0x1082  }
0x22: {  	[simem:s7], [sflag:s8] =	dma.local @!p0 [hbm:s6], $0xF7A  }
0x23: {  	s9 =	sor.u32 $0xD0000000, s2;
	s6 =	simm.s32 $0x108;
	_ =	swait.ge @!p0 [sflag:s8], $0x0  }
0x24: {  	s3 =	sadd.s32 $0x88, s3;
	s6 =	simm.s32 @!p1 $0x1082;
	[sflag:s4] =	ssyncset.s32 $0xFFFFF086  }
0x25: {  	[simem:s6], [sflag:s4] =	dma.local [hbm:s3], $0xF7A  }
0x26: {  	[smem:$0x3F95] =	sst s1;
	(tag) =	ssettag s2;
	_ =	strace s9  }
0x27: {  	s1 =	sld [smem:$0x3FA5]  }
0x28: {  	s2 =	sld [smem:$0x3FA6]  }
0x29: {  	s4 =	sld [smem:$0x3FA8]  }
0x2a: {  	p0 =	seq.s32 s5, $0x0;
	s5 =	sld [smem:$0x3FA9]  }
0x2b: {  	s6 =	sld [smem:$0x3FAA]  }
0x2c: {  	s7 =	sld [smem:$0x3FAB]  }
0x2d: {  	s3 =	simm.s32 $0x108;
	s8 =	sld [smem:$0x3FAC]  }
0x2e: {  	s3 =	simm.s32 @!p0 $0x1082;
	s9 =	sld [smem:$0x3FAD]  }
0x2f: {  	lr =	sadd.s32 s0, s3;
	s0 =	sld [smem:$0x3FA4]  }
0x30: {  	s3 =	sld [smem:$0x3FA7]  }
0x31: {  	[smem:$0x3FB0] =	sst s10  }
0x32: {  	s10 =	sld [smem:$0x3FAE];
	_ =	sdelay $0x3  }
0x33: {  	p0 =	seq.s32 s10, $0x1;
	s10 =	sld [smem:$0x3FB0];
	_ =	sdelay $0x3  }
0x34: {  	[smem:$0x3FB0] =	sst s10  }
0x35: {  	s10 =	sld [smem:$0x3FAF];
	_ =	sdelay $0x3  }
0x36: {  	p1 =	seq.s32 s10, $0x1;
	s10 =	sld [smem:$0x3FB0];
	_ =	sdelay $0x3  }
0x37: {  	[smem:$0x3FB0] =	sst s10  }
0x38: {  	s10 =	sld [smem:$0x3FB1]  }
0x39: {  	_ = 	snop;
	(pc) =	sbr.ind lr, $3  }
0x3a: {  	_ = 	snop  }
0x3b: {  	_ = 	snop  }
0x3c: {  	p2 =	seq.s32 s10, $0x1;
	s10 =	sld [smem:$0x3FB0]  }
0x3d: {  	_ =	shalt  }
0x3e: {  	_ =	shalt  }
0x3f: {  	_ =	shalt  }
0x40: {  	_ =	shalt  }
0x41: {  	_ =	shalt  }
0x42: {  	_ =	shalt  }
0x43: {  	_ =	shalt  }
0x44: {  	_ =	shalt  }
0x45: {  	_ =	shalt  }
0x46: {  	_ =	shalt  }
0x47: {  	_ =	shalt  }
0x48: {  	_ =	shalt  }
0x49: {  	_ =	shalt  }
0x4a: {  	_ =	shalt  }
0x4b: {  	_ =	shalt  }
0x4c: {  	_ =	shalt  }
0x4d: {  	_ =	shalt  }
0x4e: {  	_ =	shalt  }
0x4f: {  	_ =	shalt  }
0x50: {  	_ =	shalt  }
0x51: {  	_ =	shalt  }
0x52: {  	_ =	shalt  }
0x53: {  	_ =	shalt  }
0x54: {  	_ =	shalt  }
0x55: {  	_ =	shalt  }
0x56: {  	_ =	shalt  }
0x57: {  	_ =	shalt  }
0x58: {  	_ =	shalt  }
0x59: {  	_ =	shalt  }
0x5a: {  	_ =	shalt  }
0x5b: {  	_ =	shalt  }
0x5c: {  	_ =	shalt  }
0x5d: {  	_ =	shalt  }
0x5e: {  	_ =	shalt  }
0x5f: {  	_ =	shalt  }
0x60: {  	_ =	shalt  }
0x61: {  	_ =	shalt  }
0x62: {  	_ =	shalt  }
0x63: {  	_ =	shalt  }
0x64: {  	_ =	shalt  }
0x65: {  	_ =	shalt  }
0x66: {  	_ =	shalt  }
0x67: {  	_ =	shalt  }
0x68: {  	_ =	shalt  }
0x69: {  	_ =	shalt  }
0x6a: {  	_ =	shalt  }
0x6b: {  	_ =	shalt  }
0x6c: {  	_ =	shalt  }
0x6d: {  	_ =	shalt  }
0x6e: {  	_ =	shalt  }
0x6f: {  	_ =	shalt  }
0x70: {  	_ =	shalt  }
0x71: {  	_ =	shalt  }
0x72: {  	_ =	shalt  }
0x73: {  	_ =	shalt  }
0x74: {  	_ =	shalt  }
0x75: {  	_ =	shalt  }
0x76: {  	_ =	shalt  }
0x77: {  	_ =	shalt  }
0x78: {  	_ =	shalt  }
0x79: {  	_ =	shalt  }
0x7a: {  	_ =	shalt  }
0x7b: {  	_ =	shalt  }
0x7c: {  	_ =	shalt  }
0x7d: {  	_ =	shalt  }
0x7e: {  	_ =	shalt  }
0x7f: {  	_ =	shalt  }
0x80: {  	_ =	shalt  }
0x81: {  	_ =	shalt  }
0x82: {  	_ =	shalt  }
0x83: {  	_ =	shalt  }
0x84: {  	_ =	shalt  }
0x85: {  	_ =	shalt  }
0x86: {  	_ =	shalt  }
0x87: {  	_ =	shalt  }
.Lfunc_end0:
.L_simem_size_0:
called_computation_lowered:
.L_overlay_start_0:
0x88: {  	s2 =	sld [smem:$0x3FD9]  }
0x89: {  	s3 =	sld [smem:$0x3FFE];
	_ =	sdelay $0x1  }
0x8a: {  	s1 =	srdreg.scid  }
0x8b: {  	s0 =	sand.u32 $0x1, s1  }
0x8c: {  	s16 =	sshll.u32 s0, $0xA;
	s2 =	sadd.s32 s3, s2  }
0x8d: {  	s2 =	sadd.s32 s2, s16  }
0x8e: {  	[smem:$0x3FBC] =	sst s2  }
0x8f: {  	_ = 	snop  }
0x90: {  	(tm) =	ssettm $0x1  }
0x91: {  	s17 =	sld [smem:$0x3FFB];
	_ =	sdelay $0x3  }
0x92: {  	_ =	strace s17  }
0x93: {  	s2 =	sld [smem:$0x3FFC];
	_ =	sdelay $0x3  }
0x94: {  	_ =	strace s2  }
0x95: {  	s2 =	sld [smem:$0x3FFD];
	_ =	sdelay $0x3  }
0x96: {  	_ =	strace s2  }
0x97: {  	_ =	strace $0x8FFFFFFF  }
0x98: {  	s18 =	sld [smem:$0x3FDB];
	_ =	sdelay $0x1  }
0x99: {  	s19 =	simm.s32 $_scs_section_size  }
0x9a: {  	s4 =	simm.s32 $_size__tile_overlayer_lowered;
	s5 =	simm.s32 $_tile_overlayer_lowered  }
0x9b: {  	s22 =	simm.s32 $0x1BFF;
	s21 =	sshll.u32 s5, $0x1;
	s2 =	sadd.s32 s19, s18  }
0x9c: {  	s6 =	simm.s32 $0x0;
	s20 =	sshll.u32 s4, $0x1;
	s4 =	sadd.s32 s21, s2  }
0x9d: {  	[timem:s6], [sflag:s22] =	dma.local [hbm:s4], s20  }
0x9e: {  	_ =	swait.ge [sflag:s22], s20  }
0x9f: {  	s3 =	ssub.s32 $0x0, s20;
	[sflag:s22] =	ssyncset.done $0x0  }
0xa0: {  	[sflag:s22] =	ssyncadd.s32 s3;
	_ =	sdelay $0x1  }
0xa1: {  	s23 =	simm.s32 $0x1B8B  }
0xa2: {  	_ =	swait.ge [sflag:s23], $0x1  }
0xa3: {  	[sflag:s23] =	ssyncset.done $0x0  }
0xa4: {  	s25 =	simm.s32 $0x1B8E;
	s24 =	sld [smem:$0x3FFE];
	[sflag:s23] =	ssyncadd.s32 $0xFFFFFFFF  }
0xa5: {  	s26 =	simm.s32 $execute0_lowered;
	[smem:$0x3FD2] =	sst s25  }
0xa6: {  	s4 =	sshll.u32 s26, $0x1;
	_ =	strace $0x80000046;
	[dreg:$0x1] =	wrdreg $0xFFFFFFFF  }
0xa7: {  	s28 =	simm.s32 $_size_execute0_lowered;
	s2 =	sadd.s32 s2, s4;
	[dreg:$0x0] =	wrdreg $0x0  }
0xa8: {  	s4 =	sshll.u32 s28, $0x1;
	[dreg:$0x2] =	wrdreg s2  }
0xa9: {  	[dreg:$0x3] =	wrdreg s4  }
0xaa: {  	[dreg:$0x4] =	wrdreg $0xC0  }
0xab: {  	_ =	task [dreg:s6], $0x5FFFF  }
0xac: {  	[dreg:$0x1] =	wrdreg $0xFFFFFFFF  }
0xad: {  	[dreg:$0x0] =	wrdreg $0x60  }
0xae: {  	[dreg:$0x2] =	wrdreg s24  }
0xaf: {  	[dreg:$0x3] =	wrdreg $0x11A800  }
0xb0: {  	[dreg:$0x4] =	wrdreg $0x17E800  }
0xb1: {  	[dreg:$0x5] =	wrdreg $0x9  }
0xb2: {  	_ =	task.clear_ibuf [dreg:s6], $0x6FFFF;
	_ =	strace $0x90000046  }
0xb3: {  	s29 =	simm.s32 $0x9;
	_ =	strace $0x80000048  }
0xb4: {  	_ =	swait.ge [sflag:s29], $0x1  }
0xb5: {  	[sflag:s29] =	ssyncadd.s32 $0xFFFFFFFF  }
0xb6: {  	_ =	strace $0x90000048  }
0xb7: {  	_ =	sfence  }
0xb8: {  	s30 =	sld [smem:$0x0];
	_ =	sdelay $0x2  }
0xb9: {  	s31 =	sshll.u32 s1, $0xD;
	s1 =	sshrl.u32 s1, $0x2  }
0xba: {  	s3 =	sand.u32 $0x4000, s31;
	s1 =	sadd.s32 s1, s30  }
0xbb: {  	s0 =	sor.u32 s3, s0;
	s1 =	sshll.u32 s1, $0x11  }
0xbc: {  	s0 =	sor.u32 s1, s0  }
0xbd: {  	s0 =	sadd.s32 $0x8F2B, s0  }
0xbe: {  	[sflag:s0] =	ssyncadd.remote.s32 $0x1  }
0xbf: {  	_ =	sfence.sel $0xFFFF  }
0xc0: {  	[dreg:$0x0] =	wrdreg $0xFFFFFFFF;
	(pc) =	sbr.abs _section_cstart, $3  }
0xc1: {  	[dreg:$0x1] =	wrdreg $0xFFFFFFFF  }
0xc2: {  	_ =	task.clear_ibuf [dreg:s6], $0x2FFFF;
	_ =	strace $0x9FFFFFFF  }
0xc3: {  	(tm) =	ssettm $0x7FFFFFFF  }
tec
execute0_lowered:
.L_overlay_start_1:
0x0: {  	(tag) =	ssettag $0x1  }
0x1: {  	s0 =	rddreg [dreg:$0x0]  }
0x2: {  	s2 =	rddreg [dreg:$0x1]  }
0x3: {  	s3 =	rddreg [dreg:$0x2];
	s22 =	simm.s32 $0x0;
	s9 =	stileid.u32  }
0x4: {  	s1 =	srdreg.scid;
	s31 =	simm.s32 $0x11800;
	s16 =	simm.s32 $0x80  }
0x5: {  	s29 =	simm.s32 $0x1;
	s30 =	simm.s32 $0x5;
	s13 =	simm.s32 $0xC  }
0x6: {  	s15 =	simm.s32 $0xE;
	s14 =	simm.s32 $0xF;
	s10 =	simm.s32 $0x11  }
0x7: {  	s11 =	simm.s32 $0x12;
	s17 =	simm.s32 $0x13;
	s18 =	simm.s32 $0x14  }
0x8: {  	s4 =	smul.u32 $0x6400, s9;
	s1 =	sand.u32 $0x1, s1;
	s5 =	sshll.u32 s9, $0x1  }
0x9: {  	[smem:$0x7FF] =	sst s22;
	s19 =	smul.u32 $0x19000, s9;
	s24 =	sshll.u32 s9, $0x6  }
0xa: {  	s9 =	simm.s32 $0x8;
	s5 =	sor.u32 s1, s5;
	s6 =	smul.u32 $0x64000, s1  }
0xb: {  	_ =	strace $0x80000047;
	s1 =	ssub.s32 $0x2, s1;
	s7 =	sshrl.u32 s4, $0x3  }
0xc: {  	s5 =	smul.u32 $0x500, s5;
	s8 =	sshrl.u32 s1, $0x1;
	s21 =	sadd.s32 s4, s3  }
0xd: {  	s23 =	sshrl.u32 s19, $0x2;
	s19 =	simm.s32 $0x4;
	s7 =	sadd.s32 s7, s0  }
0xe: {  	s6 =	sadd.s32 s4, s6;
	s1 =	ssub.s32 s1, s8;
	s4 =	sadd.s32 s4, s2  }
0xf: {  	s28 =	sadd.s32 s23, s2;
	s25 =	sshrl.u32 s21, $0x3;
	s23 =	simm.s32 $0x3  }
0x10: {  	s8 =	simm.s32 $0xD;
	s5 =	sadd.s32 s5, s0;
	[dreg:$0xc] =	wrdreg s25  }
0x11: {  	s6 =	sshrl.u32 s6, $0x3;
	s7 =	sadd.s32 $0x1800, s7;
	[dreg:$0xa] =	wrdreg s28  }
0x12: {  	s1 =	smax.u32 s1, $0x1;
	s26 =	sshrl.u32 s4, $0x3;
	[dreg:$0x7] =	wrdreg s7  }
0x13: {  	s25 =	simm.s32 $0x9;
	s4 =	simm.s32 $0x10;
	[dreg:$0x9] =	wrdreg s1  }
0x14: {  	s0 =	sadd.s32 s6, s0;
	s20 =	sadd.s32 $0x18000, s5;
	[dreg:$0xd] =	wrdreg s26  }
0x15: {  	s5 =	sadd.s32 $0xE000, s5;
	s1 =	simm.s32 $0x15;
	[dreg:$0x5] =	wrdreg s20  }
0x16: {  	s6 =	simm.s32 $0x6;
	[dreg:$0x6] =	wrdreg s5;
	s0 =	sadd.s32 $0x22000, s0  }
0x17: {  	s7 =	simm.s32 $0x7;
	[dreg:$0x8] =	wrdreg s0;
	s0 =	sor.u32 $0x1C15, s24  }
0x18: {  	v0 =	vimm.f32 $0.0e+00;
	s5 =	simm.s32 $0xB;
	[dreg:$0xb] =	wrdreg s0;
	s0 =	simm.s32 $0x2  }
.LBB2_1:
0x19: {  	[tilespmem:$0x11800] =	vst v0  }
0x1a: {  	[tilespmem:$0x11828] =	vst v0  }
0x1b: {  	[tilespmem:$0x11850] =	vst v0  }
0x1c: {  	[tilespmem:$0x11878] =	vst v0  }
0x1d: {  	[tilespmem:$0x118A0] =	vst v0  }
0x1e: {  	[tilespmem:$0x118C8] =	vst v0  }
0x1f: {  	[tilespmem:$0x118F0] =	vst v0  }
0x20: {  	[tilespmem:$0x11918] =	vst v0  }
0x21: {  	[tilespmem:$0x11940] =	vst v0  }
0x22: {  	[tilespmem:$0x11968] =	vst v0  }
0x23: {  	[tilespmem:$0x11990] =	vst v0  }
0x24: {  	[tilespmem:$0x119B8] =	vst v0  }
0x25: {  	[tilespmem:$0x119E0] =	vst v0  }
0x26: {  	[tilespmem:$0x11A08] =	vst v0  }
0x27: {  	[tilespmem:$0x11A30] =	vst v0  }
0x28: {  	[tilespmem:$0x11A58] =	vst v0  }
0x29: {  	[tilespmem:$0x11810] =	vst v0  }
0x2a: {  	[tilespmem:$0x11838] =	vst v0  }
0x2b: {  	[tilespmem:$0x11860] =	vst v0  }
0x2c: {  	[tilespmem:$0x11888] =	vst v0  }
0x2d: {  	[tilespmem:$0x118B0] =	vst v0  }
0x2e: {  	[tilespmem:$0x118D8] =	vst v0  }
0x2f: {  	[tilespmem:$0x11900] =	vst v0  }
0x30: {  	[tilespmem:$0x11928] =	vst v0  }
0x31: {  	[tilespmem:$0x11950] =	vst v0  }
0x32: {  	[tilespmem:$0x11978] =	vst v0  }
0x33: {  	[tilespmem:$0x119A0] =	vst v0  }
0x34: {  	[tilespmem:$0x119C8] =	vst v0  }
0x35: {  	[tilespmem:$0x119F0] =	vst v0  }
0x36: {  	[tilespmem:$0x11A18] =	vst v0  }
0x37: {  	[tilespmem:$0x11A40] =	vst v0  }
0x38: {  	[tilespmem:$0x11A68] =	vst v0  }
0x39: {  	[tilespmem:$0x11818] =	vst v0  }
0x3a: {  	[tilespmem:$0x11840] =	vst v0  }
0x3b: {  	[tilespmem:$0x11868] =	vst v0  }
0x3c: {  	[tilespmem:$0x11890] =	vst v0  }
0x3d: {  	[tilespmem:$0x118B8] =	vst v0  }
0x3e: {  	[tilespmem:$0x118E0] =	vst v0  }
0x3f: {  	[tilespmem:$0x11908] =	vst v0  }
0x40: {  	[tilespmem:$0x11930] =	vst v0  }
0x41: {  	[tilespmem:$0x11958] =	vst v0  }
0x42: {  	[tilespmem:$0x11980] =	vst v0  }
0x43: {  	[tilespmem:$0x119A8] =	vst v0  }
0x44: {  	[tilespmem:$0x119D0] =	vst v0  }
0x45: {  	[tilespmem:$0x119F8] =	vst v0  }
0x46: {  	[tilespmem:$0x11A20] =	vst v0  }
0x47: {  	[tilespmem:$0x11A48] =	vst v0  }
0x48: {  	[dreg:$0x4] =	wrdreg s22;
	s26 =	sadd.s32 $0x0, s28;
	[tilespmem:$0x11A70] =	vst v0  }
0x49: {  	[spmem:s26] =	stream.linear.scatter [tilespmem:s31], [sflag:$0x15], $0x280, $0x38;
	[tilespmem:$0x1E280] =	vst v63  }
0x4a: {  	s22 =	simm.s32 $0xA00;
	_ =	swait.ge [sflag:s1], $0x280  }
.LBB2_2:
0x4b: {  	s24 =	sshra.s32 s22, $0x2;
	[sflag:s1] =	ssyncset.done $0x0;
	p0 =	sne.s32 s22, $0x18600  }
.Ltmp0:
0x4c: {  	s24 =	sadd.s32 s24, s28;
	[sflag:s1] =	ssyncadd.s32 $0xFFFFFD80;
	(pc) =	sbr.rel @p0 .LBB2_2-.Ltmp0, $3  }
0x4d: {  	[spmem:s24] =	stream.linear.scatter [tilespmem:s31], [sflag:$0x15], $0x280, $0x38;
	[tilespmem:$0x1E280] =	vst v63  }
0x4e: {  	s22 =	sadd.s32 $0xA00, s22;
	_ =	sdelay $0x1  }
0x4f: {  	_ =	swait.ge [sflag:s1], $0x280  }
0x50: {  	[sflag:s1] =	ssyncset.done $0x0  }
0x51: {  	s22 =	simm.s32 $0x0;
	s24 =	rddreg [dreg:$0x5];
	[sflag:s1] =	ssyncadd.s32 $0xFFFFFD80  }
0x52: {  	[tilespmem:s22], [sflag:$0x15] =	stream.linear.gather [hbm4b:s24+s22], $0x2800, $0x38;
	[tilespmem:$0x1E280] =	vst v63  }
0x53: {  	_ =	swait.ge [sflag:s1], $0x2800  }
0x54: {  	[sflag:s1] =	ssyncset.done $0x0  }
0x55: {  	s26 =	simm.s32 $0x2800;
	s20 =	rddreg [dreg:$0x6];
	[sflag:s1] =	ssyncadd.s32 $0xFFFFD800  }
0x56: {  	[tilespmem:s26], [sflag:$0x15] =	stream.linear.gather [hbm4b:s20+s22], $0x2800, $0x38;
	[tilespmem:$0x1E280] =	vst v63  }
0x57: {  	_ =	swait.ge [sflag:s1], $0x2800  }
0x58: {  	s21 =	rddreg [dreg:$0x7]  }
0x59: {  	[sflag:s1] =	ssyncset.done $0x0;
	s31 =	rddreg [dreg:$0xb]  }
0x5a: {  	s28 =	rddreg [dreg:$0xc];
	[sflag:s1] =	ssyncadd.s32 $0xFFFFD800  }
0x5b: {  	[spmem:s28], [sflag:s31] =	dma.local [hbm:s21], $0xC80  }
0x5c: {  	_ =	swait.ge [sflag:s1], $0xC80  }
0x5d: {  	[sflag:s1] =	ssyncset.done $0x0  }
0x5e: {  	[sflag:s1] =	ssyncadd.s32 $0xFFFFF380  }
0x5f: {  	s28 =	simm.s32 $0x5000;
	[bflag:$0x0] =	sbarrier.arrive $0xFFFF  }
0x60: {  	[tilespmem:s28], [sflag:$0x1] =	stream.indirect.gather [spmem:s3], $0x28, s22, s16, $0xb8;
	[tilespmem:$0x1E280] =	vst v63  }
0x61: {  	s21 =	simm.s32 $0x6400  }
0x62: {  	[tilespmem:s21], [sflag:$0x2] =	stream.indirect.gather [spmem:s3], $0x28, s16, s16, $0xb8;
	[tilespmem:$0x1E280] =	vst v63  }
0x63: {  	s24 =	simm.s32 $0x100;
	s31 =	simm.s32 $0x7800  }
0x64: {  	[tilespmem:s31], [sflag:$0x3] =	stream.indirect.gather [spmem:s3], $0x28, s24, s16, $0xb8;
	[tilespmem:$0x1E280] =	vst v63  }
0x65: {  	s12 =	simm.s32 $0x8C00;
	s1 =	simm.s32 $0x180  }
0x66: {  	[tilespmem:s12], [sflag:$0x4] =	stream.indirect.gather [spmem:s3], $0x28, s1, s16, $0xb8;
	[tilespmem:$0x1E280] =	vst v63  }
0x67: {  	s24 =	simm.s32 $0x200;
	s31 =	simm.s32 $0xA000  }
0x68: {  	[tilespmem:s31], [sflag:$0x5] =	stream.indirect.gather [spmem:s3], $0x28, s24, s16, $0xb8;
	[tilespmem:$0x1E280] =	vst v63  }
0x69: {  	s1 =	simm.s32 $0x280;
	s31 =	simm.s32 $0xB400  }
0x6a: {  	[tilespmem:s31], [sflag:$0x6] =	stream.indirect.gather [spmem:s3], $0x28, s1, s16, $0xb8;
	[tilespmem:$0x1E280] =	vst v63  }
0x6b: {  	_ =	swait.ge [sflag:s29], $0x1400  }
0x6c: {  	[sflag:s29] =	ssyncset.done $0x0  }
0x6d: {  	[sflag:s29] =	ssyncadd.s32 $0xFFFFEC00  }
0x6e: {  	[spmem:s2] =	stream.indirect.scatter.add.f32 [tilespmem:s28], [sflag:$0xB], $0x28, s26, s16, $0xb8;
	[tilespmem:$0x1E280] =	vst v63  }
0x6f: {  	s1 =	simm.s32 $0x300;
	s26 =	simm.s32 $0xC800  }
0x70: {  	[tilespmem:s26], [sflag:$0x7] =	stream.indirect.gather [spmem:s3], $0x28, s1, s16, $0xb8;
	[tilespmem:$0x1E280] =	vst v63  }
0x71: {  	_ =	swait.ge [sflag:s0], $0x1400  }
0x72: {  	[sflag:s0] =	ssyncset.done $0x0  }
0x73: {  	s31 =	simm.s32 $0x2880;
	[sflag:s0] =	ssyncadd.s32 $0xFFFFEC00  }
0x74: {  	[spmem:s2] =	stream.indirect.scatter.add.f32 [tilespmem:s21], [sflag:$0xC], $0x28, s31, s16, $0xb8;
	[tilespmem:$0x1E280] =	vst v63  }
0x75: {  	s1 =	simm.s32 $0x380;
	s26 =	simm.s32 $0xDC00  }
0x76: {  	[tilespmem:s26], [sflag:$0x8] =	stream.indirect.gather [spmem:s3], $0x28, s1, s16, $0xb8;
	[tilespmem:$0x1E280] =	vst v63  }
0x77: {  	_ =	swait.ge [sflag:s23], $0x1400  }
0x78: {  	[sflag:s23] =	ssyncset.done $0x0  }
0x79: {  	s20 =	simm.s32 $0x7800;
	s31 =	simm.s32 $0x2900;
	[sflag:s23] =	ssyncadd.s32 $0xFFFFEC00  }
0x7a: {  	[spmem:s2] =	stream.indirect.scatter.add.f32 [tilespmem:s20], [sflag:$0xD], $0x28, s31, s16, $0xb8;
	[tilespmem:$0x1E280] =	vst v63  }
0x7b: {  	s1 =	simm.s32 $0x400;
	s26 =	simm.s32 $0xF000  }
0x7c: {  	[tilespmem:s26], [sflag:$0x9] =	stream.indirect.gather [spmem:s3], $0x28, s1, s16, $0xb8;
	[tilespmem:$0x1E280] =	vst v63  }
0x7d: {  	_ =	swait.ge [sflag:s19], $0x1400  }
0x7e: {  	[sflag:s19] =	ssyncset.done $0x0  }
0x7f: {  	s12 =	simm.s32 $0x8C00;
	s31 =	simm.s32 $0x2980;
	[sflag:s19] =	ssyncadd.s32 $0xFFFFEC00  }
0x80: {  	[spmem:s2] =	stream.indirect.scatter.add.f32 [tilespmem:s12], [sflag:$0xE], $0x28, s31, s16, $0xb8;
	[tilespmem:$0x1E280] =	vst v63  }
0x81: {  	s1 =	simm.s32 $0x480;
	s26 =	simm.s32 $0x10400  }
0x82: {  	[tilespmem:s26], [sflag:$0xA] =	stream.indirect.gather [spmem:s3], $0x28, s1, s16, $0xb8;
	[tilespmem:$0x1E280] =	vst v63  }
0x83: {  	_ =	swait.ge [sflag:s30], $0x1400  }
0x84: {  	[sflag:s30] =	ssyncset.done $0x0  }
0x85: {  	s24 =	simm.s32 $0xA000;
	s12 =	simm.s32 $0x2A00;
	[sflag:s30] =	ssyncadd.s32 $0xFFFFEC00  }
0x86: {  	[spmem:s2] =	stream.indirect.scatter.add.f32 [tilespmem:s24], [sflag:$0xF], $0x28, s12, s16, $0xb8;
	[tilespmem:$0x1E280] =	vst v63  }
0x87: {  	_ =	swait.ge [sflag:s5], $0x1400  }
0x88: {  	[sflag:s5] =	ssyncset.done $0x0  }
0x89: {  	s1 =	simm.s32 $0x500;
	[sflag:s5] =	ssyncadd.s32 $0xFFFFEC00  }
0x8a: {  	[tilespmem:s28], [sflag:$0x1] =	stream.indirect.gather [spmem:s3], $0x28, s1, s16, $0xb8;
	[tilespmem:$0x1E280] =	vst v63  }
0x8b: {  	_ =	swait.ge [sflag:s6], $0x1400  }
0x8c: {  	[sflag:s6] =	ssyncset.done $0x0  }
0x8d: {  	s12 =	simm.s32 $0x2A80;
	s1 =	simm.s32 $0xB400;
	[sflag:s6] =	ssyncadd.s32 $0xFFFFEC00  }
0x8e: {  	[spmem:s2] =	stream.indirect.scatter.add.f32 [tilespmem:s1], [sflag:$0x10], $0x28, s12, s16, $0xb8;
	[tilespmem:$0x1E280] =	vst v63  }
0x8f: {  	_ =	swait.ge [sflag:s13], $0x1400  }
0x90: {  	[sflag:s13] =	ssyncset.done $0x0  }
0x91: {  	s12 =	simm.s32 $0x580;
	[sflag:s13] =	ssyncadd.s32 $0xFFFFEC00  }
0x92: {  	[tilespmem:s21], [sflag:$0x2] =	stream.indirect.gather [spmem:s3], $0x28, s12, s16, $0xb8;
	[tilespmem:$0x1E280] =	vst v63  }
0x93: {  	_ =	swait.ge [sflag:s7], $0x1400  }
0x94: {  	[sflag:s7] =	ssyncset.done $0x0  }
0x95: {  	s22 =	simm.s32 $0x2B00;
	s12 =	simm.s32 $0xC800;
	[sflag:s7] =	ssyncadd.s32 $0xFFFFEC00  }
0x96: {  	[spmem:s2] =	stream.indirect.scatter.add.f32 [tilespmem:s12], [sflag:$0x11], $0x28, s22, s16, $0xb8;
	[tilespmem:$0x1E280] =	vst v63  }
0x97: {  	_ =	swait.ge [sflag:s8], $0x1400  }
0x98: {  	[sflag:s8] =	ssyncset.done $0x0  }
0x99: {  	s20 =	simm.s32 $0x7800;
	s22 =	simm.s32 $0x600;
	[sflag:s8] =	ssyncadd.s32 $0xFFFFEC00  }
0x9a: {  	[tilespmem:s20], [sflag:$0x3] =	stream.indirect.gather [spmem:s3], $0x28, s22, s16, $0xb8;
	[tilespmem:$0x1E280] =	vst v63  }
0x9b: {  	_ =	swait.ge [sflag:s9], $0x1400  }
0x9c: {  	[sflag:s9] =	ssyncset.done $0x0  }
0x9d: {  	s22 =	simm.s32 $0x2B80;
	s20 =	simm.s32 $0xDC00;
	[sflag:s9] =	ssyncadd.s32 $0xFFFFEC00  }
0x9e: {  	[spmem:s2] =	stream.indirect.scatter.add.f32 [tilespmem:s20], [sflag:$0x12], $0x28, s22, s16, $0xb8;
	[tilespmem:$0x1E280] =	vst v63  }
0x9f: {  	_ =	swait.ge [sflag:s15], $0x1400  }
0xa0: {  	[sflag:s15] =	ssyncset.done $0x0  }
0xa1: {  	s31 =	simm.s32 $0x8C00;
	s22 =	simm.s32 $0x680;
	[sflag:s15] =	ssyncadd.s32 $0xFFFFEC00  }
0xa2: {  	[tilespmem:s31], [sflag:$0x4] =	stream.indirect.gather [spmem:s3], $0x28, s22, s16, $0xb8;
	[tilespmem:$0x1E280] =	vst v63  }
0xa3: {  	_ =	swait.ge [sflag:s25], $0x1400  }
0xa4: {  	[sflag:s25] =	ssyncset.done $0x0  }
0xa5: {  	s22 =	simm.s32 $0x2C00;
	s31 =	simm.s32 $0xF000;
	[sflag:s25] =	ssyncadd.s32 $0xFFFFEC00  }
0xa6: {  	[spmem:s2] =	stream.indirect.scatter.add.f32 [tilespmem:s31], [sflag:$0x13], $0x28, s22, s16, $0xb8;
	[tilespmem:$0x1E280] =	vst v63  }
0xa7: {  	_ =	swait.ge [sflag:s14], $0x1400  }
0xa8: {  	s24 =	simm.s32 $0xA000;
	[sflag:s14] =	ssyncset.done $0x0  }
0xa9: {  	s31 =	simm.s32 $0x700;
	s22 =	simm.s32 $0xA;
	[sflag:s14] =	ssyncadd.s32 $0xFFFFEC00  }
0xaa: {  	[tilespmem:s24], [sflag:$0x5] =	stream.indirect.gather [spmem:s3], $0x28, s31, s16, $0xb8;
	[tilespmem:$0x1E280] =	vst v63  }
0xab: {  	_ =	swait.ge [sflag:s22], $0x1400  }
0xac: {  	[sflag:s22] =	ssyncset.done $0x0  }
0xad: {  	s24 =	simm.s32 $0x2C80;
	[sflag:s22] =	ssyncadd.s32 $0xFFFFEC00  }
0xae: {  	[spmem:s2] =	stream.indirect.scatter.add.f32 [tilespmem:s26], [sflag:$0x14], $0x28, s24, s16, $0xb8;
	[tilespmem:$0x1E280] =	vst v63  }
0xaf: {  	_ =	swait.ge [sflag:s4], $0x1400  }
0xb0: {  	[sflag:s4] =	ssyncset.done $0x0  }
0xb1: {  	[sflag:s4] =	ssyncadd.s32 $0xFFFFEC00;
	s4 =	simm.s32 $0x780  }
0xb2: {  	[tilespmem:s1], [sflag:$0x6] =	stream.indirect.gather [spmem:s3], $0x28, s4, s16, $0xb8;
	[tilespmem:$0x1E280] =	vst v63  }
0xb3: {  	_ =	swait.ge [sflag:s29], $0x1400  }
0xb4: {  	[sflag:s29] =	ssyncset.done $0x0  }
0xb5: {  	s4 =	simm.s32 $0x2D00;
	[sflag:s29] =	ssyncadd.s32 $0xFFFFEC00  }
0xb6: {  	[spmem:s2] =	stream.indirect.scatter.add.f32 [tilespmem:s28], [sflag:$0xB], $0x28, s4, s16, $0xb8;
	[tilespmem:$0x1E280] =	vst v63  }
0xb7: {  	_ =	swait.ge [sflag:s10], $0x1400  }
0xb8: {  	[sflag:s10] =	ssyncset.done $0x0  }
0xb9: {  	[sflag:s10] =	ssyncadd.s32 $0xFFFFEC00;
	s10 =	simm.s32 $0x800  }
0xba: {  	[tilespmem:s12], [sflag:$0x7] =	stream.indirect.gather [spmem:s3], $0x28, s10, s16, $0xb8;
	[tilespmem:$0x1E280] =	vst v63  }
0xbb: {  	_ =	swait.ge [sflag:s0], $0x1400  }
0xbc: {  	[sflag:s0] =	ssyncset.done $0x0  }
0xbd: {  	s12 =	simm.s32 $0x2D80;
	[sflag:s0] =	ssyncadd.s32 $0xFFFFEC00  }
0xbe: {  	[spmem:s2] =	stream.indirect.scatter.add.f32 [tilespmem:s21], [sflag:$0xC], $0x28, s12, s16, $0xb8;
	[tilespmem:$0x1E280] =	vst v63  }
0xbf: {  	_ =	swait.ge [sflag:s11], $0x1400  }
0xc0: {  	[sflag:s11] =	ssyncset.done $0x0  }
0xc1: {  	s0 =	simm.s32 $0x880;
	[sflag:s11] =	ssyncadd.s32 $0xFFFFEC00  }
0xc2: {  	[tilespmem:s20], [sflag:$0x8] =	stream.indirect.gather [spmem:s3], $0x28, s0, s16, $0xb8;
	[tilespmem:$0x1E280] =	vst v63  }
0xc3: {  	_ =	swait.ge [sflag:s23], $0x1400  }
0xc4: {  	[sflag:s23] =	ssyncset.done $0x0  }
0xc5: {  	s10 =	simm.s32 $0x2E00;
	s12 =	simm.s32 $0x7800;
	[sflag:s23] =	ssyncadd.s32 $0xFFFFEC00  }
0xc6: {  	[spmem:s2] =	stream.indirect.scatter.add.f32 [tilespmem:s12], [sflag:$0xD], $0x28, s10, s16, $0xb8;
	[tilespmem:$0x1E280] =	vst v63  }
0xc7: {  	_ =	swait.ge [sflag:s17], $0x1400  }
0xc8: {  	[sflag:s17] =	ssyncset.done $0x0  }
0xc9: {  	s0 =	simm.s32 $0xF000;
	[sflag:s17] =	ssyncadd.s32 $0xFFFFEC00;
	s17 =	simm.s32 $0x900  }
0xca: {  	[tilespmem:s0], [sflag:$0x9] =	stream.indirect.gather [spmem:s3], $0x28, s17, s16, $0xb8;
	[tilespmem:$0x1E280] =	vst v63  }
0xcb: {  	_ =	swait.ge [sflag:s19], $0x1400  }
0xcc: {  	[sflag:s19] =	ssyncset.done $0x0  }
0xcd: {  	s10 =	simm.s32 $0x8C00;
	[sflag:s19] =	ssyncadd.s32 $0xFFFFEC00;
	s19 =	simm.s32 $0x2E80  }
0xce: {  	[spmem:s2] =	stream.indirect.scatter.add.f32 [tilespmem:s10], [sflag:$0xE], $0x28, s19, s16, $0xb8;
	[tilespmem:$0x1E280] =	vst v63  }
0xcf: {  	_ =	swait.ge [sflag:s18], $0x1400  }
0xd0: {  	[sflag:s18] =	ssyncset.done $0x0  }
0xd1: {  	s23 =	simm.s32 $0x980;
	[sflag:s18] =	ssyncadd.s32 $0xFFFFEC00  }
0xd2: {  	[tilespmem:s26], [sflag:$0xA] =	stream.indirect.gather [spmem:s3], $0x28, s23, s16, $0xb8;
	[tilespmem:$0x1E280] =	vst v63  }
0xd3: {  	_ =	swait.ge [sflag:s30], $0x1400  }
0xd4: {  	[sflag:s30] =	ssyncset.done $0x0  }
0xd5: {  	s31 =	simm.s32 $0xA000;
	s26 =	simm.s32 $0x2F00;
	[sflag:s30] =	ssyncadd.s32 $0xFFFFEC00  }
0xd6: {  	[spmem:s2] =	stream.indirect.scatter.add.f32 [tilespmem:s31], [sflag:$0xF], $0x28, s26, s16, $0xb8;
	[tilespmem:$0x1E280] =	vst v63  }
0xd7: {  	s31 =	smin.u32 s22, $0x45;
	_ =	swait.ge [sflag:s5], $0x1400  }
0xd8: {  	s24 =	sshll.u32 s31, $0x7;
	[sflag:s5] =	ssyncset.done $0x0  }
0xd9: {  	s24 =	sadd.s32 $0x500, s24;
	[sflag:s5] =	ssyncadd.s32 $0xFFFFEC00  }
0xda: {  	[tilespmem:s28], [sflag:$0x1] =	stream.indirect.gather [spmem:s3], $0x28, s24, s16, $0xb8;
	[tilespmem:$0x1E280] =	vst v63  }
0xdb: {  	_ =	swait.ge [sflag:s6], $0x1400  }
0xdc: {  	[sflag:s6] =	ssyncset.done $0x0  }
0xdd: {  	s1 =	simm.s32 $0xB400;
	[sflag:s6] =	ssyncadd.s32 $0xFFFFEC00;
	s6 =	simm.s32 $0x2F80  }
0xde: {  	[spmem:s2] =	stream.indirect.scatter.add.f32 [tilespmem:s1], [sflag:$0x10], $0x28, s6, s16, $0xb8;
	[tilespmem:$0x1E280] =	vst v63  }
0xdf: {  	s17 =	smin.u32 s22, $0x44;
	_ =	swait.ge [sflag:s13], $0x1400  }
0xe0: {  	s24 =	sshll.u32 s17, $0x7;
	[sflag:s13] =	ssyncset.done $0x0  }
0xe1: {  	s24 =	sadd.s32 $0x580, s24;
	[sflag:s13] =	ssyncadd.s32 $0xFFFFEC00  }
0xe2: {  	[tilespmem:s21], [sflag:$0x2] =	stream.indirect.gather [spmem:s3], $0x28, s24, s16, $0xb8;
	[tilespmem:$0x1E280] =	vst v63  }
0xe3: {  	_ =	swait.ge [sflag:s7], $0x1400  }
0xe4: {  	[sflag:s7] =	ssyncset.done $0x0  }
0xe5: {  	s4 =	simm.s32 $0xC800;
	s18 =	simm.s32 $0x3000;
	[sflag:s7] =	ssyncadd.s32 $0xFFFFEC00  }
0xe6: {  	[spmem:s2] =	stream.indirect.scatter.add.f32 [tilespmem:s4], [sflag:$0x11], $0x28, s18, s16, $0xb8;
	[tilespmem:$0x1E280] =	vst v63  }
0xe7: {  	s19 =	smin.u32 s22, $0x43;
	_ =	swait.ge [sflag:s8], $0x1400  }
0xe8: {  	s24 =	sshll.u32 s19, $0x7;
	[sflag:s8] =	ssyncset.done $0x0  }
0xe9: {  	s20 =	simm.s32 $0x7800;
	s24 =	sadd.s32 $0x600, s24;
	[sflag:s8] =	ssyncadd.s32 $0xFFFFEC00  }
0xea: {  	[tilespmem:s20], [sflag:$0x3] =	stream.indirect.gather [spmem:s3], $0x28, s24, s16, $0xb8;
	[tilespmem:$0x1E280] =	vst v63  }
0xeb: {  	_ =	swait.ge [sflag:s9], $0x1400  }
0xec: {  	s11 =	simm.s32 $0xDC00;
	[sflag:s9] =	ssyncset.done $0x0  }
0xed: {  	s12 =	simm.s32 $0xA000;
	s21 =	simm.s32 $0x3080;
	[sflag:s9] =	ssyncadd.s32 $0xFFFFEC00  }
0xee: {  	[spmem:s2] =	stream.indirect.scatter.add.f32 [tilespmem:s11], [sflag:$0x12], $0x28, s21, s16, $0xb8;
	[tilespmem:$0x1E280] =	vst v63  }
0xef: {  	s23 =	smin.u32 s22, $0x42;
	s30 =	simm.s32 $0x4;
	_ =	swait.ge [sflag:s15], $0x1400  }
0xf0: {  	s26 =	simm.s32 $0x3100;
	s24 =	sshll.u32 s23, $0x7;
	[sflag:s15] =	ssyncset.done $0x0  }
0xf1: {  	s22 =	smin.u32 s22, $0x41;
	s24 =	sadd.s32 $0x680, s24;
	[sflag:s15] =	ssyncadd.s32 $0xFFFFEC00  }
0xf2: {  	[tilespmem:s10], [sflag:$0x4] =	stream.indirect.gather [spmem:s3], $0x28, s24, s16, $0xb8;
	[tilespmem:$0x1E280] =	vst v63  }
0xf3: {  	s22 =	sshll.u32 s22, $0x7;
	s31 =	simm.s32 $0xA;
	_ =	swait.ge [sflag:s25], $0x1400  }
0xf4: {  	s22 =	sadd.s32 $0x700, s22;
	s5 =	simm.s32 $0x5;
	[sflag:s25] =	ssyncset.done $0x0  }
0xf5: {  	s28 =	simm.s32 $0x3180;
	s6 =	simm.s32 $0xB;
	[sflag:s25] =	ssyncadd.s32 $0xFFFFEC00  }
0xf6: {  	[spmem:s2] =	stream.indirect.scatter.add.f32 [tilespmem:s0], [sflag:$0x13], $0x28, s26, s16, $0xb8;
	[tilespmem:$0x1E280] =	vst v63  }
0xf7: {  	s13 =	simm.s32 $0x6;
	s19 =	simm.s32 $0x3;
	_ =	swait.ge [sflag:s14], $0x1400  }
0xf8: {  	s7 =	simm.s32 $0xC;
	s4 =	simm.s32 $0xF;
	[sflag:s14] =	ssyncset.done $0x0  }
0xf9: {  	s8 =	simm.s32 $0x7;
	s23 =	simm.s32 $0x2;
	[sflag:s14] =	ssyncadd.s32 $0xFFFFEC00  }
0xfa: {  	[tilespmem:s12], [sflag:$0x5] =	stream.indirect.gather [spmem:s3], $0x28, s22, s16, $0xb8;
	[tilespmem:$0x1E280] =	vst v63  }
0xfb: {  	s9 =	simm.s32 $0xD;
	s15 =	simm.s32 $0x8;
	_ =	swait.ge [sflag:s31], $0x1400  }
0xfc: {  	s24 =	simm.s32 $0x14;
	s25 =	simm.s32 $0xE;
	[sflag:s31] =	ssyncset.done $0x0  }
0xfd: {  	s14 =	simm.s32 $0x9;
	s22 =	simm.s32 $0x1400;
	[sflag:s31] =	ssyncadd.s32 $0xFFFFEC00  }
.LBB2_4:
0xfe: {  	s10 =	simm.s32 $0x10400  }
0xff: {  	[spmem:s2] =	stream.indirect.scatter.add.f32 [tilespmem:s10], [sflag:$0x14], $0x28, s28, s16, $0xb8;
	[tilespmem:$0x1E280] =	vst v63  }
0x100: {  	s0 =	simm.s32 $0x10;
	s28 =	smov.u32 s22  }
0x101: {  	p0 =	sne.s32 s22, $0x7800;
	s22 =	sadd.s32 $0x1400, s22;
	_ =	swait.ge [sflag:s0], $0x1400  }
0x102: {  	s28 =	sshra.s32 s28, $0x2;
	[sflag:s0] =	ssyncset.done $0x0  }
0x103: {  	s31 =	sadd.s32 $0x780, s28;
	[sflag:s0] =	ssyncadd.s32 $0xFFFFEC00;
	s0 =	simm.s32 $0xB400  }
0x104: {  	[tilespmem:s0], [sflag:$0x6] =	stream.indirect.gather [spmem:s3], $0x28, s31, s16, $0xb8;
	[tilespmem:$0x1E280] =	vst v63  }
0x105: {  	_ =	swait.ge [sflag:s29], $0x1400  }
0x106: {  	s12 =	simm.s32 $0x5000;
	[sflag:s29] =	ssyncset.done $0x0  }
0x107: {  	s1 =	simm.s32 $0x11;
	s31 =	sadd.s32 $0x2D00, s28;
	[sflag:s29] =	ssyncadd.s32 $0xFFFFEC00  }
0x108: {  	[spmem:s2] =	stream.indirect.scatter.add.f32 [tilespmem:s12], [sflag:$0xB], $0x28, s31, s16, $0xb8;
	[tilespmem:$0x1E280] =	vst v63  }
0x109: {  	_ =	swait.ge [sflag:s1], $0x1400  }
0x10a: {  	[sflag:s1] =	ssyncset.done $0x0  }
0x10b: {  	s20 =	simm.s32 $0xC800;
	s31 =	sadd.s32 $0x800, s28;
	[sflag:s1] =	ssyncadd.s32 $0xFFFFEC00  }
0x10c: {  	[tilespmem:s20], [sflag:$0x7] =	stream.indirect.gather [spmem:s3], $0x28, s31, s16, $0xb8;
	[tilespmem:$0x1E280] =	vst v63  }
0x10d: {  	_ =	swait.ge [sflag:s23], $0x1400  }
0x10e: {  	s11 =	simm.s32 $0x12;
	[sflag:s23] =	ssyncset.done $0x0  }
0x10f: {  	s1 =	simm.s32 $0x6400;
	s31 =	sadd.s32 $0x2D80, s28;
	[sflag:s23] =	ssyncadd.s32 $0xFFFFEC00  }
0x110: {  	[spmem:s2] =	stream.indirect.scatter.add.f32 [tilespmem:s1], [sflag:$0xC], $0x28, s31, s16, $0xb8;
	[tilespmem:$0x1E280] =	vst v63  }
0x111: {  	_ =	swait.ge [sflag:s11], $0x1400  }
0x112: {  	[sflag:s11] =	ssyncset.done $0x0  }
0x113: {  	s18 =	simm.s32 $0xDC00;
	s31 =	sadd.s32 $0x880, s28;
	[sflag:s11] =	ssyncadd.s32 $0xFFFFEC00  }
0x114: {  	[tilespmem:s18], [sflag:$0x8] =	stream.indirect.gather [spmem:s3], $0x28, s31, s16, $0xb8;
	[tilespmem:$0x1E280] =	vst v63  }
0x115: {  	_ =	swait.ge [sflag:s19], $0x1400  }
0x116: {  	s21 =	simm.s32 $0x7800;
	[sflag:s19] =	ssyncset.done $0x0  }
0x117: {  	s11 =	simm.s32 $0x13;
	s31 =	sadd.s32 $0x2E00, s28;
	[sflag:s19] =	ssyncadd.s32 $0xFFFFEC00  }
0x118: {  	[spmem:s2] =	stream.indirect.scatter.add.f32 [tilespmem:s21], [sflag:$0xD], $0x28, s31, s16, $0xb8;
	[tilespmem:$0x1E280] =	vst v63  }
0x119: {  	_ =	swait.ge [sflag:s11], $0x1400  }
0x11a: {  	[sflag:s11] =	ssyncset.done $0x0  }
0x11b: {  	s31 =	sadd.s32 $0x900, s28;
	[sflag:s11] =	ssyncadd.s32 $0xFFFFEC00;
	s11 =	simm.s32 $0xF000  }
0x11c: {  	[tilespmem:s11], [sflag:$0x9] =	stream.indirect.gather [spmem:s3], $0x28, s31, s16, $0xb8;
	[tilespmem:$0x1E280] =	vst v63  }
0x11d: {  	_ =	swait.ge [sflag:s30], $0x1400  }
0x11e: {  	s26 =	simm.s32 $0x8C00;
	[sflag:s30] =	ssyncset.done $0x0  }
0x11f: {  	s17 =	simm.s32 $0x14;
	s31 =	sadd.s32 $0x2E80, s28;
	[sflag:s30] =	ssyncadd.s32 $0xFFFFEC00  }
0x120: {  	[spmem:s2] =	stream.indirect.scatter.add.f32 [tilespmem:s26], [sflag:$0xE], $0x28, s31, s16, $0xb8;
	[tilespmem:$0x1E280] =	vst v63  }
0x121: {  	_ =	swait.ge [sflag:s17], $0x1400  }
0x122: {  	[sflag:s17] =	ssyncset.done $0x0  }
0x123: {  	s31 =	sadd.s32 $0x980, s28;
	[sflag:s17] =	ssyncadd.s32 $0xFFFFEC00;
	s17 =	simm.s32 $0x10400  }
0x124: {  	[tilespmem:s10], [sflag:$0xA] =	stream.indirect.gather [spmem:s3], $0x28, s31, s16, $0xb8;
	[tilespmem:$0x1E280] =	vst v63  }
0x125: {  	_ =	swait.ge [sflag:s5], $0x1400  }
0x126: {  	[sflag:s5] =	ssyncset.done $0x0  }
0x127: {  	s29 =	simm.s32 $0xA000;
	s31 =	sadd.s32 $0x2F00, s28;
	[sflag:s5] =	ssyncadd.s32 $0xFFFFEC00  }
0x128: {  	[spmem:s2] =	stream.indirect.scatter.add.f32 [tilespmem:s29], [sflag:$0xF], $0x28, s31, s16, $0xb8;
	[tilespmem:$0x1E280] =	vst v63  }
0x129: {  	s31 =	smin.u32 s24, $0x45;
	_ =	swait.ge [sflag:s6], $0x1400  }
0x12a: {  	s31 =	sshll.u32 s31, $0x7;
	[sflag:s6] =	ssyncset.done $0x0  }
0x12b: {  	s31 =	sadd.s32 $0x500, s31;
	[sflag:s6] =	ssyncadd.s32 $0xFFFFEC00  }
0x12c: {  	[tilespmem:s12], [sflag:$0x1] =	stream.indirect.gather [spmem:s3], $0x28, s31, s16, $0xb8;
	[tilespmem:$0x1E280] =	vst v63  }
0x12d: {  	s12 =	simm.s32 $0xA  }
0x12e: {  	_ =	swait.ge [sflag:s13], $0x1400  }
0x12f: {  	[sflag:s13] =	ssyncset.done $0x0  }
0x130: {  	s31 =	sadd.s32 $0x2F80, s28;
	[sflag:s13] =	ssyncadd.s32 $0xFFFFEC00  }
0x131: {  	[spmem:s2] =	stream.indirect.scatter.add.f32 [tilespmem:s0], [sflag:$0x10], $0x28, s31, s16, $0xb8;
	[tilespmem:$0x1E280] =	vst v63  }
0x132: {  	s31 =	smin.u32 s24, $0x44;
	_ =	swait.ge [sflag:s7], $0x1400  }
0x133: {  	s31 =	sshll.u32 s31, $0x7;
	[sflag:s7] =	ssyncset.done $0x0  }
0x134: {  	s31 =	sadd.s32 $0x580, s31;
	[sflag:s7] =	ssyncadd.s32 $0xFFFFEC00  }
0x135: {  	[tilespmem:s1], [sflag:$0x2] =	stream.indirect.gather [spmem:s3], $0x28, s31, s16, $0xb8;
	[tilespmem:$0x1E280] =	vst v63  }
0x136: {  	_ =	swait.ge [sflag:s8], $0x1400  }
0x137: {  	[sflag:s8] =	ssyncset.done $0x0  }
0x138: {  	s31 =	sadd.s32 $0x3000, s28;
	[sflag:s8] =	ssyncadd.s32 $0xFFFFEC00  }
0x139: {  	[spmem:s2] =	stream.indirect.scatter.add.f32 [tilespmem:s20], [sflag:$0x11], $0x28, s31, s16, $0xb8;
	[tilespmem:$0x1E280] =	vst v63  }
0x13a: {  	s31 =	smin.u32 s24, $0x43;
	_ =	swait.ge [sflag:s9], $0x1400  }
0x13b: {  	s31 =	sshll.u32 s31, $0x7;
	[sflag:s9] =	ssyncset.done $0x0  }
0x13c: {  	s31 =	sadd.s32 $0x600, s31;
	[sflag:s9] =	ssyncadd.s32 $0xFFFFEC00  }
0x13d: {  	[tilespmem:s21], [sflag:$0x3] =	stream.indirect.gather [spmem:s3], $0x28, s31, s16, $0xb8;
	[tilespmem:$0x1E280] =	vst v63  }
0x13e: {  	_ =	swait.ge [sflag:s15], $0x1400  }
0x13f: {  	[sflag:s15] =	ssyncset.done $0x0  }
0x140: {  	s31 =	sadd.s32 $0x3080, s28;
	[sflag:s15] =	ssyncadd.s32 $0xFFFFEC00  }
0x141: {  	[spmem:s2] =	stream.indirect.scatter.add.f32 [tilespmem:s18], [sflag:$0x12], $0x28, s31, s16, $0xb8;
	[tilespmem:$0x1E280] =	vst v63  }
0x142: {  	s31 =	smin.u32 s24, $0x42;
	_ =	swait.ge [sflag:s25], $0x1400  }
0x143: {  	s31 =	sshll.u32 s31, $0x7;
	[sflag:s25] =	ssyncset.done $0x0  }
0x144: {  	s31 =	sadd.s32 $0x680, s31;
	[sflag:s25] =	ssyncadd.s32 $0xFFFFEC00  }
0x145: {  	[tilespmem:s26], [sflag:$0x4] =	stream.indirect.gather [spmem:s3], $0x28, s31, s16, $0xb8;
	[tilespmem:$0x1E280] =	vst v63  }
0x146: {  	_ =	swait.ge [sflag:s14], $0x1400  }
0x147: {  	[sflag:s14] =	ssyncset.done $0x0  }
0x148: {  	s31 =	sadd.s32 $0x3100, s28;
	[sflag:s14] =	ssyncadd.s32 $0xFFFFEC00  }
0x149: {  	[spmem:s2] =	stream.indirect.scatter.add.f32 [tilespmem:s11], [sflag:$0x13], $0x28, s31, s16, $0xb8;
	[tilespmem:$0x1E280] =	vst v63  }
0x14a: {  	s31 =	smin.u32 s24, $0x41;
	_ =	swait.ge [sflag:s4], $0x1400  }
0x14b: {  	s31 =	sshll.u32 s31, $0x7;
	[sflag:s4] =	ssyncset.done $0x0  }
0x14c: {  	s31 =	sadd.s32 $0x700, s31;
	[sflag:s4] =	ssyncadd.s32 $0xFFFFEC00  }
0x14d: {  	[tilespmem:s29], [sflag:$0x5] =	stream.indirect.gather [spmem:s3], $0x28, s31, s16, $0xb8;
	[tilespmem:$0x1E280] =	vst v63  }
.Ltmp1:
0x14e: {  	_ = 	snop;
	(pc) =	sbr.rel @p0 .LBB2_4-.Ltmp1, $4  }
0x14f: {  	s29 =	simm.s32 $0x1  }
0x150: {  	_ =	swait.ge [sflag:s12], $0x1400  }
0x151: {  	[sflag:s12] =	ssyncset.done $0x0  }
0x152: {  	s28 =	sadd.s32 $0x3180, s28;
	s24 =	sadd.s32 $0xA, s24;
	[sflag:s12] =	ssyncadd.s32 $0xFFFFEC00  }
0x153: {  	[spmem:s2] =	stream.indirect.scatter.add.f32 [tilespmem:s17], [sflag:$0x14], $0x28, s28, s16, $0xb8;
	[tilespmem:$0x1E280] =	vst v63  }
0x154: {  	_ =	swait.ge [sflag:s29], $0x1400  }
0x155: {  	[sflag:s29] =	ssyncset.done $0x0  }
0x156: {  	[sflag:s29] =	ssyncadd.s32 $0xFFFFEC00  }
0x157: {  	_ =	swait.ge [sflag:s23], $0x1400  }
0x158: {  	[sflag:s23] =	ssyncset.done $0x0  }
0x159: {  	[sflag:s23] =	ssyncadd.s32 $0xFFFFEC00  }
0x15a: {  	_ =	swait.ge [sflag:s19], $0x1400  }
0x15b: {  	[sflag:s19] =	ssyncset.done $0x0  }
0x15c: {  	[sflag:s19] =	ssyncadd.s32 $0xFFFFEC00  }
0x15d: {  	_ =	swait.ge [sflag:s30], $0x1400  }
0x15e: {  	[sflag:s30] =	ssyncset.done $0x0  }
0x15f: {  	[sflag:s30] =	ssyncadd.s32 $0xFFFFEC00  }
0x160: {  	_ =	swait.ge [sflag:s5], $0x1400  }
0x161: {  	[sflag:s5] =	ssyncset.done $0x0  }
0x162: {  	s0 =	simm.s32 $0x10;
	[sflag:s5] =	ssyncadd.s32 $0xFFFFEC00  }
0x163: {  	_ =	swait.ge [sflag:s0], $0x1400  }
0x164: {  	[sflag:s0] =	ssyncset.done $0x0  }
0x165: {  	s21 =	simm.s32 $0x11;
	[sflag:s0] =	ssyncadd.s32 $0xFFFFEC00  }
0x166: {  	_ =	swait.ge [sflag:s21], $0x1400  }
0x167: {  	[sflag:s21] =	ssyncset.done $0x0  }
0x168: {  	s22 =	simm.s32 $0x12;
	[sflag:s21] =	ssyncadd.s32 $0xFFFFEC00  }
0x169: {  	_ =	swait.ge [sflag:s22], $0x1400  }
0x16a: {  	[sflag:s22] =	ssyncset.done $0x0  }
0x16b: {  	s23 =	simm.s32 $0x13;
	[sflag:s22] =	ssyncadd.s32 $0xFFFFEC00  }
0x16c: {  	_ =	swait.ge [sflag:s23], $0x1400  }
0x16d: {  	[sflag:s23] =	ssyncset.done $0x0  }
0x16e: {  	s24 =	simm.s32 $0x14;
	[sflag:s23] =	ssyncadd.s32 $0xFFFFEC00  }
0x16f: {  	_ =	swait.ge [sflag:s24], $0x1400  }
0x170: {  	[sflag:s24] =	ssyncset.done $0x0  }
0x171: {  	[sflag:s24] =	ssyncadd.s32 $0xFFFFEC00  }
0x172: {  	[bflag:$0x0] =	sbarrier.arrive $0xFFFF  }
0x173: {  	s22 =	rddreg [dreg:$0x8]  }
0x174: {  	s24 =	rddreg [dreg:$0xb]  }
0x175: {  	s1 =	rddreg [dreg:$0xd]  }
0x176: {  	[hbm:s22], [sflag:s24] =	dma.local [spmem:s1], $0xC80  }
0x177: {  	s31 =	simm.s32 $0x11800;
	s1 =	simm.s32 $0x15  }
0x178: {  	s6 =	simm.s32 $0x6;
	s13 =	simm.s32 $0xC;
	_ =	swait.ge [sflag:s1], $0xC80  }
0x179: {  	s7 =	simm.s32 $0x7;
	s8 =	simm.s32 $0xD;
	s25 =	rddreg [dreg:$0x4]  }
0x17a: {  	s9 =	simm.s32 $0x8;
	s26 =	rddreg [dreg:$0x9];
	s22 =	sadd.s32 $0x1, s25  }
0x17b: {  	s15 =	simm.s32 $0xE;
	s14 =	simm.s32 $0xF;
	p0 =	sne.s32 s22, s26  }
.Ltmp2:
0x17c: {  	s4 =	simm.s32 $0x10;
	s10 =	simm.s32 $0x11;
	(pc) =	sbr.rel @p0 .LBB2_1-.Ltmp2, $4  }
0x17d: {  	s11 =	simm.s32 $0x12;
	s17 =	simm.s32 $0x13;
	s18 =	simm.s32 $0x14  }
0x17e: {  	s19 =	simm.s32 $0x4;
	s30 =	simm.s32 $0x5;
	s5 =	simm.s32 $0xB  }
0x17f: {  	s0 =	simm.s32 $0x2;
	s23 =	simm.s32 $0x3;
	[sflag:s1] =	ssyncset.done $0x0  }
0x180: {  	s28 =	rddreg [dreg:$0xa];
	[sflag:s1] =	ssyncadd.s32 $0xFFFFF380;
	s25 =	simm.s32 $0x9  }
0x181: {  	_ =	sfence.sel $0x180000  }
0x182: {  	[bflag:$0x0] =	sbarrier.arrive $0xFFFF  }
0x183: {  	_ =	strace $0x90000047  }
0x184: {  	s0 =	stileid.u32;
	[bflag:$0x2] =	sbarrier.arrive $0xFFFF  }
0x185: {  	p0 =	sne.s32 s0, $0x0;
	s0 =	rddreg [dreg:$0x3]  }
0x186: {  	s0 =	sadd.s32 @!p0 $0x100000, s0  }
0x187: {  	[sflag:s0] =	ssyncadd.tile.s32 @!p0 $0x1;
	_ =	shalt  }
.Lfunc_end2:
_tile_overlayer_lowered:
.L_overlay_start_2:
0x188: {  	(tag) =	ssettag $0x2  }
0x189: {  	s0 =	rddreg [dreg:$0x0];
	s2 =	stileid.u32  }
0x18a: {  	s1 =	rddreg [dreg:$0x1];
	p0 =	sne.s32 s2, $0x0  }
0x18b: {  	s3 =	rddreg [dreg:$0x2];
	[bflag:$0x3] =	sbarrier.arrive $0xFFFF;
	s2 =	simm.s32 @!p0 $0x1C15  }
0x18c: {  	[timem:s3], [sflag:s2] =	dma.local @!p0 [hbm:s0], s1  }
0x18d: {  	s0 =	simm.s32 @!p0 $0x15  }
0x18e: {  	_ =	swait.ge @!p0 [sflag:s0], s1  }
0x18f: {  	s1 =	ssub.s32 @!p0 $0x0, s1;
	[sflag:s0] =	ssyncset.done @!p0 $0x0  }
0x190: {  	[sflag:s0] =	ssyncadd.s32 @!p0 s1  }
0x191: {  	[bflag:$0x3] =	sbarrier.arrive $0xFFFF  }
0x192: {  	_ =	shalt  }

</sc_bundles>
